<compile_context>
chip_gen: v7x
topology: tpu7x:2x2x1
jax: 0.10.2.dev20260603
libtpu: 0.0.44.dev20260713+nightly
codegen_flags: <defaults>
</compile_context>

<pallas_src>
import functools

import jax
import jax.numpy as jnp
from jax import lax
from jax.experimental import pallas as pl
from jax.experimental.pallas import tpu as pltpu
from jax.experimental.pallas import tpu_sc as plsc

N = 100000
E = 1600000

NC = 2
NS = 16
NW = NC * NS
EPW = E // NW
EB = 1000
NCHUNK = EPW // EB
NP = 100096
RPT = NP // NS

_mesh = plsc.VectorSubcoreMesh(core_axis_name="c", subcore_axis_name="s")


def _f32(shape):
    return jax.ShapeDtypeStruct(shape, jnp.float32)



def _make_deg_kernel():

    @functools.partial(
        pl.kernel,
        out_type=_f32((NC * NP, 4)),
        mesh=_mesh,
        compiler_params=pltpu.CompilerParams(use_tc_tiling_on_sc=False),
        scratch_types=[
            pltpu.VMEM((EB,), jnp.int32),
            pltpu.VMEM((EB,), jnp.int32),
            pltpu.VMEM((EB, 4), jnp.float32),
            pltpu.VMEM((RPT, 4), jnp.float32),
            pltpu.VMEM_SHARED((NP, 4), jnp.float32),
            pltpu.SemaphoreType.DMA,
            pltpu.SemaphoreType.DMA,
            pltpu.SemaphoreType.DMA,
            pltpu.SemaphoreType.DMA,
        ],
    )
    def deg_kernel(e_hbm, ones_hbm, zeros_hbm, out_hbm, didx0, didx1,
                   ones_v, wbuf, zsh, is0, is1, ss0, ss1):
        c = lax.axis_index("c")
        s = lax.axis_index("s")
        wid = s * NC + c
        pltpu.sync_copy(zeros_hbm, wbuf)
        pltpu.sync_copy(wbuf, zsh.at[pl.ds(s * RPT, RPT)])
        pltpu.sync_copy(ones_hbm, ones_v)
        plsc.subcore_barrier()
        base0 = wid * EPW

        def step(i, carry):
            base = base0 + 2 * i * EB
            i0 = pltpu.async_copy(e_hbm.at[1, pl.ds(base, EB)], didx0, is0)
            i1 = pltpu.async_copy(e_hbm.at[1, pl.ds(base + EB, EB)], didx1, is1)
            i0.wait()
            s0 = pltpu.async_copy(ones_v, zsh.at[didx0], ss0, add=True)
            i1.wait()
            s1 = pltpu.async_copy(ones_v, zsh.at[didx1], ss1, add=True)
            s0.wait()
            s1.wait()
            return carry

        lax.fori_loop(0, NCHUNK // 2, step, 0)
        plsc.subcore_barrier()
        pltpu.sync_copy(zsh.at[pl.ds(s * RPT, RPT)], wbuf)
        pltpu.sync_copy(wbuf, out_hbm.at[pl.ds(c * NP + s * RPT, RPT)])

    return deg_kernel


def _make_prop_kernel(fc, n_tables):

    @functools.partial(
        pl.kernel,
        out_type=[_f32((NC * NP, fc)) for _ in range(n_tables)],
        mesh=_mesh,
        compiler_params=pltpu.CompilerParams(use_tc_tiling_on_sc=False),
        scratch_types=(
            [pltpu.VMEM((EB,), jnp.int32)] * 4 +
            [pltpu.VMEM((EB, fc), jnp.float32)] * 2 +
            [pltpu.VMEM((RPT, fc), jnp.float32),
             pltpu.VMEM_SHARED((NP, fc), jnp.float32),
             pltpu.VMEM((8,), jnp.float32)] +
            [pltpu.SemaphoreType.DMA] * 8
        ),
    )
    def prop_kernel(e_hbm, dep_hbm, *rest):
        tabs = rest[:n_tables]
        zeros_hbm = rest[n_tables]
        outs = rest[n_tables + 1:2 * n_tables + 1]
        (sidx0, sidx1, didx0, didx1, rows0, rows1, wbuf, zsh, depbuf,
         ia0, ia1, ib0, ib1, gs0, gs1, ss0, ss1) = rest[2 * n_tables + 1:]
        c = lax.axis_index("c")
        s = lax.axis_index("s")
        wid = s * NC + c
        base0 = wid * EPW
        pltpu.sync_copy(dep_hbm.at[0, pl.ds(0, 8)], depbuf)
        for t in range(n_tables):
            pltpu.sync_copy(zeros_hbm, wbuf)
            pltpu.sync_copy(wbuf, zsh.at[pl.ds(s * RPT, RPT)])
            plsc.subcore_barrier()

            def step(i, carry):
                base = base0 + 2 * i * EB
                da0 = pltpu.async_copy(e_hbm.at[0, pl.ds(base, EB)], sidx0, ia0)
                db0 = pltpu.async_copy(e_hbm.at[1, pl.ds(base, EB)], didx0, ib0)
                da1 = pltpu.async_copy(e_hbm.at[0, pl.ds(base + EB, EB)],
                                       sidx1, ia1)
                db1 = pltpu.async_copy(e_hbm.at[1, pl.ds(base + EB, EB)],
                                       didx1, ib1)
                da0.wait()
                g0 = pltpu.async_copy(tabs[t].at[sidx0], rows0, gs0)
                da1.wait()
                g1 = pltpu.async_copy(tabs[t].at[sidx1], rows1, gs1)
                g0.wait()
                db0.wait()
                s0 = pltpu.async_copy(rows0, zsh.at[didx0], ss0, add=True)
                g1.wait()
                db1.wait()
                s1 = pltpu.async_copy(rows1, zsh.at[didx1], ss1, add=True)
                s0.wait()
                s1.wait()
                return carry

            lax.fori_loop(0, NCHUNK // 2, step, 0)
            plsc.subcore_barrier()
            pltpu.sync_copy(zsh.at[pl.ds(s * RPT, RPT)], wbuf)
            pltpu.sync_copy(wbuf, outs[t].at[pl.ds(c * NP + s * RPT, RPT)])
            if t + 1 < n_tables:
                plsc.subcore_barrier()

    return prop_kernel


_deg_kernel = _make_deg_kernel()
_prop4 = _make_prop_kernel(4, 1)
_prop8 = _make_prop_kernel(8, 1)



import numpy as np

_GRID = 23
_R4 = NP * 4 // 128
_R8 = NP * 8 // 128
_B4 = _R4 // _GRID
_B8 = _R8 // _GRID


def _np_e8():
    e = np.zeros((2, 128, 128), np.float32)
    for k in range(2):
        for q in range(16):
            for i in range(8):
                e[k, (16 * k + q) * 4, q * 8 + i] = 1.0
    return e


_E8 = _np_e8()

_D1 = np.zeros((2, 32, 16), np.float32)
for _k in range(2):
    for _q in range(16):
        _D1[_k, 16 * _k + _q, _q] = 1.0
_D2 = np.zeros((8, 16, 2), np.float32)
for _k in range(8):
    for _m in range(2):
        _D2[_k, 2 * _k + _m, _m] = 1.0
_EYE16 = np.eye(16, dtype=np.float32)
_PA = np.einsum('qv,ij->qivj', _EYE16, np.eye(8, 16, dtype=np.float32)
                ).reshape(128, 256)
_PB = np.einsum('qv,ij->qivj', _EYE16,
                np.concatenate([np.zeros((8, 8), np.float32),
                                np.eye(8, dtype=np.float32)], 1)
                ).reshape(128, 256)
def _pack_weights(W1, b1, W2, b2, W3, b3):
    w1b = jnp.stack([
        jnp.einsum('pq,fi->pfqi', _D1[k], W1[:, 8 * t:8 * t + 8]
                   ).reshape(128, 128)
        for t in range(4) for k in range(2)])
    b1p = jnp.tile(b1.reshape(4, 8), (1, 32))
    w2b = jnp.stack([
        jnp.einsum('qm,ig->qimg', _D2[k], W2[8 * t:8 * t + 8, :]
                   ).reshape(128, 128)
        for t in range(4) for k in range(8)])
    b2p = jnp.tile(b2, 2).reshape(1, 128)
    wy3a = jnp.einsum('uq,gi->ugqi', _EYE16, W3[:, :8]).reshape(1024, 128)
    wy3b = jnp.einsum('uq,gi->ugqi', _EYE16, W3[:, 8:]).reshape(1024, 128)
    b3p = jnp.tile(b3, 16).reshape(1, 256)
    return w1b, b1p, w2b, b2p, wy3a, wy3b, b3p


def _spec(rows, lanes):
    return pl.BlockSpec((rows, lanes), lambda i: (i, 0))


def _const(shape):
    nd = len(shape)
    return pl.BlockSpec(shape, lambda i: (0,) * nd)


def _dotf(a, b):
    return jnp.dot(a, b, preferred_element_type=jnp.float32)


def _stage_a_body(d0, d1, xp, e, dinv4, dinv8w, y1):
    deg = d0[...] + d1[...] + 1.0
    dv = lax.rsqrt(deg)
    dinv4[...] = dv
    dinv8w[...] = jnp.concatenate([_dotf(dv, e[0]), _dotf(dv, e[1])], axis=1)
    y1[...] = xp[...] * dv


def _stage_b_body(z0, z1, y1, dinv4, dinv8w, w, b, y2a, y2b, y2c, y2d):
    p1 = (z0[...] + z1[...] + y1[...]) * dinv4[...]
    dw = dinv8w[...]
    for t, ref in enumerate([y2a, y2b, y2c, y2d]):
        h = jnp.concatenate([_dotf(p1, w[2 * t]), _dotf(p1, w[2 * t + 1])],
                            axis=1)
        ref[...] = jnp.maximum(h + b[t], 0.0) * dw


def _stage_c_body(za0, za1, zb0, zb1, zc0, zc1, zd0, zd1,
                  y2a, y2b, y2c, y2d, dinv8, w2, wy3a, wy3b, b2p,
                  y3a, y3b):
    dv = dinv8[...]
    ps = [(za0[...] + za1[...] + y2a[...]) * dv,
          (zb0[...] + zb1[...] + y2b[...]) * dv,
          (zc0[...] + zc1[...] + y2c[...]) * dv,
          (zd0[...] + zd1[...] + y2d[...]) * dv]
    hs = []
    for k in range(8):
        acc = _dotf(ps[0], w2[k])
        for t in range(1, 4):
            acc = acc + _dotf(ps[t], w2[t * 8 + k])
        hs.append(jnp.maximum(acc + b2p[...], 0.0))
    h2w = jnp.concatenate(hs, axis=1)
    y3a[...] = _dotf(h2w, wy3a[...]) * dv
    y3b[...] = _dotf(h2w, wy3b[...]) * dv


def _stage_d_body(za0, za1, zb0, zb1, y3a, y3b, dinv8, pa, pb, b3p, outw):
    dv = dinv8[...]
    fa = (za0[...] + za1[...] + y3a[...]) * dv
    fb = (zb0[...] + zb1[...] + y3b[...]) * dv
    outw[...] = _dotf(fa, pa[...]) + _dotf(fb, pb[...]) + b3p[...]


_stage_a = pl.pallas_call(
    _stage_a_body,
    grid=(_GRID,),
    in_specs=[_spec(_B4, 128)] * 3 + [_const((2, 128, 128))],
    out_specs=[_spec(_B4, 128), _spec(_B4, 256), _spec(_B4, 128)],
    out_shape=[_f32((_R4, 128)), _f32((_R4, 256)), _f32((_R4, 128))],
)

_stage_b = pl.pallas_call(
    _stage_b_body,
    grid=(_GRID,),
    in_specs=[_spec(_B4, 128)] * 4 + [_spec(_B4, 256),
              _const((8, 128, 128)), _const((4, 256))],
    out_specs=[_spec(_B4, 256)] * 4,
    out_shape=[_f32((_R4, 256))] * 4,
)

_stage_c = pl.pallas_call(
    _stage_c_body,
    grid=(_GRID,),
    in_specs=[_spec(_B8, 128)] * 13 + [_const((32, 128, 128)),
              _const((1024, 128)), _const((1024, 128)), _const((1, 128))],
    out_specs=[_spec(_B8, 128)] * 2,
    out_shape=[_f32((_R8, 128))] * 2,
)

_stage_d = pl.pallas_call(
    _stage_d_body,
    grid=(_GRID,),
    in_specs=[_spec(_B8, 128)] * 7 + [_const((128, 256)), _const((128, 256)),
              _const((1, 256))],
    out_specs=_spec(_B8, 256),
    out_shape=_f32((_R8, 256)),
)


def kernel(x, edge_index, W1, b1, W2, b2, W3, b3):
    e32 = edge_index.astype(jnp.int32)
    ones4 = jnp.ones((EB, 4), jnp.float32)
    zeros4 = jnp.zeros((RPT, 4), jnp.float32)
    zeros8 = jnp.zeros((RPT, 8), jnp.float32)
    w1b, b1p, w2b, b2p, wy3a, wy3b, b3p = _pack_weights(W1, b1, W2, b2, W3, b3)
    xp = jnp.pad(x, ((0, NP - N), (0, 0))).reshape(_R4, 128)

    def halves(a, fc):
        f = a.reshape(-1)
        return (f[:NP * fc].reshape(NP * fc // 128, 128),
                f[NP * fc:].reshape(NP * fc // 128, 128))

    degp = _deg_kernel(e32, ones4, zeros4)
    d0, d1 = halves(degp, 4)
    dinv4, dinv8w, y1 = _stage_a(d0, d1, xp, jnp.asarray(_E8))

    z1p, = _prop4(e32, degp, y1.reshape(NP, 4), zeros4)
    z10, z11 = halves(z1p, 4)
    y2 = _stage_b(z10, z11, y1, dinv4, dinv8w, w1b, b1p)

    z2 = []
    prev = z1p
    for t in y2:
        prev, = _prop8(e32, prev, t.reshape(NP, 8), zeros8)
        z2.append(prev)
    dinv8 = dinv8w.reshape(_R8, 128)
    z2h = [h for t in z2 for h in halves(t, 8)]
    y2v = [t.reshape(_R8, 128) for t in y2]
    y3a, y3b = _stage_c(*z2h, *y2v, dinv8, w2b, wy3a, wy3b, b2p)

    z3a, = _prop8(e32, z2[3], y3a.reshape(NP, 8), zeros8)
    z3b, = _prop8(e32, z3a, y3b.reshape(NP, 8), zeros8)
    za0, za1 = halves(z3a, 8)
    zb0, zb1 = halves(z3b, 8)
    outw = _stage_d(za0, za1, zb0, zb1, y3a, y3b, dinv8,
                    jnp.asarray(_PA), jnp.asarray(_PB), b3p)
    return outw.reshape(NP, 16)[:N]

# --- scband reference (transcript-rebuilt; emitter-appended) ---
"""Pipeline reference for scband-stgnn-7035156431050 (READ-ONLY COPY).

The authoritative reference and input builder live on the scoring server;
editing this copy changes nothing except your own understanding.
"""

import jax, jax.numpy as jnp
import numpy as np

N_NODES = 100000
N_EDGES = 1600000


def gcn_conv(x, src, dst, W, b, num_nodes):
    # PyG GCNConv with add_self_loops=True, symmetric normalization
    loop = jnp.arange(num_nodes, dtype=src.dtype)
    src_f = jnp.concatenate([src, loop])
    dst_f = jnp.concatenate([dst, loop])
    deg = jnp.zeros((num_nodes,), jnp.float32).at[dst_f].add(1.0)
    dinv = jnp.where(deg > 0, deg ** -0.5, 0.0)
    norm = dinv[src_f] * dinv[dst_f]
    h = x @ W
    msg = h[src_f] * norm[:, None]
    out = jnp.zeros((num_nodes, W.shape[1]), h.dtype).at[dst_f].add(msg)
    return out + b


def setup_inputs(seed: int = 0) -> dict:
    key = jax.random.key(seed)
    ks = jax.random.split(key, 8)
    x = jax.random.normal(ks[0], (N_NODES, 4), dtype=jnp.float32)
    edge_index = jax.random.randint(ks[1], (2, N_EDGES), 0, N_NODES, dtype=jnp.int64)
    W1 = jax.random.normal(ks[2], (4, 32), dtype=jnp.float32) * (1.0 / np.sqrt(4))
    b1 = jnp.zeros((32,), jnp.float32)
    W2 = jax.random.normal(ks[3], (32, 64), dtype=jnp.float32) * (1.0 / np.sqrt(32))
    b2 = jnp.zeros((64,), jnp.float32)
    W3 = jax.random.normal(ks[4], (64, 16), dtype=jnp.float32) * (1.0 / np.sqrt(64))
    b3 = jnp.zeros((16,), jnp.float32)
    return {"x": x, "edge_index": edge_index, "W1": W1, "b1": b1, "W2": W2, "b2": b2, "W3": W3, "b3": b3}


def reference(x, edge_index, W1, b1, W2, b2, W3, b3):
    src, dst = edge_index[0], edge_index[1]
    h = gcn_conv(x, src, dst, W1, b1, N_NODES)
    h = jax.nn.relu(h)
    # dropout is identity in eval mode
    h = gcn_conv(h, src, dst, W2, b2, N_NODES)
    h = jax.nn.relu(h)
    h = gcn_conv(h, src, dst, W3, b3, N_NODES)
    return h

if __name__ == "__main__":
    import jax
    _d = setup_inputs()
    print(jax.jit(kernel)(*tuple(_d.values())))

</pallas_src>

<mosaic_0001>
#map = affine_map<(d0, d1) -> (0, 0)>
module attributes {stable_mosaic.version = 14 : i64} {
  func.func @prop_kernel(%arg0: i32, %arg1: i32, %arg2: memref<2x1600000xi32, #tpu.memory_space<hbm>>, %arg3: memref<200192x4xf32, #tpu.memory_space<hbm>>, %arg4: memref<100096x8xf32, #tpu.memory_space<hbm>>, %arg5: memref<6256x8xf32, #tpu.memory_space<hbm>>, %arg6: memref<200192x8xf32, #tpu.memory_space<hbm>>, %arg7: memref<1000xi32, #tpu.memory_space<vmem>>, %arg8: memref<1000xi32, #tpu.memory_space<vmem>>, %arg9: memref<1000xi32, #tpu.memory_space<vmem>>, %arg10: memref<1000xi32, #tpu.memory_space<vmem>>, %arg11: memref<1000x8xf32, #tpu.memory_space<vmem>>, %arg12: memref<1000x8xf32, #tpu.memory_space<vmem>>, %arg13: memref<6256x8xf32, #tpu.memory_space<vmem>>, %arg14: memref<100096x8xf32, #tpu.memory_space<vmem_shared>>, %arg15: memref<8xf32, #tpu.memory_space<vmem>>, %arg16: memref<!tpu.dma_semaphore, #tpu.memory_space<semaphore_mem>>, %arg17: memref<!tpu.dma_semaphore, #tpu.memory_space<semaphore_mem>>, %arg18: memref<!tpu.dma_semaphore, #tpu.memory_space<semaphore_mem>>, %arg19: memref<!tpu.dma_semaphore, #tpu.memory_space<semaphore_mem>>, %arg20: memref<!tpu.dma_semaphore, #tpu.memory_space<semaphore_mem>>, %arg21: memref<!tpu.dma_semaphore, #tpu.memory_space<semaphore_mem>>, %arg22: memref<!tpu.dma_semaphore, #tpu.memory_space<semaphore_mem>>, %arg23: memref<!tpu.dma_semaphore, #tpu.memory_space<semaphore_mem>>) attributes {dimension_semantics = [#tpu.dimension_semantics<core_parallel>, #tpu.dimension_semantics<subcore_parallel>], iteration_bounds = array<i64: 2, 16>, scalar_prefetch = 0 : i64, scratch_operands = 17 : i64, tpu.core_type = #tpu.core_type<sc_vector_subcore>, window_params = [{transform_indices = #map}, {transform_indices = #map}, {transform_indices = #map}, {transform_indices = #map}, {transform_indices = #map}]} {
    %mul3A = arith.constant 2 : i32
    %mul3A_0 = arith.muli %arg1, %mul3A : i32
    %add3A = arith.addi %mul3A_0, %arg0 : i32
    %mul3A_1 = arith.constant 50000 : i32
    %mul3A_2 = arith.muli %add3A, %mul3A_1 : i32
    %run_scoped3A = arith.constant 0 : i32
    "tpu.region"() ({
      %run_scoped3A_18 = tpu.sem_alloc : memref<!tpu.dma_semaphore, #tpu.memory_space<semaphore_mem>>
      %dma_start3A = arith.constant 0 : i32
      %dma_start3A_19 = tpu.memref_slice %arg3[%run_scoped3A, %dma_start3A] : memref<200192x4xf32, #tpu.memory_space<hbm>> -> memref<1x8xf32, #tpu.memory_space<hbm>>
      %dma_start3A_20 = tpu.memref_squeeze %dma_start3A_19 : memref<1x8xf32, #tpu.memory_space<hbm>> -> memref<8xf32, #tpu.memory_space<hbm>>
      %dma_start3A_21 = arith.constant 0 : i32
      %dma_start3A_22 = tpu.memref_slice %arg3[%run_scoped3A, %dma_start3A_21] : memref<200192x4xf32, #tpu.memory_space<hbm>> -> memref<1x8xf32, #tpu.memory_space<hbm>>
      %dma_start3A_23 = tpu.memref_squeeze %dma_start3A_22 : memref<1x8xf32, #tpu.memory_space<hbm>> -> memref<8xf32, #tpu.memory_space<hbm>>
      tpu.enqueue_dma source(%dma_start3A_23 : memref<8xf32, #tpu.memory_space<hbm>>) target(%arg15 : memref<8xf32, #tpu.memory_space<vmem>>) target_semaphore(%run_scoped3A_18 : memref<!tpu.dma_semaphore, #tpu.memory_space<semaphore_mem>>)
      %dma_wait3A = arith.constant 0 : i32
      %dma_wait3A_24 = tpu.memref_slice %arg3[%run_scoped3A, %dma_wait3A] : memref<200192x4xf32, #tpu.memory_space<hbm>> -> memref<1x8xf32, #tpu.memory_space<hbm>>
      %dma_wait3A_25 = tpu.memref_squeeze %dma_wait3A_24 : memref<1x8xf32, #tpu.memory_space<hbm>> -> memref<8xf32, #tpu.memory_space<hbm>>
      %dma_wait3A_26 = arith.constant 0 : i32
      %dma_wait3A_27 = tpu.memref_slice %arg3[%run_scoped3A, %dma_wait3A_26] : memref<200192x4xf32, #tpu.memory_space<hbm>> -> memref<1x8xf32, #tpu.memory_space<hbm>>
      %dma_wait3A_28 = tpu.memref_squeeze %dma_wait3A_27 : memref<1x8xf32, #tpu.memory_space<hbm>> -> memref<8xf32, #tpu.memory_space<hbm>>
      tpu.wait_dma2 semaphore(%run_scoped3A_18 : memref<!tpu.dma_semaphore, #tpu.memory_space<semaphore_mem>>) src(%dma_wait3A_28 : memref<8xf32, #tpu.memory_space<hbm>>) dst(%arg15 : memref<8xf32, #tpu.memory_space<vmem>>)
      tpu.yield
    }) : () -> ()
    "tpu.region"() ({
      %run_scoped3A_18 = tpu.sem_alloc : memref<!tpu.dma_semaphore, #tpu.memory_space<semaphore_mem>>
      tpu.enqueue_dma source(%arg5 : memref<6256x8xf32, #tpu.memory_space<hbm>>) target(%arg13 : memref<6256x8xf32, #tpu.memory_space<vmem>>) target_semaphore(%run_scoped3A_18 : memref<!tpu.dma_semaphore, #tpu.memory_space<semaphore_mem>>)
      tpu.wait_dma2 semaphore(%run_scoped3A_18 : memref<!tpu.dma_semaphore, #tpu.memory_space<semaphore_mem>>) src(%arg5 : memref<6256x8xf32, #tpu.memory_space<hbm>>) dst(%arg13 : memref<6256x8xf32, #tpu.memory_space<vmem>>)
      tpu.yield
    }) : () -> ()
    %mul3A_3 = arith.constant 6256 : i32
    %mul3A_4 = arith.muli %arg1, %mul3A_3 : i32
    "tpu.region"() ({
      %run_scoped3A_18 = tpu.sem_alloc : memref<!tpu.dma_semaphore, #tpu.memory_space<semaphore_mem>>
      %dma_start3A = arith.constant 0 : i32
      %dma_start3A_19 = tpu.memref_slice %arg14[%mul3A_4, %dma_start3A] : memref<100096x8xf32, #tpu.memory_space<vmem_shared>> -> memref<6256x8xf32, #tpu.memory_space<vmem_shared>>
      %dma_start3A_20 = arith.constant 0 : i32
      %dma_start3A_21 = tpu.memref_slice %arg14[%mul3A_4, %dma_start3A_20] : memref<100096x8xf32, #tpu.memory_space<vmem_shared>> -> memref<6256x8xf32, #tpu.memory_space<vmem_shared>>
      tpu.enqueue_dma source(%arg13 : memref<6256x8xf32, #tpu.memory_space<vmem>>) target(%dma_start3A_21 : memref<6256x8xf32, #tpu.memory_space<vmem_shared>>) target_semaphore(%run_scoped3A_18 : memref<!tpu.dma_semaphore, #tpu.memory_space<semaphore_mem>>)
      %dma_wait3A = arith.constant 0 : i32
      %dma_wait3A_22 = tpu.memref_slice %arg14[%mul3A_4, %dma_wait3A] : memref<100096x8xf32, #tpu.memory_space<vmem_shared>> -> memref<6256x8xf32, #tpu.memory_space<vmem_shared>>
      %dma_wait3A_23 = arith.constant 0 : i32
      %dma_wait3A_24 = tpu.memref_slice %arg14[%mul3A_4, %dma_wait3A_23] : memref<100096x8xf32, #tpu.memory_space<vmem_shared>> -> memref<6256x8xf32, #tpu.memory_space<vmem_shared>>
      tpu.wait_dma2 semaphore(%run_scoped3A_18 : memref<!tpu.dma_semaphore, #tpu.memory_space<semaphore_mem>>) src(%arg13 : memref<6256x8xf32, #tpu.memory_space<vmem>>) dst(%dma_wait3A_24 : memref<6256x8xf32, #tpu.memory_space<vmem_shared>>)
      tpu.yield
    }) : () -> ()
    %barrier3A = arith.constant 0 : index
    tpu.barrier barrier_id(%barrier3A)
    %scan3A = arith.constant 0 : i32
    %scan3A_5 = arith.constant 0 : i32
    %scan3A_6 = arith.constant 25 : i32
    %scan3A_7 = arith.addi %scan3A_5, %scan3A_6 : i32
    %scan3A_8 = arith.constant 1 : i32
    scf.for %scan3A_18 = %scan3A_5 to %scan3A_7 step %scan3A_8  : i32 {
      %mul3A_19 = arith.constant 2 : i32
      %mul3A_20 = arith.muli %mul3A_19, %scan3A_18 : i32
      %mul3A_21 = arith.constant 1000 : i32
      %mul3A_22 = arith.muli %mul3A_20, %mul3A_21 : i32
      %add3A_23 = arith.addi %mul3A_2, %mul3A_22 : i32
      %dma_start3A = arith.constant 0 : i32
      %dma_start3A_24 = tpu.memref_slice %arg2[%dma_start3A, %add3A_23] : memref<2x1600000xi32, #tpu.memory_space<hbm>> -> memref<1x1000xi32, #tpu.memory_space<hbm>>
      %dma_start3A_25 = tpu.memref_squeeze %dma_start3A_24 : memref<1x1000xi32, #tpu.memory_space<hbm>> -> memref<1000xi32, #tpu.memory_space<hbm>>
      %dma_start3A_26 = tpu.memref_slice %arg2[%dma_start3A, %add3A_23] : memref<2x1600000xi32, #tpu.memory_space<hbm>> -> memref<1x1000xi32, #tpu.memory_space<hbm>>
      %dma_start3A_27 = tpu.memref_squeeze %dma_start3A_26 : memref<1x1000xi32, #tpu.memory_space<hbm>> -> memref<1000xi32, #tpu.memory_space<hbm>>
      tpu.enqueue_dma source(%dma_start3A_27 : memref<1000xi32, #tpu.memory_space<hbm>>) target(%arg7 : memref<1000xi32, #tpu.memory_space<vmem>>) target_semaphore(%arg16 : memref<!tpu.dma_semaphore, #tpu.memory_space<semaphore_mem>>)
      %dma_start3A_28 = arith.constant 1 : i32
      %dma_start3A_29 = tpu.memref_slice %arg2[%dma_start3A_28, %add3A_23] : memref<2x1600000xi32, #tpu.memory_space<hbm>> -> memref<1x1000xi32, #tpu.memory_space<hbm>>
      %dma_start3A_30 = tpu.memref_squeeze %dma_start3A_29 : memref<1x1000xi32, #tpu.memory_space<hbm>> -> memref<1000xi32, #tpu.memory_space<hbm>>
      %dma_start3A_31 = tpu.memref_slice %arg2[%dma_start3A_28, %add3A_23] : memref<2x1600000xi32, #tpu.memory_space<hbm>> -> memref<1x1000xi32, #tpu.memory_space<hbm>>
      %dma_start3A_32 = tpu.memref_squeeze %dma_start3A_31 : memref<1x1000xi32, #tpu.memory_space<hbm>> -> memref<1000xi32, #tpu.memory_space<hbm>>
      tpu.enqueue_dma source(%dma_start3A_32 : memref<1000xi32, #tpu.memory_space<hbm>>) target(%arg9 : memref<1000xi32, #tpu.memory_space<vmem>>) target_semaphore(%arg18 : memref<!tpu.dma_semaphore, #tpu.memory_space<semaphore_mem>>)
      %add3A_33 = arith.constant 1000 : i32
      %add3A_34 = arith.addi %add3A_23, %add3A_33 : i32
      %dma_start3A_35 = arith.constant 0 : i32
      %dma_start3A_36 = tpu.memref_slice %arg2[%dma_start3A_35, %add3A_34] : memref<2x1600000xi32, #tpu.memory_space<hbm>> -> memref<1x1000xi32, #tpu.memory_space<hbm>>
      %dma_start3A_37 = tpu.memref_squeeze %dma_start3A_36 : memref<1x1000xi32, #tpu.memory_space<hbm>> -> memref<1000xi32, #tpu.memory_space<hbm>>
      %dma_start3A_38 = tpu.memref_slice %arg2[%dma_start3A_35, %add3A_34] : memref<2x1600000xi32, #tpu.memory_space<hbm>> -> memref<1x1000xi32, #tpu.memory_space<hbm>>
      %dma_start3A_39 = tpu.memref_squeeze %dma_start3A_38 : memref<1x1000xi32, #tpu.memory_space<hbm>> -> memref<1000xi32, #tpu.memory_space<hbm>>
      tpu.enqueue_dma source(%dma_start3A_39 : memref<1000xi32, #tpu.memory_space<hbm>>) target(%arg8 : memref<1000xi32, #tpu.memory_space<vmem>>) target_semaphore(%arg17 : memref<!tpu.dma_semaphore, #tpu.memory_space<semaphore_mem>>)
      %add3A_40 = arith.constant 1000 : i32
      %add3A_41 = arith.addi %add3A_23, %add3A_40 : i32
      %dma_start3A_42 = arith.constant 1 : i32
      %dma_start3A_43 = tpu.memref_slice %arg2[%dma_start3A_42, %add3A_41] : memref<2x1600000xi32, #tpu.memory_space<hbm>> -> memref<1x1000xi32, #tpu.memory_space<hbm>>
      %dma_start3A_44 = tpu.memref_squeeze %dma_start3A_43 : memref<1x1000xi32, #tpu.memory_space<hbm>> -> memref<1000xi32, #tpu.memory_space<hbm>>
      %dma_start3A_45 = tpu.memref_slice %arg2[%dma_start3A_42, %add3A_41] : memref<2x1600000xi32, #tpu.memory_space<hbm>> -> memref<1x1000xi32, #tpu.memory_space<hbm>>
      %dma_start3A_46 = tpu.memref_squeeze %dma_start3A_45 : memref<1x1000xi32, #tpu.memory_space<hbm>> -> memref<1000xi32, #tpu.memory_space<hbm>>
      tpu.enqueue_dma source(%dma_start3A_46 : memref<1000xi32, #tpu.memory_space<hbm>>) target(%arg10 : memref<1000xi32, #tpu.memory_space<vmem>>) target_semaphore(%arg19 : memref<!tpu.dma_semaphore, #tpu.memory_space<semaphore_mem>>)
      %dma_wait3A = arith.constant 0 : i32
      %dma_wait3A_47 = tpu.memref_slice %arg2[%dma_wait3A, %add3A_23] : memref<2x1600000xi32, #tpu.memory_space<hbm>> -> memref<1x1000xi32, #tpu.memory_space<hbm>>
      %dma_wait3A_48 = tpu.memref_squeeze %dma_wait3A_47 : memref<1x1000xi32, #tpu.memory_space<hbm>> -> memref<1000xi32, #tpu.memory_space<hbm>>
      %dma_wait3A_49 = tpu.memref_slice %arg2[%dma_wait3A, %add3A_23] : memref<2x1600000xi32, #tpu.memory_space<hbm>> -> memref<1x1000xi32, #tpu.memory_space<hbm>>
      %dma_wait3A_50 = tpu.memref_squeeze %dma_wait3A_49 : memref<1x1000xi32, #tpu.memory_space<hbm>> -> memref<1000xi32, #tpu.memory_space<hbm>>
      tpu.wait_dma2 semaphore(%arg16 : memref<!tpu.dma_semaphore, #tpu.memory_space<semaphore_mem>>) src(%dma_wait3A_50 : memref<1000xi32, #tpu.memory_space<hbm>>) dst(%arg7 : memref<1000xi32, #tpu.memory_space<vmem>>)
      %dma_start3A_51 = arith.constant 0 : i32
      %dma_start3A_52 = arith.constant 0 : i32
      %dma_start3A_53 = tpu.memref_slice %arg4[%dma_start3A_51, %dma_start3A_52] : memref<100096x8xf32, #tpu.memory_space<hbm>> -> memref<100096x8xf32, #tpu.memory_space<hbm>>
      tpu.enqueue_indirect_dma source(%dma_start3A_53 : memref<100096x8xf32, #tpu.memory_space<hbm>>) target(%arg11 : memref<1000x8xf32, #tpu.memory_space<vmem>>) offsets(%arg7 : memref<1000xi32, #tpu.memory_space<vmem>>) semaphore(%arg20 : memref<!tpu.dma_semaphore, #tpu.memory_space<semaphore_mem>>)
      %dma_wait3A_54 = arith.constant 0 : i32
      %dma_wait3A_55 = tpu.memref_slice %arg2[%dma_wait3A_54, %add3A_34] : memref<2x1600000xi32, #tpu.memory_space<hbm>> -> memref<1x1000xi32, #tpu.memory_space<hbm>>
      %dma_wait3A_56 = tpu.memref_squeeze %dma_wait3A_55 : memref<1x1000xi32, #tpu.memory_space<hbm>> -> memref<1000xi32, #tpu.memory_space<hbm>>
      %dma_wait3A_57 = tpu.memref_slice %arg2[%dma_wait3A_54, %add3A_34] : memref<2x1600000xi32, #tpu.memory_space<hbm>> -> memref<1x1000xi32, #tpu.memory_space<hbm>>
      %dma_wait3A_58 = tpu.memref_squeeze %dma_wait3A_57 : memref<1x1000xi32, #tpu.memory_space<hbm>> -> memref<1000xi32, #tpu.memory_space<hbm>>
      tpu.wait_dma2 semaphore(%arg17 : memref<!tpu.dma_semaphore, #tpu.memory_space<semaphore_mem>>) src(%dma_wait3A_58 : memref<1000xi32, #tpu.memory_space<hbm>>) dst(%arg8 : memref<1000xi32, #tpu.memory_space<vmem>>)
      %dma_start3A_59 = arith.constant 0 : i32
      %dma_start3A_60 = arith.constant 0 : i32
      %dma_start3A_61 = tpu.memref_slice %arg4[%dma_start3A_59, %dma_start3A_60] : memref<100096x8xf32, #tpu.memory_space<hbm>> -> memref<100096x8xf32, #tpu.memory_space<hbm>>
      tpu.enqueue_indirect_dma source(%dma_start3A_61 : memref<100096x8xf32, #tpu.memory_space<hbm>>) target(%arg12 : memref<1000x8xf32, #tpu.memory_space<vmem>>) offsets(%arg8 : memref<1000xi32, #tpu.memory_space<vmem>>) semaphore(%arg21 : memref<!tpu.dma_semaphore, #tpu.memory_space<semaphore_mem>>)
      %dma_wait3A_62 = arith.constant 0 : i32
      %dma_wait3A_63 = arith.constant 0 : i32
      %dma_wait3A_64 = tpu.memref_slice %arg4[%dma_wait3A_62, %dma_wait3A_63] : memref<100096x8xf32, #tpu.memory_space<hbm>> -> memref<100096x8xf32, #tpu.memory_space<hbm>>
      tpu.wait_indirect_dma semaphore(%arg20 : memref<!tpu.dma_semaphore, #tpu.memory_space<semaphore_mem>>) src(%dma_wait3A_64 : memref<100096x8xf32, #tpu.memory_space<hbm>>) dst(%arg11 : memref<1000x8xf32, #tpu.memory_space<vmem>>)
      %dma_wait3A_65 = arith.constant 1 : i32
      %dma_wait3A_66 = tpu.memref_slice %arg2[%dma_wait3A_65, %add3A_23] : memref<2x1600000xi32, #tpu.memory_space<hbm>> -> memref<1x1000xi32, #tpu.memory_space<hbm>>
      %dma_wait3A_67 = tpu.memref_squeeze %dma_wait3A_66 : memref<1x1000xi32, #tpu.memory_space<hbm>> -> memref<1000xi32, #tpu.memory_space<hbm>>
      %dma_wait3A_68 = tpu.memref_slice %arg2[%dma_wait3A_65, %add3A_23] : memref<2x1600000xi32, #tpu.memory_space<hbm>> -> memref<1x1000xi32, #tpu.memory_space<hbm>>
      %dma_wait3A_69 = tpu.memref_squeeze %dma_wait3A_68 : memref<1x1000xi32, #tpu.memory_space<hbm>> -> memref<1000xi32, #tpu.memory_space<hbm>>
      tpu.wait_dma2 semaphore(%arg18 : memref<!tpu.dma_semaphore, #tpu.memory_space<semaphore_mem>>) src(%dma_wait3A_69 : memref<1000xi32, #tpu.memory_space<hbm>>) dst(%arg9 : memref<1000xi32, #tpu.memory_space<vmem>>)
      %dma_start3A_70 = arith.constant 0 : i32
      %dma_start3A_71 = arith.constant 0 : i32
      %dma_start3A_72 = tpu.memref_slice %arg14[%dma_start3A_70, %dma_start3A_71] : memref<100096x8xf32, #tpu.memory_space<vmem_shared>> -> memref<100096x8xf32, #tpu.memory_space<vmem_shared>>
      tpu.enqueue_indirect_dma source(%arg11 : memref<1000x8xf32, #tpu.memory_space<vmem>>) target(%dma_start3A_72 : memref<100096x8xf32, #tpu.memory_space<vmem_shared>>) offsets(%arg9 : memref<1000xi32, #tpu.memory_space<vmem>>) semaphore(%arg22 : memref<!tpu.dma_semaphore, #tpu.memory_space<semaphore_mem>>) {add = true}
      %dma_wait3A_73 = arith.constant 0 : i32
      %dma_wait3A_74 = arith.constant 0 : i32
      %dma_wait3A_75 = tpu.memref_slice %arg4[%dma_wait3A_73, %dma_wait3A_74] : memref<100096x8xf32, #tpu.memory_space<hbm>> -> memref<100096x8xf32, #tpu.memory_space<hbm>>
      tpu.wait_indirect_dma semaphore(%arg21 : memref<!tpu.dma_semaphore, #tpu.memory_space<semaphore_mem>>) src(%dma_wait3A_75 : memref<100096x8xf32, #tpu.memory_space<hbm>>) dst(%arg12 : memref<1000x8xf32, #tpu.memory_space<vmem>>)
      %dma_wait3A_76 = arith.constant 1 : i32
      %dma_wait3A_77 = tpu.memref_slice %arg2[%dma_wait3A_76, %add3A_41] : memref<2x1600000xi32, #tpu.memory_space<hbm>> -> memref<1x1000xi32, #tpu.memory_space<hbm>>
      %dma_wait3A_78 = tpu.memref_squeeze %dma_wait3A_77 : memref<1x1000xi32, #tpu.memory_space<hbm>> -> memref<1000xi32, #tpu.memory_space<hbm>>
      %dma_wait3A_79 = tpu.memref_slice %arg2[%dma_wait3A_76, %add3A_41] : memref<2x1600000xi32, #tpu.memory_space<hbm>> -> memref<1x1000xi32, #tpu.memory_space<hbm>>
      %dma_wait3A_80 = tpu.memref_squeeze %dma_wait3A_79 : memref<1x1000xi32, #tpu.memory_space<hbm>> -> memref<1000xi32, #tpu.memory_space<hbm>>
      tpu.wait_dma2 semaphore(%arg19 : memref<!tpu.dma_semaphore, #tpu.memory_space<semaphore_mem>>) src(%dma_wait3A_80 : memref<1000xi32, #tpu.memory_space<hbm>>) dst(%arg10 : memref<1000xi32, #tpu.memory_space<vmem>>)
      %dma_start3A_81 = arith.constant 0 : i32
      %dma_start3A_82 = arith.constant 0 : i32
      %dma_start3A_83 = tpu.memref_slice %arg14[%dma_start3A_81, %dma_start3A_82] : memref<100096x8xf32, #tpu.memory_space<vmem_shared>> -> memref<100096x8xf32, #tpu.memory_space<vmem_shared>>
      tpu.enqueue_indirect_dma source(%arg12 : memref<1000x8xf32, #tpu.memory_space<vmem>>) target(%dma_start3A_83 : memref<100096x8xf32, #tpu.memory_space<vmem_shared>>) offsets(%arg10 : memref<1000xi32, #tpu.memory_space<vmem>>) semaphore(%arg23 : memref<!tpu.dma_semaphore, #tpu.memory_space<semaphore_mem>>) {add = true}
      %dma_wait3A_84 = arith.constant 0 : i32
      %dma_wait3A_85 = arith.constant 0 : i32
      %dma_wait3A_86 = tpu.memref_slice %arg14[%dma_wait3A_84, %dma_wait3A_85] : memref<100096x8xf32, #tpu.memory_space<vmem_shared>> -> memref<100096x8xf32, #tpu.memory_space<vmem_shared>>
      tpu.wait_indirect_dma semaphore(%arg22 : memref<!tpu.dma_semaphore, #tpu.memory_space<semaphore_mem>>) src(%arg11 : memref<1000x8xf32, #tpu.memory_space<vmem>>) dst(%dma_wait3A_86 : memref<100096x8xf32, #tpu.memory_space<vmem_shared>>)
      %dma_wait3A_87 = arith.constant 0 : i32
      %dma_wait3A_88 = arith.constant 0 : i32
      %dma_wait3A_89 = tpu.memref_slice %arg14[%dma_wait3A_87, %dma_wait3A_88] : memref<100096x8xf32, #tpu.memory_space<vmem_shared>> -> memref<100096x8xf32, #tpu.memory_space<vmem_shared>>
      tpu.wait_indirect_dma semaphore(%arg23 : memref<!tpu.dma_semaphore, #tpu.memory_space<semaphore_mem>>) src(%arg12 : memref<1000x8xf32, #tpu.memory_space<vmem>>) dst(%dma_wait3A_89 : memref<100096x8xf32, #tpu.memory_space<vmem_shared>>)
    }
    %scan3A_9 = arith.constant 25 : i32
    %barrier3A_10 = arith.constant 0 : index
    tpu.barrier barrier_id(%barrier3A_10)
    %mul3A_11 = arith.constant 6256 : i32
    %mul3A_12 = arith.muli %arg1, %mul3A_11 : i32
    "tpu.region"() ({
      %run_scoped3A_18 = tpu.sem_alloc : memref<!tpu.dma_semaphore, #tpu.memory_space<semaphore_mem>>
      %dma_start3A = arith.constant 0 : i32
      %dma_start3A_19 = tpu.memref_slice %arg14[%mul3A_12, %dma_start3A] : memref<100096x8xf32, #tpu.memory_space<vmem_shared>> -> memref<6256x8xf32, #tpu.memory_space<vmem_shared>>
      %dma_start3A_20 = arith.constant 0 : i32
      %dma_start3A_21 = tpu.memref_slice %arg14[%mul3A_12, %dma_start3A_20] : memref<100096x8xf32, #tpu.memory_space<vmem_shared>> -> memref<6256x8xf32, #tpu.memory_space<vmem_shared>>
      tpu.enqueue_dma source(%dma_start3A_21 : memref<6256x8xf32, #tpu.memory_space<vmem_shared>>) target(%arg13 : memref<6256x8xf32, #tpu.memory_space<vmem>>) target_semaphore(%run_scoped3A_18 : memref<!tpu.dma_semaphore, #tpu.memory_space<semaphore_mem>>)
      %dma_wait3A = arith.constant 0 : i32
      %dma_wait3A_22 = tpu.memref_slice %arg14[%mul3A_12, %dma_wait3A] : memref<100096x8xf32, #tpu.memory_space<vmem_shared>> -> memref<6256x8xf32, #tpu.memory_space<vmem_shared>>
      %dma_wait3A_23 = arith.constant 0 : i32
      %dma_wait3A_24 = tpu.memref_slice %arg14[%mul3A_12, %dma_wait3A_23] : memref<100096x8xf32, #tpu.memory_space<vmem_shared>> -> memref<6256x8xf32, #tpu.memory_space<vmem_shared>>
      tpu.wait_dma2 semaphore(%run_scoped3A_18 : memref<!tpu.dma_semaphore, #tpu.memory_space<semaphore_mem>>) src(%dma_wait3A_24 : memref<6256x8xf32, #tpu.memory_space<vmem_shared>>) dst(%arg13 : memref<6256x8xf32, #tpu.memory_space<vmem>>)
      tpu.yield
    }) : () -> ()
    %mul3A_13 = arith.constant 100096 : i32
    %mul3A_14 = arith.muli %arg0, %mul3A_13 : i32
    %mul3A_15 = arith.constant 6256 : i32
    %mul3A_16 = arith.muli %arg1, %mul3A_15 : i32
    %add3A_17 = arith.addi %mul3A_14, %mul3A_16 : i32
    "tpu.region"() ({
      %run_scoped3A_18 = tpu.sem_alloc : memref<!tpu.dma_semaphore, #tpu.memory_space<semaphore_mem>>
      %dma_start3A = arith.constant 0 : i32
      %dma_start3A_19 = tpu.memref_slice %arg6[%add3A_17, %dma_start3A] : memref<200192x8xf32, #tpu.memory_space<hbm>> -> memref<6256x8xf32, #tpu.memory_space<hbm>>
      %dma_start3A_20 = arith.constant 0 : i32
      %dma_start3A_21 = tpu.memref_slice %arg6[%add3A_17, %dma_start3A_20] : memref<200192x8xf32, #tpu.memory_space<hbm>> -> memref<6256x8xf32, #tpu.memory_space<hbm>>
      tpu.enqueue_dma source(%arg13 : memref<6256x8xf32, #tpu.memory_space<vmem>>) target(%dma_start3A_21 : memref<6256x8xf32, #tpu.memory_space<hbm>>) target_semaphore(%run_scoped3A_18 : memref<!tpu.dma_semaphore, #tpu.memory_space<semaphore_mem>>)
      %dma_wait3A = arith.constant 0 : i32
      %dma_wait3A_22 = tpu.memref_slice %arg6[%add3A_17, %dma_wait3A] : memref<200192x8xf32, #tpu.memory_space<hbm>> -> memref<6256x8xf32, #tpu.memory_space<hbm>>
      %dma_wait3A_23 = arith.constant 0 : i32
      %dma_wait3A_24 = tpu.memref_slice %arg6[%add3A_17, %dma_wait3A_23] : memref<200192x8xf32, #tpu.memory_space<hbm>> -> memref<6256x8xf32, #tpu.memory_space<hbm>>
      tpu.wait_dma2 semaphore(%run_scoped3A_18 : memref<!tpu.dma_semaphore, #tpu.memory_space<semaphore_mem>>) src(%arg13 : memref<6256x8xf32, #tpu.memory_space<vmem>>) dst(%dma_wait3A_24 : memref<6256x8xf32, #tpu.memory_space<hbm>>)
      tpu.yield
    }) : () -> ()
    return
  }
}

#map = affine_map<(d0, d1) -> (0, 0)>
module attributes {stable_mosaic.version = 14 : i64} {
  func.func @prop_kernel(%arg0: i32, %arg1: i32, %arg2: memref<2x1600000xi32, #tpu.memory_space<hbm>>, %arg3: memref<200192x8xf32, #tpu.memory_space<hbm>>, %arg4: memref<100096x8xf32, #tpu.memory_space<hbm>>, %arg5: memref<6256x8xf32, #tpu.memory_space<hbm>>, %arg6: memref<200192x8xf32, #tpu.memory_space<hbm>>, %arg7: memref<1000xi32, #tpu.memory_space<vmem>>, %arg8: memref<1000xi32, #tpu.memory_space<vmem>>, %arg9: memref<1000xi32, #tpu.memory_space<vmem>>, %arg10: memref<1000xi32, #tpu.memory_space<vmem>>, %arg11: memref<1000x8xf32, #tpu.memory_space<vmem>>, %arg12: memref<1000x8xf32, #tpu.memory_space<vmem>>, %arg13: memref<6256x8xf32, #tpu.memory_space<vmem>>, %arg14: memref<100096x8xf32, #tpu.memory_space<vmem_shared>>, %arg15: memref<8xf32, #tpu.memory_space<vmem>>, %arg16: memref<!tpu.dma_semaphore, #tpu.memory_space<semaphore_mem>>, %arg17: memref<!tpu.dma_semaphore, #tpu.memory_space<semaphore_mem>>, %arg18: memref<!tpu.dma_semaphore, #tpu.memory_space<semaphore_mem>>, %arg19: memref<!tpu.dma_semaphore, #tpu.memory_space<semaphore_mem>>, %arg20: memref<!tpu.dma_semaphore, #tpu.memory_space<semaphore_mem>>, %arg21: memref<!tpu.dma_semaphore, #tpu.memory_space<semaphore_mem>>, %arg22: memref<!tpu.dma_semaphore, #tpu.memory_space<semaphore_mem>>, %arg23: memref<!tpu.dma_semaphore, #tpu.memory_space<semaphore_mem>>) attributes {dimension_semantics = [#tpu.dimension_semantics<core_parallel>, #tpu.dimension_semantics<subcore_parallel>], iteration_bounds = array<i64: 2, 16>, scalar_prefetch = 0 : i64, scratch_operands = 17 : i64, tpu.core_type = #tpu.core_type<sc_vector_subcore>, window_params = [{transform_indices = #map}, {transform_indices = #map}, {transform_indices = #map}, {transform_indices = #map}, {transform_indices = #map}]} {
    %mul3A = arith.constant 2 : i32
    %mul3A_0 = arith.muli %arg1, %mul3A : i32
    %add3A = arith.addi %mul3A_0, %arg0 : i32
    %mul3A_1 = arith.constant 50000 : i32
    %mul3A_2 = arith.muli %add3A, %mul3A_1 : i32
    %run_scoped3A = arith.constant 0 : i32
    "tpu.region"() ({
      %run_scoped3A_18 = tpu.sem_alloc : memref<!tpu.dma_semaphore, #tpu.memory_space<semaphore_mem>>
      %dma_start3A = arith.constant 0 : i32
      %dma_start3A_19 = tpu.memref_slice %arg3[%run_scoped3A, %dma_start3A] : memref<200192x8xf32, #tpu.memory_space<hbm>> -> memref<1x8xf32, #tpu.memory_space<hbm>>
      %dma_start3A_20 = tpu.memref_squeeze %dma_start3A_19 : memref<1x8xf32, #tpu.memory_space<hbm>> -> memref<8xf32, #tpu.memory_space<hbm>>
      %dma_start3A_21 = arith.constant 0 : i32
      %dma_start3A_22 = tpu.memref_slice %arg3[%run_scoped3A, %dma_start3A_21] : memref<200192x8xf32, #tpu.memory_space<hbm>> -> memref<1x8xf32, #tpu.memory_space<hbm>>
      %dma_start3A_23 = tpu.memref_squeeze %dma_start3A_22 : memref<1x8xf32, #tpu.memory_space<hbm>> -> memref<8xf32, #tpu.memory_space<hbm>>
      tpu.enqueue_dma source(%dma_start3A_23 : memref<8xf32, #tpu.memory_space<hbm>>) target(%arg15 : memref<8xf32, #tpu.memory_space<vmem>>) target_semaphore(%run_scoped3A_18 : memref<!tpu.dma_semaphore, #tpu.memory_space<semaphore_mem>>)
      %dma_wait3A = arith.constant 0 : i32
      %dma_wait3A_24 = tpu.memref_slice %arg3[%run_scoped3A, %dma_wait3A] : memref<200192x8xf32, #tpu.memory_space<hbm>> -> memref<1x8xf32, #tpu.memory_space<hbm>>
      %dma_wait3A_25 = tpu.memref_squeeze %dma_wait3A_24 : memref<1x8xf32, #tpu.memory_space<hbm>> -> memref<8xf32, #tpu.memory_space<hbm>>
      %dma_wait3A_26 = arith.constant 0 : i32
      %dma_wait3A_27 = tpu.memref_slice %arg3[%run_scoped3A, %dma_wait3A_26] : memref<200192x8xf32, #tpu.memory_space<hbm>> -> memref<1x8xf32, #tpu.memory_space<hbm>>
      %dma_wait3A_28 = tpu.memref_squeeze %dma_wait3A_27 : memref<1x8xf32, #tpu.memory_space<hbm>> -> memref<8xf32, #tpu.memory_space<hbm>>
      tpu.wait_dma2 semaphore(%run_scoped3A_18 : memref<!tpu.dma_semaphore, #tpu.memory_space<semaphore_mem>>) src(%dma_wait3A_28 : memref<8xf32, #tpu.memory_space<hbm>>) dst(%arg15 : memref<8xf32, #tpu.memory_space<vmem>>)
      tpu.yield
    }) : () -> ()
    "tpu.region"() ({
      %run_scoped3A_18 = tpu.sem_alloc : memref<!tpu.dma_semaphore, #tpu.memory_space<semaphore_mem>>
      tpu.enqueue_dma source(%arg5 : memref<6256x8xf32, #tpu.memory_space<hbm>>) target(%arg13 : memref<6256x8xf32, #tpu.memory_space<vmem>>) target_semaphore(%run_scoped3A_18 : memref<!tpu.dma_semaphore, #tpu.memory_space<semaphore_mem>>)
      tpu.wait_dma2 semaphore(%run_scoped3A_18 : memref<!tpu.dma_semaphore, #tpu.memory_space<semaphore_mem>>) src(%arg5 : memref<6256x8xf32, #tpu.memory_space<hbm>>) dst(%arg13 : memref<6256x8xf32, #tpu.memory_space<vmem>>)
      tpu.yield
    }) : () -> ()
    %mul3A_3 = arith.constant 6256 : i32
    %mul3A_4 = arith.muli %arg1, %mul3A_3 : i32
    "tpu.region"() ({
      %run_scoped3A_18 = tpu.sem_alloc : memref<!tpu.dma_semaphore, #tpu.memory_space<semaphore_mem>>
      %dma_start3A = arith.constant 0 : i32
      %dma_start3A_19 = tpu.memref_slice %arg14[%mul3A_4, %dma_start3A] : memref<100096x8xf32, #tpu.memory_space<vmem_shared>> -> memref<6256x8xf32, #tpu.memory_space<vmem_shared>>
      %dma_start3A_20 = arith.constant 0 : i32
      %dma_start3A_21 = tpu.memref_slice %arg14[%mul3A_4, %dma_start3A_20] : memref<100096x8xf32, #tpu.memory_space<vmem_shared>> -> memref<6256x8xf32, #tpu.memory_space<vmem_shared>>
      tpu.enqueue_dma source(%arg13 : memref<6256x8xf32, #tpu.memory_space<vmem>>) target(%dma_start3A_21 : memref<6256x8xf32, #tpu.memory_space<vmem_shared>>) target_semaphore(%run_scoped3A_18 : memref<!tpu.dma_semaphore, #tpu.memory_space<semaphore_mem>>)
      %dma_wait3A = arith.constant 0 : i32
      %dma_wait3A_22 = tpu.memref_slice %arg14[%mul3A_4, %dma_wait3A] : memref<100096x8xf32, #tpu.memory_space<vmem_shared>> -> memref<6256x8xf32, #tpu.memory_space<vmem_shared>>
      %dma_wait3A_23 = arith.constant 0 : i32
      %dma_wait3A_24 = tpu.memref_slice %arg14[%mul3A_4, %dma_wait3A_23] : memref<100096x8xf32, #tpu.memory_space<vmem_shared>> -> memref<6256x8xf32, #tpu.memory_space<vmem_shared>>
      tpu.wait_dma2 semaphore(%run_scoped3A_18 : memref<!tpu.dma_semaphore, #tpu.memory_space<semaphore_mem>>) src(%arg13 : memref<6256x8xf32, #tpu.memory_space<vmem>>) dst(%dma_wait3A_24 : memref<6256x8xf32, #tpu.memory_space<vmem_shared>>)
      tpu.yield
    }) : () -> ()
    %barrier3A = arith.constant 0 : index
    tpu.barrier barrier_id(%barrier3A)
    %scan3A = arith.constant 0 : i32
    %scan3A_5 = arith.constant 0 : i32
    %scan3A_6 = arith.constant 25 : i32
    %scan3A_7 = arith.addi %scan3A_5, %scan3A_6 : i32
    %scan3A_8 = arith.constant 1 : i32
    scf.for %scan3A_18 = %scan3A_5 to %scan3A_7 step %scan3A_8  : i32 {
      %mul3A_19 = arith.constant 2 : i32
      %mul3A_20 = arith.muli %mul3A_19, %scan3A_18 : i32
      %mul3A_21 = arith.constant 1000 : i32
      %mul3A_22 = arith.muli %mul3A_20, %mul3A_21 : i32
      %add3A_23 = arith.addi %mul3A_2, %mul3A_22 : i32
      %dma_start3A = arith.constant 0 : i32
      %dma_start3A_24 = tpu.memref_slice %arg2[%dma_start3A, %add3A_23] : memref<2x1600000xi32, #tpu.memory_space<hbm>> -> memref<1x1000xi32, #tpu.memory_space<hbm>>
      %dma_start3A_25 = tpu.memref_squeeze %dma_start3A_24 : memref<1x1000xi32, #tpu.memory_space<hbm>> -> memref<1000xi32, #tpu.memory_space<hbm>>
      %dma_start3A_26 = tpu.memref_slice %arg2[%dma_start3A, %add3A_23] : memref<2x1600000xi32, #tpu.memory_space<hbm>> -> memref<1x1000xi32, #tpu.memory_space<hbm>>
      %dma_start3A_27 = tpu.memref_squeeze %dma_start3A_26 : memref<1x1000xi32, #tpu.memory_space<hbm>> -> memref<1000xi32, #tpu.memory_space<hbm>>
      tpu.enqueue_dma source(%dma_start3A_27 : memref<1000xi32, #tpu.memory_space<hbm>>) target(%arg7 : memref<1000xi32, #tpu.memory_space<vmem>>) target_semaphore(%arg16 : memref<!tpu.dma_semaphore, #tpu.memory_space<semaphore_mem>>)
      %dma_start3A_28 = arith.constant 1 : i32
      %dma_start3A_29 = tpu.memref_slice %arg2[%dma_start3A_28, %add3A_23] : memref<2x1600000xi32, #tpu.memory_space<hbm>> -> memref<1x1000xi32, #tpu.memory_space<hbm>>
      %dma_start3A_30 = tpu.memref_squeeze %dma_start3A_29 : memref<1x1000xi32, #tpu.memory_space<hbm>> -> memref<1000xi32, #tpu.memory_space<hbm>>
      %dma_start3A_31 = tpu.memref_slice %arg2[%dma_start3A_28, %add3A_23] : memref<2x1600000xi32, #tpu.memory_space<hbm>> -> memref<1x1000xi32, #tpu.memory_space<hbm>>
      %dma_start3A_32 = tpu.memref_squeeze %dma_start3A_31 : memref<1x1000xi32, #tpu.memory_space<hbm>> -> memref<1000xi32, #tpu.memory_space<hbm>>
      tpu.enqueue_dma source(%dma_start3A_32 : memref<1000xi32, #tpu.memory_space<hbm>>) target(%arg9 : memref<1000xi32, #tpu.memory_space<vmem>>) target_semaphore(%arg18 : memref<!tpu.dma_semaphore, #tpu.memory_space<semaphore_mem>>)
      %add3A_33 = arith.constant 1000 : i32
      %add3A_34 = arith.addi %add3A_23, %add3A_33 : i32
      %dma_start3A_35 = arith.constant 0 : i32
      %dma_start3A_36 = tpu.memref_slice %arg2[%dma_start3A_35, %add3A_34] : memref<2x1600000xi32, #tpu.memory_space<hbm>> -> memref<1x1000xi32, #tpu.memory_space<hbm>>
      %dma_start3A_37 = tpu.memref_squeeze %dma_start3A_36 : memref<1x1000xi32, #tpu.memory_space<hbm>> -> memref<1000xi32, #tpu.memory_space<hbm>>
      %dma_start3A_38 = tpu.memref_slice %arg2[%dma_start3A_35, %add3A_34] : memref<2x1600000xi32, #tpu.memory_space<hbm>> -> memref<1x1000xi32, #tpu.memory_space<hbm>>
      %dma_start3A_39 = tpu.memref_squeeze %dma_start3A_38 : memref<1x1000xi32, #tpu.memory_space<hbm>> -> memref<1000xi32, #tpu.memory_space<hbm>>
      tpu.enqueue_dma source(%dma_start3A_39 : memref<1000xi32, #tpu.memory_space<hbm>>) target(%arg8 : memref<1000xi32, #tpu.memory_space<vmem>>) target_semaphore(%arg17 : memref<!tpu.dma_semaphore, #tpu.memory_space<semaphore_mem>>)
      %add3A_40 = arith.constant 1000 : i32
      %add3A_41 = arith.addi %add3A_23, %add3A_40 : i32
      %dma_start3A_42 = arith.constant 1 : i32
      %dma_start3A_43 = tpu.memref_slice %arg2[%dma_start3A_42, %add3A_41] : memref<2x1600000xi32, #tpu.memory_space<hbm>> -> memref<1x1000xi32, #tpu.memory_space<hbm>>
      %dma_start3A_44 = tpu.memref_squeeze %dma_start3A_43 : memref<1x1000xi32, #tpu.memory_space<hbm>> -> memref<1000xi32, #tpu.memory_space<hbm>>
      %dma_start3A_45 = tpu.memref_slice %arg2[%dma_start3A_42, %add3A_41] : memref<2x1600000xi32, #tpu.memory_space<hbm>> -> memref<1x1000xi32, #tpu.memory_space<hbm>>
      %dma_start3A_46 = tpu.memref_squeeze %dma_start3A_45 : memref<1x1000xi32, #tpu.memory_space<hbm>> -> memref<1000xi32, #tpu.memory_space<hbm>>
      tpu.enqueue_dma source(%dma_start3A_46 : memref<1000xi32, #tpu.memory_space<hbm>>) target(%arg10 : memref<1000xi32, #tpu.memory_space<vmem>>) target_semaphore(%arg19 : memref<!tpu.dma_semaphore, #tpu.memory_space<semaphore_mem>>)
      %dma_wait3A = arith.constant 0 : i32
      %dma_wait3A_47 = tpu.memref_slice %arg2[%dma_wait3A, %add3A_23] : memref<2x1600000xi32, #tpu.memory_space<hbm>> -> memref<1x1000xi32, #tpu.memory_space<hbm>>
      %dma_wait3A_48 = tpu.memref_squeeze %dma_wait3A_47 : memref<1x1000xi32, #tpu.memory_space<hbm>> -> memref<1000xi32, #tpu.memory_space<hbm>>
      %dma_wait3A_49 = tpu.memref_slice %arg2[%dma_wait3A, %add3A_23] : memref<2x1600000xi32, #tpu.memory_space<hbm>> -> memref<1x1000xi32, #tpu.memory_space<hbm>>
      %dma_wait3A_50 = tpu.memref_squeeze %dma_wait3A_49 : memref<1x1000xi32, #tpu.memory_space<hbm>> -> memref<1000xi32, #tpu.memory_space<hbm>>
      tpu.wait_dma2 semaphore(%arg16 : memref<!tpu.dma_semaphore, #tpu.memory_space<semaphore_mem>>) src(%dma_wait3A_50 : memref<1000xi32, #tpu.memory_space<hbm>>) dst(%arg7 : memref<1000xi32, #tpu.memory_space<vmem>>)
      %dma_start3A_51 = arith.constant 0 : i32
      %dma_start3A_52 = arith.constant 0 : i32
      %dma_start3A_53 = tpu.memref_slice %arg4[%dma_start3A_51, %dma_start3A_52] : memref<100096x8xf32, #tpu.memory_space<hbm>> -> memref<100096x8xf32, #tpu.memory_space<hbm>>
      tpu.enqueue_indirect_dma source(%dma_start3A_53 : memref<100096x8xf32, #tpu.memory_space<hbm>>) target(%arg11 : memref<1000x8xf32, #tpu.memory_space<vmem>>) offsets(%arg7 : memref<1000xi32, #tpu.memory_space<vmem>>) semaphore(%arg20 : memref<!tpu.dma_semaphore, #tpu.memory_space<semaphore_mem>>)
      %dma_wait3A_54 = arith.constant 0 : i32
      %dma_wait3A_55 = tpu.memref_slice %arg2[%dma_wait3A_54, %add3A_34] : memref<2x1600000xi32, #tpu.memory_space<hbm>> -> memref<1x1000xi32, #tpu.memory_space<hbm>>
      %dma_wait3A_56 = tpu.memref_squeeze %dma_wait3A_55 : memref<1x1000xi32, #tpu.memory_space<hbm>> -> memref<1000xi32, #tpu.memory_space<hbm>>
      %dma_wait3A_57 = tpu.memref_slice %arg2[%dma_wait3A_54, %add3A_34] : memref<2x1600000xi32, #tpu.memory_space<hbm>> -> memref<1x1000xi32, #tpu.memory_space<hbm>>
      %dma_wait3A_58 = tpu.memref_squeeze %dma_wait3A_57 : memref<1x1000xi32, #tpu.memory_space<hbm>> -> memref<1000xi32, #tpu.memory_space<hbm>>
      tpu.wait_dma2 semaphore(%arg17 : memref<!tpu.dma_semaphore, #tpu.memory_space<semaphore_mem>>) src(%dma_wait3A_58 : memref<1000xi32, #tpu.memory_space<hbm>>) dst(%arg8 : memref<1000xi32, #tpu.memory_space<vmem>>)
      %dma_start3A_59 = arith.constant 0 : i32
      %dma_start3A_60 = arith.constant 0 : i32
      %dma_start3A_61 = tpu.memref_slice %arg4[%dma_start3A_59, %dma_start3A_60] : memref<100096x8xf32, #tpu.memory_space<hbm>> -> memref<100096x8xf32, #tpu.memory_space<hbm>>
      tpu.enqueue_indirect_dma source(%dma_start3A_61 : memref<100096x8xf32, #tpu.memory_space<hbm>>) target(%arg12 : memref<1000x8xf32, #tpu.memory_space<vmem>>) offsets(%arg8 : memref<1000xi32, #tpu.memory_space<vmem>>) semaphore(%arg21 : memref<!tpu.dma_semaphore, #tpu.memory_space<semaphore_mem>>)
      %dma_wait3A_62 = arith.constant 0 : i32
      %dma_wait3A_63 = arith.constant 0 : i32
      %dma_wait3A_64 = tpu.memref_slice %arg4[%dma_wait3A_62, %dma_wait3A_63] : memref<100096x8xf32, #tpu.memory_space<hbm>> -> memref<100096x8xf32, #tpu.memory_space<hbm>>
      tpu.wait_indirect_dma semaphore(%arg20 : memref<!tpu.dma_semaphore, #tpu.memory_space<semaphore_mem>>) src(%dma_wait3A_64 : memref<100096x8xf32, #tpu.memory_space<hbm>>) dst(%arg11 : memref<1000x8xf32, #tpu.memory_space<vmem>>)
      %dma_wait3A_65 = arith.constant 1 : i32
      %dma_wait3A_66 = tpu.memref_slice %arg2[%dma_wait3A_65, %add3A_23] : memref<2x1600000xi32, #tpu.memory_space<hbm>> -> memref<1x1000xi32, #tpu.memory_space<hbm>>
      %dma_wait3A_67 = tpu.memref_squeeze %dma_wait3A_66 : memref<1x1000xi32, #tpu.memory_space<hbm>> -> memref<1000xi32, #tpu.memory_space<hbm>>
      %dma_wait3A_68 = tpu.memref_slice %arg2[%dma_wait3A_65, %add3A_23] : memref<2x1600000xi32, #tpu.memory_space<hbm>> -> memref<1x1000xi32, #tpu.memory_space<hbm>>
      %dma_wait3A_69 = tpu.memref_squeeze %dma_wait3A_68 : memref<1x1000xi32, #tpu.memory_space<hbm>> -> memref<1000xi32, #tpu.memory_space<hbm>>
      tpu.wait_dma2 semaphore(%arg18 : memref<!tpu.dma_semaphore, #tpu.memory_space<semaphore_mem>>) src(%dma_wait3A_69 : memref<1000xi32, #tpu.memory_space<hbm>>) dst(%arg9 : memref<1000xi32, #tpu.memory_space<vmem>>)
      %dma_start3A_70 = arith.constant 0 : i32
      %dma_start3A_71 = arith.constant 0 : i32
      %dma_start3A_72 = tpu.memref_slice %arg14[%dma_start3A_70, %dma_start3A_71] : memref<100096x8xf32, #tpu.memory_space<vmem_shared>> -> memref<100096x8xf32, #tpu.memory_space<vmem_shared>>
      tpu.enqueue_indirect_dma source(%arg11 : memref<1000x8xf32, #tpu.memory_space<vmem>>) target(%dma_start3A_72 : memref<100096x8xf32, #tpu.memory_space<vmem_shared>>) offsets(%arg9 : memref<1000xi32, #tpu.memory_space<vmem>>) semaphore(%arg22 : memref<!tpu.dma_semaphore, #tpu.memory_space<semaphore_mem>>) {add = true}
      %dma_wait3A_73 = arith.constant 0 : i32
      %dma_wait3A_74 = arith.constant 0 : i32
      %dma_wait3A_75 = tpu.memref_slice %arg4[%dma_wait3A_73, %dma_wait3A_74] : memref<100096x8xf32, #tpu.memory_space<hbm>> -> memref<100096x8xf32, #tpu.memory_space<hbm>>
      tpu.wait_indirect_dma semaphore(%arg21 : memref<!tpu.dma_semaphore, #tpu.memory_space<semaphore_mem>>) src(%dma_wait3A_75 : memref<100096x8xf32, #tpu.memory_space<hbm>>) dst(%arg12 : memref<1000x8xf32, #tpu.memory_space<vmem>>)
      %dma_wait3A_76 = arith.constant 1 : i32
      %dma_wait3A_77 = tpu.memref_slice %arg2[%dma_wait3A_76, %add3A_41] : memref<2x1600000xi32, #tpu.memory_space<hbm>> -> memref<1x1000xi32, #tpu.memory_space<hbm>>
      %dma_wait3A_78 = tpu.memref_squeeze %dma_wait3A_77 : memref<1x1000xi32, #tpu.memory_space<hbm>> -> memref<1000xi32, #tpu.memory_space<hbm>>
      %dma_wait3A_79 = tpu.memref_slice %arg2[%dma_wait3A_76, %add3A_41] : memref<2x1600000xi32, #tpu.memory_space<hbm>> -> memref<1x1000xi32, #tpu.memory_space<hbm>>
      %dma_wait3A_80 = tpu.memref_squeeze %dma_wait3A_79 : memref<1x1000xi32, #tpu.memory_space<hbm>> -> memref<1000xi32, #tpu.memory_space<hbm>>
      tpu.wait_dma2 semaphore(%arg19 : memref<!tpu.dma_semaphore, #tpu.memory_space<semaphore_mem>>) src(%dma_wait3A_80 : memref<1000xi32, #tpu.memory_space<hbm>>) dst(%arg10 : memref<1000xi32, #tpu.memory_space<vmem>>)
      %dma_start3A_81 = arith.constant 0 : i32
      %dma_start3A_82 = arith.constant 0 : i32
      %dma_start3A_83 = tpu.memref_slice %arg14[%dma_start3A_81, %dma_start3A_82] : memref<100096x8xf32, #tpu.memory_space<vmem_shared>> -> memref<100096x8xf32, #tpu.memory_space<vmem_shared>>
      tpu.enqueue_indirect_dma source(%arg12 : memref<1000x8xf32, #tpu.memory_space<vmem>>) target(%dma_start3A_83 : memref<100096x8xf32, #tpu.memory_space<vmem_shared>>) offsets(%arg10 : memref<1000xi32, #tpu.memory_space<vmem>>) semaphore(%arg23 : memref<!tpu.dma_semaphore, #tpu.memory_space<semaphore_mem>>) {add = true}
      %dma_wait3A_84 = arith.constant 0 : i32
      %dma_wait3A_85 = arith.constant 0 : i32
      %dma_wait3A_86 = tpu.memref_slice %arg14[%dma_wait3A_84, %dma_wait3A_85] : memref<100096x8xf32, #tpu.memory_space<vmem_shared>> -> memref<100096x8xf32, #tpu.memory_space<vmem_shared>>
      tpu.wait_indirect_dma semaphore(%arg22 : memref<!tpu.dma_semaphore, #tpu.memory_space<semaphore_mem>>) src(%arg11 : memref<1000x8xf32, #tpu.memory_space<vmem>>) dst(%dma_wait3A_86 : memref<100096x8xf32, #tpu.memory_space<vmem_shared>>)
      %dma_wait3A_87 = arith.constant 0 : i32
      %dma_wait3A_88 = arith.constant 0 : i32
      %dma_wait3A_89 = tpu.memref_slice %arg14[%dma_wait3A_87, %dma_wait3A_88] : memref<100096x8xf32, #tpu.memory_space<vmem_shared>> -> memref<100096x8xf32, #tpu.memory_space<vmem_shared>>
      tpu.wait_indirect_dma semaphore(%arg23 : memref<!tpu.dma_semaphore, #tpu.memory_space<semaphore_mem>>) src(%arg12 : memref<1000x8xf32, #tpu.memory_space<vmem>>) dst(%dma_wait3A_89 : memref<100096x8xf32, #tpu.memory_space<vmem_shared>>)
    }
    %scan3A_9 = arith.constant 25 : i32
    %barrier3A_10 = arith.constant 0 : index
    tpu.barrier barrier_id(%barrier3A_10)
    %mul3A_11 = arith.constant 6256 : i32
    %mul3A_12 = arith.muli %arg1, %mul3A_11 : i32
    "tpu.region"() ({
      %run_scoped3A_18 = tpu.sem_alloc : memref<!tpu.dma_semaphore, #tpu.memory_space<semaphore_mem>>
      %dma_start3A = arith.constant 0 : i32
      %dma_start3A_19 = tpu.memref_slice %arg14[%mul3A_12, %dma_start3A] : memref<100096x8xf32, #tpu.memory_space<vmem_shared>> -> memref<6256x8xf32, #tpu.memory_space<vmem_shared>>
      %dma_start3A_20 = arith.constant 0 : i32
      %dma_start3A_21 = tpu.memref_slice %arg14[%mul3A_12, %dma_start3A_20] : memref<100096x8xf32, #tpu.memory_space<vmem_shared>> -> memref<6256x8xf32, #tpu.memory_space<vmem_shared>>
      tpu.enqueue_dma source(%dma_start3A_21 : memref<6256x8xf32, #tpu.memory_space<vmem_shared>>) target(%arg13 : memref<6256x8xf32, #tpu.memory_space<vmem>>) target_semaphore(%run_scoped3A_18 : memref<!tpu.dma_semaphore, #tpu.memory_space<semaphore_mem>>)
      %dma_wait3A = arith.constant 0 : i32
      %dma_wait3A_22 = tpu.memref_slice %arg14[%mul3A_12, %dma_wait3A] : memref<100096x8xf32, #tpu.memory_space<vmem_shared>> -> memref<6256x8xf32, #tpu.memory_space<vmem_shared>>
      %dma_wait3A_23 = arith.constant 0 : i32
      %dma_wait3A_24 = tpu.memref_slice %arg14[%mul3A_12, %dma_wait3A_23] : memref<100096x8xf32, #tpu.memory_space<vmem_shared>> -> memref<6256x8xf32, #tpu.memory_space<vmem_shared>>
      tpu.wait_dma2 semaphore(%run_scoped3A_18 : memref<!tpu.dma_semaphore, #tpu.memory_space<semaphore_mem>>) src(%dma_wait3A_24 : memref<6256x8xf32, #tpu.memory_space<vmem_shared>>) dst(%arg13 : memref<6256x8xf32, #tpu.memory_space<vmem>>)
      tpu.yield
    }) : () -> ()
    %mul3A_13 = arith.constant 100096 : i32
    %mul3A_14 = arith.muli %arg0, %mul3A_13 : i32
    %mul3A_15 = arith.constant 6256 : i32
    %mul3A_16 = arith.muli %arg1, %mul3A_15 : i32
    %add3A_17 = arith.addi %mul3A_14, %mul3A_16 : i32
    "tpu.region"() ({
      %run_scoped3A_18 = tpu.sem_alloc : memref<!tpu.dma_semaphore, #tpu.memory_space<semaphore_mem>>
      %dma_start3A = arith.constant 0 : i32
      %dma_start3A_19 = tpu.memref_slice %arg6[%add3A_17, %dma_start3A] : memref<200192x8xf32, #tpu.memory_space<hbm>> -> memref<6256x8xf32, #tpu.memory_space<hbm>>
      %dma_start3A_20 = arith.constant 0 : i32
      %dma_start3A_21 = tpu.memref_slice %arg6[%add3A_17, %dma_start3A_20] : memref<200192x8xf32, #tpu.memory_space<hbm>> -> memref<6256x8xf32, #tpu.memory_space<hbm>>
      tpu.enqueue_dma source(%arg13 : memref<6256x8xf32, #tpu.memory_space<vmem>>) target(%dma_start3A_21 : memref<6256x8xf32, #tpu.memory_space<hbm>>) target_semaphore(%run_scoped3A_18 : memref<!tpu.dma_semaphore, #tpu.memory_space<semaphore_mem>>)
      %dma_wait3A = arith.constant 0 : i32
      %dma_wait3A_22 = tpu.memref_slice %arg6[%add3A_17, %dma_wait3A] : memref<200192x8xf32, #tpu.memory_space<hbm>> -> memref<6256x8xf32, #tpu.memory_space<hbm>>
      %dma_wait3A_23 = arith.constant 0 : i32
      %dma_wait3A_24 = tpu.memref_slice %arg6[%add3A_17, %dma_wait3A_23] : memref<200192x8xf32, #tpu.memory_space<hbm>> -> memref<6256x8xf32, #tpu.memory_space<hbm>>
      tpu.wait_dma2 semaphore(%run_scoped3A_18 : memref<!tpu.dma_semaphore, #tpu.memory_space<semaphore_mem>>) src(%arg13 : memref<6256x8xf32, #tpu.memory_space<vmem>>) dst(%dma_wait3A_24 : memref<6256x8xf32, #tpu.memory_space<hbm>>)
      tpu.yield
    }) : () -> ()
    return
  }
}

#map = affine_map<(d0, d1) -> (0, 0)>
module attributes {stable_mosaic.version = 14 : i64} {
  func.func @deg_kernel(%arg0: i32, %arg1: i32, %arg2: memref<2x1600000xi32, #tpu.memory_space<hbm>>, %arg3: memref<1000x4xf32, #tpu.memory_space<hbm>>, %arg4: memref<6256x4xf32, #tpu.memory_space<hbm>>, %arg5: memref<200192x4xf32, #tpu.memory_space<hbm>>, %arg6: memref<1000xi32, #tpu.memory_space<vmem>>, %arg7: memref<1000xi32, #tpu.memory_space<vmem>>, %arg8: memref<1000x4xf32, #tpu.memory_space<vmem>>, %arg9: memref<6256x4xf32, #tpu.memory_space<vmem>>, %arg10: memref<100096x4xf32, #tpu.memory_space<vmem_shared>>, %arg11: memref<!tpu.dma_semaphore, #tpu.memory_space<semaphore_mem>>, %arg12: memref<!tpu.dma_semaphore, #tpu.memory_space<semaphore_mem>>, %arg13: memref<!tpu.dma_semaphore, #tpu.memory_space<semaphore_mem>>, %arg14: memref<!tpu.dma_semaphore, #tpu.memory_space<semaphore_mem>>) attributes {dimension_semantics = [#tpu.dimension_semantics<core_parallel>, #tpu.dimension_semantics<subcore_parallel>], iteration_bounds = array<i64: 2, 16>, scalar_prefetch = 0 : i64, scratch_operands = 9 : i64, tpu.core_type = #tpu.core_type<sc_vector_subcore>, window_params = [{transform_indices = #map}, {transform_indices = #map}, {transform_indices = #map}, {transform_indices = #map}]} {
    %mul3A = arith.constant 2 : i32
    %mul3A_0 = arith.muli %arg1, %mul3A : i32
    %add3A = arith.addi %mul3A_0, %arg0 : i32
    "tpu.region"() ({
      %run_scoped3A = tpu.sem_alloc : memref<!tpu.dma_semaphore, #tpu.memory_space<semaphore_mem>>
      tpu.enqueue_dma source(%arg4 : memref<6256x4xf32, #tpu.memory_space<hbm>>) target(%arg9 : memref<6256x4xf32, #tpu.memory_space<vmem>>) target_semaphore(%run_scoped3A : memref<!tpu.dma_semaphore, #tpu.memory_space<semaphore_mem>>)
      tpu.wait_dma2 semaphore(%run_scoped3A : memref<!tpu.dma_semaphore, #tpu.memory_space<semaphore_mem>>) src(%arg4 : memref<6256x4xf32, #tpu.memory_space<hbm>>) dst(%arg9 : memref<6256x4xf32, #tpu.memory_space<vmem>>)
      tpu.yield
    }) : () -> ()
    %mul3A_1 = arith.constant 6256 : i32
    %mul3A_2 = arith.muli %arg1, %mul3A_1 : i32
    "tpu.region"() ({
      %run_scoped3A = tpu.sem_alloc : memref<!tpu.dma_semaphore, #tpu.memory_space<semaphore_mem>>
      %dma_start3A = arith.constant 0 : i32
      %dma_start3A_18 = tpu.memref_slice %arg10[%mul3A_2, %dma_start3A] : memref<100096x4xf32, #tpu.memory_space<vmem_shared>> -> memref<6256x4xf32, #tpu.memory_space<vmem_shared>>
      %dma_start3A_19 = arith.constant 0 : i32
      %dma_start3A_20 = tpu.memref_slice %arg10[%mul3A_2, %dma_start3A_19] : memref<100096x4xf32, #tpu.memory_space<vmem_shared>> -> memref<6256x4xf32, #tpu.memory_space<vmem_shared>>
      tpu.enqueue_dma source(%arg9 : memref<6256x4xf32, #tpu.memory_space<vmem>>) target(%dma_start3A_20 : memref<6256x4xf32, #tpu.memory_space<vmem_shared>>) target_semaphore(%run_scoped3A : memref<!tpu.dma_semaphore, #tpu.memory_space<semaphore_mem>>)
      %dma_wait3A = arith.constant 0 : i32
      %dma_wait3A_21 = tpu.memref_slice %arg10[%mul3A_2, %dma_wait3A] : memref<100096x4xf32, #tpu.memory_space<vmem_shared>> -> memref<6256x4xf32, #tpu.memory_space<vmem_shared>>
      %dma_wait3A_22 = arith.constant 0 : i32
      %dma_wait3A_23 = tpu.memref_slice %arg10[%mul3A_2, %dma_wait3A_22] : memref<100096x4xf32, #tpu.memory_space<vmem_shared>> -> memref<6256x4xf32, #tpu.memory_space<vmem_shared>>
      tpu.wait_dma2 semaphore(%run_scoped3A : memref<!tpu.dma_semaphore, #tpu.memory_space<semaphore_mem>>) src(%arg9 : memref<6256x4xf32, #tpu.memory_space<vmem>>) dst(%dma_wait3A_23 : memref<6256x4xf32, #tpu.memory_space<vmem_shared>>)
      tpu.yield
    }) : () -> ()
    "tpu.region"() ({
      %run_scoped3A = tpu.sem_alloc : memref<!tpu.dma_semaphore, #tpu.memory_space<semaphore_mem>>
      tpu.enqueue_dma source(%arg3 : memref<1000x4xf32, #tpu.memory_space<hbm>>) target(%arg8 : memref<1000x4xf32, #tpu.memory_space<vmem>>) target_semaphore(%run_scoped3A : memref<!tpu.dma_semaphore, #tpu.memory_space<semaphore_mem>>)
      tpu.wait_dma2 semaphore(%run_scoped3A : memref<!tpu.dma_semaphore, #tpu.memory_space<semaphore_mem>>) src(%arg3 : memref<1000x4xf32, #tpu.memory_space<hbm>>) dst(%arg8 : memref<1000x4xf32, #tpu.memory_space<vmem>>)
      tpu.yield
    }) : () -> ()
    %barrier3A = arith.constant 0 : index
    tpu.barrier barrier_id(%barrier3A)
    %mul3A_3 = arith.constant 50000 : i32
    %mul3A_4 = arith.muli %add3A, %mul3A_3 : i32
    %scan3A = arith.constant 0 : i32
    %scan3A_5 = arith.constant 0 : i32
    %scan3A_6 = arith.constant 25 : i32
    %scan3A_7 = arith.addi %scan3A_5, %scan3A_6 : i32
    %scan3A_8 = arith.constant 1 : i32
    scf.for %scan3A_18 = %scan3A_5 to %scan3A_7 step %scan3A_8  : i32 {
      %mul3A_19 = arith.constant 2 : i32
      %mul3A_20 = arith.muli %mul3A_19, %scan3A_18 : i32
      %mul3A_21 = arith.constant 1000 : i32
      %mul3A_22 = arith.muli %mul3A_20, %mul3A_21 : i32
      %add3A_23 = arith.addi %mul3A_4, %mul3A_22 : i32
      %dma_start3A = arith.constant 1 : i32
      %dma_start3A_24 = tpu.memref_slice %arg2[%dma_start3A, %add3A_23] : memref<2x1600000xi32, #tpu.memory_space<hbm>> -> memref<1x1000xi32, #tpu.memory_space<hbm>>
      %dma_start3A_25 = tpu.memref_squeeze %dma_start3A_24 : memref<1x1000xi32, #tpu.memory_space<hbm>> -> memref<1000xi32, #tpu.memory_space<hbm>>
      %dma_start3A_26 = tpu.memref_slice %arg2[%dma_start3A, %add3A_23] : memref<2x1600000xi32, #tpu.memory_space<hbm>> -> memref<1x1000xi32, #tpu.memory_space<hbm>>
      %dma_start3A_27 = tpu.memref_squeeze %dma_start3A_26 : memref<1x1000xi32, #tpu.memory_space<hbm>> -> memref<1000xi32, #tpu.memory_space<hbm>>
      tpu.enqueue_dma source(%dma_start3A_27 : memref<1000xi32, #tpu.memory_space<hbm>>) target(%arg6 : memref<1000xi32, #tpu.memory_space<vmem>>) target_semaphore(%arg11 : memref<!tpu.dma_semaphore, #tpu.memory_space<semaphore_mem>>)
      %add3A_28 = arith.constant 1000 : i32
      %add3A_29 = arith.addi %add3A_23, %add3A_28 : i32
      %dma_start3A_30 = arith.constant 1 : i32
      %dma_start3A_31 = tpu.memref_slice %arg2[%dma_start3A_30, %add3A_29] : memref<2x1600000xi32, #tpu.memory_space<hbm>> -> memref<1x1000xi32, #tpu.memory_space<hbm>>
      %dma_start3A_32 = tpu.memref_squeeze %dma_start3A_31 : memref<1x1000xi32, #tpu.memory_space<hbm>> -> memref<1000xi32, #tpu.memory_space<hbm>>
      %dma_start3A_33 = tpu.memref_slice %arg2[%dma_start3A_30, %add3A_29] : memref<2x1600000xi32, #tpu.memory_space<hbm>> -> memref<1x1000xi32, #tpu.memory_space<hbm>>
      %dma_start3A_34 = tpu.memref_squeeze %dma_start3A_33 : memref<1x1000xi32, #tpu.memory_space<hbm>> -> memref<1000xi32, #tpu.memory_space<hbm>>
      tpu.enqueue_dma source(%dma_start3A_34 : memref<1000xi32, #tpu.memory_space<hbm>>) target(%arg7 : memref<1000xi32, #tpu.memory_space<vmem>>) target_semaphore(%arg12 : memref<!tpu.dma_semaphore, #tpu.memory_space<semaphore_mem>>)
      %dma_wait3A = arith.constant 1 : i32
      %dma_wait3A_35 = tpu.memref_slice %arg2[%dma_wait3A, %add3A_23] : memref<2x1600000xi32, #tpu.memory_space<hbm>> -> memref<1x1000xi32, #tpu.memory_space<hbm>>
      %dma_wait3A_36 = tpu.memref_squeeze %dma_wait3A_35 : memref<1x1000xi32, #tpu.memory_space<hbm>> -> memref<1000xi32, #tpu.memory_space<hbm>>
      %dma_wait3A_37 = tpu.memref_slice %arg2[%dma_wait3A, %add3A_23] : memref<2x1600000xi32, #tpu.memory_space<hbm>> -> memref<1x1000xi32, #tpu.memory_space<hbm>>
      %dma_wait3A_38 = tpu.memref_squeeze %dma_wait3A_37 : memref<1x1000xi32, #tpu.memory_space<hbm>> -> memref<1000xi32, #tpu.memory_space<hbm>>
      tpu.wait_dma2 semaphore(%arg11 : memref<!tpu.dma_semaphore, #tpu.memory_space<semaphore_mem>>) src(%dma_wait3A_38 : memref<1000xi32, #tpu.memory_space<hbm>>) dst(%arg6 : memref<1000xi32, #tpu.memory_space<vmem>>)
      %dma_start3A_39 = arith.constant 0 : i32
      %dma_start3A_40 = arith.constant 0 : i32
      %dma_start3A_41 = tpu.memref_slice %arg10[%dma_start3A_39, %dma_start3A_40] : memref<100096x4xf32, #tpu.memory_space<vmem_shared>> -> memref<100096x4xf32, #tpu.memory_space<vmem_shared>>
      tpu.enqueue_indirect_dma source(%arg8 : memref<1000x4xf32, #tpu.memory_space<vmem>>) target(%dma_start3A_41 : memref<100096x4xf32, #tpu.memory_space<vmem_shared>>) offsets(%arg6 : memref<1000xi32, #tpu.memory_space<vmem>>) semaphore(%arg13 : memref<!tpu.dma_semaphore, #tpu.memory_space<semaphore_mem>>) {add = true}
      %dma_wait3A_42 = arith.constant 1 : i32
      %dma_wait3A_43 = tpu.memref_slice %arg2[%dma_wait3A_42, %add3A_29] : memref<2x1600000xi32, #tpu.memory_space<hbm>> -> memref<1x1000xi32, #tpu.memory_space<hbm>>
      %dma_wait3A_44 = tpu.memref_squeeze %dma_wait3A_43 : memref<1x1000xi32, #tpu.memory_space<hbm>> -> memref<1000xi32, #tpu.memory_space<hbm>>
      %dma_wait3A_45 = tpu.memref_slice %arg2[%dma_wait3A_42, %add3A_29] : memref<2x1600000xi32, #tpu.memory_space<hbm>> -> memref<1x1000xi32, #tpu.memory_space<hbm>>
      %dma_wait3A_46 = tpu.memref_squeeze %dma_wait3A_45 : memref<1x1000xi32, #tpu.memory_space<hbm>> -> memref<1000xi32, #tpu.memory_space<hbm>>
      tpu.wait_dma2 semaphore(%arg12 : memref<!tpu.dma_semaphore, #tpu.memory_space<semaphore_mem>>) src(%dma_wait3A_46 : memref<1000xi32, #tpu.memory_space<hbm>>) dst(%arg7 : memref<1000xi32, #tpu.memory_space<vmem>>)
      %dma_start3A_47 = arith.constant 0 : i32
      %dma_start3A_48 = arith.constant 0 : i32
      %dma_start3A_49 = tpu.memref_slice %arg10[%dma_start3A_47, %dma_start3A_48] : memref<100096x4xf32, #tpu.memory_space<vmem_shared>> -> memref<100096x4xf32, #tpu.memory_space<vmem_shared>>
      tpu.enqueue_indirect_dma source(%arg8 : memref<1000x4xf32, #tpu.memory_space<vmem>>) target(%dma_start3A_49 : memref<100096x4xf32, #tpu.memory_space<vmem_shared>>) offsets(%arg7 : memref<1000xi32, #tpu.memory_space<vmem>>) semaphore(%arg14 : memref<!tpu.dma_semaphore, #tpu.memory_space<semaphore_mem>>) {add = true}
      %dma_wait3A_50 = arith.constant 0 : i32
      %dma_wait3A_51 = arith.constant 0 : i32
      %dma_wait3A_52 = tpu.memref_slice %arg10[%dma_wait3A_50, %dma_wait3A_51] : memref<100096x4xf32, #tpu.memory_space<vmem_shared>> -> memref<100096x4xf32, #tpu.memory_space<vmem_shared>>
      tpu.wait_indirect_dma semaphore(%arg13 : memref<!tpu.dma_semaphore, #tpu.memory_space<semaphore_mem>>) src(%arg8 : memref<1000x4xf32, #tpu.memory_space<vmem>>) dst(%dma_wait3A_52 : memref<100096x4xf32, #tpu.memory_space<vmem_shared>>)
      %dma_wait3A_53 = arith.constant 0 : i32
      %dma_wait3A_54 = arith.constant 0 : i32
      %dma_wait3A_55 = tpu.memref_slice %arg10[%dma_wait3A_53, %dma_wait3A_54] : memref<100096x4xf32, #tpu.memory_space<vmem_shared>> -> memref<100096x4xf32, #tpu.memory_space<vmem_shared>>
      tpu.wait_indirect_dma semaphore(%arg14 : memref<!tpu.dma_semaphore, #tpu.memory_space<semaphore_mem>>) src(%arg8 : memref<1000x4xf32, #tpu.memory_space<vmem>>) dst(%dma_wait3A_55 : memref<100096x4xf32, #tpu.memory_space<vmem_shared>>)
    }
    %scan3A_9 = arith.constant 25 : i32
    %barrier3A_10 = arith.constant 0 : index
    tpu.barrier barrier_id(%barrier3A_10)
    %mul3A_11 = arith.constant 6256 : i32
    %mul3A_12 = arith.muli %arg1, %mul3A_11 : i32
    "tpu.region"() ({
      %run_scoped3A = tpu.sem_alloc : memref<!tpu.dma_semaphore, #tpu.memory_space<semaphore_mem>>
      %dma_start3A = arith.constant 0 : i32
      %dma_start3A_18 = tpu.memref_slice %arg10[%mul3A_12, %dma_start3A] : memref<100096x4xf32, #tpu.memory_space<vmem_shared>> -> memref<6256x4xf32, #tpu.memory_space<vmem_shared>>
      %dma_start3A_19 = arith.constant 0 : i32
      %dma_start3A_20 = tpu.memref_slice %arg10[%mul3A_12, %dma_start3A_19] : memref<100096x4xf32, #tpu.memory_space<vmem_shared>> -> memref<6256x4xf32, #tpu.memory_space<vmem_shared>>
      tpu.enqueue_dma source(%dma_start3A_20 : memref<6256x4xf32, #tpu.memory_space<vmem_shared>>) target(%arg9 : memref<6256x4xf32, #tpu.memory_space<vmem>>) target_semaphore(%run_scoped3A : memref<!tpu.dma_semaphore, #tpu.memory_space<semaphore_mem>>)
      %dma_wait3A = arith.constant 0 : i32
      %dma_wait3A_21 = tpu.memref_slice %arg10[%mul3A_12, %dma_wait3A] : memref<100096x4xf32, #tpu.memory_space<vmem_shared>> -> memref<6256x4xf32, #tpu.memory_space<vmem_shared>>
      %dma_wait3A_22 = arith.constant 0 : i32
      %dma_wait3A_23 = tpu.memref_slice %arg10[%mul3A_12, %dma_wait3A_22] : memref<100096x4xf32, #tpu.memory_space<vmem_shared>> -> memref<6256x4xf32, #tpu.memory_space<vmem_shared>>
      tpu.wait_dma2 semaphore(%run_scoped3A : memref<!tpu.dma_semaphore, #tpu.memory_space<semaphore_mem>>) src(%dma_wait3A_23 : memref<6256x4xf32, #tpu.memory_space<vmem_shared>>) dst(%arg9 : memref<6256x4xf32, #tpu.memory_space<vmem>>)
      tpu.yield
    }) : () -> ()
    %mul3A_13 = arith.constant 100096 : i32
    %mul3A_14 = arith.muli %arg0, %mul3A_13 : i32
    %mul3A_15 = arith.constant 6256 : i32
    %mul3A_16 = arith.muli %arg1, %mul3A_15 : i32
    %add3A_17 = arith.addi %mul3A_14, %mul3A_16 : i32
    "tpu.region"() ({
      %run_scoped3A = tpu.sem_alloc : memref<!tpu.dma_semaphore, #tpu.memory_space<semaphore_mem>>
      %dma_start3A = arith.constant 0 : i32
      %dma_start3A_18 = tpu.memref_slice %arg5[%add3A_17, %dma_start3A] : memref<200192x4xf32, #tpu.memory_space<hbm>> -> memref<6256x4xf32, #tpu.memory_space<hbm>>
      %dma_start3A_19 = arith.constant 0 : i32
      %dma_start3A_20 = tpu.memref_slice %arg5[%add3A_17, %dma_start3A_19] : memref<200192x4xf32, #tpu.memory_space<hbm>> -> memref<6256x4xf32, #tpu.memory_space<hbm>>
      tpu.enqueue_dma source(%arg9 : memref<6256x4xf32, #tpu.memory_space<vmem>>) target(%dma_start3A_20 : memref<6256x4xf32, #tpu.memory_space<hbm>>) target_semaphore(%run_scoped3A : memref<!tpu.dma_semaphore, #tpu.memory_space<semaphore_mem>>)
      %dma_wait3A = arith.constant 0 : i32
      %dma_wait3A_21 = tpu.memref_slice %arg5[%add3A_17, %dma_wait3A] : memref<200192x4xf32, #tpu.memory_space<hbm>> -> memref<6256x4xf32, #tpu.memory_space<hbm>>
      %dma_wait3A_22 = arith.constant 0 : i32
      %dma_wait3A_23 = tpu.memref_slice %arg5[%add3A_17, %dma_wait3A_22] : memref<200192x4xf32, #tpu.memory_space<hbm>> -> memref<6256x4xf32, #tpu.memory_space<hbm>>
      tpu.wait_dma2 semaphore(%run_scoped3A : memref<!tpu.dma_semaphore, #tpu.memory_space<semaphore_mem>>) src(%arg9 : memref<6256x4xf32, #tpu.memory_space<vmem>>) dst(%dma_wait3A_23 : memref<6256x4xf32, #tpu.memory_space<hbm>>)
      tpu.yield
    }) : () -> ()
    return
  }
}

#map = affine_map<(d0, d1) -> (0, 0)>
module attributes {stable_mosaic.version = 14 : i64} {
  func.func @prop_kernel(%arg0: i32, %arg1: i32, %arg2: memref<2x1600000xi32, #tpu.memory_space<hbm>>, %arg3: memref<200192x4xf32, #tpu.memory_space<hbm>>, %arg4: memref<100096x4xf32, #tpu.memory_space<hbm>>, %arg5: memref<6256x4xf32, #tpu.memory_space<hbm>>, %arg6: memref<200192x4xf32, #tpu.memory_space<hbm>>, %arg7: memref<1000xi32, #tpu.memory_space<vmem>>, %arg8: memref<1000xi32, #tpu.memory_space<vmem>>, %arg9: memref<1000xi32, #tpu.memory_space<vmem>>, %arg10: memref<1000xi32, #tpu.memory_space<vmem>>, %arg11: memref<1000x4xf32, #tpu.memory_space<vmem>>, %arg12: memref<1000x4xf32, #tpu.memory_space<vmem>>, %arg13: memref<6256x4xf32, #tpu.memory_space<vmem>>, %arg14: memref<100096x4xf32, #tpu.memory_space<vmem_shared>>, %arg15: memref<8xf32, #tpu.memory_space<vmem>>, %arg16: memref<!tpu.dma_semaphore, #tpu.memory_space<semaphore_mem>>, %arg17: memref<!tpu.dma_semaphore, #tpu.memory_space<semaphore_mem>>, %arg18: memref<!tpu.dma_semaphore, #tpu.memory_space<semaphore_mem>>, %arg19: memref<!tpu.dma_semaphore, #tpu.memory_space<semaphore_mem>>, %arg20: memref<!tpu.dma_semaphore, #tpu.memory_space<semaphore_mem>>, %arg21: memref<!tpu.dma_semaphore, #tpu.memory_space<semaphore_mem>>, %arg22: memref<!tpu.dma_semaphore, #tpu.memory_space<semaphore_mem>>, %arg23: memref<!tpu.dma_semaphore, #tpu.memory_space<semaphore_mem>>) attributes {dimension_semantics = [#tpu.dimension_semantics<core_parallel>, #tpu.dimension_semantics<subcore_parallel>], iteration_bounds = array<i64: 2, 16>, scalar_prefetch = 0 : i64, scratch_operands = 17 : i64, tpu.core_type = #tpu.core_type<sc_vector_subcore>, window_params = [{transform_indices = #map}, {transform_indices = #map}, {transform_indices = #map}, {transform_indices = #map}, {transform_indices = #map}]} {
    %mul3A = arith.constant 2 : i32
    %mul3A_0 = arith.muli %arg1, %mul3A : i32
    %add3A = arith.addi %mul3A_0, %arg0 : i32
    %mul3A_1 = arith.constant 50000 : i32
    %mul3A_2 = arith.muli %add3A, %mul3A_1 : i32
    %run_scoped3A = arith.constant 0 : i32
    "tpu.region"() ({
      %run_scoped3A_18 = tpu.sem_alloc : memref<!tpu.dma_semaphore, #tpu.memory_space<semaphore_mem>>
      %dma_start3A = arith.constant 0 : i32
      %dma_start3A_19 = tpu.memref_slice %arg3[%run_scoped3A, %dma_start3A] : memref<200192x4xf32, #tpu.memory_space<hbm>> -> memref<1x8xf32, #tpu.memory_space<hbm>>
      %dma_start3A_20 = tpu.memref_squeeze %dma_start3A_19 : memref<1x8xf32, #tpu.memory_space<hbm>> -> memref<8xf32, #tpu.memory_space<hbm>>
      %dma_start3A_21 = arith.constant 0 : i32
      %dma_start3A_22 = tpu.memref_slice %arg3[%run_scoped3A, %dma_start3A_21] : memref<200192x4xf32, #tpu.memory_space<hbm>> -> memref<1x8xf32, #tpu.memory_space<hbm>>
      %dma_start3A_23 = tpu.memref_squeeze %dma_start3A_22 : memref<1x8xf32, #tpu.memory_space<hbm>> -> memref<8xf32, #tpu.memory_space<hbm>>
      tpu.enqueue_dma source(%dma_start3A_23 : memref<8xf32, #tpu.memory_space<hbm>>) target(%arg15 : memref<8xf32, #tpu.memory_space<vmem>>) target_semaphore(%run_scoped3A_18 : memref<!tpu.dma_semaphore, #tpu.memory_space<semaphore_mem>>)
      %dma_wait3A = arith.constant 0 : i32
      %dma_wait3A_24 = tpu.memref_slice %arg3[%run_scoped3A, %dma_wait3A] : memref<200192x4xf32, #tpu.memory_space<hbm>> -> memref<1x8xf32, #tpu.memory_space<hbm>>
      %dma_wait3A_25 = tpu.memref_squeeze %dma_wait3A_24 : memref<1x8xf32, #tpu.memory_space<hbm>> -> memref<8xf32, #tpu.memory_space<hbm>>
      %dma_wait3A_26 = arith.constant 0 : i32
      %dma_wait3A_27 = tpu.memref_slice %arg3[%run_scoped3A, %dma_wait3A_26] : memref<200192x4xf32, #tpu.memory_space<hbm>> -> memref<1x8xf32, #tpu.memory_space<hbm>>
      %dma_wait3A_28 = tpu.memref_squeeze %dma_wait3A_27 : memref<1x8xf32, #tpu.memory_space<hbm>> -> memref<8xf32, #tpu.memory_space<hbm>>
      tpu.wait_dma2 semaphore(%run_scoped3A_18 : memref<!tpu.dma_semaphore, #tpu.memory_space<semaphore_mem>>) src(%dma_wait3A_28 : memref<8xf32, #tpu.memory_space<hbm>>) dst(%arg15 : memref<8xf32, #tpu.memory_space<vmem>>)
      tpu.yield
    }) : () -> ()
    "tpu.region"() ({
      %run_scoped3A_18 = tpu.sem_alloc : memref<!tpu.dma_semaphore, #tpu.memory_space<semaphore_mem>>
      tpu.enqueue_dma source(%arg5 : memref<6256x4xf32, #tpu.memory_space<hbm>>) target(%arg13 : memref<6256x4xf32, #tpu.memory_space<vmem>>) target_semaphore(%run_scoped3A_18 : memref<!tpu.dma_semaphore, #tpu.memory_space<semaphore_mem>>)
      tpu.wait_dma2 semaphore(%run_scoped3A_18 : memref<!tpu.dma_semaphore, #tpu.memory_space<semaphore_mem>>) src(%arg5 : memref<6256x4xf32, #tpu.memory_space<hbm>>) dst(%arg13 : memref<6256x4xf32, #tpu.memory_space<vmem>>)
      tpu.yield
    }) : () -> ()
    %mul3A_3 = arith.constant 6256 : i32
    %mul3A_4 = arith.muli %arg1, %mul3A_3 : i32
    "tpu.region"() ({
      %run_scoped3A_18 = tpu.sem_alloc : memref<!tpu.dma_semaphore, #tpu.memory_space<semaphore_mem>>
      %dma_start3A = arith.constant 0 : i32
      %dma_start3A_19 = tpu.memref_slice %arg14[%mul3A_4, %dma_start3A] : memref<100096x4xf32, #tpu.memory_space<vmem_shared>> -> memref<6256x4xf32, #tpu.memory_space<vmem_shared>>
      %dma_start3A_20 = arith.constant 0 : i32
      %dma_start3A_21 = tpu.memref_slice %arg14[%mul3A_4, %dma_start3A_20] : memref<100096x4xf32, #tpu.memory_space<vmem_shared>> -> memref<6256x4xf32, #tpu.memory_space<vmem_shared>>
      tpu.enqueue_dma source(%arg13 : memref<6256x4xf32, #tpu.memory_space<vmem>>) target(%dma_start3A_21 : memref<6256x4xf32, #tpu.memory_space<vmem_shared>>) target_semaphore(%run_scoped3A_18 : memref<!tpu.dma_semaphore, #tpu.memory_space<semaphore_mem>>)
      %dma_wait3A = arith.constant 0 : i32
      %dma_wait3A_22 = tpu.memref_slice %arg14[%mul3A_4, %dma_wait3A] : memref<100096x4xf32, #tpu.memory_space<vmem_shared>> -> memref<6256x4xf32, #tpu.memory_space<vmem_shared>>
      %dma_wait3A_23 = arith.constant 0 : i32
      %dma_wait3A_24 = tpu.memref_slice %arg14[%mul3A_4, %dma_wait3A_23] : memref<100096x4xf32, #tpu.memory_space<vmem_shared>> -> memref<6256x4xf32, #tpu.memory_space<vmem_shared>>
      tpu.wait_dma2 semaphore(%run_scoped3A_18 : memref<!tpu.dma_semaphore, #tpu.memory_space<semaphore_mem>>) src(%arg13 : memref<6256x4xf32, #tpu.memory_space<vmem>>) dst(%dma_wait3A_24 : memref<6256x4xf32, #tpu.memory_space<vmem_shared>>)
      tpu.yield
    }) : () -> ()
    %barrier3A = arith.constant 0 : index
    tpu.barrier barrier_id(%barrier3A)
    %scan3A = arith.constant 0 : i32
    %scan3A_5 = arith.constant 0 : i32
    %scan3A_6 = arith.constant 25 : i32
    %scan3A_7 = arith.addi %scan3A_5, %scan3A_6 : i32
    %scan3A_8 = arith.constant 1 : i32
    scf.for %scan3A_18 = %scan3A_5 to %scan3A_7 step %scan3A_8  : i32 {
      %mul3A_19 = arith.constant 2 : i32
      %mul3A_20 = arith.muli %mul3A_19, %scan3A_18 : i32
      %mul3A_21 = arith.constant 1000 : i32
      %mul3A_22 = arith.muli %mul3A_20, %mul3A_21 : i32
      %add3A_23 = arith.addi %mul3A_2, %mul3A_22 : i32
      %dma_start3A = arith.constant 0 : i32
      %dma_start3A_24 = tpu.memref_slice %arg2[%dma_start3A, %add3A_23] : memref<2x1600000xi32, #tpu.memory_space<hbm>> -> memref<1x1000xi32, #tpu.memory_space<hbm>>
      %dma_start3A_25 = tpu.memref_squeeze %dma_start3A_24 : memref<1x1000xi32, #tpu.memory_space<hbm>> -> memref<1000xi32, #tpu.memory_space<hbm>>
      %dma_start3A_26 = tpu.memref_slice %arg2[%dma_start3A, %add3A_23] : memref<2x1600000xi32, #tpu.memory_space<hbm>> -> memref<1x1000xi32, #tpu.memory_space<hbm>>
      %dma_start3A_27 = tpu.memref_squeeze %dma_start3A_26 : memref<1x1000xi32, #tpu.memory_space<hbm>> -> memref<1000xi32, #tpu.memory_space<hbm>>
      tpu.enqueue_dma source(%dma_start3A_27 : memref<1000xi32, #tpu.memory_space<hbm>>) target(%arg7 : memref<1000xi32, #tpu.memory_space<vmem>>) target_semaphore(%arg16 : memref<!tpu.dma_semaphore, #tpu.memory_space<semaphore_mem>>)
      %dma_start3A_28 = arith.constant 1 : i32
      %dma_start3A_29 = tpu.memref_slice %arg2[%dma_start3A_28, %add3A_23] : memref<2x1600000xi32, #tpu.memory_space<hbm>> -> memref<1x1000xi32, #tpu.memory_space<hbm>>
      %dma_start3A_30 = tpu.memref_squeeze %dma_start3A_29 : memref<1x1000xi32, #tpu.memory_space<hbm>> -> memref<1000xi32, #tpu.memory_space<hbm>>
      %dma_start3A_31 = tpu.memref_slice %arg2[%dma_start3A_28, %add3A_23] : memref<2x1600000xi32, #tpu.memory_space<hbm>> -> memref<1x1000xi32, #tpu.memory_space<hbm>>
      %dma_start3A_32 = tpu.memref_squeeze %dma_start3A_31 : memref<1x1000xi32, #tpu.memory_space<hbm>> -> memref<1000xi32, #tpu.memory_space<hbm>>
      tpu.enqueue_dma source(%dma_start3A_32 : memref<1000xi32, #tpu.memory_space<hbm>>) target(%arg9 : memref<1000xi32, #tpu.memory_space<vmem>>) target_semaphore(%arg18 : memref<!tpu.dma_semaphore, #tpu.memory_space<semaphore_mem>>)
      %add3A_33 = arith.constant 1000 : i32
      %add3A_34 = arith.addi %add3A_23, %add3A_33 : i32
      %dma_start3A_35 = arith.constant 0 : i32
      %dma_start3A_36 = tpu.memref_slice %arg2[%dma_start3A_35, %add3A_34] : memref<2x1600000xi32, #tpu.memory_space<hbm>> -> memref<1x1000xi32, #tpu.memory_space<hbm>>
      %dma_start3A_37 = tpu.memref_squeeze %dma_start3A_36 : memref<1x1000xi32, #tpu.memory_space<hbm>> -> memref<1000xi32, #tpu.memory_space<hbm>>
      %dma_start3A_38 = tpu.memref_slice %arg2[%dma_start3A_35, %add3A_34] : memref<2x1600000xi32, #tpu.memory_space<hbm>> -> memref<1x1000xi32, #tpu.memory_space<hbm>>
      %dma_start3A_39 = tpu.memref_squeeze %dma_start3A_38 : memref<1x1000xi32, #tpu.memory_space<hbm>> -> memref<1000xi32, #tpu.memory_space<hbm>>
      tpu.enqueue_dma source(%dma_start3A_39 : memref<1000xi32, #tpu.memory_space<hbm>>) target(%arg8 : memref<1000xi32, #tpu.memory_space<vmem>>) target_semaphore(%arg17 : memref<!tpu.dma_semaphore, #tpu.memory_space<semaphore_mem>>)
      %add3A_40 = arith.constant 1000 : i32
      %add3A_41 = arith.addi %add3A_23, %add3A_40 : i32
      %dma_start3A_42 = arith.constant 1 : i32
      %dma_start3A_43 = tpu.memref_slice %arg2[%dma_start3A_42, %add3A_41] : memref<2x1600000xi32, #tpu.memory_space<hbm>> -> memref<1x1000xi32, #tpu.memory_space<hbm>>
      %dma_start3A_44 = tpu.memref_squeeze %dma_start3A_43 : memref<1x1000xi32, #tpu.memory_space<hbm>> -> memref<1000xi32, #tpu.memory_space<hbm>>
      %dma_start3A_45 = tpu.memref_slice %arg2[%dma_start3A_42, %add3A_41] : memref<2x1600000xi32, #tpu.memory_space<hbm>> -> memref<1x1000xi32, #tpu.memory_space<hbm>>
      %dma_start3A_46 = tpu.memref_squeeze %dma_start3A_45 : memref<1x1000xi32, #tpu.memory_space<hbm>> -> memref<1000xi32, #tpu.memory_space<hbm>>
      tpu.enqueue_dma source(%dma_start3A_46 : memref<1000xi32, #tpu.memory_space<hbm>>) target(%arg10 : memref<1000xi32, #tpu.memory_space<vmem>>) target_semaphore(%arg19 : memref<!tpu.dma_semaphore, #tpu.memory_space<semaphore_mem>>)
      %dma_wait3A = arith.constant 0 : i32
      %dma_wait3A_47 = tpu.memref_slice %arg2[%dma_wait3A, %add3A_23] : memref<2x1600000xi32, #tpu.memory_space<hbm>> -> memref<1x1000xi32, #tpu.memory_space<hbm>>
      %dma_wait3A_48 = tpu.memref_squeeze %dma_wait3A_47 : memref<1x1000xi32, #tpu.memory_space<hbm>> -> memref<1000xi32, #tpu.memory_space<hbm>>
      %dma_wait3A_49 = tpu.memref_slice %arg2[%dma_wait3A, %add3A_23] : memref<2x1600000xi32, #tpu.memory_space<hbm>> -> memref<1x1000xi32, #tpu.memory_space<hbm>>
      %dma_wait3A_50 = tpu.memref_squeeze %dma_wait3A_49 : memref<1x1000xi32, #tpu.memory_space<hbm>> -> memref<1000xi32, #tpu.memory_space<hbm>>
      tpu.wait_dma2 semaphore(%arg16 : memref<!tpu.dma_semaphore, #tpu.memory_space<semaphore_mem>>) src(%dma_wait3A_50 : memref<1000xi32, #tpu.memory_space<hbm>>) dst(%arg7 : memref<1000xi32, #tpu.memory_space<vmem>>)
      %dma_start3A_51 = arith.constant 0 : i32
      %dma_start3A_52 = arith.constant 0 : i32
      %dma_start3A_53 = tpu.memref_slice %arg4[%dma_start3A_51, %dma_start3A_52] : memref<100096x4xf32, #tpu.memory_space<hbm>> -> memref<100096x4xf32, #tpu.memory_space<hbm>>
      tpu.enqueue_indirect_dma source(%dma_start3A_53 : memref<100096x4xf32, #tpu.memory_space<hbm>>) target(%arg11 : memref<1000x4xf32, #tpu.memory_space<vmem>>) offsets(%arg7 : memref<1000xi32, #tpu.memory_space<vmem>>) semaphore(%arg20 : memref<!tpu.dma_semaphore, #tpu.memory_space<semaphore_mem>>)
      %dma_wait3A_54 = arith.constant 0 : i32
      %dma_wait3A_55 = tpu.memref_slice %arg2[%dma_wait3A_54, %add3A_34] : memref<2x1600000xi32, #tpu.memory_space<hbm>> -> memref<1x1000xi32, #tpu.memory_space<hbm>>
      %dma_wait3A_56 = tpu.memref_squeeze %dma_wait3A_55 : memref<1x1000xi32, #tpu.memory_space<hbm>> -> memref<1000xi32, #tpu.memory_space<hbm>>
      %dma_wait3A_57 = tpu.memref_slice %arg2[%dma_wait3A_54, %add3A_34] : memref<2x1600000xi32, #tpu.memory_space<hbm>> -> memref<1x1000xi32, #tpu.memory_space<hbm>>
      %dma_wait3A_58 = tpu.memref_squeeze %dma_wait3A_57 : memref<1x1000xi32, #tpu.memory_space<hbm>> -> memref<1000xi32, #tpu.memory_space<hbm>>
      tpu.wait_dma2 semaphore(%arg17 : memref<!tpu.dma_semaphore, #tpu.memory_space<semaphore_mem>>) src(%dma_wait3A_58 : memref<1000xi32, #tpu.memory_space<hbm>>) dst(%arg8 : memref<1000xi32, #tpu.memory_space<vmem>>)
      %dma_start3A_59 = arith.constant 0 : i32
      %dma_start3A_60 = arith.constant 0 : i32
      %dma_start3A_61 = tpu.memref_slice %arg4[%dma_start3A_59, %dma_start3A_60] : memref<100096x4xf32, #tpu.memory_space<hbm>> -> memref<100096x4xf32, #tpu.memory_space<hbm>>
      tpu.enqueue_indirect_dma source(%dma_start3A_61 : memref<100096x4xf32, #tpu.memory_space<hbm>>) target(%arg12 : memref<1000x4xf32, #tpu.memory_space<vmem>>) offsets(%arg8 : memref<1000xi32, #tpu.memory_space<vmem>>) semaphore(%arg21 : memref<!tpu.dma_semaphore, #tpu.memory_space<semaphore_mem>>)
      %dma_wait3A_62 = arith.constant 0 : i32
      %dma_wait3A_63 = arith.constant 0 : i32
      %dma_wait3A_64 = tpu.memref_slice %arg4[%dma_wait3A_62, %dma_wait3A_63] : memref<100096x4xf32, #tpu.memory_space<hbm>> -> memref<100096x4xf32, #tpu.memory_space<hbm>>
      tpu.wait_indirect_dma semaphore(%arg20 : memref<!tpu.dma_semaphore, #tpu.memory_space<semaphore_mem>>) src(%dma_wait3A_64 : memref<100096x4xf32, #tpu.memory_space<hbm>>) dst(%arg11 : memref<1000x4xf32, #tpu.memory_space<vmem>>)
      %dma_wait3A_65 = arith.constant 1 : i32
      %dma_wait3A_66 = tpu.memref_slice %arg2[%dma_wait3A_65, %add3A_23] : memref<2x1600000xi32, #tpu.memory_space<hbm>> -> memref<1x1000xi32, #tpu.memory_space<hbm>>
      %dma_wait3A_67 = tpu.memref_squeeze %dma_wait3A_66 : memref<1x1000xi32, #tpu.memory_space<hbm>> -> memref<1000xi32, #tpu.memory_space<hbm>>
      %dma_wait3A_68 = tpu.memref_slice %arg2[%dma_wait3A_65, %add3A_23] : memref<2x1600000xi32, #tpu.memory_space<hbm>> -> memref<1x1000xi32, #tpu.memory_space<hbm>>
      %dma_wait3A_69 = tpu.memref_squeeze %dma_wait3A_68 : memref<1x1000xi32, #tpu.memory_space<hbm>> -> memref<1000xi32, #tpu.memory_space<hbm>>
      tpu.wait_dma2 semaphore(%arg18 : memref<!tpu.dma_semaphore, #tpu.memory_space<semaphore_mem>>) src(%dma_wait3A_69 : memref<1000xi32, #tpu.memory_space<hbm>>) dst(%arg9 : memref<1000xi32, #tpu.memory_space<vmem>>)
      %dma_start3A_70 = arith.constant 0 : i32
      %dma_start3A_71 = arith.constant 0 : i32
      %dma_start3A_72 = tpu.memref_slice %arg14[%dma_start3A_70, %dma_start3A_71] : memref<100096x4xf32, #tpu.memory_space<vmem_shared>> -> memref<100096x4xf32, #tpu.memory_space<vmem_shared>>
      tpu.enqueue_indirect_dma source(%arg11 : memref<1000x4xf32, #tpu.memory_space<vmem>>) target(%dma_start3A_72 : memref<100096x4xf32, #tpu.memory_space<vmem_shared>>) offsets(%arg9 : memref<1000xi32, #tpu.memory_space<vmem>>) semaphore(%arg22 : memref<!tpu.dma_semaphore, #tpu.memory_space<semaphore_mem>>) {add = true}
      %dma_wait3A_73 = arith.constant 0 : i32
      %dma_wait3A_74 = arith.constant 0 : i32
      %dma_wait3A_75 = tpu.memref_slice %arg4[%dma_wait3A_73, %dma_wait3A_74] : memref<100096x4xf32, #tpu.memory_space<hbm>> -> memref<100096x4xf32, #tpu.memory_space<hbm>>
      tpu.wait_indirect_dma semaphore(%arg21 : memref<!tpu.dma_semaphore, #tpu.memory_space<semaphore_mem>>) src(%dma_wait3A_75 : memref<100096x4xf32, #tpu.memory_space<hbm>>) dst(%arg12 : memref<1000x4xf32, #tpu.memory_space<vmem>>)
      %dma_wait3A_76 = arith.constant 1 : i32
      %dma_wait3A_77 = tpu.memref_slice %arg2[%dma_wait3A_76, %add3A_41] : memref<2x1600000xi32, #tpu.memory_space<hbm>> -> memref<1x1000xi32, #tpu.memory_space<hbm>>
      %dma_wait3A_78 = tpu.memref_squeeze %dma_wait3A_77 : memref<1x1000xi32, #tpu.memory_space<hbm>> -> memref<1000xi32, #tpu.memory_space<hbm>>
      %dma_wait3A_79 = tpu.memref_slice %arg2[%dma_wait3A_76, %add3A_41] : memref<2x1600000xi32, #tpu.memory_space<hbm>> -> memref<1x1000xi32, #tpu.memory_space<hbm>>
      %dma_wait3A_80 = tpu.memref_squeeze %dma_wait3A_79 : memref<1x1000xi32, #tpu.memory_space<hbm>> -> memref<1000xi32, #tpu.memory_space<hbm>>
      tpu.wait_dma2 semaphore(%arg19 : memref<!tpu.dma_semaphore, #tpu.memory_space<semaphore_mem>>) src(%dma_wait3A_80 : memref<1000xi32, #tpu.memory_space<hbm>>) dst(%arg10 : memref<1000xi32, #tpu.memory_space<vmem>>)
      %dma_start3A_81 = arith.constant 0 : i32
      %dma_start3A_82 = arith.constant 0 : i32
      %dma_start3A_83 = tpu.memref_slice %arg14[%dma_start3A_81, %dma_start3A_82] : memref<100096x4xf32, #tpu.memory_space<vmem_shared>> -> memref<100096x4xf32, #tpu.memory_space<vmem_shared>>
      tpu.enqueue_indirect_dma source(%arg12 : memref<1000x4xf32, #tpu.memory_space<vmem>>) target(%dma_start3A_83 : memref<100096x4xf32, #tpu.memory_space<vmem_shared>>) offsets(%arg10 : memref<1000xi32, #tpu.memory_space<vmem>>) semaphore(%arg23 : memref<!tpu.dma_semaphore, #tpu.memory_space<semaphore_mem>>) {add = true}
      %dma_wait3A_84 = arith.constant 0 : i32
      %dma_wait3A_85 = arith.constant 0 : i32
      %dma_wait3A_86 = tpu.memref_slice %arg14[%dma_wait3A_84, %dma_wait3A_85] : memref<100096x4xf32, #tpu.memory_space<vmem_shared>> -> memref<100096x4xf32, #tpu.memory_space<vmem_shared>>
      tpu.wait_indirect_dma semaphore(%arg22 : memref<!tpu.dma_semaphore, #tpu.memory_space<semaphore_mem>>) src(%arg11 : memref<1000x4xf32, #tpu.memory_space<vmem>>) dst(%dma_wait3A_86 : memref<100096x4xf32, #tpu.memory_space<vmem_shared>>)
      %dma_wait3A_87 = arith.constant 0 : i32
      %dma_wait3A_88 = arith.constant 0 : i32
      %dma_wait3A_89 = tpu.memref_slice %arg14[%dma_wait3A_87, %dma_wait3A_88] : memref<100096x4xf32, #tpu.memory_space<vmem_shared>> -> memref<100096x4xf32, #tpu.memory_space<vmem_shared>>
      tpu.wait_indirect_dma semaphore(%arg23 : memref<!tpu.dma_semaphore, #tpu.memory_space<semaphore_mem>>) src(%arg12 : memref<1000x4xf32, #tpu.memory_space<vmem>>) dst(%dma_wait3A_89 : memref<100096x4xf32, #tpu.memory_space<vmem_shared>>)
    }
    %scan3A_9 = arith.constant 25 : i32
    %barrier3A_10 = arith.constant 0 : index
    tpu.barrier barrier_id(%barrier3A_10)
    %mul3A_11 = arith.constant 6256 : i32
    %mul3A_12 = arith.muli %arg1, %mul3A_11 : i32
    "tpu.region"() ({
      %run_scoped3A_18 = tpu.sem_alloc : memref<!tpu.dma_semaphore, #tpu.memory_space<semaphore_mem>>
      %dma_start3A = arith.constant 0 : i32
      %dma_start3A_19 = tpu.memref_slice %arg14[%mul3A_12, %dma_start3A] : memref<100096x4xf32, #tpu.memory_space<vmem_shared>> -> memref<6256x4xf32, #tpu.memory_space<vmem_shared>>
      %dma_start3A_20 = arith.constant 0 : i32
      %dma_start3A_21 = tpu.memref_slice %arg14[%mul3A_12, %dma_start3A_20] : memref<100096x4xf32, #tpu.memory_space<vmem_shared>> -> memref<6256x4xf32, #tpu.memory_space<vmem_shared>>
      tpu.enqueue_dma source(%dma_start3A_21 : memref<6256x4xf32, #tpu.memory_space<vmem_shared>>) target(%arg13 : memref<6256x4xf32, #tpu.memory_space<vmem>>) target_semaphore(%run_scoped3A_18 : memref<!tpu.dma_semaphore, #tpu.memory_space<semaphore_mem>>)
      %dma_wait3A = arith.constant 0 : i32
      %dma_wait3A_22 = tpu.memref_slice %arg14[%mul3A_12, %dma_wait3A] : memref<100096x4xf32, #tpu.memory_space<vmem_shared>> -> memref<6256x4xf32, #tpu.memory_space<vmem_shared>>
      %dma_wait3A_23 = arith.constant 0 : i32
      %dma_wait3A_24 = tpu.memref_slice %arg14[%mul3A_12, %dma_wait3A_23] : memref<100096x4xf32, #tpu.memory_space<vmem_shared>> -> memref<6256x4xf32, #tpu.memory_space<vmem_shared>>
      tpu.wait_dma2 semaphore(%run_scoped3A_18 : memref<!tpu.dma_semaphore, #tpu.memory_space<semaphore_mem>>) src(%dma_wait3A_24 : memref<6256x4xf32, #tpu.memory_space<vmem_shared>>) dst(%arg13 : memref<6256x4xf32, #tpu.memory_space<vmem>>)
      tpu.yield
    }) : () -> ()
    %mul3A_13 = arith.constant 100096 : i32
    %mul3A_14 = arith.muli %arg0, %mul3A_13 : i32
    %mul3A_15 = arith.constant 6256 : i32
    %mul3A_16 = arith.muli %arg1, %mul3A_15 : i32
    %add3A_17 = arith.addi %mul3A_14, %mul3A_16 : i32
    "tpu.region"() ({
      %run_scoped3A_18 = tpu.sem_alloc : memref<!tpu.dma_semaphore, #tpu.memory_space<semaphore_mem>>
      %dma_start3A = arith.constant 0 : i32
      %dma_start3A_19 = tpu.memref_slice %arg6[%add3A_17, %dma_start3A] : memref<200192x4xf32, #tpu.memory_space<hbm>> -> memref<6256x4xf32, #tpu.memory_space<hbm>>
      %dma_start3A_20 = arith.constant 0 : i32
      %dma_start3A_21 = tpu.memref_slice %arg6[%add3A_17, %dma_start3A_20] : memref<200192x4xf32, #tpu.memory_space<hbm>> -> memref<6256x4xf32, #tpu.memory_space<hbm>>
      tpu.enqueue_dma source(%arg13 : memref<6256x4xf32, #tpu.memory_space<vmem>>) target(%dma_start3A_21 : memref<6256x4xf32, #tpu.memory_space<hbm>>) target_semaphore(%run_scoped3A_18 : memref<!tpu.dma_semaphore, #tpu.memory_space<semaphore_mem>>)
      %dma_wait3A = arith.constant 0 : i32
      %dma_wait3A_22 = tpu.memref_slice %arg6[%add3A_17, %dma_wait3A] : memref<200192x4xf32, #tpu.memory_space<hbm>> -> memref<6256x4xf32, #tpu.memory_space<hbm>>
      %dma_wait3A_23 = arith.constant 0 : i32
      %dma_wait3A_24 = tpu.memref_slice %arg6[%add3A_17, %dma_wait3A_23] : memref<200192x4xf32, #tpu.memory_space<hbm>> -> memref<6256x4xf32, #tpu.memory_space<hbm>>
      tpu.wait_dma2 semaphore(%run_scoped3A_18 : memref<!tpu.dma_semaphore, #tpu.memory_space<semaphore_mem>>) src(%arg13 : memref<6256x4xf32, #tpu.memory_space<vmem>>) dst(%dma_wait3A_24 : memref<6256x4xf32, #tpu.memory_space<hbm>>)
      tpu.yield
    }) : () -> ()
    return
  }
}

#map = affine_map<(d0, d1) -> (0, 0)>
module attributes {stable_mosaic.version = 14 : i64} {
  func.func @prop_kernel(%arg0: i32, %arg1: i32, %arg2: memref<2x1600000xi32, #tpu.memory_space<hbm>>, %arg3: memref<200192x8xf32, #tpu.memory_space<hbm>>, %arg4: memref<100096x8xf32, #tpu.memory_space<hbm>>, %arg5: memref<6256x8xf32, #tpu.memory_space<hbm>>, %arg6: memref<200192x8xf32, #tpu.memory_space<hbm>>, %arg7: memref<1000xi32, #tpu.memory_space<vmem>>, %arg8: memref<1000xi32, #tpu.memory_space<vmem>>, %arg9: memref<1000xi32, #tpu.memory_space<vmem>>, %arg10: memref<1000xi32, #tpu.memory_space<vmem>>, %arg11: memref<1000x8xf32, #tpu.memory_space<vmem>>, %arg12: memref<1000x8xf32, #tpu.memory_space<vmem>>, %arg13: memref<6256x8xf32, #tpu.memory_space<vmem>>, %arg14: memref<100096x8xf32, #tpu.memory_space<vmem_shared>>, %arg15: memref<8xf32, #tpu.memory_space<vmem>>, %arg16: memref<!tpu.dma_semaphore, #tpu.memory_space<semaphore_mem>>, %arg17: memref<!tpu.dma_semaphore, #tpu.memory_space<semaphore_mem>>, %arg18: memref<!tpu.dma_semaphore, #tpu.memory_space<semaphore_mem>>, %arg19: memref<!tpu.dma_semaphore, #tpu.memory_space<semaphore_mem>>, %arg20: memref<!tpu.dma_semaphore, #tpu.memory_space<semaphore_mem>>, %arg21: memref<!tpu.dma_semaphore, #tpu.memory_space<semaphore_mem>>, %arg22: memref<!tpu.dma_semaphore, #tpu.memory_space<semaphore_mem>>, %arg23: memref<!tpu.dma_semaphore, #tpu.memory_space<semaphore_mem>>) attributes {dimension_semantics = [#tpu.dimension_semantics<core_parallel>, #tpu.dimension_semantics<subcore_parallel>], iteration_bounds = array<i64: 2, 16>, scalar_prefetch = 0 : i64, scratch_operands = 17 : i64, tpu.core_type = #tpu.core_type<sc_vector_subcore>, window_params = [{transform_indices = #map}, {transform_indices = #map}, {transform_indices = #map}, {transform_indices = #map}, {transform_indices = #map}]} {
    %mul3A = arith.constant 2 : i32
    %mul3A_0 = arith.muli %arg1, %mul3A : i32
    %add3A = arith.addi %mul3A_0, %arg0 : i32
    %mul3A_1 = arith.constant 50000 : i32
    %mul3A_2 = arith.muli %add3A, %mul3A_1 : i32
    %run_scoped3A = arith.constant 0 : i32
    "tpu.region"() ({
      %run_scoped3A_18 = tpu.sem_alloc : memref<!tpu.dma_semaphore, #tpu.memory_space<semaphore_mem>>
      %dma_start3A = arith.constant 0 : i32
      %dma_start3A_19 = tpu.memref_slice %arg3[%run_scoped3A, %dma_start3A] : memref<200192x8xf32, #tpu.memory_space<hbm>> -> memref<1x8xf32, #tpu.memory_space<hbm>>
      %dma_start3A_20 = tpu.memref_squeeze %dma_start3A_19 : memref<1x8xf32, #tpu.memory_space<hbm>> -> memref<8xf32, #tpu.memory_space<hbm>>
      %dma_start3A_21 = arith.constant 0 : i32
      %dma_start3A_22 = tpu.memref_slice %arg3[%run_scoped3A, %dma_start3A_21] : memref<200192x8xf32, #tpu.memory_space<hbm>> -> memref<1x8xf32, #tpu.memory_space<hbm>>
      %dma_start3A_23 = tpu.memref_squeeze %dma_start3A_22 : memref<1x8xf32, #tpu.memory_space<hbm>> -> memref<8xf32, #tpu.memory_space<hbm>>
      tpu.enqueue_dma source(%dma_start3A_23 : memref<8xf32, #tpu.memory_space<hbm>>) target(%arg15 : memref<8xf32, #tpu.memory_space<vmem>>) target_semaphore(%run_scoped3A_18 : memref<!tpu.dma_semaphore, #tpu.memory_space<semaphore_mem>>)
      %dma_wait3A = arith.constant 0 : i32
      %dma_wait3A_24 = tpu.memref_slice %arg3[%run_scoped3A, %dma_wait3A] : memref<200192x8xf32, #tpu.memory_space<hbm>> -> memref<1x8xf32, #tpu.memory_space<hbm>>
      %dma_wait3A_25 = tpu.memref_squeeze %dma_wait3A_24 : memref<1x8xf32, #tpu.memory_space<hbm>> -> memref<8xf32, #tpu.memory_space<hbm>>
      %dma_wait3A_26 = arith.constant 0 : i32
      %dma_wait3A_27 = tpu.memref_slice %arg3[%run_scoped3A, %dma_wait3A_26] : memref<200192x8xf32, #tpu.memory_space<hbm>> -> memref<1x8xf32, #tpu.memory_space<hbm>>
      %dma_wait3A_28 = tpu.memref_squeeze %dma_wait3A_27 : memref<1x8xf32, #tpu.memory_space<hbm>> -> memref<8xf32, #tpu.memory_space<hbm>>
      tpu.wait_dma2 semaphore(%run_scoped3A_18 : memref<!tpu.dma_semaphore, #tpu.memory_space<semaphore_mem>>) src(%dma_wait3A_28 : memref<8xf32, #tpu.memory_space<hbm>>) dst(%arg15 : memref<8xf32, #tpu.memory_space<vmem>>)
      tpu.yield
    }) : () -> ()
    "tpu.region"() ({
      %run_scoped3A_18 = tpu.sem_alloc : memref<!tpu.dma_semaphore, #tpu.memory_space<semaphore_mem>>
      tpu.enqueue_dma source(%arg5 : memref<6256x8xf32, #tpu.memory_space<hbm>>) target(%arg13 : memref<6256x8xf32, #tpu.memory_space<vmem>>) target_semaphore(%run_scoped3A_18 : memref<!tpu.dma_semaphore, #tpu.memory_space<semaphore_mem>>)
      tpu.wait_dma2 semaphore(%run_scoped3A_18 : memref<!tpu.dma_semaphore, #tpu.memory_space<semaphore_mem>>) src(%arg5 : memref<6256x8xf32, #tpu.memory_space<hbm>>) dst(%arg13 : memref<6256x8xf32, #tpu.memory_space<vmem>>)
      tpu.yield
    }) : () -> ()
    %mul3A_3 = arith.constant 6256 : i32
    %mul3A_4 = arith.muli %arg1, %mul3A_3 : i32
    "tpu.region"() ({
      %run_scoped3A_18 = tpu.sem_alloc : memref<!tpu.dma_semaphore, #tpu.memory_space<semaphore_mem>>
      %dma_start3A = arith.constant 0 : i32
      %dma_start3A_19 = tpu.memref_slice %arg14[%mul3A_4, %dma_start3A] : memref<100096x8xf32, #tpu.memory_space<vmem_shared>> -> memref<6256x8xf32, #tpu.memory_space<vmem_shared>>
      %dma_start3A_20 = arith.constant 0 : i32
      %dma_start3A_21 = tpu.memref_slice %arg14[%mul3A_4, %dma_start3A_20] : memref<100096x8xf32, #tpu.memory_space<vmem_shared>> -> memref<6256x8xf32, #tpu.memory_space<vmem_shared>>
      tpu.enqueue_dma source(%arg13 : memref<6256x8xf32, #tpu.memory_space<vmem>>) target(%dma_start3A_21 : memref<6256x8xf32, #tpu.memory_space<vmem_shared>>) target_semaphore(%run_scoped3A_18 : memref<!tpu.dma_semaphore, #tpu.memory_space<semaphore_mem>>)
      %dma_wait3A = arith.constant 0 : i32
      %dma_wait3A_22 = tpu.memref_slice %arg14[%mul3A_4, %dma_wait3A] : memref<100096x8xf32, #tpu.memory_space<vmem_shared>> -> memref<6256x8xf32, #tpu.memory_space<vmem_shared>>
      %dma_wait3A_23 = arith.constant 0 : i32
      %dma_wait3A_24 = tpu.memref_slice %arg14[%mul3A_4, %dma_wait3A_23] : memref<100096x8xf32, #tpu.memory_space<vmem_shared>> -> memref<6256x8xf32, #tpu.memory_space<vmem_shared>>
      tpu.wait_dma2 semaphore(%run_scoped3A_18 : memref<!tpu.dma_semaphore, #tpu.memory_space<semaphore_mem>>) src(%arg13 : memref<6256x8xf32, #tpu.memory_space<vmem>>) dst(%dma_wait3A_24 : memref<6256x8xf32, #tpu.memory_space<vmem_shared>>)
      tpu.yield
    }) : () -> ()
    %barrier3A = arith.constant 0 : index
    tpu.barrier barrier_id(%barrier3A)
    %scan3A = arith.constant 0 : i32
    %scan3A_5 = arith.constant 0 : i32
    %scan3A_6 = arith.constant 25 : i32
    %scan3A_7 = arith.addi %scan3A_5, %scan3A_6 : i32
    %scan3A_8 = arith.constant 1 : i32
    scf.for %scan3A_18 = %scan3A_5 to %scan3A_7 step %scan3A_8  : i32 {
      %mul3A_19 = arith.constant 2 : i32
      %mul3A_20 = arith.muli %mul3A_19, %scan3A_18 : i32
      %mul3A_21 = arith.constant 1000 : i32
      %mul3A_22 = arith.muli %mul3A_20, %mul3A_21 : i32
      %add3A_23 = arith.addi %mul3A_2, %mul3A_22 : i32
      %dma_start3A = arith.constant 0 : i32
      %dma_start3A_24 = tpu.memref_slice %arg2[%dma_start3A, %add3A_23] : memref<2x1600000xi32, #tpu.memory_space<hbm>> -> memref<1x1000xi32, #tpu.memory_space<hbm>>
      %dma_start3A_25 = tpu.memref_squeeze %dma_start3A_24 : memref<1x1000xi32, #tpu.memory_space<hbm>> -> memref<1000xi32, #tpu.memory_space<hbm>>
      %dma_start3A_26 = tpu.memref_slice %arg2[%dma_start3A, %add3A_23] : memref<2x1600000xi32, #tpu.memory_space<hbm>> -> memref<1x1000xi32, #tpu.memory_space<hbm>>
      %dma_start3A_27 = tpu.memref_squeeze %dma_start3A_26 : memref<1x1000xi32, #tpu.memory_space<hbm>> -> memref<1000xi32, #tpu.memory_space<hbm>>
      tpu.enqueue_dma source(%dma_start3A_27 : memref<1000xi32, #tpu.memory_space<hbm>>) target(%arg7 : memref<1000xi32, #tpu.memory_space<vmem>>) target_semaphore(%arg16 : memref<!tpu.dma_semaphore, #tpu.memory_space<semaphore_mem>>)
      %dma_start3A_28 = arith.constant 1 : i32
      %dma_start3A_29 = tpu.memref_slice %arg2[%dma_start3A_28, %add3A_23] : memref<2x1600000xi32, #tpu.memory_space<hbm>> -> memref<1x1000xi32, #tpu.memory_space<hbm>>
      %dma_start3A_30 = tpu.memref_squeeze %dma_start3A_29 : memref<1x1000xi32, #tpu.memory_space<hbm>> -> memref<1000xi32, #tpu.memory_space<hbm>>
      %dma_start3A_31 = tpu.memref_slice %arg2[%dma_start3A_28, %add3A_23] : memref<2x1600000xi32, #tpu.memory_space<hbm>> -> memref<1x1000xi32, #tpu.memory_space<hbm>>
      %dma_start3A_32 = tpu.memref_squeeze %dma_start3A_31 : memref<1x1000xi32, #tpu.memory_space<hbm>> -> memref<1000xi32, #tpu.memory_space<hbm>>
      tpu.enqueue_dma source(%dma_start3A_32 : memref<1000xi32, #tpu.memory_space<hbm>>) target(%arg9 : memref<1000xi32, #tpu.memory_space<vmem>>) target_semaphore(%arg18 : memref<!tpu.dma_semaphore, #tpu.memory_space<semaphore_mem>>)
      %add3A_33 = arith.constant 1000 : i32
      %add3A_34 = arith.addi %add3A_23, %add3A_33 : i32
      %dma_start3A_35 = arith.constant 0 : i32
      %dma_start3A_36 = tpu.memref_slice %arg2[%dma_start3A_35, %add3A_34] : memref<2x1600000xi32, #tpu.memory_space<hbm>> -> memref<1x1000xi32, #tpu.memory_space<hbm>>
      %dma_start3A_37 = tpu.memref_squeeze %dma_start3A_36 : memref<1x1000xi32, #tpu.memory_space<hbm>> -> memref<1000xi32, #tpu.memory_space<hbm>>
      %dma_start3A_38 = tpu.memref_slice %arg2[%dma_start3A_35, %add3A_34] : memref<2x1600000xi32, #tpu.memory_space<hbm>> -> memref<1x1000xi32, #tpu.memory_space<hbm>>
      %dma_start3A_39 = tpu.memref_squeeze %dma_start3A_38 : memref<1x1000xi32, #tpu.memory_space<hbm>> -> memref<1000xi32, #tpu.memory_space<hbm>>
      tpu.enqueue_dma source(%dma_start3A_39 : memref<1000xi32, #tpu.memory_space<hbm>>) target(%arg8 : memref<1000xi32, #tpu.memory_space<vmem>>) target_semaphore(%arg17 : memref<!tpu.dma_semaphore, #tpu.memory_space<semaphore_mem>>)
      %add3A_40 = arith.constant 1000 : i32
      %add3A_41 = arith.addi %add3A_23, %add3A_40 : i32
      %dma_start3A_42 = arith.constant 1 : i32
      %dma_start3A_43 = tpu.memref_slice %arg2[%dma_start3A_42, %add3A_41] : memref<2x1600000xi32, #tpu.memory_space<hbm>> -> memref<1x1000xi32, #tpu.memory_space<hbm>>
      %dma_start3A_44 = tpu.memref_squeeze %dma_start3A_43 : memref<1x1000xi32, #tpu.memory_space<hbm>> -> memref<1000xi32, #tpu.memory_space<hbm>>
      %dma_start3A_45 = tpu.memref_slice %arg2[%dma_start3A_42, %add3A_41] : memref<2x1600000xi32, #tpu.memory_space<hbm>> -> memref<1x1000xi32, #tpu.memory_space<hbm>>
      %dma_start3A_46 = tpu.memref_squeeze %dma_start3A_45 : memref<1x1000xi32, #tpu.memory_space<hbm>> -> memref<1000xi32, #tpu.memory_space<hbm>>
      tpu.enqueue_dma source(%dma_start3A_46 : memref<1000xi32, #tpu.memory_space<hbm>>) target(%arg10 : memref<1000xi32, #tpu.memory_space<vmem>>) target_semaphore(%arg19 : memref<!tpu.dma_semaphore, #tpu.memory_space<semaphore_mem>>)
      %dma_wait3A = arith.constant 0 : i32
      %dma_wait3A_47 = tpu.memref_slice %arg2[%dma_wait3A, %add3A_23] : memref<2x1600000xi32, #tpu.memory_space<hbm>> -> memref<1x1000xi32, #tpu.memory_space<hbm>>
      %dma_wait3A_48 = tpu.memref_squeeze %dma_wait3A_47 : memref<1x1000xi32, #tpu.memory_space<hbm>> -> memref<1000xi32, #tpu.memory_space<hbm>>
      %dma_wait3A_49 = tpu.memref_slice %arg2[%dma_wait3A, %add3A_23] : memref<2x1600000xi32, #tpu.memory_space<hbm>> -> memref<1x1000xi32, #tpu.memory_space<hbm>>
      %dma_wait3A_50 = tpu.memref_squeeze %dma_wait3A_49 : memref<1x1000xi32, #tpu.memory_space<hbm>> -> memref<1000xi32, #tpu.memory_space<hbm>>
      tpu.wait_dma2 semaphore(%arg16 : memref<!tpu.dma_semaphore, #tpu.memory_space<semaphore_mem>>) src(%dma_wait3A_50 : memref<1000xi32, #tpu.memory_space<hbm>>) dst(%arg7 : memref<1000xi32, #tpu.memory_space<vmem>>)
      %dma_start3A_51 = arith.constant 0 : i32
      %dma_start3A_52 = arith.constant 0 : i32
      %dma_start3A_53 = tpu.memref_slice %arg4[%dma_start3A_51, %dma_start3A_52] : memref<100096x8xf32, #tpu.memory_space<hbm>> -> memref<100096x8xf32, #tpu.memory_space<hbm>>
      tpu.enqueue_indirect_dma source(%dma_start3A_53 : memref<100096x8xf32, #tpu.memory_space<hbm>>) target(%arg11 : memref<1000x8xf32, #tpu.memory_space<vmem>>) offsets(%arg7 : memref<1000xi32, #tpu.memory_space<vmem>>) semaphore(%arg20 : memref<!tpu.dma_semaphore, #tpu.memory_space<semaphore_mem>>)
      %dma_wait3A_54 = arith.constant 0 : i32
      %dma_wait3A_55 = tpu.memref_slice %arg2[%dma_wait3A_54, %add3A_34] : memref<2x1600000xi32, #tpu.memory_space<hbm>> -> memref<1x1000xi32, #tpu.memory_space<hbm>>
      %dma_wait3A_56 = tpu.memref_squeeze %dma_wait3A_55 : memref<1x1000xi32, #tpu.memory_space<hbm>> -> memref<1000xi32, #tpu.memory_space<hbm>>
      %dma_wait3A_57 = tpu.memref_slice %arg2[%dma_wait3A_54, %add3A_34] : memref<2x1600000xi32, #tpu.memory_space<hbm>> -> memref<1x1000xi32, #tpu.memory_space<hbm>>
      %dma_wait3A_58 = tpu.memref_squeeze %dma_wait3A_57 : memref<1x1000xi32, #tpu.memory_space<hbm>> -> memref<1000xi32, #tpu.memory_space<hbm>>
      tpu.wait_dma2 semaphore(%arg17 : memref<!tpu.dma_semaphore, #tpu.memory_space<semaphore_mem>>) src(%dma_wait3A_58 : memref<1000xi32, #tpu.memory_space<hbm>>) dst(%arg8 : memref<1000xi32, #tpu.memory_space<vmem>>)
      %dma_start3A_59 = arith.constant 0 : i32
      %dma_start3A_60 = arith.constant 0 : i32
      %dma_start3A_61 = tpu.memref_slice %arg4[%dma_start3A_59, %dma_start3A_60] : memref<100096x8xf32, #tpu.memory_space<hbm>> -> memref<100096x8xf32, #tpu.memory_space<hbm>>
      tpu.enqueue_indirect_dma source(%dma_start3A_61 : memref<100096x8xf32, #tpu.memory_space<hbm>>) target(%arg12 : memref<1000x8xf32, #tpu.memory_space<vmem>>) offsets(%arg8 : memref<1000xi32, #tpu.memory_space<vmem>>) semaphore(%arg21 : memref<!tpu.dma_semaphore, #tpu.memory_space<semaphore_mem>>)
      %dma_wait3A_62 = arith.constant 0 : i32
      %dma_wait3A_63 = arith.constant 0 : i32
      %dma_wait3A_64 = tpu.memref_slice %arg4[%dma_wait3A_62, %dma_wait3A_63] : memref<100096x8xf32, #tpu.memory_space<hbm>> -> memref<100096x8xf32, #tpu.memory_space<hbm>>
      tpu.wait_indirect_dma semaphore(%arg20 : memref<!tpu.dma_semaphore, #tpu.memory_space<semaphore_mem>>) src(%dma_wait3A_64 : memref<100096x8xf32, #tpu.memory_space<hbm>>) dst(%arg11 : memref<1000x8xf32, #tpu.memory_space<vmem>>)
      %dma_wait3A_65 = arith.constant 1 : i32
      %dma_wait3A_66 = tpu.memref_slice %arg2[%dma_wait3A_65, %add3A_23] : memref<2x1600000xi32, #tpu.memory_space<hbm>> -> memref<1x1000xi32, #tpu.memory_space<hbm>>
      %dma_wait3A_67 = tpu.memref_squeeze %dma_wait3A_66 : memref<1x1000xi32, #tpu.memory_space<hbm>> -> memref<1000xi32, #tpu.memory_space<hbm>>
      %dma_wait3A_68 = tpu.memref_slice %arg2[%dma_wait3A_65, %add3A_23] : memref<2x1600000xi32, #tpu.memory_space<hbm>> -> memref<1x1000xi32, #tpu.memory_space<hbm>>
      %dma_wait3A_69 = tpu.memref_squeeze %dma_wait3A_68 : memref<1x1000xi32, #tpu.memory_space<hbm>> -> memref<1000xi32, #tpu.memory_space<hbm>>
      tpu.wait_dma2 semaphore(%arg18 : memref<!tpu.dma_semaphore, #tpu.memory_space<semaphore_mem>>) src(%dma_wait3A_69 : memref<1000xi32, #tpu.memory_space<hbm>>) dst(%arg9 : memref<1000xi32, #tpu.memory_space<vmem>>)
      %dma_start3A_70 = arith.constant 0 : i32
      %dma_start3A_71 = arith.constant 0 : i32
      %dma_start3A_72 = tpu.memref_slice %arg14[%dma_start3A_70, %dma_start3A_71] : memref<100096x8xf32, #tpu.memory_space<vmem_shared>> -> memref<100096x8xf32, #tpu.memory_space<vmem_shared>>
      tpu.enqueue_indirect_dma source(%arg11 : memref<1000x8xf32, #tpu.memory_space<vmem>>) target(%dma_start3A_72 : memref<100096x8xf32, #tpu.memory_space<vmem_shared>>) offsets(%arg9 : memref<1000xi32, #tpu.memory_space<vmem>>) semaphore(%arg22 : memref<!tpu.dma_semaphore, #tpu.memory_space<semaphore_mem>>) {add = true}
      %dma_wait3A_73 = arith.constant 0 : i32
      %dma_wait3A_74 = arith.constant 0 : i32
      %dma_wait3A_75 = tpu.memref_slice %arg4[%dma_wait3A_73, %dma_wait3A_74] : memref<100096x8xf32, #tpu.memory_space<hbm>> -> memref<100096x8xf32, #tpu.memory_space<hbm>>
      tpu.wait_indirect_dma semaphore(%arg21 : memref<!tpu.dma_semaphore, #tpu.memory_space<semaphore_mem>>) src(%dma_wait3A_75 : memref<100096x8xf32, #tpu.memory_space<hbm>>) dst(%arg12 : memref<1000x8xf32, #tpu.memory_space<vmem>>)
      %dma_wait3A_76 = arith.constant 1 : i32
      %dma_wait3A_77 = tpu.memref_slice %arg2[%dma_wait3A_76, %add3A_41] : memref<2x1600000xi32, #tpu.memory_space<hbm>> -> memref<1x1000xi32, #tpu.memory_space<hbm>>
      %dma_wait3A_78 = tpu.memref_squeeze %dma_wait3A_77 : memref<1x1000xi32, #tpu.memory_space<hbm>> -> memref<1000xi32, #tpu.memory_space<hbm>>
      %dma_wait3A_79 = tpu.memref_slice %arg2[%dma_wait3A_76, %add3A_41] : memref<2x1600000xi32, #tpu.memory_space<hbm>> -> memref<1x1000xi32, #tpu.memory_space<hbm>>
      %dma_wait3A_80 = tpu.memref_squeeze %dma_wait3A_79 : memref<1x1000xi32, #tpu.memory_space<hbm>> -> memref<1000xi32, #tpu.memory_space<hbm>>
      tpu.wait_dma2 semaphore(%arg19 : memref<!tpu.dma_semaphore, #tpu.memory_space<semaphore_mem>>) src(%dma_wait3A_80 : memref<1000xi32, #tpu.memory_space<hbm>>) dst(%arg10 : memref<1000xi32, #tpu.memory_space<vmem>>)
      %dma_start3A_81 = arith.constant 0 : i32
      %dma_start3A_82 = arith.constant 0 : i32
      %dma_start3A_83 = tpu.memref_slice %arg14[%dma_start3A_81, %dma_start3A_82] : memref<100096x8xf32, #tpu.memory_space<vmem_shared>> -> memref<100096x8xf32, #tpu.memory_space<vmem_shared>>
      tpu.enqueue_indirect_dma source(%arg12 : memref<1000x8xf32, #tpu.memory_space<vmem>>) target(%dma_start3A_83 : memref<100096x8xf32, #tpu.memory_space<vmem_shared>>) offsets(%arg10 : memref<1000xi32, #tpu.memory_space<vmem>>) semaphore(%arg23 : memref<!tpu.dma_semaphore, #tpu.memory_space<semaphore_mem>>) {add = true}
      %dma_wait3A_84 = arith.constant 0 : i32
      %dma_wait3A_85 = arith.constant 0 : i32
      %dma_wait3A_86 = tpu.memref_slice %arg14[%dma_wait3A_84, %dma_wait3A_85] : memref<100096x8xf32, #tpu.memory_space<vmem_shared>> -> memref<100096x8xf32, #tpu.memory_space<vmem_shared>>
      tpu.wait_indirect_dma semaphore(%arg22 : memref<!tpu.dma_semaphore, #tpu.memory_space<semaphore_mem>>) src(%arg11 : memref<1000x8xf32, #tpu.memory_space<vmem>>) dst(%dma_wait3A_86 : memref<100096x8xf32, #tpu.memory_space<vmem_shared>>)
      %dma_wait3A_87 = arith.constant 0 : i32
      %dma_wait3A_88 = arith.constant 0 : i32
      %dma_wait3A_89 = tpu.memref_slice %arg14[%dma_wait3A_87, %dma_wait3A_88] : memref<100096x8xf32, #tpu.memory_space<vmem_shared>> -> memref<100096x8xf32, #tpu.memory_space<vmem_shared>>
      tpu.wait_indirect_dma semaphore(%arg23 : memref<!tpu.dma_semaphore, #tpu.memory_space<semaphore_mem>>) src(%arg12 : memref<1000x8xf32, #tpu.memory_space<vmem>>) dst(%dma_wait3A_89 : memref<100096x8xf32, #tpu.memory_space<vmem_shared>>)
    }
    %scan3A_9 = arith.constant 25 : i32
    %barrier3A_10 = arith.constant 0 : index
    tpu.barrier barrier_id(%barrier3A_10)
    %mul3A_11 = arith.constant 6256 : i32
    %mul3A_12 = arith.muli %arg1, %mul3A_11 : i32
    "tpu.region"() ({
      %run_scoped3A_18 = tpu.sem_alloc : memref<!tpu.dma_semaphore, #tpu.memory_space<semaphore_mem>>
      %dma_start3A = arith.constant 0 : i32
      %dma_start3A_19 = tpu.memref_slice %arg14[%mul3A_12, %dma_start3A] : memref<100096x8xf32, #tpu.memory_space<vmem_shared>> -> memref<6256x8xf32, #tpu.memory_space<vmem_shared>>
      %dma_start3A_20 = arith.constant 0 : i32
      %dma_start3A_21 = tpu.memref_slice %arg14[%mul3A_12, %dma_start3A_20] : memref<100096x8xf32, #tpu.memory_space<vmem_shared>> -> memref<6256x8xf32, #tpu.memory_space<vmem_shared>>
      tpu.enqueue_dma source(%dma_start3A_21 : memref<6256x8xf32, #tpu.memory_space<vmem_shared>>) target(%arg13 : memref<6256x8xf32, #tpu.memory_space<vmem>>) target_semaphore(%run_scoped3A_18 : memref<!tpu.dma_semaphore, #tpu.memory_space<semaphore_mem>>)
      %dma_wait3A = arith.constant 0 : i32
      %dma_wait3A_22 = tpu.memref_slice %arg14[%mul3A_12, %dma_wait3A] : memref<100096x8xf32, #tpu.memory_space<vmem_shared>> -> memref<6256x8xf32, #tpu.memory_space<vmem_shared>>
      %dma_wait3A_23 = arith.constant 0 : i32
      %dma_wait3A_24 = tpu.memref_slice %arg14[%mul3A_12, %dma_wait3A_23] : memref<100096x8xf32, #tpu.memory_space<vmem_shared>> -> memref<6256x8xf32, #tpu.memory_space<vmem_shared>>
      tpu.wait_dma2 semaphore(%run_scoped3A_18 : memref<!tpu.dma_semaphore, #tpu.memory_space<semaphore_mem>>) src(%dma_wait3A_24 : memref<6256x8xf32, #tpu.memory_space<vmem_shared>>) dst(%arg13 : memref<6256x8xf32, #tpu.memory_space<vmem>>)
      tpu.yield
    }) : () -> ()
    %mul3A_13 = arith.constant 100096 : i32
    %mul3A_14 = arith.muli %arg0, %mul3A_13 : i32
    %mul3A_15 = arith.constant 6256 : i32
    %mul3A_16 = arith.muli %arg1, %mul3A_15 : i32
    %add3A_17 = arith.addi %mul3A_14, %mul3A_16 : i32
    "tpu.region"() ({
      %run_scoped3A_18 = tpu.sem_alloc : memref<!tpu.dma_semaphore, #tpu.memory_space<semaphore_mem>>
      %dma_start3A = arith.constant 0 : i32
      %dma_start3A_19 = tpu.memref_slice %arg6[%add3A_17, %dma_start3A] : memref<200192x8xf32, #tpu.memory_space<hbm>> -> memref<6256x8xf32, #tpu.memory_space<hbm>>
      %dma_start3A_20 = arith.constant 0 : i32
      %dma_start3A_21 = tpu.memref_slice %arg6[%add3A_17, %dma_start3A_20] : memref<200192x8xf32, #tpu.memory_space<hbm>> -> memref<6256x8xf32, #tpu.memory_space<hbm>>
      tpu.enqueue_dma source(%arg13 : memref<6256x8xf32, #tpu.memory_space<vmem>>) target(%dma_start3A_21 : memref<6256x8xf32, #tpu.memory_space<hbm>>) target_semaphore(%run_scoped3A_18 : memref<!tpu.dma_semaphore, #tpu.memory_space<semaphore_mem>>)
      %dma_wait3A = arith.constant 0 : i32
      %dma_wait3A_22 = tpu.memref_slice %arg6[%add3A_17, %dma_wait3A] : memref<200192x8xf32, #tpu.memory_space<hbm>> -> memref<6256x8xf32, #tpu.memory_space<hbm>>
      %dma_wait3A_23 = arith.constant 0 : i32
      %dma_wait3A_24 = tpu.memref_slice %arg6[%add3A_17, %dma_wait3A_23] : memref<200192x8xf32, #tpu.memory_space<hbm>> -> memref<6256x8xf32, #tpu.memory_space<hbm>>
      tpu.wait_dma2 semaphore(%run_scoped3A_18 : memref<!tpu.dma_semaphore, #tpu.memory_space<semaphore_mem>>) src(%arg13 : memref<6256x8xf32, #tpu.memory_space<vmem>>) dst(%dma_wait3A_24 : memref<6256x8xf32, #tpu.memory_space<hbm>>)
      tpu.yield
    }) : () -> ()
    return
  }
}

#map = affine_map<(d0, d1) -> (0, 0)>
module attributes {stable_mosaic.version = 14 : i64} {
  func.func @prop_kernel(%arg0: i32, %arg1: i32, %arg2: memref<2x1600000xi32, #tpu.memory_space<hbm>>, %arg3: memref<200192x8xf32, #tpu.memory_space<hbm>>, %arg4: memref<100096x8xf32, #tpu.memory_space<hbm>>, %arg5: memref<6256x8xf32, #tpu.memory_space<hbm>>, %arg6: memref<200192x8xf32, #tpu.memory_space<hbm>>, %arg7: memref<1000xi32, #tpu.memory_space<vmem>>, %arg8: memref<1000xi32, #tpu.memory_space<vmem>>, %arg9: memref<1000xi32, #tpu.memory_space<vmem>>, %arg10: memref<1000xi32, #tpu.memory_space<vmem>>, %arg11: memref<1000x8xf32, #tpu.memory_space<vmem>>, %arg12: memref<1000x8xf32, #tpu.memory_space<vmem>>, %arg13: memref<6256x8xf32, #tpu.memory_space<vmem>>, %arg14: memref<100096x8xf32, #tpu.memory_space<vmem_shared>>, %arg15: memref<8xf32, #tpu.memory_space<vmem>>, %arg16: memref<!tpu.dma_semaphore, #tpu.memory_space<semaphore_mem>>, %arg17: memref<!tpu.dma_semaphore, #tpu.memory_space<semaphore_mem>>, %arg18: memref<!tpu.dma_semaphore, #tpu.memory_space<semaphore_mem>>, %arg19: memref<!tpu.dma_semaphore, #tpu.memory_space<semaphore_mem>>, %arg20: memref<!tpu.dma_semaphore, #tpu.memory_space<semaphore_mem>>, %arg21: memref<!tpu.dma_semaphore, #tpu.memory_space<semaphore_mem>>, %arg22: memref<!tpu.dma_semaphore, #tpu.memory_space<semaphore_mem>>, %arg23: memref<!tpu.dma_semaphore, #tpu.memory_space<semaphore_mem>>) attributes {dimension_semantics = [#tpu.dimension_semantics<core_parallel>, #tpu.dimension_semantics<subcore_parallel>], iteration_bounds = array<i64: 2, 16>, scalar_prefetch = 0 : i64, scratch_operands = 17 : i64, tpu.core_type = #tpu.core_type<sc_vector_subcore>, window_params = [{transform_indices = #map}, {transform_indices = #map}, {transform_indices = #map}, {transform_indices = #map}, {transform_indices = #map}]} {
    %mul3A = arith.constant 2 : i32
    %mul3A_0 = arith.muli %arg1, %mul3A : i32
    %add3A = arith.addi %mul3A_0, %arg0 : i32
    %mul3A_1 = arith.constant 50000 : i32
    %mul3A_2 = arith.muli %add3A, %mul3A_1 : i32
    %run_scoped3A = arith.constant 0 : i32
    "tpu.region"() ({
      %run_scoped3A_18 = tpu.sem_alloc : memref<!tpu.dma_semaphore, #tpu.memory_space<semaphore_mem>>
      %dma_start3A = arith.constant 0 : i32
      %dma_start3A_19 = tpu.memref_slice %arg3[%run_scoped3A, %dma_start3A] : memref<200192x8xf32, #tpu.memory_space<hbm>> -> memref<1x8xf32, #tpu.memory_space<hbm>>
      %dma_start3A_20 = tpu.memref_squeeze %dma_start3A_19 : memref<1x8xf32, #tpu.memory_space<hbm>> -> memref<8xf32, #tpu.memory_space<hbm>>
      %dma_start3A_21 = arith.constant 0 : i32
      %dma_start3A_22 = tpu.memref_slice %arg3[%run_scoped3A, %dma_start3A_21] : memref<200192x8xf32, #tpu.memory_space<hbm>> -> memref<1x8xf32, #tpu.memory_space<hbm>>
      %dma_start3A_23 = tpu.memref_squeeze %dma_start3A_22 : memref<1x8xf32, #tpu.memory_space<hbm>> -> memref<8xf32, #tpu.memory_space<hbm>>
      tpu.enqueue_dma source(%dma_start3A_23 : memref<8xf32, #tpu.memory_space<hbm>>) target(%arg15 : memref<8xf32, #tpu.memory_space<vmem>>) target_semaphore(%run_scoped3A_18 : memref<!tpu.dma_semaphore, #tpu.memory_space<semaphore_mem>>)
      %dma_wait3A = arith.constant 0 : i32
      %dma_wait3A_24 = tpu.memref_slice %arg3[%run_scoped3A, %dma_wait3A] : memref<200192x8xf32, #tpu.memory_space<hbm>> -> memref<1x8xf32, #tpu.memory_space<hbm>>
      %dma_wait3A_25 = tpu.memref_squeeze %dma_wait3A_24 : memref<1x8xf32, #tpu.memory_space<hbm>> -> memref<8xf32, #tpu.memory_space<hbm>>
      %dma_wait3A_26 = arith.constant 0 : i32
      %dma_wait3A_27 = tpu.memref_slice %arg3[%run_scoped3A, %dma_wait3A_26] : memref<200192x8xf32, #tpu.memory_space<hbm>> -> memref<1x8xf32, #tpu.memory_space<hbm>>
      %dma_wait3A_28 = tpu.memref_squeeze %dma_wait3A_27 : memref<1x8xf32, #tpu.memory_space<hbm>> -> memref<8xf32, #tpu.memory_space<hbm>>
      tpu.wait_dma2 semaphore(%run_scoped3A_18 : memref<!tpu.dma_semaphore, #tpu.memory_space<semaphore_mem>>) src(%dma_wait3A_28 : memref<8xf32, #tpu.memory_space<hbm>>) dst(%arg15 : memref<8xf32, #tpu.memory_space<vmem>>)
      tpu.yield
    }) : () -> ()
    "tpu.region"() ({
      %run_scoped3A_18 = tpu.sem_alloc : memref<!tpu.dma_semaphore, #tpu.memory_space<semaphore_mem>>
      tpu.enqueue_dma source(%arg5 : memref<6256x8xf32, #tpu.memory_space<hbm>>) target(%arg13 : memref<6256x8xf32, #tpu.memory_space<vmem>>) target_semaphore(%run_scoped3A_18 : memref<!tpu.dma_semaphore, #tpu.memory_space<semaphore_mem>>)
      tpu.wait_dma2 semaphore(%run_scoped3A_18 : memref<!tpu.dma_semaphore, #tpu.memory_space<semaphore_mem>>) src(%arg5 : memref<6256x8xf32, #tpu.memory_space<hbm>>) dst(%arg13 : memref<6256x8xf32, #tpu.memory_space<vmem>>)
      tpu.yield
    }) : () -> ()
    %mul3A_3 = arith.constant 6256 : i32
    %mul3A_4 = arith.muli %arg1, %mul3A_3 : i32
    "tpu.region"() ({
      %run_scoped3A_18 = tpu.sem_alloc : memref<!tpu.dma_semaphore, #tpu.memory_space<semaphore_mem>>
      %dma_start3A = arith.constant 0 : i32
      %dma_start3A_19 = tpu.memref_slice %arg14[%mul3A_4, %dma_start3A] : memref<100096x8xf32, #tpu.memory_space<vmem_shared>> -> memref<6256x8xf32, #tpu.memory_space<vmem_shared>>
      %dma_start3A_20 = arith.constant 0 : i32
      %dma_start3A_21 = tpu.memref_slice %arg14[%mul3A_4, %dma_start3A_20] : memref<100096x8xf32, #tpu.memory_space<vmem_shared>> -> memref<6256x8xf32, #tpu.memory_space<vmem_shared>>
      tpu.enqueue_dma source(%arg13 : memref<6256x8xf32, #tpu.memory_space<vmem>>) target(%dma_start3A_21 : memref<6256x8xf32, #tpu.memory_space<vmem_shared>>) target_semaphore(%run_scoped3A_18 : memref<!tpu.dma_semaphore, #tpu.memory_space<semaphore_mem>>)
      %dma_wait3A = arith.constant 0 : i32
      %dma_wait3A_22 = tpu.memref_slice %arg14[%mul3A_4, %dma_wait3A] : memref<100096x8xf32, #tpu.memory_space<vmem_shared>> -> memref<6256x8xf32, #tpu.memory_space<vmem_shared>>
      %dma_wait3A_23 = arith.constant 0 : i32
      %dma_wait3A_24 = tpu.memref_slice %arg14[%mul3A_4, %dma_wait3A_23] : memref<100096x8xf32, #tpu.memory_space<vmem_shared>> -> memref<6256x8xf32, #tpu.memory_space<vmem_shared>>
      tpu.wait_dma2 semaphore(%run_scoped3A_18 : memref<!tpu.dma_semaphore, #tpu.memory_space<semaphore_mem>>) src(%arg13 : memref<6256x8xf32, #tpu.memory_space<vmem>>) dst(%dma_wait3A_24 : memref<6256x8xf32, #tpu.memory_space<vmem_shared>>)
      tpu.yield
    }) : () -> ()
    %barrier3A = arith.constant 0 : index
    tpu.barrier barrier_id(%barrier3A)
    %scan3A = arith.constant 0 : i32
    %scan3A_5 = arith.constant 0 : i32
    %scan3A_6 = arith.constant 25 : i32
    %scan3A_7 = arith.addi %scan3A_5, %scan3A_6 : i32
    %scan3A_8 = arith.constant 1 : i32
    scf.for %scan3A_18 = %scan3A_5 to %scan3A_7 step %scan3A_8  : i32 {
      %mul3A_19 = arith.constant 2 : i32
      %mul3A_20 = arith.muli %mul3A_19, %scan3A_18 : i32
      %mul3A_21 = arith.constant 1000 : i32
      %mul3A_22 = arith.muli %mul3A_20, %mul3A_21 : i32
      %add3A_23 = arith.addi %mul3A_2, %mul3A_22 : i32
      %dma_start3A = arith.constant 0 : i32
      %dma_start3A_24 = tpu.memref_slice %arg2[%dma_start3A, %add3A_23] : memref<2x1600000xi32, #tpu.memory_space<hbm>> -> memref<1x1000xi32, #tpu.memory_space<hbm>>
      %dma_start3A_25 = tpu.memref_squeeze %dma_start3A_24 : memref<1x1000xi32, #tpu.memory_space<hbm>> -> memref<1000xi32, #tpu.memory_space<hbm>>
      %dma_start3A_26 = tpu.memref_slice %arg2[%dma_start3A, %add3A_23] : memref<2x1600000xi32, #tpu.memory_space<hbm>> -> memref<1x1000xi32, #tpu.memory_space<hbm>>
      %dma_start3A_27 = tpu.memref_squeeze %dma_start3A_26 : memref<1x1000xi32, #tpu.memory_space<hbm>> -> memref<1000xi32, #tpu.memory_space<hbm>>
      tpu.enqueue_dma source(%dma_start3A_27 : memref<1000xi32, #tpu.memory_space<hbm>>) target(%arg7 : memref<1000xi32, #tpu.memory_space<vmem>>) target_semaphore(%arg16 : memref<!tpu.dma_semaphore, #tpu.memory_space<semaphore_mem>>)
      %dma_start3A_28 = arith.constant 1 : i32
      %dma_start3A_29 = tpu.memref_slice %arg2[%dma_start3A_28, %add3A_23] : memref<2x1600000xi32, #tpu.memory_space<hbm>> -> memref<1x1000xi32, #tpu.memory_space<hbm>>
      %dma_start3A_30 = tpu.memref_squeeze %dma_start3A_29 : memref<1x1000xi32, #tpu.memory_space<hbm>> -> memref<1000xi32, #tpu.memory_space<hbm>>
      %dma_start3A_31 = tpu.memref_slice %arg2[%dma_start3A_28, %add3A_23] : memref<2x1600000xi32, #tpu.memory_space<hbm>> -> memref<1x1000xi32, #tpu.memory_space<hbm>>
      %dma_start3A_32 = tpu.memref_squeeze %dma_start3A_31 : memref<1x1000xi32, #tpu.memory_space<hbm>> -> memref<1000xi32, #tpu.memory_space<hbm>>
      tpu.enqueue_dma source(%dma_start3A_32 : memref<1000xi32, #tpu.memory_space<hbm>>) target(%arg9 : memref<1000xi32, #tpu.memory_space<vmem>>) target_semaphore(%arg18 : memref<!tpu.dma_semaphore, #tpu.memory_space<semaphore_mem>>)
      %add3A_33 = arith.constant 1000 : i32
      %add3A_34 = arith.addi %add3A_23, %add3A_33 : i32
      %dma_start3A_35 = arith.constant 0 : i32
      %dma_start3A_36 = tpu.memref_slice %arg2[%dma_start3A_35, %add3A_34] : memref<2x1600000xi32, #tpu.memory_space<hbm>> -> memref<1x1000xi32, #tpu.memory_space<hbm>>
      %dma_start3A_37 = tpu.memref_squeeze %dma_start3A_36 : memref<1x1000xi32, #tpu.memory_space<hbm>> -> memref<1000xi32, #tpu.memory_space<hbm>>
      %dma_start3A_38 = tpu.memref_slice %arg2[%dma_start3A_35, %add3A_34] : memref<2x1600000xi32, #tpu.memory_space<hbm>> -> memref<1x1000xi32, #tpu.memory_space<hbm>>
      %dma_start3A_39 = tpu.memref_squeeze %dma_start3A_38 : memref<1x1000xi32, #tpu.memory_space<hbm>> -> memref<1000xi32, #tpu.memory_space<hbm>>
      tpu.enqueue_dma source(%dma_start3A_39 : memref<1000xi32, #tpu.memory_space<hbm>>) target(%arg8 : memref<1000xi32, #tpu.memory_space<vmem>>) target_semaphore(%arg17 : memref<!tpu.dma_semaphore, #tpu.memory_space<semaphore_mem>>)
      %add3A_40 = arith.constant 1000 : i32
      %add3A_41 = arith.addi %add3A_23, %add3A_40 : i32
      %dma_start3A_42 = arith.constant 1 : i32
      %dma_start3A_43 = tpu.memref_slice %arg2[%dma_start3A_42, %add3A_41] : memref<2x1600000xi32, #tpu.memory_space<hbm>> -> memref<1x1000xi32, #tpu.memory_space<hbm>>
      %dma_start3A_44 = tpu.memref_squeeze %dma_start3A_43 : memref<1x1000xi32, #tpu.memory_space<hbm>> -> memref<1000xi32, #tpu.memory_space<hbm>>
      %dma_start3A_45 = tpu.memref_slice %arg2[%dma_start3A_42, %add3A_41] : memref<2x1600000xi32, #tpu.memory_space<hbm>> -> memref<1x1000xi32, #tpu.memory_space<hbm>>
      %dma_start3A_46 = tpu.memref_squeeze %dma_start3A_45 : memref<1x1000xi32, #tpu.memory_space<hbm>> -> memref<1000xi32, #tpu.memory_space<hbm>>
      tpu.enqueue_dma source(%dma_start3A_46 : memref<1000xi32, #tpu.memory_space<hbm>>) target(%arg10 : memref<1000xi32, #tpu.memory_space<vmem>>) target_semaphore(%arg19 : memref<!tpu.dma_semaphore, #tpu.memory_space<semaphore_mem>>)
      %dma_wait3A = arith.constant 0 : i32
      %dma_wait3A_47 = tpu.memref_slice %arg2[%dma_wait3A, %add3A_23] : memref<2x1600000xi32, #tpu.memory_space<hbm>> -> memref<1x1000xi32, #tpu.memory_space<hbm>>
      %dma_wait3A_48 = tpu.memref_squeeze %dma_wait3A_47 : memref<1x1000xi32, #tpu.memory_space<hbm>> -> memref<1000xi32, #tpu.memory_space<hbm>>
      %dma_wait3A_49 = tpu.memref_slice %arg2[%dma_wait3A, %add3A_23] : memref<2x1600000xi32, #tpu.memory_space<hbm>> -> memref<1x1000xi32, #tpu.memory_space<hbm>>
      %dma_wait3A_50 = tpu.memref_squeeze %dma_wait3A_49 : memref<1x1000xi32, #tpu.memory_space<hbm>> -> memref<1000xi32, #tpu.memory_space<hbm>>
      tpu.wait_dma2 semaphore(%arg16 : memref<!tpu.dma_semaphore, #tpu.memory_space<semaphore_mem>>) src(%dma_wait3A_50 : memref<1000xi32, #tpu.memory_space<hbm>>) dst(%arg7 : memref<1000xi32, #tpu.memory_space<vmem>>)
      %dma_start3A_51 = arith.constant 0 : i32
      %dma_start3A_52 = arith.constant 0 : i32
      %dma_start3A_53 = tpu.memref_slice %arg4[%dma_start3A_51, %dma_start3A_52] : memref<100096x8xf32, #tpu.memory_space<hbm>> -> memref<100096x8xf32, #tpu.memory_space<hbm>>
      tpu.enqueue_indirect_dma source(%dma_start3A_53 : memref<100096x8xf32, #tpu.memory_space<hbm>>) target(%arg11 : memref<1000x8xf32, #tpu.memory_space<vmem>>) offsets(%arg7 : memref<1000xi32, #tpu.memory_space<vmem>>) semaphore(%arg20 : memref<!tpu.dma_semaphore, #tpu.memory_space<semaphore_mem>>)
      %dma_wait3A_54 = arith.constant 0 : i32
      %dma_wait3A_55 = tpu.memref_slice %arg2[%dma_wait3A_54, %add3A_34] : memref<2x1600000xi32, #tpu.memory_space<hbm>> -> memref<1x1000xi32, #tpu.memory_space<hbm>>
      %dma_wait3A_56 = tpu.memref_squeeze %dma_wait3A_55 : memref<1x1000xi32, #tpu.memory_space<hbm>> -> memref<1000xi32, #tpu.memory_space<hbm>>
      %dma_wait3A_57 = tpu.memref_slice %arg2[%dma_wait3A_54, %add3A_34] : memref<2x1600000xi32, #tpu.memory_space<hbm>> -> memref<1x1000xi32, #tpu.memory_space<hbm>>
      %dma_wait3A_58 = tpu.memref_squeeze %dma_wait3A_57 : memref<1x1000xi32, #tpu.memory_space<hbm>> -> memref<1000xi32, #tpu.memory_space<hbm>>
      tpu.wait_dma2 semaphore(%arg17 : memref<!tpu.dma_semaphore, #tpu.memory_space<semaphore_mem>>) src(%dma_wait3A_58 : memref<1000xi32, #tpu.memory_space<hbm>>) dst(%arg8 : memref<1000xi32, #tpu.memory_space<vmem>>)
      %dma_start3A_59 = arith.constant 0 : i32
      %dma_start3A_60 = arith.constant 0 : i32
      %dma_start3A_61 = tpu.memref_slice %arg4[%dma_start3A_59, %dma_start3A_60] : memref<100096x8xf32, #tpu.memory_space<hbm>> -> memref<100096x8xf32, #tpu.memory_space<hbm>>
      tpu.enqueue_indirect_dma source(%dma_start3A_61 : memref<100096x8xf32, #tpu.memory_space<hbm>>) target(%arg12 : memref<1000x8xf32, #tpu.memory_space<vmem>>) offsets(%arg8 : memref<1000xi32, #tpu.memory_space<vmem>>) semaphore(%arg21 : memref<!tpu.dma_semaphore, #tpu.memory_space<semaphore_mem>>)
      %dma_wait3A_62 = arith.constant 0 : i32
      %dma_wait3A_63 = arith.constant 0 : i32
      %dma_wait3A_64 = tpu.memref_slice %arg4[%dma_wait3A_62, %dma_wait3A_63] : memref<100096x8xf32, #tpu.memory_space<hbm>> -> memref<100096x8xf32, #tpu.memory_space<hbm>>
      tpu.wait_indirect_dma semaphore(%arg20 : memref<!tpu.dma_semaphore, #tpu.memory_space<semaphore_mem>>) src(%dma_wait3A_64 : memref<100096x8xf32, #tpu.memory_space<hbm>>) dst(%arg11 : memref<1000x8xf32, #tpu.memory_space<vmem>>)
      %dma_wait3A_65 = arith.constant 1 : i32
      %dma_wait3A_66 = tpu.memref_slice %arg2[%dma_wait3A_65, %add3A_23] : memref<2x1600000xi32, #tpu.memory_space<hbm>> -> memref<1x1000xi32, #tpu.memory_space<hbm>>
      %dma_wait3A_67 = tpu.memref_squeeze %dma_wait3A_66 : memref<1x1000xi32, #tpu.memory_space<hbm>> -> memref<1000xi32, #tpu.memory_space<hbm>>
      %dma_wait3A_68 = tpu.memref_slice %arg2[%dma_wait3A_65, %add3A_23] : memref<2x1600000xi32, #tpu.memory_space<hbm>> -> memref<1x1000xi32, #tpu.memory_space<hbm>>
      %dma_wait3A_69 = tpu.memref_squeeze %dma_wait3A_68 : memref<1x1000xi32, #tpu.memory_space<hbm>> -> memref<1000xi32, #tpu.memory_space<hbm>>
      tpu.wait_dma2 semaphore(%arg18 : memref<!tpu.dma_semaphore, #tpu.memory_space<semaphore_mem>>) src(%dma_wait3A_69 : memref<1000xi32, #tpu.memory_space<hbm>>) dst(%arg9 : memref<1000xi32, #tpu.memory_space<vmem>>)
      %dma_start3A_70 = arith.constant 0 : i32
      %dma_start3A_71 = arith.constant 0 : i32
      %dma_start3A_72 = tpu.memref_slice %arg14[%dma_start3A_70, %dma_start3A_71] : memref<100096x8xf32, #tpu.memory_space<vmem_shared>> -> memref<100096x8xf32, #tpu.memory_space<vmem_shared>>
      tpu.enqueue_indirect_dma source(%arg11 : memref<1000x8xf32, #tpu.memory_space<vmem>>) target(%dma_start3A_72 : memref<100096x8xf32, #tpu.memory_space<vmem_shared>>) offsets(%arg9 : memref<1000xi32, #tpu.memory_space<vmem>>) semaphore(%arg22 : memref<!tpu.dma_semaphore, #tpu.memory_space<semaphore_mem>>) {add = true}
      %dma_wait3A_73 = arith.constant 0 : i32
      %dma_wait3A_74 = arith.constant 0 : i32
      %dma_wait3A_75 = tpu.memref_slice %arg4[%dma_wait3A_73, %dma_wait3A_74] : memref<100096x8xf32, #tpu.memory_space<hbm>> -> memref<100096x8xf32, #tpu.memory_space<hbm>>
      tpu.wait_indirect_dma semaphore(%arg21 : memref<!tpu.dma_semaphore, #tpu.memory_space<semaphore_mem>>) src(%dma_wait3A_75 : memref<100096x8xf32, #tpu.memory_space<hbm>>) dst(%arg12 : memref<1000x8xf32, #tpu.memory_space<vmem>>)
      %dma_wait3A_76 = arith.constant 1 : i32
      %dma_wait3A_77 = tpu.memref_slice %arg2[%dma_wait3A_76, %add3A_41] : memref<2x1600000xi32, #tpu.memory_space<hbm>> -> memref<1x1000xi32, #tpu.memory_space<hbm>>
      %dma_wait3A_78 = tpu.memref_squeeze %dma_wait3A_77 : memref<1x1000xi32, #tpu.memory_space<hbm>> -> memref<1000xi32, #tpu.memory_space<hbm>>
      %dma_wait3A_79 = tpu.memref_slice %arg2[%dma_wait3A_76, %add3A_41] : memref<2x1600000xi32, #tpu.memory_space<hbm>> -> memref<1x1000xi32, #tpu.memory_space<hbm>>
      %dma_wait3A_80 = tpu.memref_squeeze %dma_wait3A_79 : memref<1x1000xi32, #tpu.memory_space<hbm>> -> memref<1000xi32, #tpu.memory_space<hbm>>
      tpu.wait_dma2 semaphore(%arg19 : memref<!tpu.dma_semaphore, #tpu.memory_space<semaphore_mem>>) src(%dma_wait3A_80 : memref<1000xi32, #tpu.memory_space<hbm>>) dst(%arg10 : memref<1000xi32, #tpu.memory_space<vmem>>)
      %dma_start3A_81 = arith.constant 0 : i32
      %dma_start3A_82 = arith.constant 0 : i32
      %dma_start3A_83 = tpu.memref_slice %arg14[%dma_start3A_81, %dma_start3A_82] : memref<100096x8xf32, #tpu.memory_space<vmem_shared>> -> memref<100096x8xf32, #tpu.memory_space<vmem_shared>>
      tpu.enqueue_indirect_dma source(%arg12 : memref<1000x8xf32, #tpu.memory_space<vmem>>) target(%dma_start3A_83 : memref<100096x8xf32, #tpu.memory_space<vmem_shared>>) offsets(%arg10 : memref<1000xi32, #tpu.memory_space<vmem>>) semaphore(%arg23 : memref<!tpu.dma_semaphore, #tpu.memory_space<semaphore_mem>>) {add = true}
      %dma_wait3A_84 = arith.constant 0 : i32
      %dma_wait3A_85 = arith.constant 0 : i32
      %dma_wait3A_86 = tpu.memref_slice %arg14[%dma_wait3A_84, %dma_wait3A_85] : memref<100096x8xf32, #tpu.memory_space<vmem_shared>> -> memref<100096x8xf32, #tpu.memory_space<vmem_shared>>
      tpu.wait_indirect_dma semaphore(%arg22 : memref<!tpu.dma_semaphore, #tpu.memory_space<semaphore_mem>>) src(%arg11 : memref<1000x8xf32, #tpu.memory_space<vmem>>) dst(%dma_wait3A_86 : memref<100096x8xf32, #tpu.memory_space<vmem_shared>>)
      %dma_wait3A_87 = arith.constant 0 : i32
      %dma_wait3A_88 = arith.constant 0 : i32
      %dma_wait3A_89 = tpu.memref_slice %arg14[%dma_wait3A_87, %dma_wait3A_88] : memref<100096x8xf32, #tpu.memory_space<vmem_shared>> -> memref<100096x8xf32, #tpu.memory_space<vmem_shared>>
      tpu.wait_indirect_dma semaphore(%arg23 : memref<!tpu.dma_semaphore, #tpu.memory_space<semaphore_mem>>) src(%arg12 : memref<1000x8xf32, #tpu.memory_space<vmem>>) dst(%dma_wait3A_89 : memref<100096x8xf32, #tpu.memory_space<vmem_shared>>)
    }
    %scan3A_9 = arith.constant 25 : i32
    %barrier3A_10 = arith.constant 0 : index
    tpu.barrier barrier_id(%barrier3A_10)
    %mul3A_11 = arith.constant 6256 : i32
    %mul3A_12 = arith.muli %arg1, %mul3A_11 : i32
    "tpu.region"() ({
      %run_scoped3A_18 = tpu.sem_alloc : memref<!tpu.dma_semaphore, #tpu.memory_space<semaphore_mem>>
      %dma_start3A = arith.constant 0 : i32
      %dma_start3A_19 = tpu.memref_slice %arg14[%mul3A_12, %dma_start3A] : memref<100096x8xf32, #tpu.memory_space<vmem_shared>> -> memref<6256x8xf32, #tpu.memory_space<vmem_shared>>
      %dma_start3A_20 = arith.constant 0 : i32
      %dma_start3A_21 = tpu.memref_slice %arg14[%mul3A_12, %dma_start3A_20] : memref<100096x8xf32, #tpu.memory_space<vmem_shared>> -> memref<6256x8xf32, #tpu.memory_space<vmem_shared>>
      tpu.enqueue_dma source(%dma_start3A_21 : memref<6256x8xf32, #tpu.memory_space<vmem_shared>>) target(%arg13 : memref<6256x8xf32, #tpu.memory_space<vmem>>) target_semaphore(%run_scoped3A_18 : memref<!tpu.dma_semaphore, #tpu.memory_space<semaphore_mem>>)
      %dma_wait3A = arith.constant 0 : i32
      %dma_wait3A_22 = tpu.memref_slice %arg14[%mul3A_12, %dma_wait3A] : memref<100096x8xf32, #tpu.memory_space<vmem_shared>> -> memref<6256x8xf32, #tpu.memory_space<vmem_shared>>
      %dma_wait3A_23 = arith.constant 0 : i32
      %dma_wait3A_24 = tpu.memref_slice %arg14[%mul3A_12, %dma_wait3A_23] : memref<100096x8xf32, #tpu.memory_space<vmem_shared>> -> memref<6256x8xf32, #tpu.memory_space<vmem_shared>>
      tpu.wait_dma2 semaphore(%run_scoped3A_18 : memref<!tpu.dma_semaphore, #tpu.memory_space<semaphore_mem>>) src(%dma_wait3A_24 : memref<6256x8xf32, #tpu.memory_space<vmem_shared>>) dst(%arg13 : memref<6256x8xf32, #tpu.memory_space<vmem>>)
      tpu.yield
    }) : () -> ()
    %mul3A_13 = arith.constant 100096 : i32
    %mul3A_14 = arith.muli %arg0, %mul3A_13 : i32
    %mul3A_15 = arith.constant 6256 : i32
    %mul3A_16 = arith.muli %arg1, %mul3A_15 : i32
    %add3A_17 = arith.addi %mul3A_14, %mul3A_16 : i32
    "tpu.region"() ({
      %run_scoped3A_18 = tpu.sem_alloc : memref<!tpu.dma_semaphore, #tpu.memory_space<semaphore_mem>>
      %dma_start3A = arith.constant 0 : i32
      %dma_start3A_19 = tpu.memref_slice %arg6[%add3A_17, %dma_start3A] : memref<200192x8xf32, #tpu.memory_space<hbm>> -> memref<6256x8xf32, #tpu.memory_space<hbm>>
      %dma_start3A_20 = arith.constant 0 : i32
      %dma_start3A_21 = tpu.memref_slice %arg6[%add3A_17, %dma_start3A_20] : memref<200192x8xf32, #tpu.memory_space<hbm>> -> memref<6256x8xf32, #tpu.memory_space<hbm>>
      tpu.enqueue_dma source(%arg13 : memref<6256x8xf32, #tpu.memory_space<vmem>>) target(%dma_start3A_21 : memref<6256x8xf32, #tpu.memory_space<hbm>>) target_semaphore(%run_scoped3A_18 : memref<!tpu.dma_semaphore, #tpu.memory_space<semaphore_mem>>)
      %dma_wait3A = arith.constant 0 : i32
      %dma_wait3A_22 = tpu.memref_slice %arg6[%add3A_17, %dma_wait3A] : memref<200192x8xf32, #tpu.memory_space<hbm>> -> memref<6256x8xf32, #tpu.memory_space<hbm>>
      %dma_wait3A_23 = arith.constant 0 : i32
      %dma_wait3A_24 = tpu.memref_slice %arg6[%add3A_17, %dma_wait3A_23] : memref<200192x8xf32, #tpu.memory_space<hbm>> -> memref<6256x8xf32, #tpu.memory_space<hbm>>
      tpu.wait_dma2 semaphore(%run_scoped3A_18 : memref<!tpu.dma_semaphore, #tpu.memory_space<semaphore_mem>>) src(%arg13 : memref<6256x8xf32, #tpu.memory_space<vmem>>) dst(%dma_wait3A_24 : memref<6256x8xf32, #tpu.memory_space<hbm>>)
      tpu.yield
    }) : () -> ()
    return
  }
}

#map = affine_map<(d0, d1) -> (0, 0)>
module attributes {stable_mosaic.version = 14 : i64} {
  func.func @prop_kernel(%arg0: i32, %arg1: i32, %arg2: memref<2x1600000xi32, #tpu.memory_space<hbm>>, %arg3: memref<200192x8xf32, #tpu.memory_space<hbm>>, %arg4: memref<100096x8xf32, #tpu.memory_space<hbm>>, %arg5: memref<6256x8xf32, #tpu.memory_space<hbm>>, %arg6: memref<200192x8xf32, #tpu.memory_space<hbm>>, %arg7: memref<1000xi32, #tpu.memory_space<vmem>>, %arg8: memref<1000xi32, #tpu.memory_space<vmem>>, %arg9: memref<1000xi32, #tpu.memory_space<vmem>>, %arg10: memref<1000xi32, #tpu.memory_space<vmem>>, %arg11: memref<1000x8xf32, #tpu.memory_space<vmem>>, %arg12: memref<1000x8xf32, #tpu.memory_space<vmem>>, %arg13: memref<6256x8xf32, #tpu.memory_space<vmem>>, %arg14: memref<100096x8xf32, #tpu.memory_space<vmem_shared>>, %arg15: memref<8xf32, #tpu.memory_space<vmem>>, %arg16: memref<!tpu.dma_semaphore, #tpu.memory_space<semaphore_mem>>, %arg17: memref<!tpu.dma_semaphore, #tpu.memory_space<semaphore_mem>>, %arg18: memref<!tpu.dma_semaphore, #tpu.memory_space<semaphore_mem>>, %arg19: memref<!tpu.dma_semaphore, #tpu.memory_space<semaphore_mem>>, %arg20: memref<!tpu.dma_semaphore, #tpu.memory_space<semaphore_mem>>, %arg21: memref<!tpu.dma_semaphore, #tpu.memory_space<semaphore_mem>>, %arg22: memref<!tpu.dma_semaphore, #tpu.memory_space<semaphore_mem>>, %arg23: memref<!tpu.dma_semaphore, #tpu.memory_space<semaphore_mem>>) attributes {dimension_semantics = [#tpu.dimension_semantics<core_parallel>, #tpu.dimension_semantics<subcore_parallel>], iteration_bounds = array<i64: 2, 16>, scalar_prefetch = 0 : i64, scratch_operands = 17 : i64, tpu.core_type = #tpu.core_type<sc_vector_subcore>, window_params = [{transform_indices = #map}, {transform_indices = #map}, {transform_indices = #map}, {transform_indices = #map}, {transform_indices = #map}]} {
    %mul3A = arith.constant 2 : i32
    %mul3A_0 = arith.muli %arg1, %mul3A : i32
    %add3A = arith.addi %mul3A_0, %arg0 : i32
    %mul3A_1 = arith.constant 50000 : i32
    %mul3A_2 = arith.muli %add3A, %mul3A_1 : i32
    %run_scoped3A = arith.constant 0 : i32
    "tpu.region"() ({
      %run_scoped3A_18 = tpu.sem_alloc : memref<!tpu.dma_semaphore, #tpu.memory_space<semaphore_mem>>
      %dma_start3A = arith.constant 0 : i32
      %dma_start3A_19 = tpu.memref_slice %arg3[%run_scoped3A, %dma_start3A] : memref<200192x8xf32, #tpu.memory_space<hbm>> -> memref<1x8xf32, #tpu.memory_space<hbm>>
      %dma_start3A_20 = tpu.memref_squeeze %dma_start3A_19 : memref<1x8xf32, #tpu.memory_space<hbm>> -> memref<8xf32, #tpu.memory_space<hbm>>
      %dma_start3A_21 = arith.constant 0 : i32
      %dma_start3A_22 = tpu.memref_slice %arg3[%run_scoped3A, %dma_start3A_21] : memref<200192x8xf32, #tpu.memory_space<hbm>> -> memref<1x8xf32, #tpu.memory_space<hbm>>
      %dma_start3A_23 = tpu.memref_squeeze %dma_start3A_22 : memref<1x8xf32, #tpu.memory_space<hbm>> -> memref<8xf32, #tpu.memory_space<hbm>>
      tpu.enqueue_dma source(%dma_start3A_23 : memref<8xf32, #tpu.memory_space<hbm>>) target(%arg15 : memref<8xf32, #tpu.memory_space<vmem>>) target_semaphore(%run_scoped3A_18 : memref<!tpu.dma_semaphore, #tpu.memory_space<semaphore_mem>>)
      %dma_wait3A = arith.constant 0 : i32
      %dma_wait3A_24 = tpu.memref_slice %arg3[%run_scoped3A, %dma_wait3A] : memref<200192x8xf32, #tpu.memory_space<hbm>> -> memref<1x8xf32, #tpu.memory_space<hbm>>
      %dma_wait3A_25 = tpu.memref_squeeze %dma_wait3A_24 : memref<1x8xf32, #tpu.memory_space<hbm>> -> memref<8xf32, #tpu.memory_space<hbm>>
      %dma_wait3A_26 = arith.constant 0 : i32
      %dma_wait3A_27 = tpu.memref_slice %arg3[%run_scoped3A, %dma_wait3A_26] : memref<200192x8xf32, #tpu.memory_space<hbm>> -> memref<1x8xf32, #tpu.memory_space<hbm>>
      %dma_wait3A_28 = tpu.memref_squeeze %dma_wait3A_27 : memref<1x8xf32, #tpu.memory_space<hbm>> -> memref<8xf32, #tpu.memory_space<hbm>>
      tpu.wait_dma2 semaphore(%run_scoped3A_18 : memref<!tpu.dma_semaphore, #tpu.memory_space<semaphore_mem>>) src(%dma_wait3A_28 : memref<8xf32, #tpu.memory_space<hbm>>) dst(%arg15 : memref<8xf32, #tpu.memory_space<vmem>>)
      tpu.yield
    }) : () -> ()
    "tpu.region"() ({
      %run_scoped3A_18 = tpu.sem_alloc : memref<!tpu.dma_semaphore, #tpu.memory_space<semaphore_mem>>
      tpu.enqueue_dma source(%arg5 : memref<6256x8xf32, #tpu.memory_space<hbm>>) target(%arg13 : memref<6256x8xf32, #tpu.memory_space<vmem>>) target_semaphore(%run_scoped3A_18 : memref<!tpu.dma_semaphore, #tpu.memory_space<semaphore_mem>>)
      tpu.wait_dma2 semaphore(%run_scoped3A_18 : memref<!tpu.dma_semaphore, #tpu.memory_space<semaphore_mem>>) src(%arg5 : memref<6256x8xf32, #tpu.memory_space<hbm>>) dst(%arg13 : memref<6256x8xf32, #tpu.memory_space<vmem>>)
      tpu.yield
    }) : () -> ()
    %mul3A_3 = arith.constant 6256 : i32
    %mul3A_4 = arith.muli %arg1, %mul3A_3 : i32
    "tpu.region"() ({
      %run_scoped3A_18 = tpu.sem_alloc : memref<!tpu.dma_semaphore, #tpu.memory_space<semaphore_mem>>
      %dma_start3A = arith.constant 0 : i32
      %dma_start3A_19 = tpu.memref_slice %arg14[%mul3A_4, %dma_start3A] : memref<100096x8xf32, #tpu.memory_space<vmem_shared>> -> memref<6256x8xf32, #tpu.memory_space<vmem_shared>>
      %dma_start3A_20 = arith.constant 0 : i32
      %dma_start3A_21 = tpu.memref_slice %arg14[%mul3A_4, %dma_start3A_20] : memref<100096x8xf32, #tpu.memory_space<vmem_shared>> -> memref<6256x8xf32, #tpu.memory_space<vmem_shared>>
      tpu.enqueue_dma source(%arg13 : memref<6256x8xf32, #tpu.memory_space<vmem>>) target(%dma_start3A_21 : memref<6256x8xf32, #tpu.memory_space<vmem_shared>>) target_semaphore(%run_scoped3A_18 : memref<!tpu.dma_semaphore, #tpu.memory_space<semaphore_mem>>)
      %dma_wait3A = arith.constant 0 : i32
      %dma_wait3A_22 = tpu.memref_slice %arg14[%mul3A_4, %dma_wait3A] : memref<100096x8xf32, #tpu.memory_space<vmem_shared>> -> memref<6256x8xf32, #tpu.memory_space<vmem_shared>>
      %dma_wait3A_23 = arith.constant 0 : i32
      %dma_wait3A_24 = tpu.memref_slice %arg14[%mul3A_4, %dma_wait3A_23] : memref<100096x8xf32, #tpu.memory_space<vmem_shared>> -> memref<6256x8xf32, #tpu.memory_space<vmem_shared>>
      tpu.wait_dma2 semaphore(%run_scoped3A_18 : memref<!tpu.dma_semaphore, #tpu.memory_space<semaphore_mem>>) src(%arg13 : memref<6256x8xf32, #tpu.memory_space<vmem>>) dst(%dma_wait3A_24 : memref<6256x8xf32, #tpu.memory_space<vmem_shared>>)
      tpu.yield
    }) : () -> ()
    %barrier3A = arith.constant 0 : index
    tpu.barrier barrier_id(%barrier3A)
    %scan3A = arith.constant 0 : i32
    %scan3A_5 = arith.constant 0 : i32
    %scan3A_6 = arith.constant 25 : i32
    %scan3A_7 = arith.addi %scan3A_5, %scan3A_6 : i32
    %scan3A_8 = arith.constant 1 : i32
    scf.for %scan3A_18 = %scan3A_5 to %scan3A_7 step %scan3A_8  : i32 {
      %mul3A_19 = arith.constant 2 : i32
      %mul3A_20 = arith.muli %mul3A_19, %scan3A_18 : i32
      %mul3A_21 = arith.constant 1000 : i32
      %mul3A_22 = arith.muli %mul3A_20, %mul3A_21 : i32
      %add3A_23 = arith.addi %mul3A_2, %mul3A_22 : i32
      %dma_start3A = arith.constant 0 : i32
      %dma_start3A_24 = tpu.memref_slice %arg2[%dma_start3A, %add3A_23] : memref<2x1600000xi32, #tpu.memory_space<hbm>> -> memref<1x1000xi32, #tpu.memory_space<hbm>>
      %dma_start3A_25 = tpu.memref_squeeze %dma_start3A_24 : memref<1x1000xi32, #tpu.memory_space<hbm>> -> memref<1000xi32, #tpu.memory_space<hbm>>
      %dma_start3A_26 = tpu.memref_slice %arg2[%dma_start3A, %add3A_23] : memref<2x1600000xi32, #tpu.memory_space<hbm>> -> memref<1x1000xi32, #tpu.memory_space<hbm>>
      %dma_start3A_27 = tpu.memref_squeeze %dma_start3A_26 : memref<1x1000xi32, #tpu.memory_space<hbm>> -> memref<1000xi32, #tpu.memory_space<hbm>>
      tpu.enqueue_dma source(%dma_start3A_27 : memref<1000xi32, #tpu.memory_space<hbm>>) target(%arg7 : memref<1000xi32, #tpu.memory_space<vmem>>) target_semaphore(%arg16 : memref<!tpu.dma_semaphore, #tpu.memory_space<semaphore_mem>>)
      %dma_start3A_28 = arith.constant 1 : i32
      %dma_start3A_29 = tpu.memref_slice %arg2[%dma_start3A_28, %add3A_23] : memref<2x1600000xi32, #tpu.memory_space<hbm>> -> memref<1x1000xi32, #tpu.memory_space<hbm>>
      %dma_start3A_30 = tpu.memref_squeeze %dma_start3A_29 : memref<1x1000xi32, #tpu.memory_space<hbm>> -> memref<1000xi32, #tpu.memory_space<hbm>>
      %dma_start3A_31 = tpu.memref_slice %arg2[%dma_start3A_28, %add3A_23] : memref<2x1600000xi32, #tpu.memory_space<hbm>> -> memref<1x1000xi32, #tpu.memory_space<hbm>>
      %dma_start3A_32 = tpu.memref_squeeze %dma_start3A_31 : memref<1x1000xi32, #tpu.memory_space<hbm>> -> memref<1000xi32, #tpu.memory_space<hbm>>
      tpu.enqueue_dma source(%dma_start3A_32 : memref<1000xi32, #tpu.memory_space<hbm>>) target(%arg9 : memref<1000xi32, #tpu.memory_space<vmem>>) target_semaphore(%arg18 : memref<!tpu.dma_semaphore, #tpu.memory_space<semaphore_mem>>)
      %add3A_33 = arith.constant 1000 : i32
      %add3A_34 = arith.addi %add3A_23, %add3A_33 : i32
      %dma_start3A_35 = arith.constant 0 : i32
      %dma_start3A_36 = tpu.memref_slice %arg2[%dma_start3A_35, %add3A_34] : memref<2x1600000xi32, #tpu.memory_space<hbm>> -> memref<1x1000xi32, #tpu.memory_space<hbm>>
      %dma_start3A_37 = tpu.memref_squeeze %dma_start3A_36 : memref<1x1000xi32, #tpu.memory_space<hbm>> -> memref<1000xi32, #tpu.memory_space<hbm>>
      %dma_start3A_38 = tpu.memref_slice %arg2[%dma_start3A_35, %add3A_34] : memref<2x1600000xi32, #tpu.memory_space<hbm>> -> memref<1x1000xi32, #tpu.memory_space<hbm>>
      %dma_start3A_39 = tpu.memref_squeeze %dma_start3A_38 : memref<1x1000xi32, #tpu.memory_space<hbm>> -> memref<1000xi32, #tpu.memory_space<hbm>>
      tpu.enqueue_dma source(%dma_start3A_39 : memref<1000xi32, #tpu.memory_space<hbm>>) target(%arg8 : memref<1000xi32, #tpu.memory_space<vmem>>) target_semaphore(%arg17 : memref<!tpu.dma_semaphore, #tpu.memory_space<semaphore_mem>>)
      %add3A_40 = arith.constant 1000 : i32
      %add3A_41 = arith.addi %add3A_23, %add3A_40 : i32
      %dma_start3A_42 = arith.constant 1 : i32
      %dma_start3A_43 = tpu.memref_slice %arg2[%dma_start3A_42, %add3A_41] : memref<2x1600000xi32, #tpu.memory_space<hbm>> -> memref<1x1000xi32, #tpu.memory_space<hbm>>
      %dma_start3A_44 = tpu.memref_squeeze %dma_start3A_43 : memref<1x1000xi32, #tpu.memory_space<hbm>> -> memref<1000xi32, #tpu.memory_space<hbm>>
      %dma_start3A_45 = tpu.memref_slice %arg2[%dma_start3A_42, %add3A_41] : memref<2x1600000xi32, #tpu.memory_space<hbm>> -> memref<1x1000xi32, #tpu.memory_space<hbm>>
      %dma_start3A_46 = tpu.memref_squeeze %dma_start3A_45 : memref<1x1000xi32, #tpu.memory_space<hbm>> -> memref<1000xi32, #tpu.memory_space<hbm>>
      tpu.enqueue_dma source(%dma_start3A_46 : memref<1000xi32, #tpu.memory_space<hbm>>) target(%arg10 : memref<1000xi32, #tpu.memory_space<vmem>>) target_semaphore(%arg19 : memref<!tpu.dma_semaphore, #tpu.memory_space<semaphore_mem>>)
      %dma_wait3A = arith.constant 0 : i32
      %dma_wait3A_47 = tpu.memref_slice %arg2[%dma_wait3A, %add3A_23] : memref<2x1600000xi32, #tpu.memory_space<hbm>> -> memref<1x1000xi32, #tpu.memory_space<hbm>>
      %dma_wait3A_48 = tpu.memref_squeeze %dma_wait3A_47 : memref<1x1000xi32, #tpu.memory_space<hbm>> -> memref<1000xi32, #tpu.memory_space<hbm>>
      %dma_wait3A_49 = tpu.memref_slice %arg2[%dma_wait3A, %add3A_23] : memref<2x1600000xi32, #tpu.memory_space<hbm>> -> memref<1x1000xi32, #tpu.memory_space<hbm>>
      %dma_wait3A_50 = tpu.memref_squeeze %dma_wait3A_49 : memref<1x1000xi32, #tpu.memory_space<hbm>> -> memref<1000xi32, #tpu.memory_space<hbm>>
      tpu.wait_dma2 semaphore(%arg16 : memref<!tpu.dma_semaphore, #tpu.memory_space<semaphore_mem>>) src(%dma_wait3A_50 : memref<1000xi32, #tpu.memory_space<hbm>>) dst(%arg7 : memref<1000xi32, #tpu.memory_space<vmem>>)
      %dma_start3A_51 = arith.constant 0 : i32
      %dma_start3A_52 = arith.constant 0 : i32
      %dma_start3A_53 = tpu.memref_slice %arg4[%dma_start3A_51, %dma_start3A_52] : memref<100096x8xf32, #tpu.memory_space<hbm>> -> memref<100096x8xf32, #tpu.memory_space<hbm>>
      tpu.enqueue_indirect_dma source(%dma_start3A_53 : memref<100096x8xf32, #tpu.memory_space<hbm>>) target(%arg11 : memref<1000x8xf32, #tpu.memory_space<vmem>>) offsets(%arg7 : memref<1000xi32, #tpu.memory_space<vmem>>) semaphore(%arg20 : memref<!tpu.dma_semaphore, #tpu.memory_space<semaphore_mem>>)
      %dma_wait3A_54 = arith.constant 0 : i32
      %dma_wait3A_55 = tpu.memref_slice %arg2[%dma_wait3A_54, %add3A_34] : memref<2x1600000xi32, #tpu.memory_space<hbm>> -> memref<1x1000xi32, #tpu.memory_space<hbm>>
      %dma_wait3A_56 = tpu.memref_squeeze %dma_wait3A_55 : memref<1x1000xi32, #tpu.memory_space<hbm>> -> memref<1000xi32, #tpu.memory_space<hbm>>
      %dma_wait3A_57 = tpu.memref_slice %arg2[%dma_wait3A_54, %add3A_34] : memref<2x1600000xi32, #tpu.memory_space<hbm>> -> memref<1x1000xi32, #tpu.memory_space<hbm>>
      %dma_wait3A_58 = tpu.memref_squeeze %dma_wait3A_57 : memref<1x1000xi32, #tpu.memory_space<hbm>> -> memref<1000xi32, #tpu.memory_space<hbm>>
      tpu.wait_dma2 semaphore(%arg17 : memref<!tpu.dma_semaphore, #tpu.memory_space<semaphore_mem>>) src(%dma_wait3A_58 : memref<1000xi32, #tpu.memory_space<hbm>>) dst(%arg8 : memref<1000xi32, #tpu.memory_space<vmem>>)
      %dma_start3A_59 = arith.constant 0 : i32
      %dma_start3A_60 = arith.constant 0 : i32
      %dma_start3A_61 = tpu.memref_slice %arg4[%dma_start3A_59, %dma_start3A_60] : memref<100096x8xf32, #tpu.memory_space<hbm>> -> memref<100096x8xf32, #tpu.memory_space<hbm>>
      tpu.enqueue_indirect_dma source(%dma_start3A_61 : memref<100096x8xf32, #tpu.memory_space<hbm>>) target(%arg12 : memref<1000x8xf32, #tpu.memory_space<vmem>>) offsets(%arg8 : memref<1000xi32, #tpu.memory_space<vmem>>) semaphore(%arg21 : memref<!tpu.dma_semaphore, #tpu.memory_space<semaphore_mem>>)
      %dma_wait3A_62 = arith.constant 0 : i32
      %dma_wait3A_63 = arith.constant 0 : i32
      %dma_wait3A_64 = tpu.memref_slice %arg4[%dma_wait3A_62, %dma_wait3A_63] : memref<100096x8xf32, #tpu.memory_space<hbm>> -> memref<100096x8xf32, #tpu.memory_space<hbm>>
      tpu.wait_indirect_dma semaphore(%arg20 : memref<!tpu.dma_semaphore, #tpu.memory_space<semaphore_mem>>) src(%dma_wait3A_64 : memref<100096x8xf32, #tpu.memory_space<hbm>>) dst(%arg11 : memref<1000x8xf32, #tpu.memory_space<vmem>>)
      %dma_wait3A_65 = arith.constant 1 : i32
      %dma_wait3A_66 = tpu.memref_slice %arg2[%dma_wait3A_65, %add3A_23] : memref<2x1600000xi32, #tpu.memory_space<hbm>> -> memref<1x1000xi32, #tpu.memory_space<hbm>>
      %dma_wait3A_67 = tpu.memref_squeeze %dma_wait3A_66 : memref<1x1000xi32, #tpu.memory_space<hbm>> -> memref<1000xi32, #tpu.memory_space<hbm>>
      %dma_wait3A_68 = tpu.memref_slice %arg2[%dma_wait3A_65, %add3A_23] : memref<2x1600000xi32, #tpu.memory_space<hbm>> -> memref<1x1000xi32, #tpu.memory_space<hbm>>
      %dma_wait3A_69 = tpu.memref_squeeze %dma_wait3A_68 : memref<1x1000xi32, #tpu.memory_space<hbm>> -> memref<1000xi32, #tpu.memory_space<hbm>>
      tpu.wait_dma2 semaphore(%arg18 : memref<!tpu.dma_semaphore, #tpu.memory_space<semaphore_mem>>) src(%dma_wait3A_69 : memref<1000xi32, #tpu.memory_space<hbm>>) dst(%arg9 : memref<1000xi32, #tpu.memory_space<vmem>>)
      %dma_start3A_70 = arith.constant 0 : i32
      %dma_start3A_71 = arith.constant 0 : i32
      %dma_start3A_72 = tpu.memref_slice %arg14[%dma_start3A_70, %dma_start3A_71] : memref<100096x8xf32, #tpu.memory_space<vmem_shared>> -> memref<100096x8xf32, #tpu.memory_space<vmem_shared>>
      tpu.enqueue_indirect_dma source(%arg11 : memref<1000x8xf32, #tpu.memory_space<vmem>>) target(%dma_start3A_72 : memref<100096x8xf32, #tpu.memory_space<vmem_shared>>) offsets(%arg9 : memref<1000xi32, #tpu.memory_space<vmem>>) semaphore(%arg22 : memref<!tpu.dma_semaphore, #tpu.memory_space<semaphore_mem>>) {add = true}
      %dma_wait3A_73 = arith.constant 0 : i32
      %dma_wait3A_74 = arith.constant 0 : i32
      %dma_wait3A_75 = tpu.memref_slice %arg4[%dma_wait3A_73, %dma_wait3A_74] : memref<100096x8xf32, #tpu.memory_space<hbm>> -> memref<100096x8xf32, #tpu.memory_space<hbm>>
      tpu.wait_indirect_dma semaphore(%arg21 : memref<!tpu.dma_semaphore, #tpu.memory_space<semaphore_mem>>) src(%dma_wait3A_75 : memref<100096x8xf32, #tpu.memory_space<hbm>>) dst(%arg12 : memref<1000x8xf32, #tpu.memory_space<vmem>>)
      %dma_wait3A_76 = arith.constant 1 : i32
      %dma_wait3A_77 = tpu.memref_slice %arg2[%dma_wait3A_76, %add3A_41] : memref<2x1600000xi32, #tpu.memory_space<hbm>> -> memref<1x1000xi32, #tpu.memory_space<hbm>>
      %dma_wait3A_78 = tpu.memref_squeeze %dma_wait3A_77 : memref<1x1000xi32, #tpu.memory_space<hbm>> -> memref<1000xi32, #tpu.memory_space<hbm>>
      %dma_wait3A_79 = tpu.memref_slice %arg2[%dma_wait3A_76, %add3A_41] : memref<2x1600000xi32, #tpu.memory_space<hbm>> -> memref<1x1000xi32, #tpu.memory_space<hbm>>
      %dma_wait3A_80 = tpu.memref_squeeze %dma_wait3A_79 : memref<1x1000xi32, #tpu.memory_space<hbm>> -> memref<1000xi32, #tpu.memory_space<hbm>>
      tpu.wait_dma2 semaphore(%arg19 : memref<!tpu.dma_semaphore, #tpu.memory_space<semaphore_mem>>) src(%dma_wait3A_80 : memref<1000xi32, #tpu.memory_space<hbm>>) dst(%arg10 : memref<1000xi32, #tpu.memory_space<vmem>>)
      %dma_start3A_81 = arith.constant 0 : i32
      %dma_start3A_82 = arith.constant 0 : i32
      %dma_start3A_83 = tpu.memref_slice %arg14[%dma_start3A_81, %dma_start3A_82] : memref<100096x8xf32, #tpu.memory_space<vmem_shared>> -> memref<100096x8xf32, #tpu.memory_space<vmem_shared>>
      tpu.enqueue_indirect_dma source(%arg12 : memref<1000x8xf32, #tpu.memory_space<vmem>>) target(%dma_start3A_83 : memref<100096x8xf32, #tpu.memory_space<vmem_shared>>) offsets(%arg10 : memref<1000xi32, #tpu.memory_space<vmem>>) semaphore(%arg23 : memref<!tpu.dma_semaphore, #tpu.memory_space<semaphore_mem>>) {add = true}
      %dma_wait3A_84 = arith.constant 0 : i32
      %dma_wait3A_85 = arith.constant 0 : i32
      %dma_wait3A_86 = tpu.memref_slice %arg14[%dma_wait3A_84, %dma_wait3A_85] : memref<100096x8xf32, #tpu.memory_space<vmem_shared>> -> memref<100096x8xf32, #tpu.memory_space<vmem_shared>>
      tpu.wait_indirect_dma semaphore(%arg22 : memref<!tpu.dma_semaphore, #tpu.memory_space<semaphore_mem>>) src(%arg11 : memref<1000x8xf32, #tpu.memory_space<vmem>>) dst(%dma_wait3A_86 : memref<100096x8xf32, #tpu.memory_space<vmem_shared>>)
      %dma_wait3A_87 = arith.constant 0 : i32
      %dma_wait3A_88 = arith.constant 0 : i32
      %dma_wait3A_89 = tpu.memref_slice %arg14[%dma_wait3A_87, %dma_wait3A_88] : memref<100096x8xf32, #tpu.memory_space<vmem_shared>> -> memref<100096x8xf32, #tpu.memory_space<vmem_shared>>
      tpu.wait_indirect_dma semaphore(%arg23 : memref<!tpu.dma_semaphore, #tpu.memory_space<semaphore_mem>>) src(%arg12 : memref<1000x8xf32, #tpu.memory_space<vmem>>) dst(%dma_wait3A_89 : memref<100096x8xf32, #tpu.memory_space<vmem_shared>>)
    }
    %scan3A_9 = arith.constant 25 : i32
    %barrier3A_10 = arith.constant 0 : index
    tpu.barrier barrier_id(%barrier3A_10)
    %mul3A_11 = arith.constant 6256 : i32
    %mul3A_12 = arith.muli %arg1, %mul3A_11 : i32
    "tpu.region"() ({
      %run_scoped3A_18 = tpu.sem_alloc : memref<!tpu.dma_semaphore, #tpu.memory_space<semaphore_mem>>
      %dma_start3A = arith.constant 0 : i32
      %dma_start3A_19 = tpu.memref_slice %arg14[%mul3A_12, %dma_start3A] : memref<100096x8xf32, #tpu.memory_space<vmem_shared>> -> memref<6256x8xf32, #tpu.memory_space<vmem_shared>>
      %dma_start3A_20 = arith.constant 0 : i32
      %dma_start3A_21 = tpu.memref_slice %arg14[%mul3A_12, %dma_start3A_20] : memref<100096x8xf32, #tpu.memory_space<vmem_shared>> -> memref<6256x8xf32, #tpu.memory_space<vmem_shared>>
      tpu.enqueue_dma source(%dma_start3A_21 : memref<6256x8xf32, #tpu.memory_space<vmem_shared>>) target(%arg13 : memref<6256x8xf32, #tpu.memory_space<vmem>>) target_semaphore(%run_scoped3A_18 : memref<!tpu.dma_semaphore, #tpu.memory_space<semaphore_mem>>)
      %dma_wait3A = arith.constant 0 : i32
      %dma_wait3A_22 = tpu.memref_slice %arg14[%mul3A_12, %dma_wait3A] : memref<100096x8xf32, #tpu.memory_space<vmem_shared>> -> memref<6256x8xf32, #tpu.memory_space<vmem_shared>>
      %dma_wait3A_23 = arith.constant 0 : i32
      %dma_wait3A_24 = tpu.memref_slice %arg14[%mul3A_12, %dma_wait3A_23] : memref<100096x8xf32, #tpu.memory_space<vmem_shared>> -> memref<6256x8xf32, #tpu.memory_space<vmem_shared>>
      tpu.wait_dma2 semaphore(%run_scoped3A_18 : memref<!tpu.dma_semaphore, #tpu.memory_space<semaphore_mem>>) src(%dma_wait3A_24 : memref<6256x8xf32, #tpu.memory_space<vmem_shared>>) dst(%arg13 : memref<6256x8xf32, #tpu.memory_space<vmem>>)
      tpu.yield
    }) : () -> ()
    %mul3A_13 = arith.constant 100096 : i32
    %mul3A_14 = arith.muli %arg0, %mul3A_13 : i32
    %mul3A_15 = arith.constant 6256 : i32
    %mul3A_16 = arith.muli %arg1, %mul3A_15 : i32
    %add3A_17 = arith.addi %mul3A_14, %mul3A_16 : i32
    "tpu.region"() ({
      %run_scoped3A_18 = tpu.sem_alloc : memref<!tpu.dma_semaphore, #tpu.memory_space<semaphore_mem>>
      %dma_start3A = arith.constant 0 : i32
      %dma_start3A_19 = tpu.memref_slice %arg6[%add3A_17, %dma_start3A] : memref<200192x8xf32, #tpu.memory_space<hbm>> -> memref<6256x8xf32, #tpu.memory_space<hbm>>
      %dma_start3A_20 = arith.constant 0 : i32
      %dma_start3A_21 = tpu.memref_slice %arg6[%add3A_17, %dma_start3A_20] : memref<200192x8xf32, #tpu.memory_space<hbm>> -> memref<6256x8xf32, #tpu.memory_space<hbm>>
      tpu.enqueue_dma source(%arg13 : memref<6256x8xf32, #tpu.memory_space<vmem>>) target(%dma_start3A_21 : memref<6256x8xf32, #tpu.memory_space<hbm>>) target_semaphore(%run_scoped3A_18 : memref<!tpu.dma_semaphore, #tpu.memory_space<semaphore_mem>>)
      %dma_wait3A = arith.constant 0 : i32
      %dma_wait3A_22 = tpu.memref_slice %arg6[%add3A_17, %dma_wait3A] : memref<200192x8xf32, #tpu.memory_space<hbm>> -> memref<6256x8xf32, #tpu.memory_space<hbm>>
      %dma_wait3A_23 = arith.constant 0 : i32
      %dma_wait3A_24 = tpu.memref_slice %arg6[%add3A_17, %dma_wait3A_23] : memref<200192x8xf32, #tpu.memory_space<hbm>> -> memref<6256x8xf32, #tpu.memory_space<hbm>>
      tpu.wait_dma2 semaphore(%run_scoped3A_18 : memref<!tpu.dma_semaphore, #tpu.memory_space<semaphore_mem>>) src(%arg13 : memref<6256x8xf32, #tpu.memory_space<vmem>>) dst(%dma_wait3A_24 : memref<6256x8xf32, #tpu.memory_space<hbm>>)
      tpu.yield
    }) : () -> ()
    return
  }
}

#map = affine_map<(d0, d1) -> (0, 0)>
module attributes {stable_mosaic.version = 14 : i64} {
  func.func @prop_kernel(%arg0: i32, %arg1: i32, %arg2: memref<2x1600000xi32, #tpu.memory_space<hbm>>, %arg3: memref<200192x8xf32, #tpu.memory_space<hbm>>, %arg4: memref<100096x8xf32, #tpu.memory_space<hbm>>, %arg5: memref<6256x8xf32, #tpu.memory_space<hbm>>, %arg6: memref<200192x8xf32, #tpu.memory_space<hbm>>, %arg7: memref<1000xi32, #tpu.memory_space<vmem>>, %arg8: memref<1000xi32, #tpu.memory_space<vmem>>, %arg9: memref<1000xi32, #tpu.memory_space<vmem>>, %arg10: memref<1000xi32, #tpu.memory_space<vmem>>, %arg11: memref<1000x8xf32, #tpu.memory_space<vmem>>, %arg12: memref<1000x8xf32, #tpu.memory_space<vmem>>, %arg13: memref<6256x8xf32, #tpu.memory_space<vmem>>, %arg14: memref<100096x8xf32, #tpu.memory_space<vmem_shared>>, %arg15: memref<8xf32, #tpu.memory_space<vmem>>, %arg16: memref<!tpu.dma_semaphore, #tpu.memory_space<semaphore_mem>>, %arg17: memref<!tpu.dma_semaphore, #tpu.memory_space<semaphore_mem>>, %arg18: memref<!tpu.dma_semaphore, #tpu.memory_space<semaphore_mem>>, %arg19: memref<!tpu.dma_semaphore, #tpu.memory_space<semaphore_mem>>, %arg20: memref<!tpu.dma_semaphore, #tpu.memory_space<semaphore_mem>>, %arg21: memref<!tpu.dma_semaphore, #tpu.memory_space<semaphore_mem>>, %arg22: memref<!tpu.dma_semaphore, #tpu.memory_space<semaphore_mem>>, %arg23: memref<!tpu.dma_semaphore, #tpu.memory_space<semaphore_mem>>) attributes {dimension_semantics = [#tpu.dimension_semantics<core_parallel>, #tpu.dimension_semantics<subcore_parallel>], iteration_bounds = array<i64: 2, 16>, scalar_prefetch = 0 : i64, scratch_operands = 17 : i64, tpu.core_type = #tpu.core_type<sc_vector_subcore>, window_params = [{transform_indices = #map}, {transform_indices = #map}, {transform_indices = #map}, {transform_indices = #map}, {transform_indices = #map}]} {
    %mul3A = arith.constant 2 : i32
    %mul3A_0 = arith.muli %arg1, %mul3A : i32
    %add3A = arith.addi %mul3A_0, %arg0 : i32
    %mul3A_1 = arith.constant 50000 : i32
    %mul3A_2 = arith.muli %add3A, %mul3A_1 : i32
    %run_scoped3A = arith.constant 0 : i32
    "tpu.region"() ({
      %run_scoped3A_18 = tpu.sem_alloc : memref<!tpu.dma_semaphore, #tpu.memory_space<semaphore_mem>>
      %dma_start3A = arith.constant 0 : i32
      %dma_start3A_19 = tpu.memref_slice %arg3[%run_scoped3A, %dma_start3A] : memref<200192x8xf32, #tpu.memory_space<hbm>> -> memref<1x8xf32, #tpu.memory_space<hbm>>
      %dma_start3A_20 = tpu.memref_squeeze %dma_start3A_19 : memref<1x8xf32, #tpu.memory_space<hbm>> -> memref<8xf32, #tpu.memory_space<hbm>>
      %dma_start3A_21 = arith.constant 0 : i32
      %dma_start3A_22 = tpu.memref_slice %arg3[%run_scoped3A, %dma_start3A_21] : memref<200192x8xf32, #tpu.memory_space<hbm>> -> memref<1x8xf32, #tpu.memory_space<hbm>>
      %dma_start3A_23 = tpu.memref_squeeze %dma_start3A_22 : memref<1x8xf32, #tpu.memory_space<hbm>> -> memref<8xf32, #tpu.memory_space<hbm>>
      tpu.enqueue_dma source(%dma_start3A_23 : memref<8xf32, #tpu.memory_space<hbm>>) target(%arg15 : memref<8xf32, #tpu.memory_space<vmem>>) target_semaphore(%run_scoped3A_18 : memref<!tpu.dma_semaphore, #tpu.memory_space<semaphore_mem>>)
      %dma_wait3A = arith.constant 0 : i32
      %dma_wait3A_24 = tpu.memref_slice %arg3[%run_scoped3A, %dma_wait3A] : memref<200192x8xf32, #tpu.memory_space<hbm>> -> memref<1x8xf32, #tpu.memory_space<hbm>>
      %dma_wait3A_25 = tpu.memref_squeeze %dma_wait3A_24 : memref<1x8xf32, #tpu.memory_space<hbm>> -> memref<8xf32, #tpu.memory_space<hbm>>
      %dma_wait3A_26 = arith.constant 0 : i32
      %dma_wait3A_27 = tpu.memref_slice %arg3[%run_scoped3A, %dma_wait3A_26] : memref<200192x8xf32, #tpu.memory_space<hbm>> -> memref<1x8xf32, #tpu.memory_space<hbm>>
      %dma_wait3A_28 = tpu.memref_squeeze %dma_wait3A_27 : memref<1x8xf32, #tpu.memory_space<hbm>> -> memref<8xf32, #tpu.memory_space<hbm>>
      tpu.wait_dma2 semaphore(%run_scoped3A_18 : memref<!tpu.dma_semaphore, #tpu.memory_space<semaphore_mem>>) src(%dma_wait3A_28 : memref<8xf32, #tpu.memory_space<hbm>>) dst(%arg15 : memref<8xf32, #tpu.memory_space<vmem>>)
      tpu.yield
    }) : () -> ()
    "tpu.region"() ({
      %run_scoped3A_18 = tpu.sem_alloc : memref<!tpu.dma_semaphore, #tpu.memory_space<semaphore_mem>>
      tpu.enqueue_dma source(%arg5 : memref<6256x8xf32, #tpu.memory_space<hbm>>) target(%arg13 : memref<6256x8xf32, #tpu.memory_space<vmem>>) target_semaphore(%run_scoped3A_18 : memref<!tpu.dma_semaphore, #tpu.memory_space<semaphore_mem>>)
      tpu.wait_dma2 semaphore(%run_scoped3A_18 : memref<!tpu.dma_semaphore, #tpu.memory_space<semaphore_mem>>) src(%arg5 : memref<6256x8xf32, #tpu.memory_space<hbm>>) dst(%arg13 : memref<6256x8xf32, #tpu.memory_space<vmem>>)
      tpu.yield
    }) : () -> ()
    %mul3A_3 = arith.constant 6256 : i32
    %mul3A_4 = arith.muli %arg1, %mul3A_3 : i32
    "tpu.region"() ({
      %run_scoped3A_18 = tpu.sem_alloc : memref<!tpu.dma_semaphore, #tpu.memory_space<semaphore_mem>>
      %dma_start3A = arith.constant 0 : i32
      %dma_start3A_19 = tpu.memref_slice %arg14[%mul3A_4, %dma_start3A] : memref<100096x8xf32, #tpu.memory_space<vmem_shared>> -> memref<6256x8xf32, #tpu.memory_space<vmem_shared>>
      %dma_start3A_20 = arith.constant 0 : i32
      %dma_start3A_21 = tpu.memref_slice %arg14[%mul3A_4, %dma_start3A_20] : memref<100096x8xf32, #tpu.memory_space<vmem_shared>> -> memref<6256x8xf32, #tpu.memory_space<vmem_shared>>
      tpu.enqueue_dma source(%arg13 : memref<6256x8xf32, #tpu.memory_space<vmem>>) target(%dma_start3A_21 : memref<6256x8xf32, #tpu.memory_space<vmem_shared>>) target_semaphore(%run_scoped3A_18 : memref<!tpu.dma_semaphore, #tpu.memory_space<semaphore_mem>>)
      %dma_wait3A = arith.constant 0 : i32
      %dma_wait3A_22 = tpu.memref_slice %arg14[%mul3A_4, %dma_wait3A] : memref<100096x8xf32, #tpu.memory_space<vmem_shared>> -> memref<6256x8xf32, #tpu.memory_space<vmem_shared>>
      %dma_wait3A_23 = arith.constant 0 : i32
      %dma_wait3A_24 = tpu.memref_slice %arg14[%mul3A_4, %dma_wait3A_23] : memref<100096x8xf32, #tpu.memory_space<vmem_shared>> -> memref<6256x8xf32, #tpu.memory_space<vmem_shared>>
      tpu.wait_dma2 semaphore(%run_scoped3A_18 : memref<!tpu.dma_semaphore, #tpu.memory_space<semaphore_mem>>) src(%arg13 : memref<6256x8xf32, #tpu.memory_space<vmem>>) dst(%dma_wait3A_24 : memref<6256x8xf32, #tpu.memory_space<vmem_shared>>)
      tpu.yield
    }) : () -> ()
    %barrier3A = arith.constant 0 : index
    tpu.barrier barrier_id(%barrier3A)
    %scan3A = arith.constant 0 : i32
    %scan3A_5 = arith.constant 0 : i32
    %scan3A_6 = arith.constant 25 : i32
    %scan3A_7 = arith.addi %scan3A_5, %scan3A_6 : i32
    %scan3A_8 = arith.constant 1 : i32
    scf.for %scan3A_18 = %scan3A_5 to %scan3A_7 step %scan3A_8  : i32 {
      %mul3A_19 = arith.constant 2 : i32
      %mul3A_20 = arith.muli %mul3A_19, %scan3A_18 : i32
      %mul3A_21 = arith.constant 1000 : i32
      %mul3A_22 = arith.muli %mul3A_20, %mul3A_21 : i32
      %add3A_23 = arith.addi %mul3A_2, %mul3A_22 : i32
      %dma_start3A = arith.constant 0 : i32
      %dma_start3A_24 = tpu.memref_slice %arg2[%dma_start3A, %add3A_23] : memref<2x1600000xi32, #tpu.memory_space<hbm>> -> memref<1x1000xi32, #tpu.memory_space<hbm>>
      %dma_start3A_25 = tpu.memref_squeeze %dma_start3A_24 : memref<1x1000xi32, #tpu.memory_space<hbm>> -> memref<1000xi32, #tpu.memory_space<hbm>>
      %dma_start3A_26 = tpu.memref_slice %arg2[%dma_start3A, %add3A_23] : memref<2x1600000xi32, #tpu.memory_space<hbm>> -> memref<1x1000xi32, #tpu.memory_space<hbm>>
      %dma_start3A_27 = tpu.memref_squeeze %dma_start3A_26 : memref<1x1000xi32, #tpu.memory_space<hbm>> -> memref<1000xi32, #tpu.memory_space<hbm>>
      tpu.enqueue_dma source(%dma_start3A_27 : memref<1000xi32, #tpu.memory_space<hbm>>) target(%arg7 : memref<1000xi32, #tpu.memory_space<vmem>>) target_semaphore(%arg16 : memref<!tpu.dma_semaphore, #tpu.memory_space<semaphore_mem>>)
      %dma_start3A_28 = arith.constant 1 : i32
      %dma_start3A_29 = tpu.memref_slice %arg2[%dma_start3A_28, %add3A_23] : memref<2x1600000xi32, #tpu.memory_space<hbm>> -> memref<1x1000xi32, #tpu.memory_space<hbm>>
      %dma_start3A_30 = tpu.memref_squeeze %dma_start3A_29 : memref<1x1000xi32, #tpu.memory_space<hbm>> -> memref<1000xi32, #tpu.memory_space<hbm>>
      %dma_start3A_31 = tpu.memref_slice %arg2[%dma_start3A_28, %add3A_23] : memref<2x1600000xi32, #tpu.memory_space<hbm>> -> memref<1x1000xi32, #tpu.memory_space<hbm>>
      %dma_start3A_32 = tpu.memref_squeeze %dma_start3A_31 : memref<1x1000xi32, #tpu.memory_space<hbm>> -> memref<1000xi32, #tpu.memory_space<hbm>>
      tpu.enqueue_dma source(%dma_start3A_32 : memref<1000xi32, #tpu.memory_space<hbm>>) target(%arg9 : memref<1000xi32, #tpu.memory_space<vmem>>) target_semaphore(%arg18 : memref<!tpu.dma_semaphore, #tpu.memory_space<semaphore_mem>>)
      %add3A_33 = arith.constant 1000 : i32
      %add3A_34 = arith.addi %add3A_23, %add3A_33 : i32
      %dma_start3A_35 = arith.constant 0 : i32
      %dma_start3A_36 = tpu.memref_slice %arg2[%dma_start3A_35, %add3A_34] : memref<2x1600000xi32, #tpu.memory_space<hbm>> -> memref<1x1000xi32, #tpu.memory_space<hbm>>
      %dma_start3A_37 = tpu.memref_squeeze %dma_start3A_36 : memref<1x1000xi32, #tpu.memory_space<hbm>> -> memref<1000xi32, #tpu.memory_space<hbm>>
      %dma_start3A_38 = tpu.memref_slice %arg2[%dma_start3A_35, %add3A_34] : memref<2x1600000xi32, #tpu.memory_space<hbm>> -> memref<1x1000xi32, #tpu.memory_space<hbm>>
      %dma_start3A_39 = tpu.memref_squeeze %dma_start3A_38 : memref<1x1000xi32, #tpu.memory_space<hbm>> -> memref<1000xi32, #tpu.memory_space<hbm>>
      tpu.enqueue_dma source(%dma_start3A_39 : memref<1000xi32, #tpu.memory_space<hbm>>) target(%arg8 : memref<1000xi32, #tpu.memory_space<vmem>>) target_semaphore(%arg17 : memref<!tpu.dma_semaphore, #tpu.memory_space<semaphore_mem>>)
      %add3A_40 = arith.constant 1000 : i32
      %add3A_41 = arith.addi %add3A_23, %add3A_40 : i32
      %dma_start3A_42 = arith.constant 1 : i32
      %dma_start3A_43 = tpu.memref_slice %arg2[%dma_start3A_42, %add3A_41] : memref<2x1600000xi32, #tpu.memory_space<hbm>> -> memref<1x1000xi32, #tpu.memory_space<hbm>>
      %dma_start3A_44 = tpu.memref_squeeze %dma_start3A_43 : memref<1x1000xi32, #tpu.memory_space<hbm>> -> memref<1000xi32, #tpu.memory_space<hbm>>
      %dma_start3A_45 = tpu.memref_slice %arg2[%dma_start3A_42, %add3A_41] : memref<2x1600000xi32, #tpu.memory_space<hbm>> -> memref<1x1000xi32, #tpu.memory_space<hbm>>
      %dma_start3A_46 = tpu.memref_squeeze %dma_start3A_45 : memref<1x1000xi32, #tpu.memory_space<hbm>> -> memref<1000xi32, #tpu.memory_space<hbm>>
      tpu.enqueue_dma source(%dma_start3A_46 : memref<1000xi32, #tpu.memory_space<hbm>>) target(%arg10 : memref<1000xi32, #tpu.memory_space<vmem>>) target_semaphore(%arg19 : memref<!tpu.dma_semaphore, #tpu.memory_space<semaphore_mem>>)
      %dma_wait3A = arith.constant 0 : i32
      %dma_wait3A_47 = tpu.memref_slice %arg2[%dma_wait3A, %add3A_23] : memref<2x1600000xi32, #tpu.memory_space<hbm>> -> memref<1x1000xi32, #tpu.memory_space<hbm>>
      %dma_wait3A_48 = tpu.memref_squeeze %dma_wait3A_47 : memref<1x1000xi32, #tpu.memory_space<hbm>> -> memref<1000xi32, #tpu.memory_space<hbm>>
      %dma_wait3A_49 = tpu.memref_slice %arg2[%dma_wait3A, %add3A_23] : memref<2x1600000xi32, #tpu.memory_space<hbm>> -> memref<1x1000xi32, #tpu.memory_space<hbm>>
      %dma_wait3A_50 = tpu.memref_squeeze %dma_wait3A_49 : memref<1x1000xi32, #tpu.memory_space<hbm>> -> memref<1000xi32, #tpu.memory_space<hbm>>
      tpu.wait_dma2 semaphore(%arg16 : memref<!tpu.dma_semaphore, #tpu.memory_space<semaphore_mem>>) src(%dma_wait3A_50 : memref<1000xi32, #tpu.memory_space<hbm>>) dst(%arg7 : memref<1000xi32, #tpu.memory_space<vmem>>)
      %dma_start3A_51 = arith.constant 0 : i32
      %dma_start3A_52 = arith.constant 0 : i32
      %dma_start3A_53 = tpu.memref_slice %arg4[%dma_start3A_51, %dma_start3A_52] : memref<100096x8xf32, #tpu.memory_space<hbm>> -> memref<100096x8xf32, #tpu.memory_space<hbm>>
      tpu.enqueue_indirect_dma source(%dma_start3A_53 : memref<100096x8xf32, #tpu.memory_space<hbm>>) target(%arg11 : memref<1000x8xf32, #tpu.memory_space<vmem>>) offsets(%arg7 : memref<1000xi32, #tpu.memory_space<vmem>>) semaphore(%arg20 : memref<!tpu.dma_semaphore, #tpu.memory_space<semaphore_mem>>)
      %dma_wait3A_54 = arith.constant 0 : i32
      %dma_wait3A_55 = tpu.memref_slice %arg2[%dma_wait3A_54, %add3A_34] : memref<2x1600000xi32, #tpu.memory_space<hbm>> -> memref<1x1000xi32, #tpu.memory_space<hbm>>
      %dma_wait3A_56 = tpu.memref_squeeze %dma_wait3A_55 : memref<1x1000xi32, #tpu.memory_space<hbm>> -> memref<1000xi32, #tpu.memory_space<hbm>>
      %dma_wait3A_57 = tpu.memref_slice %arg2[%dma_wait3A_54, %add3A_34] : memref<2x1600000xi32, #tpu.memory_space<hbm>> -> memref<1x1000xi32, #tpu.memory_space<hbm>>
      %dma_wait3A_58 = tpu.memref_squeeze %dma_wait3A_57 : memref<1x1000xi32, #tpu.memory_space<hbm>> -> memref<1000xi32, #tpu.memory_space<hbm>>
      tpu.wait_dma2 semaphore(%arg17 : memref<!tpu.dma_semaphore, #tpu.memory_space<semaphore_mem>>) src(%dma_wait3A_58 : memref<1000xi32, #tpu.memory_space<hbm>>) dst(%arg8 : memref<1000xi32, #tpu.memory_space<vmem>>)
      %dma_start3A_59 = arith.constant 0 : i32
      %dma_start3A_60 = arith.constant 0 : i32
      %dma_start3A_61 = tpu.memref_slice %arg4[%dma_start3A_59, %dma_start3A_60] : memref<100096x8xf32, #tpu.memory_space<hbm>> -> memref<100096x8xf32, #tpu.memory_space<hbm>>
      tpu.enqueue_indirect_dma source(%dma_start3A_61 : memref<100096x8xf32, #tpu.memory_space<hbm>>) target(%arg12 : memref<1000x8xf32, #tpu.memory_space<vmem>>) offsets(%arg8 : memref<1000xi32, #tpu.memory_space<vmem>>) semaphore(%arg21 : memref<!tpu.dma_semaphore, #tpu.memory_space<semaphore_mem>>)
      %dma_wait3A_62 = arith.constant 0 : i32
      %dma_wait3A_63 = arith.constant 0 : i32
      %dma_wait3A_64 = tpu.memref_slice %arg4[%dma_wait3A_62, %dma_wait3A_63] : memref<100096x8xf32, #tpu.memory_space<hbm>> -> memref<100096x8xf32, #tpu.memory_space<hbm>>
      tpu.wait_indirect_dma semaphore(%arg20 : memref<!tpu.dma_semaphore, #tpu.memory_space<semaphore_mem>>) src(%dma_wait3A_64 : memref<100096x8xf32, #tpu.memory_space<hbm>>) dst(%arg11 : memref<1000x8xf32, #tpu.memory_space<vmem>>)
      %dma_wait3A_65 = arith.constant 1 : i32
      %dma_wait3A_66 = tpu.memref_slice %arg2[%dma_wait3A_65, %add3A_23] : memref<2x1600000xi32, #tpu.memory_space<hbm>> -> memref<1x1000xi32, #tpu.memory_space<hbm>>
      %dma_wait3A_67 = tpu.memref_squeeze %dma_wait3A_66 : memref<1x1000xi32, #tpu.memory_space<hbm>> -> memref<1000xi32, #tpu.memory_space<hbm>>
      %dma_wait3A_68 = tpu.memref_slice %arg2[%dma_wait3A_65, %add3A_23] : memref<2x1600000xi32, #tpu.memory_space<hbm>> -> memref<1x1000xi32, #tpu.memory_space<hbm>>
      %dma_wait3A_69 = tpu.memref_squeeze %dma_wait3A_68 : memref<1x1000xi32, #tpu.memory_space<hbm>> -> memref<1000xi32, #tpu.memory_space<hbm>>
      tpu.wait_dma2 semaphore(%arg18 : memref<!tpu.dma_semaphore, #tpu.memory_space<semaphore_mem>>) src(%dma_wait3A_69 : memref<1000xi32, #tpu.memory_space<hbm>>) dst(%arg9 : memref<1000xi32, #tpu.memory_space<vmem>>)
      %dma_start3A_70 = arith.constant 0 : i32
      %dma_start3A_71 = arith.constant 0 : i32
      %dma_start3A_72 = tpu.memref_slice %arg14[%dma_start3A_70, %dma_start3A_71] : memref<100096x8xf32, #tpu.memory_space<vmem_shared>> -> memref<100096x8xf32, #tpu.memory_space<vmem_shared>>
      tpu.enqueue_indirect_dma source(%arg11 : memref<1000x8xf32, #tpu.memory_space<vmem>>) target(%dma_start3A_72 : memref<100096x8xf32, #tpu.memory_space<vmem_shared>>) offsets(%arg9 : memref<1000xi32, #tpu.memory_space<vmem>>) semaphore(%arg22 : memref<!tpu.dma_semaphore, #tpu.memory_space<semaphore_mem>>) {add = true}
      %dma_wait3A_73 = arith.constant 0 : i32
      %dma_wait3A_74 = arith.constant 0 : i32
      %dma_wait3A_75 = tpu.memref_slice %arg4[%dma_wait3A_73, %dma_wait3A_74] : memref<100096x8xf32, #tpu.memory_space<hbm>> -> memref<100096x8xf32, #tpu.memory_space<hbm>>
      tpu.wait_indirect_dma semaphore(%arg21 : memref<!tpu.dma_semaphore, #tpu.memory_space<semaphore_mem>>) src(%dma_wait3A_75 : memref<100096x8xf32, #tpu.memory_space<hbm>>) dst(%arg12 : memref<1000x8xf32, #tpu.memory_space<vmem>>)
      %dma_wait3A_76 = arith.constant 1 : i32
      %dma_wait3A_77 = tpu.memref_slice %arg2[%dma_wait3A_76, %add3A_41] : memref<2x1600000xi32, #tpu.memory_space<hbm>> -> memref<1x1000xi32, #tpu.memory_space<hbm>>
      %dma_wait3A_78 = tpu.memref_squeeze %dma_wait3A_77 : memref<1x1000xi32, #tpu.memory_space<hbm>> -> memref<1000xi32, #tpu.memory_space<hbm>>
      %dma_wait3A_79 = tpu.memref_slice %arg2[%dma_wait3A_76, %add3A_41] : memref<2x1600000xi32, #tpu.memory_space<hbm>> -> memref<1x1000xi32, #tpu.memory_space<hbm>>
      %dma_wait3A_80 = tpu.memref_squeeze %dma_wait3A_79 : memref<1x1000xi32, #tpu.memory_space<hbm>> -> memref<1000xi32, #tpu.memory_space<hbm>>
      tpu.wait_dma2 semaphore(%arg19 : memref<!tpu.dma_semaphore, #tpu.memory_space<semaphore_mem>>) src(%dma_wait3A_80 : memref<1000xi32, #tpu.memory_space<hbm>>) dst(%arg10 : memref<1000xi32, #tpu.memory_space<vmem>>)
      %dma_start3A_81 = arith.constant 0 : i32
      %dma_start3A_82 = arith.constant 0 : i32
      %dma_start3A_83 = tpu.memref_slice %arg14[%dma_start3A_81, %dma_start3A_82] : memref<100096x8xf32, #tpu.memory_space<vmem_shared>> -> memref<100096x8xf32, #tpu.memory_space<vmem_shared>>
      tpu.enqueue_indirect_dma source(%arg12 : memref<1000x8xf32, #tpu.memory_space<vmem>>) target(%dma_start3A_83 : memref<100096x8xf32, #tpu.memory_space<vmem_shared>>) offsets(%arg10 : memref<1000xi32, #tpu.memory_space<vmem>>) semaphore(%arg23 : memref<!tpu.dma_semaphore, #tpu.memory_space<semaphore_mem>>) {add = true}
      %dma_wait3A_84 = arith.constant 0 : i32
      %dma_wait3A_85 = arith.constant 0 : i32
      %dma_wait3A_86 = tpu.memref_slice %arg14[%dma_wait3A_84, %dma_wait3A_85] : memref<100096x8xf32, #tpu.memory_space<vmem_shared>> -> memref<100096x8xf32, #tpu.memory_space<vmem_shared>>
      tpu.wait_indirect_dma semaphore(%arg22 : memref<!tpu.dma_semaphore, #tpu.memory_space<semaphore_mem>>) src(%arg11 : memref<1000x8xf32, #tpu.memory_space<vmem>>) dst(%dma_wait3A_86 : memref<100096x8xf32, #tpu.memory_space<vmem_shared>>)
      %dma_wait3A_87 = arith.constant 0 : i32
      %dma_wait3A_88 = arith.constant 0 : i32
      %dma_wait3A_89 = tpu.memref_slice %arg14[%dma_wait3A_87, %dma_wait3A_88] : memref<100096x8xf32, #tpu.memory_space<vmem_shared>> -> memref<100096x8xf32, #tpu.memory_space<vmem_shared>>
      tpu.wait_indirect_dma semaphore(%arg23 : memref<!tpu.dma_semaphore, #tpu.memory_space<semaphore_mem>>) src(%arg12 : memref<1000x8xf32, #tpu.memory_space<vmem>>) dst(%dma_wait3A_89 : memref<100096x8xf32, #tpu.memory_space<vmem_shared>>)
    }
    %scan3A_9 = arith.constant 25 : i32
    %barrier3A_10 = arith.constant 0 : index
    tpu.barrier barrier_id(%barrier3A_10)
    %mul3A_11 = arith.constant 6256 : i32
    %mul3A_12 = arith.muli %arg1, %mul3A_11 : i32
    "tpu.region"() ({
      %run_scoped3A_18 = tpu.sem_alloc : memref<!tpu.dma_semaphore, #tpu.memory_space<semaphore_mem>>
      %dma_start3A = arith.constant 0 : i32
      %dma_start3A_19 = tpu.memref_slice %arg14[%mul3A_12, %dma_start3A] : memref<100096x8xf32, #tpu.memory_space<vmem_shared>> -> memref<6256x8xf32, #tpu.memory_space<vmem_shared>>
      %dma_start3A_20 = arith.constant 0 : i32
      %dma_start3A_21 = tpu.memref_slice %arg14[%mul3A_12, %dma_start3A_20] : memref<100096x8xf32, #tpu.memory_space<vmem_shared>> -> memref<6256x8xf32, #tpu.memory_space<vmem_shared>>
      tpu.enqueue_dma source(%dma_start3A_21 : memref<6256x8xf32, #tpu.memory_space<vmem_shared>>) target(%arg13 : memref<6256x8xf32, #tpu.memory_space<vmem>>) target_semaphore(%run_scoped3A_18 : memref<!tpu.dma_semaphore, #tpu.memory_space<semaphore_mem>>)
      %dma_wait3A = arith.constant 0 : i32
      %dma_wait3A_22 = tpu.memref_slice %arg14[%mul3A_12, %dma_wait3A] : memref<100096x8xf32, #tpu.memory_space<vmem_shared>> -> memref<6256x8xf32, #tpu.memory_space<vmem_shared>>
      %dma_wait3A_23 = arith.constant 0 : i32
      %dma_wait3A_24 = tpu.memref_slice %arg14[%mul3A_12, %dma_wait3A_23] : memref<100096x8xf32, #tpu.memory_space<vmem_shared>> -> memref<6256x8xf32, #tpu.memory_space<vmem_shared>>
      tpu.wait_dma2 semaphore(%run_scoped3A_18 : memref<!tpu.dma_semaphore, #tpu.memory_space<semaphore_mem>>) src(%dma_wait3A_24 : memref<6256x8xf32, #tpu.memory_space<vmem_shared>>) dst(%arg13 : memref<6256x8xf32, #tpu.memory_space<vmem>>)
      tpu.yield
    }) : () -> ()
    %mul3A_13 = arith.constant 100096 : i32
    %mul3A_14 = arith.muli %arg0, %mul3A_13 : i32
    %mul3A_15 = arith.constant 6256 : i32
    %mul3A_16 = arith.muli %arg1, %mul3A_15 : i32
    %add3A_17 = arith.addi %mul3A_14, %mul3A_16 : i32
    "tpu.region"() ({
      %run_scoped3A_18 = tpu.sem_alloc : memref<!tpu.dma_semaphore, #tpu.memory_space<semaphore_mem>>
      %dma_start3A = arith.constant 0 : i32
      %dma_start3A_19 = tpu.memref_slice %arg6[%add3A_17, %dma_start3A] : memref<200192x8xf32, #tpu.memory_space<hbm>> -> memref<6256x8xf32, #tpu.memory_space<hbm>>
      %dma_start3A_20 = arith.constant 0 : i32
      %dma_start3A_21 = tpu.memref_slice %arg6[%add3A_17, %dma_start3A_20] : memref<200192x8xf32, #tpu.memory_space<hbm>> -> memref<6256x8xf32, #tpu.memory_space<hbm>>
      tpu.enqueue_dma source(%arg13 : memref<6256x8xf32, #tpu.memory_space<vmem>>) target(%dma_start3A_21 : memref<6256x8xf32, #tpu.memory_space<hbm>>) target_semaphore(%run_scoped3A_18 : memref<!tpu.dma_semaphore, #tpu.memory_space<semaphore_mem>>)
      %dma_wait3A = arith.constant 0 : i32
      %dma_wait3A_22 = tpu.memref_slice %arg6[%add3A_17, %dma_wait3A] : memref<200192x8xf32, #tpu.memory_space<hbm>> -> memref<6256x8xf32, #tpu.memory_space<hbm>>
      %dma_wait3A_23 = arith.constant 0 : i32
      %dma_wait3A_24 = tpu.memref_slice %arg6[%add3A_17, %dma_wait3A_23] : memref<200192x8xf32, #tpu.memory_space<hbm>> -> memref<6256x8xf32, #tpu.memory_space<hbm>>
      tpu.wait_dma2 semaphore(%run_scoped3A_18 : memref<!tpu.dma_semaphore, #tpu.memory_space<semaphore_mem>>) src(%arg13 : memref<6256x8xf32, #tpu.memory_space<vmem>>) dst(%dma_wait3A_24 : memref<6256x8xf32, #tpu.memory_space<hbm>>)
      tpu.yield
    }) : () -> ()
    return
  }
}

module attributes {stable_mosaic.version = 14 : i64} {
  func.func @_stage_a_body(%arg0: i32, %arg1: memref<136x128xf32, #tpu.memory_space<vmem>>, %arg2: memref<136x128xf32, #tpu.memory_space<vmem>>, %arg3: memref<136x128xf32, #tpu.memory_space<vmem>>, %arg4: memref<2x128x128xf32, #tpu.memory_space<vmem>>, %arg5: memref<136x128xf32, #tpu.memory_space<vmem>>, %arg6: memref<136x256xf32, #tpu.memory_space<vmem>>, %arg7: memref<136x128xf32, #tpu.memory_space<vmem>>) attributes {dimension_semantics = [#tpu.dimension_semantics<arbitrary>], iteration_bounds = array<i64: 23>, scalar_prefetch = 0 : i64, scratch_operands = 0 : i64, tpu.core_type = #tpu.core_type<tc>, window_params = [{transform_indices = @transform_0, window_bounds = array<i64: 136, 128>}, {transform_indices = @transform_1, window_bounds = array<i64: 136, 128>}, {transform_indices = @transform_2, window_bounds = array<i64: 136, 128>}, {pipeline_mode = #tpu.pipeline_mode<synchronous>, transform_indices = @transform_3, window_bounds = array<i64: 2, 128, 128>}, {transform_indices = @transform_4, window_bounds = array<i64: 136, 128>}, {transform_indices = @transform_5, window_bounds = array<i64: 136, 256>}, {transform_indices = @transform_6, window_bounds = array<i64: 136, 128>}]} {
    %get3A = arith.constant 0 : index
    %get3A_0 = arith.constant 0 : index
    %get3A_1 = vector.load %arg1[%get3A, %get3A_0] : memref<136x128xf32, #tpu.memory_space<vmem>>, vector<136x128xf32>
    %get3A_2 = arith.constant 0 : index
    %get3A_3 = arith.constant 0 : index
    %get3A_4 = vector.load %arg2[%get3A_2, %get3A_3] : memref<136x128xf32, #tpu.memory_space<vmem>>, vector<136x128xf32>
    %add3A = arith.addf %get3A_1, %get3A_4 : vector<136x128xf32>
    %add3A_5 = arith.constant 1.000000e+00 : f32
    %add3A_6 = vector.broadcast %add3A_5 : f32 to vector<136x128xf32>
    %add3A_7 = arith.addf %add3A, %add3A_6 : vector<136x128xf32>
    %rsqrt3A = math.rsqrt %add3A_7 : vector<136x128xf32>
    %swap3A = arith.constant 0 : index
    %swap3A_8 = arith.constant 0 : index
    %swap3A_9 = vector.load %arg5[%swap3A, %swap3A_8] : memref<136x128xf32, #tpu.memory_space<vmem>>, vector<136x128xf32>
    tpu.vector_store %arg5[%swap3A, %swap3A_8], %rsqrt3A {strides = array<i32>} : memref<136x128xf32, #tpu.memory_space<vmem>>, vector<136x128xf32>,
    %get3A_10 = arith.constant 0 : index
    %get3A_11 = arith.constant 0 : index
    %get3A_12 = arith.constant 0 : index
    %get3A_13 = vector.load %arg4[%get3A_10, %get3A_11, %get3A_12] : memref<2x128x128xf32, #tpu.memory_space<vmem>>, vector<1x128x128xf32>
    %get3A_14 = vector.shape_cast %get3A_13 : vector<1x128x128xf32> to vector<128x128xf32>
    %dot_general3A = arith.constant dense<0.000000e+00> : vector<136x128xf32>
    %dot_general3A_15 = tpu.matmul %rsqrt3A, %get3A_14, %dot_general3A {dimension_numbers = #tpu.dot_dimension_numbers<[1], [0], [0], [1], [0, 0, 1, 1], [], []>, transpose_lhs_hint = false} : vector<136x128xf32>, vector<128x128xf32>, vector<136x128xf32> -> vector<136x128xf32>
    %get3A_16 = arith.constant 1 : index
    %get3A_17 = arith.constant 0 : index
    %get3A_18 = arith.constant 0 : index
    %get3A_19 = vector.load %arg4[%get3A_16, %get3A_17, %get3A_18] : memref<2x128x128xf32, #tpu.memory_space<vmem>>, vector<1x128x128xf32>
    %get3A_20 = vector.shape_cast %get3A_19 : vector<1x128x128xf32> to vector<128x128xf32>
    %dot_general3A_21 = arith.constant dense<0.000000e+00> : vector<136x128xf32>
    %dot_general3A_22 = tpu.matmul %rsqrt3A, %get3A_20, %dot_general3A_21 {dimension_numbers = #tpu.dot_dimension_numbers<[1], [0], [0], [1], [0, 0, 1, 1], [], []>, transpose_lhs_hint = false} : vector<136x128xf32>, vector<128x128xf32>, vector<136x128xf32> -> vector<136x128xf32>
    %concatenate3A = tpu.concatenate %dot_general3A_15, %dot_general3A_22 in 1 : vector<136x128xf32>, vector<136x128xf32> -> vector<136x256xf32>
    %swap3A_23 = arith.constant 0 : index
    %swap3A_24 = arith.constant 0 : index
    %swap3A_25 = vector.load %arg6[%swap3A_23, %swap3A_24] : memref<136x256xf32, #tpu.memory_space<vmem>>, vector<136x256xf32>
    tpu.vector_store %arg6[%swap3A_23, %swap3A_24], %concatenate3A {strides = array<i32>} : memref<136x256xf32, #tpu.memory_space<vmem>>, vector<136x256xf32>,
    %get3A_26 = arith.constant 0 : index
    %get3A_27 = arith.constant 0 : index
    %get3A_28 = vector.load %arg3[%get3A_26, %get3A_27] : memref<136x128xf32, #tpu.memory_space<vmem>>, vector<136x128xf32>
    %mul3A = arith.mulf %get3A_28, %rsqrt3A : vector<136x128xf32>
    %swap3A_29 = arith.constant 0 : index
    %swap3A_30 = arith.constant 0 : index
    %swap3A_31 = vector.load %arg7[%swap3A_29, %swap3A_30] : memref<136x128xf32, #tpu.memory_space<vmem>>, vector<136x128xf32>
    tpu.vector_store %arg7[%swap3A_29, %swap3A_30], %mul3A {strides = array<i32>} : memref<136x128xf32, #tpu.memory_space<vmem>>, vector<136x128xf32>,
    return
  }
  func.func @transform_0(%arg0: i32) -> (i32, i32) {
    %c0_i32 = arith.constant 0 : i32
    %c0_i32_0 = arith.constant 0 : i32
    return %arg0, %c0_i32 : i32, i32
  }
  func.func @transform_1(%arg0: i32) -> (i32, i32) {
    %c0_i32 = arith.constant 0 : i32
    %c0_i32_0 = arith.constant 0 : i32
    return %arg0, %c0_i32 : i32, i32
  }
  func.func @transform_2(%arg0: i32) -> (i32, i32) {
    %c0_i32 = arith.constant 0 : i32
    %c0_i32_0 = arith.constant 0 : i32
    return %arg0, %c0_i32 : i32, i32
  }
  func.func @transform_3(%arg0: i32) -> (i32, i32, i32) {
    %c0_i32 = arith.constant 0 : i32
    %c0_i32_0 = arith.constant 0 : i32
    %c0_i32_1 = arith.constant 0 : i32
    %c0_i32_2 = arith.constant 0 : i32
    return %c0_i32, %c0_i32_0, %c0_i32_1 : i32, i32, i32
  }
  func.func @transform_4(%arg0: i32) -> (i32, i32) {
    %c0_i32 = arith.constant 0 : i32
    %c0_i32_0 = arith.constant 0 : i32
    return %arg0, %c0_i32 : i32, i32
  }
  func.func @transform_5(%arg0: i32) -> (i32, i32) {
    %c0_i32 = arith.constant 0 : i32
    %c0_i32_0 = arith.constant 0 : i32
    return %arg0, %c0_i32 : i32, i32
  }
  func.func @transform_6(%arg0: i32) -> (i32, i32) {
    %c0_i32 = arith.constant 0 : i32
    %c0_i32_0 = arith.constant 0 : i32
    return %arg0, %c0_i32 : i32, i32
  }
}

module attributes {stable_mosaic.version = 14 : i64} {
  func.func @_stage_b_body(%arg0: i32, %arg1: memref<136x128xf32, #tpu.memory_space<vmem>>, %arg2: memref<136x128xf32, #tpu.memory_space<vmem>>, %arg3: memref<136x128xf32, #tpu.memory_space<vmem>>, %arg4: memref<136x128xf32, #tpu.memory_space<vmem>>, %arg5: memref<136x256xf32, #tpu.memory_space<vmem>>, %arg6: memref<8x128x128xf32, #tpu.memory_space<vmem>>, %arg7: memref<4x256xf32, #tpu.memory_space<vmem>>, %arg8: memref<136x256xf32, #tpu.memory_space<vmem>>, %arg9: memref<136x256xf32, #tpu.memory_space<vmem>>, %arg10: memref<136x256xf32, #tpu.memory_space<vmem>>, %arg11: memref<136x256xf32, #tpu.memory_space<vmem>>) attributes {dimension_semantics = [#tpu.dimension_semantics<arbitrary>], iteration_bounds = array<i64: 23>, scalar_prefetch = 0 : i64, scratch_operands = 0 : i64, tpu.core_type = #tpu.core_type<tc>, window_params = [{transform_indices = @transform_0, window_bounds = array<i64: 136, 128>}, {transform_indices = @transform_1, window_bounds = array<i64: 136, 128>}, {transform_indices = @transform_2, window_bounds = array<i64: 136, 128>}, {transform_indices = @transform_3, window_bounds = array<i64: 136, 128>}, {transform_indices = @transform_4, window_bounds = array<i64: 136, 256>}, {pipeline_mode = #tpu.pipeline_mode<synchronous>, transform_indices = @transform_5, window_bounds = array<i64: 8, 128, 128>}, {pipeline_mode = #tpu.pipeline_mode<synchronous>, transform_indices = @transform_6, window_bounds = array<i64: 4, 256>}, {transform_indices = @transform_7, window_bounds = array<i64: 136, 256>}, {transform_indices = @transform_8, window_bounds = array<i64: 136, 256>}, {transform_indices = @transform_9, window_bounds = array<i64: 136, 256>}, {transform_indices = @transform_10, window_bounds = array<i64: 136, 256>}]} {
    %get3A = arith.constant 0 : index
    %get3A_0 = arith.constant 0 : index
    %get3A_1 = vector.load %arg1[%get3A, %get3A_0] : memref<136x128xf32, #tpu.memory_space<vmem>>, vector<136x128xf32>
    %get3A_2 = arith.constant 0 : index
    %get3A_3 = arith.constant 0 : index
    %get3A_4 = vector.load %arg2[%get3A_2, %get3A_3] : memref<136x128xf32, #tpu.memory_space<vmem>>, vector<136x128xf32>
    %add3A = arith.addf %get3A_1, %get3A_4 : vector<136x128xf32>
    %get3A_5 = arith.constant 0 : index
    %get3A_6 = arith.constant 0 : index
    %get3A_7 = vector.load %arg3[%get3A_5, %get3A_6] : memref<136x128xf32, #tpu.memory_space<vmem>>, vector<136x128xf32>
    %add3A_8 = arith.addf %add3A, %get3A_7 : vector<136x128xf32>
    %get3A_9 = arith.constant 0 : index
    %get3A_10 = arith.constant 0 : index
    %get3A_11 = vector.load %arg4[%get3A_9, %get3A_10] : memref<136x128xf32, #tpu.memory_space<vmem>>, vector<136x128xf32>
    %mul3A = arith.mulf %add3A_8, %get3A_11 : vector<136x128xf32>
    %get3A_12 = arith.constant 0 : index
    %get3A_13 = arith.constant 0 : index
    %get3A_14 = vector.load %arg5[%get3A_12, %get3A_13] : memref<136x256xf32, #tpu.memory_space<vmem>>, vector<136x256xf32>
    %get3A_15 = arith.constant 0 : index
    %get3A_16 = arith.constant 0 : index
    %get3A_17 = arith.constant 0 : index
    %get3A_18 = vector.load %arg6[%get3A_15, %get3A_16, %get3A_17] : memref<8x128x128xf32, #tpu.memory_space<vmem>>, vector<1x128x128xf32>
    %get3A_19 = vector.shape_cast %get3A_18 : vector<1x128x128xf32> to vector<128x128xf32>
    %dot_general3A = arith.constant dense<0.000000e+00> : vector<136x128xf32>
    %dot_general3A_20 = tpu.matmul %mul3A, %get3A_19, %dot_general3A {dimension_numbers = #tpu.dot_dimension_numbers<[1], [0], [0], [1], [0, 0, 1, 1], [], []>, transpose_lhs_hint = false} : vector<136x128xf32>, vector<128x128xf32>, vector<136x128xf32> -> vector<136x128xf32>
    %get3A_21 = arith.constant 1 : index
    %get3A_22 = arith.constant 0 : index
    %get3A_23 = arith.constant 0 : index
    %get3A_24 = vector.load %arg6[%get3A_21, %get3A_22, %get3A_23] : memref<8x128x128xf32, #tpu.memory_space<vmem>>, vector<1x128x128xf32>
    %get3A_25 = vector.shape_cast %get3A_24 : vector<1x128x128xf32> to vector<128x128xf32>
    %dot_general3A_26 = arith.constant dense<0.000000e+00> : vector<136x128xf32>
    %dot_general3A_27 = tpu.matmul %mul3A, %get3A_25, %dot_general3A_26 {dimension_numbers = #tpu.dot_dimension_numbers<[1], [0], [0], [1], [0, 0, 1, 1], [], []>, transpose_lhs_hint = false} : vector<136x128xf32>, vector<128x128xf32>, vector<136x128xf32> -> vector<136x128xf32>
    %concatenate3A = tpu.concatenate %dot_general3A_20, %dot_general3A_27 in 1 : vector<136x128xf32>, vector<136x128xf32> -> vector<136x256xf32>
    %get3A_28 = arith.constant 0 : index
    %get3A_29 = arith.constant 0 : index
    %get3A_30 = vector.load %arg7[%get3A_28, %get3A_29] : memref<4x256xf32, #tpu.memory_space<vmem>>, vector<1x256xf32>
    %get3A_31 = vector.shape_cast %get3A_30 : vector<1x256xf32> to vector<256xf32>
    %broadcast_in_dim3A = vector.shape_cast %get3A_31 : vector<256xf32> to vector<1x256xf32>
    %add3A_32 = vector.broadcast %broadcast_in_dim3A : vector<1x256xf32> to vector<136x256xf32>
    %add3A_33 = arith.addf %concatenate3A, %add3A_32 : vector<136x256xf32>
    %max3A = arith.constant 0.000000e+00 : f32
    %max3A_34 = vector.broadcast %max3A : f32 to vector<136x256xf32>
    %max3A_35 = arith.maximumf %add3A_33, %max3A_34 : vector<136x256xf32>
    %mul3A_36 = arith.mulf %max3A_35, %get3A_14 : vector<136x256xf32>
    %swap3A = arith.constant 0 : index
    %swap3A_37 = arith.constant 0 : index
    %swap3A_38 = vector.load %arg8[%swap3A, %swap3A_37] : memref<136x256xf32, #tpu.memory_space<vmem>>, vector<136x256xf32>
    tpu.vector_store %arg8[%swap3A, %swap3A_37], %mul3A_36 {strides = array<i32>} : memref<136x256xf32, #tpu.memory_space<vmem>>, vector<136x256xf32>,
    %get3A_39 = arith.constant 2 : index
    %get3A_40 = arith.constant 0 : index
    %get3A_41 = arith.constant 0 : index
    %get3A_42 = vector.load %arg6[%get3A_39, %get3A_40, %get3A_41] : memref<8x128x128xf32, #tpu.memory_space<vmem>>, vector<1x128x128xf32>
    %get3A_43 = vector.shape_cast %get3A_42 : vector<1x128x128xf32> to vector<128x128xf32>
    %dot_general3A_44 = arith.constant dense<0.000000e+00> : vector<136x128xf32>
    %dot_general3A_45 = tpu.matmul %mul3A, %get3A_43, %dot_general3A_44 {dimension_numbers = #tpu.dot_dimension_numbers<[1], [0], [0], [1], [0, 0, 1, 1], [], []>, transpose_lhs_hint = false} : vector<136x128xf32>, vector<128x128xf32>, vector<136x128xf32> -> vector<136x128xf32>
    %get3A_46 = arith.constant 3 : index
    %get3A_47 = arith.constant 0 : index
    %get3A_48 = arith.constant 0 : index
    %get3A_49 = vector.load %arg6[%get3A_46, %get3A_47, %get3A_48] : memref<8x128x128xf32, #tpu.memory_space<vmem>>, vector<1x128x128xf32>
    %get3A_50 = vector.shape_cast %get3A_49 : vector<1x128x128xf32> to vector<128x128xf32>
    %dot_general3A_51 = arith.constant dense<0.000000e+00> : vector<136x128xf32>
    %dot_general3A_52 = tpu.matmul %mul3A, %get3A_50, %dot_general3A_51 {dimension_numbers = #tpu.dot_dimension_numbers<[1], [0], [0], [1], [0, 0, 1, 1], [], []>, transpose_lhs_hint = false} : vector<136x128xf32>, vector<128x128xf32>, vector<136x128xf32> -> vector<136x128xf32>
    %concatenate3A_53 = tpu.concatenate %dot_general3A_45, %dot_general3A_52 in 1 : vector<136x128xf32>, vector<136x128xf32> -> vector<136x256xf32>
    %get3A_54 = arith.constant 1 : index
    %get3A_55 = arith.constant 0 : index
    %get3A_56 = vector.load %arg7[%get3A_54, %get3A_55] : memref<4x256xf32, #tpu.memory_space<vmem>>, vector<1x256xf32>
    %get3A_57 = vector.shape_cast %get3A_56 : vector<1x256xf32> to vector<256xf32>
    %broadcast_in_dim3A_58 = vector.shape_cast %get3A_57 : vector<256xf32> to vector<1x256xf32>
    %add3A_59 = vector.broadcast %broadcast_in_dim3A_58 : vector<1x256xf32> to vector<136x256xf32>
    %add3A_60 = arith.addf %concatenate3A_53, %add3A_59 : vector<136x256xf32>
    %max3A_61 = arith.constant 0.000000e+00 : f32
    %max3A_62 = vector.broadcast %max3A_61 : f32 to vector<136x256xf32>
    %max3A_63 = arith.maximumf %add3A_60, %max3A_62 : vector<136x256xf32>
    %mul3A_64 = arith.mulf %max3A_63, %get3A_14 : vector<136x256xf32>
    %swap3A_65 = arith.constant 0 : index
    %swap3A_66 = arith.constant 0 : index
    %swap3A_67 = vector.load %arg9[%swap3A_65, %swap3A_66] : memref<136x256xf32, #tpu.memory_space<vmem>>, vector<136x256xf32>
    tpu.vector_store %arg9[%swap3A_65, %swap3A_66], %mul3A_64 {strides = array<i32>} : memref<136x256xf32, #tpu.memory_space<vmem>>, vector<136x256xf32>,
    %get3A_68 = arith.constant 4 : index
    %get3A_69 = arith.constant 0 : index
    %get3A_70 = arith.constant 0 : index
    %get3A_71 = vector.load %arg6[%get3A_68, %get3A_69, %get3A_70] : memref<8x128x128xf32, #tpu.memory_space<vmem>>, vector<1x128x128xf32>
    %get3A_72 = vector.shape_cast %get3A_71 : vector<1x128x128xf32> to vector<128x128xf32>
    %dot_general3A_73 = arith.constant dense<0.000000e+00> : vector<136x128xf32>
    %dot_general3A_74 = tpu.matmul %mul3A, %get3A_72, %dot_general3A_73 {dimension_numbers = #tpu.dot_dimension_numbers<[1], [0], [0], [1], [0, 0, 1, 1], [], []>, transpose_lhs_hint = false} : vector<136x128xf32>, vector<128x128xf32>, vector<136x128xf32> -> vector<136x128xf32>
    %get3A_75 = arith.constant 5 : index
    %get3A_76 = arith.constant 0 : index
    %get3A_77 = arith.constant 0 : index
    %get3A_78 = vector.load %arg6[%get3A_75, %get3A_76, %get3A_77] : memref<8x128x128xf32, #tpu.memory_space<vmem>>, vector<1x128x128xf32>
    %get3A_79 = vector.shape_cast %get3A_78 : vector<1x128x128xf32> to vector<128x128xf32>
    %dot_general3A_80 = arith.constant dense<0.000000e+00> : vector<136x128xf32>
    %dot_general3A_81 = tpu.matmul %mul3A, %get3A_79, %dot_general3A_80 {dimension_numbers = #tpu.dot_dimension_numbers<[1], [0], [0], [1], [0, 0, 1, 1], [], []>, transpose_lhs_hint = false} : vector<136x128xf32>, vector<128x128xf32>, vector<136x128xf32> -> vector<136x128xf32>
    %concatenate3A_82 = tpu.concatenate %dot_general3A_74, %dot_general3A_81 in 1 : vector<136x128xf32>, vector<136x128xf32> -> vector<136x256xf32>
    %get3A_83 = arith.constant 2 : index
    %get3A_84 = arith.constant 0 : index
    %get3A_85 = vector.load %arg7[%get3A_83, %get3A_84] : memref<4x256xf32, #tpu.memory_space<vmem>>, vector<1x256xf32>
    %get3A_86 = vector.shape_cast %get3A_85 : vector<1x256xf32> to vector<256xf32>
    %broadcast_in_dim3A_87 = vector.shape_cast %get3A_86 : vector<256xf32> to vector<1x256xf32>
    %add3A_88 = vector.broadcast %broadcast_in_dim3A_87 : vector<1x256xf32> to vector<136x256xf32>
    %add3A_89 = arith.addf %concatenate3A_82, %add3A_88 : vector<136x256xf32>
    %max3A_90 = arith.constant 0.000000e+00 : f32
    %max3A_91 = vector.broadcast %max3A_90 : f32 to vector<136x256xf32>
    %max3A_92 = arith.maximumf %add3A_89, %max3A_91 : vector<136x256xf32>
    %mul3A_93 = arith.mulf %max3A_92, %get3A_14 : vector<136x256xf32>
    %swap3A_94 = arith.constant 0 : index
    %swap3A_95 = arith.constant 0 : index
    %swap3A_96 = vector.load %arg10[%swap3A_94, %swap3A_95] : memref<136x256xf32, #tpu.memory_space<vmem>>, vector<136x256xf32>
    tpu.vector_store %arg10[%swap3A_94, %swap3A_95], %mul3A_93 {strides = array<i32>} : memref<136x256xf32, #tpu.memory_space<vmem>>, vector<136x256xf32>,
    %get3A_97 = arith.constant 6 : index
    %get3A_98 = arith.constant 0 : index
    %get3A_99 = arith.constant 0 : index
    %get3A_100 = vector.load %arg6[%get3A_97, %get3A_98, %get3A_99] : memref<8x128x128xf32, #tpu.memory_space<vmem>>, vector<1x128x128xf32>
    %get3A_101 = vector.shape_cast %get3A_100 : vector<1x128x128xf32> to vector<128x128xf32>
    %dot_general3A_102 = arith.constant dense<0.000000e+00> : vector<136x128xf32>
    %dot_general3A_103 = tpu.matmul %mul3A, %get3A_101, %dot_general3A_102 {dimension_numbers = #tpu.dot_dimension_numbers<[1], [0], [0], [1], [0, 0, 1, 1], [], []>, transpose_lhs_hint = false} : vector<136x128xf32>, vector<128x128xf32>, vector<136x128xf32> -> vector<136x128xf32>
    %get3A_104 = arith.constant 7 : index
    %get3A_105 = arith.constant 0 : index
    %get3A_106 = arith.constant 0 : index
    %get3A_107 = vector.load %arg6[%get3A_104, %get3A_105, %get3A_106] : memref<8x128x128xf32, #tpu.memory_space<vmem>>, vector<1x128x128xf32>
    %get3A_108 = vector.shape_cast %get3A_107 : vector<1x128x128xf32> to vector<128x128xf32>
    %dot_general3A_109 = arith.constant dense<0.000000e+00> : vector<136x128xf32>
    %dot_general3A_110 = tpu.matmul %mul3A, %get3A_108, %dot_general3A_109 {dimension_numbers = #tpu.dot_dimension_numbers<[1], [0], [0], [1], [0, 0, 1, 1], [], []>, transpose_lhs_hint = false} : vector<136x128xf32>, vector<128x128xf32>, vector<136x128xf32> -> vector<136x128xf32>
    %concatenate3A_111 = tpu.concatenate %dot_general3A_103, %dot_general3A_110 in 1 : vector<136x128xf32>, vector<136x128xf32> -> vector<136x256xf32>
    %get3A_112 = arith.constant 3 : index
    %get3A_113 = arith.constant 0 : index
    %get3A_114 = vector.load %arg7[%get3A_112, %get3A_113] : memref<4x256xf32, #tpu.memory_space<vmem>>, vector<1x256xf32>
    %get3A_115 = vector.shape_cast %get3A_114 : vector<1x256xf32> to vector<256xf32>
    %broadcast_in_dim3A_116 = vector.shape_cast %get3A_115 : vector<256xf32> to vector<1x256xf32>
    %add3A_117 = vector.broadcast %broadcast_in_dim3A_116 : vector<1x256xf32> to vector<136x256xf32>
    %add3A_118 = arith.addf %concatenate3A_111, %add3A_117 : vector<136x256xf32>
    %max3A_119 = arith.constant 0.000000e+00 : f32
    %max3A_120 = vector.broadcast %max3A_119 : f32 to vector<136x256xf32>
    %max3A_121 = arith.maximumf %add3A_118, %max3A_120 : vector<136x256xf32>
    %mul3A_122 = arith.mulf %max3A_121, %get3A_14 : vector<136x256xf32>
    %swap3A_123 = arith.constant 0 : index
    %swap3A_124 = arith.constant 0 : index
    %swap3A_125 = vector.load %arg11[%swap3A_123, %swap3A_124] : memref<136x256xf32, #tpu.memory_space<vmem>>, vector<136x256xf32>
    tpu.vector_store %arg11[%swap3A_123, %swap3A_124], %mul3A_122 {strides = array<i32>} : memref<136x256xf32, #tpu.memory_space<vmem>>, vector<136x256xf32>,
    return
  }
  func.func @transform_0(%arg0: i32) -> (i32, i32) {
    %c0_i32 = arith.constant 0 : i32
    %c0_i32_0 = arith.constant 0 : i32
    return %arg0, %c0_i32 : i32, i32
  }
  func.func @transform_1(%arg0: i32) -> (i32, i32) {
    %c0_i32 = arith.constant 0 : i32
    %c0_i32_0 = arith.constant 0 : i32
    return %arg0, %c0_i32 : i32, i32
  }
  func.func @transform_2(%arg0: i32) -> (i32, i32) {
    %c0_i32 = arith.constant 0 : i32
    %c0_i32_0 = arith.constant 0 : i32
    return %arg0, %c0_i32 : i32, i32
  }
  func.func @transform_3(%arg0: i32) -> (i32, i32) {
    %c0_i32 = arith.constant 0 : i32
    %c0_i32_0 = arith.constant 0 : i32
    return %arg0, %c0_i32 : i32, i32
  }
  func.func @transform_4(%arg0: i32) -> (i32, i32) {
    %c0_i32 = arith.constant 0 : i32
    %c0_i32_0 = arith.constant 0 : i32
    return %arg0, %c0_i32 : i32, i32
  }
  func.func @transform_5(%arg0: i32) -> (i32, i32, i32) {
    %c0_i32 = arith.constant 0 : i32
    %c0_i32_0 = arith.constant 0 : i32
    %c0_i32_1 = arith.constant 0 : i32
    %c0_i32_2 = arith.constant 0 : i32
    return %c0_i32, %c0_i32_0, %c0_i32_1 : i32, i32, i32
  }
  func.func @transform_6(%arg0: i32) -> (i32, i32) {
    %c0_i32 = arith.constant 0 : i32
    %c0_i32_0 = arith.constant 0 : i32
    %c0_i32_1 = arith.constant 0 : i32
    return %c0_i32, %c0_i32_0 : i32, i32
  }
  func.func @transform_7(%arg0: i32) -> (i32, i32) {
    %c0_i32 = arith.constant 0 : i32
    %c0_i32_0 = arith.constant 0 : i32
    return %arg0, %c0_i32 : i32, i32
  }
  func.func @transform_8(%arg0: i32) -> (i32, i32) {
    %c0_i32 = arith.constant 0 : i32
    %c0_i32_0 = arith.constant 0 : i32
    return %arg0, %c0_i32 : i32, i32
  }
  func.func @transform_9(%arg0: i32) -> (i32, i32) {
    %c0_i32 = arith.constant 0 : i32
    %c0_i32_0 = arith.constant 0 : i32
    return %arg0, %c0_i32 : i32, i32
  }
  func.func @transform_10(%arg0: i32) -> (i32, i32) {
    %c0_i32 = arith.constant 0 : i32
    %c0_i32_0 = arith.constant 0 : i32
    return %arg0, %c0_i32 : i32, i32
  }
}

module attributes {stable_mosaic.version = 14 : i64} {
  func.func @_stage_c_body(%arg0: i32, %arg1: memref<272x128xf32, #tpu.memory_space<vmem>>, %arg2: memref<272x128xf32, #tpu.memory_space<vmem>>, %arg3: memref<272x128xf32, #tpu.memory_space<vmem>>, %arg4: memref<272x128xf32, #tpu.memory_space<vmem>>, %arg5: memref<272x128xf32, #tpu.memory_space<vmem>>, %arg6: memref<272x128xf32, #tpu.memory_space<vmem>>, %arg7: memref<272x128xf32, #tpu.memory_space<vmem>>, %arg8: memref<272x128xf32, #tpu.memory_space<vmem>>, %arg9: memref<272x128xf32, #tpu.memory_space<vmem>>, %arg10: memref<272x128xf32, #tpu.memory_space<vmem>>, %arg11: memref<272x128xf32, #tpu.memory_space<vmem>>, %arg12: memref<272x128xf32, #tpu.memory_space<vmem>>, %arg13: memref<272x128xf32, #tpu.memory_space<vmem>>, %arg14: memref<32x128x128xf32, #tpu.memory_space<vmem>>, %arg15: memref<1024x128xf32, #tpu.memory_space<vmem>>, %arg16: memref<1024x128xf32, #tpu.memory_space<vmem>>, %arg17: memref<1x128xf32, #tpu.memory_space<vmem>>, %arg18: memref<272x128xf32, #tpu.memory_space<vmem>>, %arg19: memref<272x128xf32, #tpu.memory_space<vmem>>) attributes {dimension_semantics = [#tpu.dimension_semantics<arbitrary>], iteration_bounds = array<i64: 23>, scalar_prefetch = 0 : i64, scratch_operands = 0 : i64, tpu.core_type = #tpu.core_type<tc>, window_params = [{transform_indices = @transform_0, window_bounds = array<i64: 272, 128>}, {transform_indices = @transform_1, window_bounds = array<i64: 272, 128>}, {transform_indices = @transform_2, window_bounds = array<i64: 272, 128>}, {transform_indices = @transform_3, window_bounds = array<i64: 272, 128>}, {transform_indices = @transform_4, window_bounds = array<i64: 272, 128>}, {transform_indices = @transform_5, window_bounds = array<i64: 272, 128>}, {transform_indices = @transform_6, window_bounds = array<i64: 272, 128>}, {transform_indices = @transform_7, window_bounds = array<i64: 272, 128>}, {transform_indices = @transform_8, window_bounds = array<i64: 272, 128>}, {transform_indices = @transform_9, window_bounds = array<i64: 272, 128>}, {transform_indices = @transform_10, window_bounds = array<i64: 272, 128>}, {transform_indices = @transform_11, window_bounds = array<i64: 272, 128>}, {transform_indices = @transform_12, window_bounds = array<i64: 272, 128>}, {pipeline_mode = #tpu.pipeline_mode<synchronous>, transform_indices = @transform_13, window_bounds = array<i64: 32, 128, 128>}, {pipeline_mode = #tpu.pipeline_mode<synchronous>, transform_indices = @transform_14, window_bounds = array<i64: 1024, 128>}, {pipeline_mode = #tpu.pipeline_mode<synchronous>, transform_indices = @transform_15, window_bounds = array<i64: 1024, 128>}, {pipeline_mode = #tpu.pipeline_mode<synchronous>, transform_indices = @transform_16, window_bounds = array<i64: 1, 128>}, {transform_indices = @transform_17, window_bounds = array<i64: 272, 128>}, {transform_indices = @transform_18, window_bounds = array<i64: 272, 128>}]} {
    %get3A = arith.constant 0 : index
    %get3A_0 = arith.constant 0 : index
    %get3A_1 = vector.load %arg13[%get3A, %get3A_0] : memref<272x128xf32, #tpu.memory_space<vmem>>, vector<272x128xf32>
    %get3A_2 = arith.constant 0 : index
    %get3A_3 = arith.constant 0 : index
    %get3A_4 = vector.load %arg1[%get3A_2, %get3A_3] : memref<272x128xf32, #tpu.memory_space<vmem>>, vector<272x128xf32>
    %get3A_5 = arith.constant 0 : index
    %get3A_6 = arith.constant 0 : index
    %get3A_7 = vector.load %arg2[%get3A_5, %get3A_6] : memref<272x128xf32, #tpu.memory_space<vmem>>, vector<272x128xf32>
    %add3A = arith.addf %get3A_4, %get3A_7 : vector<272x128xf32>
    %get3A_8 = arith.constant 0 : index
    %get3A_9 = arith.constant 0 : index
    %get3A_10 = vector.load %arg9[%get3A_8, %get3A_9] : memref<272x128xf32, #tpu.memory_space<vmem>>, vector<272x128xf32>
    %add3A_11 = arith.addf %add3A, %get3A_10 : vector<272x128xf32>
    %mul3A = arith.mulf %add3A_11, %get3A_1 : vector<272x128xf32>
    %get3A_12 = arith.constant 0 : index
    %get3A_13 = arith.constant 0 : index
    %get3A_14 = vector.load %arg3[%get3A_12, %get3A_13] : memref<272x128xf32, #tpu.memory_space<vmem>>, vector<272x128xf32>
    %get3A_15 = arith.constant 0 : index
    %get3A_16 = arith.constant 0 : index
    %get3A_17 = vector.load %arg4[%get3A_15, %get3A_16] : memref<272x128xf32, #tpu.memory_space<vmem>>, vector<272x128xf32>
    %add3A_18 = arith.addf %get3A_14, %get3A_17 : vector<272x128xf32>
    %get3A_19 = arith.constant 0 : index
    %get3A_20 = arith.constant 0 : index
    %get3A_21 = vector.load %arg10[%get3A_19, %get3A_20] : memref<272x128xf32, #tpu.memory_space<vmem>>, vector<272x128xf32>
    %add3A_22 = arith.addf %add3A_18, %get3A_21 : vector<272x128xf32>
    %mul3A_23 = arith.mulf %add3A_22, %get3A_1 : vector<272x128xf32>
    %get3A_24 = arith.constant 0 : index
    %get3A_25 = arith.constant 0 : index
    %get3A_26 = vector.load %arg5[%get3A_24, %get3A_25] : memref<272x128xf32, #tpu.memory_space<vmem>>, vector<272x128xf32>
    %get3A_27 = arith.constant 0 : index
    %get3A_28 = arith.constant 0 : index
    %get3A_29 = vector.load %arg6[%get3A_27, %get3A_28] : memref<272x128xf32, #tpu.memory_space<vmem>>, vector<272x128xf32>
    %add3A_30 = arith.addf %get3A_26, %get3A_29 : vector<272x128xf32>
    %get3A_31 = arith.constant 0 : index
    %get3A_32 = arith.constant 0 : index
    %get3A_33 = vector.load %arg11[%get3A_31, %get3A_32] : memref<272x128xf32, #tpu.memory_space<vmem>>, vector<272x128xf32>
    %add3A_34 = arith.addf %add3A_30, %get3A_33 : vector<272x128xf32>
    %mul3A_35 = arith.mulf %add3A_34, %get3A_1 : vector<272x128xf32>
    %get3A_36 = arith.constant 0 : index
    %get3A_37 = arith.constant 0 : index
    %get3A_38 = vector.load %arg7[%get3A_36, %get3A_37] : memref<272x128xf32, #tpu.memory_space<vmem>>, vector<272x128xf32>
    %get3A_39 = arith.constant 0 : index
    %get3A_40 = arith.constant 0 : index
    %get3A_41 = vector.load %arg8[%get3A_39, %get3A_40] : memref<272x128xf32, #tpu.memory_space<vmem>>, vector<272x128xf32>
    %add3A_42 = arith.addf %get3A_38, %get3A_41 : vector<272x128xf32>
    %get3A_43 = arith.constant 0 : index
    %get3A_44 = arith.constant 0 : index
    %get3A_45 = vector.load %arg12[%get3A_43, %get3A_44] : memref<272x128xf32, #tpu.memory_space<vmem>>, vector<272x128xf32>
    %add3A_46 = arith.addf %add3A_42, %get3A_45 : vector<272x128xf32>
    %mul3A_47 = arith.mulf %add3A_46, %get3A_1 : vector<272x128xf32>
    %get3A_48 = arith.constant 0 : index
    %get3A_49 = arith.constant 0 : index
    %get3A_50 = arith.constant 0 : index
    %get3A_51 = vector.load %arg14[%get3A_48, %get3A_49, %get3A_50] : memref<32x128x128xf32, #tpu.memory_space<vmem>>, vector<1x128x128xf32>
    %get3A_52 = vector.shape_cast %get3A_51 : vector<1x128x128xf32> to vector<128x128xf32>
    %dot_general3A = arith.constant dense<0.000000e+00> : vector<272x128xf32>
    %dot_general3A_53 = tpu.matmul %mul3A, %get3A_52, %dot_general3A {dimension_numbers = #tpu.dot_dimension_numbers<[1], [0], [0], [1], [0, 0, 1, 1], [], []>, transpose_lhs_hint = false} : vector<272x128xf32>, vector<128x128xf32>, vector<272x128xf32> -> vector<272x128xf32>
    %get3A_54 = arith.constant 8 : index
    %get3A_55 = arith.constant 0 : index
    %get3A_56 = arith.constant 0 : index
    %get3A_57 = vector.load %arg14[%get3A_54, %get3A_55, %get3A_56] : memref<32x128x128xf32, #tpu.memory_space<vmem>>, vector<1x128x128xf32>
    %get3A_58 = vector.shape_cast %get3A_57 : vector<1x128x128xf32> to vector<128x128xf32>
    %dot_general3A_59 = arith.constant dense<0.000000e+00> : vector<272x128xf32>
    %dot_general3A_60 = tpu.matmul %mul3A_23, %get3A_58, %dot_general3A_59 {dimension_numbers = #tpu.dot_dimension_numbers<[1], [0], [0], [1], [0, 0, 1, 1], [], []>, transpose_lhs_hint = false} : vector<272x128xf32>, vector<128x128xf32>, vector<272x128xf32> -> vector<272x128xf32>
    %add3A_61 = arith.addf %dot_general3A_53, %dot_general3A_60 : vector<272x128xf32>
    %get3A_62 = arith.constant 16 : index
    %get3A_63 = arith.constant 0 : index
    %get3A_64 = arith.constant 0 : index
    %get3A_65 = vector.load %arg14[%get3A_62, %get3A_63, %get3A_64] : memref<32x128x128xf32, #tpu.memory_space<vmem>>, vector<1x128x128xf32>
    %get3A_66 = vector.shape_cast %get3A_65 : vector<1x128x128xf32> to vector<128x128xf32>
    %dot_general3A_67 = arith.constant dense<0.000000e+00> : vector<272x128xf32>
    %dot_general3A_68 = tpu.matmul %mul3A_35, %get3A_66, %dot_general3A_67 {dimension_numbers = #tpu.dot_dimension_numbers<[1], [0], [0], [1], [0, 0, 1, 1], [], []>, transpose_lhs_hint = false} : vector<272x128xf32>, vector<128x128xf32>, vector<272x128xf32> -> vector<272x128xf32>
    %add3A_69 = arith.addf %add3A_61, %dot_general3A_68 : vector<272x128xf32>
    %get3A_70 = arith.constant 24 : index
    %get3A_71 = arith.constant 0 : index
    %get3A_72 = arith.constant 0 : index
    %get3A_73 = vector.load %arg14[%get3A_70, %get3A_71, %get3A_72] : memref<32x128x128xf32, #tpu.memory_space<vmem>>, vector<1x128x128xf32>
    %get3A_74 = vector.shape_cast %get3A_73 : vector<1x128x128xf32> to vector<128x128xf32>
    %dot_general3A_75 = arith.constant dense<0.000000e+00> : vector<272x128xf32>
    %dot_general3A_76 = tpu.matmul %mul3A_47, %get3A_74, %dot_general3A_75 {dimension_numbers = #tpu.dot_dimension_numbers<[1], [0], [0], [1], [0, 0, 1, 1], [], []>, transpose_lhs_hint = false} : vector<272x128xf32>, vector<128x128xf32>, vector<272x128xf32> -> vector<272x128xf32>
    %add3A_77 = arith.addf %add3A_69, %dot_general3A_76 : vector<272x128xf32>
    %get3A_78 = arith.constant 0 : index
    %get3A_79 = arith.constant 0 : index
    %get3A_80 = vector.load %arg17[%get3A_78, %get3A_79] : memref<1x128xf32, #tpu.memory_space<vmem>>, vector<1x128xf32>
    %add3A_81 = vector.broadcast %get3A_80 : vector<1x128xf32> to vector<272x128xf32>
    %add3A_82 = arith.addf %add3A_77, %add3A_81 : vector<272x128xf32>
    %max3A = arith.constant 0.000000e+00 : f32
    %max3A_83 = vector.broadcast %max3A : f32 to vector<272x128xf32>
    %max3A_84 = arith.maximumf %add3A_82, %max3A_83 : vector<272x128xf32>
    %get3A_85 = arith.constant 1 : index
    %get3A_86 = arith.constant 0 : index
    %get3A_87 = arith.constant 0 : index
    %get3A_88 = vector.load %arg14[%get3A_85, %get3A_86, %get3A_87] : memref<32x128x128xf32, #tpu.memory_space<vmem>>, vector<1x128x128xf32>
    %get3A_89 = vector.shape_cast %get3A_88 : vector<1x128x128xf32> to vector<128x128xf32>
    %dot_general3A_90 = arith.constant dense<0.000000e+00> : vector<272x128xf32>
    %dot_general3A_91 = tpu.matmul %mul3A, %get3A_89, %dot_general3A_90 {dimension_numbers = #tpu.dot_dimension_numbers<[1], [0], [0], [1], [0, 0, 1, 1], [], []>, transpose_lhs_hint = false} : vector<272x128xf32>, vector<128x128xf32>, vector<272x128xf32> -> vector<272x128xf32>
    %get3A_92 = arith.constant 9 : index
    %get3A_93 = arith.constant 0 : index
    %get3A_94 = arith.constant 0 : index
    %get3A_95 = vector.load %arg14[%get3A_92, %get3A_93, %get3A_94] : memref<32x128x128xf32, #tpu.memory_space<vmem>>, vector<1x128x128xf32>
    %get3A_96 = vector.shape_cast %get3A_95 : vector<1x128x128xf32> to vector<128x128xf32>
    %dot_general3A_97 = arith.constant dense<0.000000e+00> : vector<272x128xf32>
    %dot_general3A_98 = tpu.matmul %mul3A_23, %get3A_96, %dot_general3A_97 {dimension_numbers = #tpu.dot_dimension_numbers<[1], [0], [0], [1], [0, 0, 1, 1], [], []>, transpose_lhs_hint = false} : vector<272x128xf32>, vector<128x128xf32>, vector<272x128xf32> -> vector<272x128xf32>
    %add3A_99 = arith.addf %dot_general3A_91, %dot_general3A_98 : vector<272x128xf32>
    %get3A_100 = arith.constant 17 : index
    %get3A_101 = arith.constant 0 : index
    %get3A_102 = arith.constant 0 : index
    %get3A_103 = vector.load %arg14[%get3A_100, %get3A_101, %get3A_102] : memref<32x128x128xf32, #tpu.memory_space<vmem>>, vector<1x128x128xf32>
    %get3A_104 = vector.shape_cast %get3A_103 : vector<1x128x128xf32> to vector<128x128xf32>
    %dot_general3A_105 = arith.constant dense<0.000000e+00> : vector<272x128xf32>
    %dot_general3A_106 = tpu.matmul %mul3A_35, %get3A_104, %dot_general3A_105 {dimension_numbers = #tpu.dot_dimension_numbers<[1], [0], [0], [1], [0, 0, 1, 1], [], []>, transpose_lhs_hint = false} : vector<272x128xf32>, vector<128x128xf32>, vector<272x128xf32> -> vector<272x128xf32>
    %add3A_107 = arith.addf %add3A_99, %dot_general3A_106 : vector<272x128xf32>
    %get3A_108 = arith.constant 25 : index
    %get3A_109 = arith.constant 0 : index
    %get3A_110 = arith.constant 0 : index
    %get3A_111 = vector.load %arg14[%get3A_108, %get3A_109, %get3A_110] : memref<32x128x128xf32, #tpu.memory_space<vmem>>, vector<1x128x128xf32>
    %get3A_112 = vector.shape_cast %get3A_111 : vector<1x128x128xf32> to vector<128x128xf32>
    %dot_general3A_113 = arith.constant dense<0.000000e+00> : vector<272x128xf32>
    %dot_general3A_114 = tpu.matmul %mul3A_47, %get3A_112, %dot_general3A_113 {dimension_numbers = #tpu.dot_dimension_numbers<[1], [0], [0], [1], [0, 0, 1, 1], [], []>, transpose_lhs_hint = false} : vector<272x128xf32>, vector<128x128xf32>, vector<272x128xf32> -> vector<272x128xf32>
    %add3A_115 = arith.addf %add3A_107, %dot_general3A_114 : vector<272x128xf32>
    %get3A_116 = arith.constant 0 : index
    %get3A_117 = arith.constant 0 : index
    %get3A_118 = vector.load %arg17[%get3A_116, %get3A_117] : memref<1x128xf32, #tpu.memory_space<vmem>>, vector<1x128xf32>
    %add3A_119 = vector.broadcast %get3A_118 : vector<1x128xf32> to vector<272x128xf32>
    %add3A_120 = arith.addf %add3A_115, %add3A_119 : vector<272x128xf32>
    %max3A_121 = arith.constant 0.000000e+00 : f32
    %max3A_122 = vector.broadcast %max3A_121 : f32 to vector<272x128xf32>
    %max3A_123 = arith.maximumf %add3A_120, %max3A_122 : vector<272x128xf32>
    %get3A_124 = arith.constant 2 : index
    %get3A_125 = arith.constant 0 : index
    %get3A_126 = arith.constant 0 : index
    %get3A_127 = vector.load %arg14[%get3A_124, %get3A_125, %get3A_126] : memref<32x128x128xf32, #tpu.memory_space<vmem>>, vector<1x128x128xf32>
    %get3A_128 = vector.shape_cast %get3A_127 : vector<1x128x128xf32> to vector<128x128xf32>
    %dot_general3A_129 = arith.constant dense<0.000000e+00> : vector<272x128xf32>
    %dot_general3A_130 = tpu.matmul %mul3A, %get3A_128, %dot_general3A_129 {dimension_numbers = #tpu.dot_dimension_numbers<[1], [0], [0], [1], [0, 0, 1, 1], [], []>, transpose_lhs_hint = false} : vector<272x128xf32>, vector<128x128xf32>, vector<272x128xf32> -> vector<272x128xf32>
    %get3A_131 = arith.constant 10 : index
    %get3A_132 = arith.constant 0 : index
    %get3A_133 = arith.constant 0 : index
    %get3A_134 = vector.load %arg14[%get3A_131, %get3A_132, %get3A_133] : memref<32x128x128xf32, #tpu.memory_space<vmem>>, vector<1x128x128xf32>
    %get3A_135 = vector.shape_cast %get3A_134 : vector<1x128x128xf32> to vector<128x128xf32>
    %dot_general3A_136 = arith.constant dense<0.000000e+00> : vector<272x128xf32>
    %dot_general3A_137 = tpu.matmul %mul3A_23, %get3A_135, %dot_general3A_136 {dimension_numbers = #tpu.dot_dimension_numbers<[1], [0], [0], [1], [0, 0, 1, 1], [], []>, transpose_lhs_hint = false} : vector<272x128xf32>, vector<128x128xf32>, vector<272x128xf32> -> vector<272x128xf32>
    %add3A_138 = arith.addf %dot_general3A_130, %dot_general3A_137 : vector<272x128xf32>
    %get3A_139 = arith.constant 18 : index
    %get3A_140 = arith.constant 0 : index
    %get3A_141 = arith.constant 0 : index
    %get3A_142 = vector.load %arg14[%get3A_139, %get3A_140, %get3A_141] : memref<32x128x128xf32, #tpu.memory_space<vmem>>, vector<1x128x128xf32>
    %get3A_143 = vector.shape_cast %get3A_142 : vector<1x128x128xf32> to vector<128x128xf32>
    %dot_general3A_144 = arith.constant dense<0.000000e+00> : vector<272x128xf32>
    %dot_general3A_145 = tpu.matmul %mul3A_35, %get3A_143, %dot_general3A_144 {dimension_numbers = #tpu.dot_dimension_numbers<[1], [0], [0], [1], [0, 0, 1, 1], [], []>, transpose_lhs_hint = false} : vector<272x128xf32>, vector<128x128xf32>, vector<272x128xf32> -> vector<272x128xf32>
    %add3A_146 = arith.addf %add3A_138, %dot_general3A_145 : vector<272x128xf32>
    %get3A_147 = arith.constant 26 : index
    %get3A_148 = arith.constant 0 : index
    %get3A_149 = arith.constant 0 : index
    %get3A_150 = vector.load %arg14[%get3A_147, %get3A_148, %get3A_149] : memref<32x128x128xf32, #tpu.memory_space<vmem>>, vector<1x128x128xf32>
    %get3A_151 = vector.shape_cast %get3A_150 : vector<1x128x128xf32> to vector<128x128xf32>
    %dot_general3A_152 = arith.constant dense<0.000000e+00> : vector<272x128xf32>
    %dot_general3A_153 = tpu.matmul %mul3A_47, %get3A_151, %dot_general3A_152 {dimension_numbers = #tpu.dot_dimension_numbers<[1], [0], [0], [1], [0, 0, 1, 1], [], []>, transpose_lhs_hint = false} : vector<272x128xf32>, vector<128x128xf32>, vector<272x128xf32> -> vector<272x128xf32>
    %add3A_154 = arith.addf %add3A_146, %dot_general3A_153 : vector<272x128xf32>
    %get3A_155 = arith.constant 0 : index
    %get3A_156 = arith.constant 0 : index
    %get3A_157 = vector.load %arg17[%get3A_155, %get3A_156] : memref<1x128xf32, #tpu.memory_space<vmem>>, vector<1x128xf32>
    %add3A_158 = vector.broadcast %get3A_157 : vector<1x128xf32> to vector<272x128xf32>
    %add3A_159 = arith.addf %add3A_154, %add3A_158 : vector<272x128xf32>
    %max3A_160 = arith.constant 0.000000e+00 : f32
    %max3A_161 = vector.broadcast %max3A_160 : f32 to vector<272x128xf32>
    %max3A_162 = arith.maximumf %add3A_159, %max3A_161 : vector<272x128xf32>
    %get3A_163 = arith.constant 3 : index
    %get3A_164 = arith.constant 0 : index
    %get3A_165 = arith.constant 0 : index
    %get3A_166 = vector.load %arg14[%get3A_163, %get3A_164, %get3A_165] : memref<32x128x128xf32, #tpu.memory_space<vmem>>, vector<1x128x128xf32>
    %get3A_167 = vector.shape_cast %get3A_166 : vector<1x128x128xf32> to vector<128x128xf32>
    %dot_general3A_168 = arith.constant dense<0.000000e+00> : vector<272x128xf32>
    %dot_general3A_169 = tpu.matmul %mul3A, %get3A_167, %dot_general3A_168 {dimension_numbers = #tpu.dot_dimension_numbers<[1], [0], [0], [1], [0, 0, 1, 1], [], []>, transpose_lhs_hint = false} : vector<272x128xf32>, vector<128x128xf32>, vector<272x128xf32> -> vector<272x128xf32>
    %get3A_170 = arith.constant 11 : index
    %get3A_171 = arith.constant 0 : index
    %get3A_172 = arith.constant 0 : index
    %get3A_173 = vector.load %arg14[%get3A_170, %get3A_171, %get3A_172] : memref<32x128x128xf32, #tpu.memory_space<vmem>>, vector<1x128x128xf32>
    %get3A_174 = vector.shape_cast %get3A_173 : vector<1x128x128xf32> to vector<128x128xf32>
    %dot_general3A_175 = arith.constant dense<0.000000e+00> : vector<272x128xf32>
    %dot_general3A_176 = tpu.matmul %mul3A_23, %get3A_174, %dot_general3A_175 {dimension_numbers = #tpu.dot_dimension_numbers<[1], [0], [0], [1], [0, 0, 1, 1], [], []>, transpose_lhs_hint = false} : vector<272x128xf32>, vector<128x128xf32>, vector<272x128xf32> -> vector<272x128xf32>
    %add3A_177 = arith.addf %dot_general3A_169, %dot_general3A_176 : vector<272x128xf32>
    %get3A_178 = arith.constant 19 : index
    %get3A_179 = arith.constant 0 : index
    %get3A_180 = arith.constant 0 : index
    %get3A_181 = vector.load %arg14[%get3A_178, %get3A_179, %get3A_180] : memref<32x128x128xf32, #tpu.memory_space<vmem>>, vector<1x128x128xf32>
    %get3A_182 = vector.shape_cast %get3A_181 : vector<1x128x128xf32> to vector<128x128xf32>
    %dot_general3A_183 = arith.constant dense<0.000000e+00> : vector<272x128xf32>
    %dot_general3A_184 = tpu.matmul %mul3A_35, %get3A_182, %dot_general3A_183 {dimension_numbers = #tpu.dot_dimension_numbers<[1], [0], [0], [1], [0, 0, 1, 1], [], []>, transpose_lhs_hint = false} : vector<272x128xf32>, vector<128x128xf32>, vector<272x128xf32> -> vector<272x128xf32>
    %add3A_185 = arith.addf %add3A_177, %dot_general3A_184 : vector<272x128xf32>
    %get3A_186 = arith.constant 27 : index
    %get3A_187 = arith.constant 0 : index
    %get3A_188 = arith.constant 0 : index
    %get3A_189 = vector.load %arg14[%get3A_186, %get3A_187, %get3A_188] : memref<32x128x128xf32, #tpu.memory_space<vmem>>, vector<1x128x128xf32>
    %get3A_190 = vector.shape_cast %get3A_189 : vector<1x128x128xf32> to vector<128x128xf32>
    %dot_general3A_191 = arith.constant dense<0.000000e+00> : vector<272x128xf32>
    %dot_general3A_192 = tpu.matmul %mul3A_47, %get3A_190, %dot_general3A_191 {dimension_numbers = #tpu.dot_dimension_numbers<[1], [0], [0], [1], [0, 0, 1, 1], [], []>, transpose_lhs_hint = false} : vector<272x128xf32>, vector<128x128xf32>, vector<272x128xf32> -> vector<272x128xf32>
    %add3A_193 = arith.addf %add3A_185, %dot_general3A_192 : vector<272x128xf32>
    %get3A_194 = arith.constant 0 : index
    %get3A_195 = arith.constant 0 : index
    %get3A_196 = vector.load %arg17[%get3A_194, %get3A_195] : memref<1x128xf32, #tpu.memory_space<vmem>>, vector<1x128xf32>
    %add3A_197 = vector.broadcast %get3A_196 : vector<1x128xf32> to vector<272x128xf32>
    %add3A_198 = arith.addf %add3A_193, %add3A_197 : vector<272x128xf32>
    %max3A_199 = arith.constant 0.000000e+00 : f32
    %max3A_200 = vector.broadcast %max3A_199 : f32 to vector<272x128xf32>
    %max3A_201 = arith.maximumf %add3A_198, %max3A_200 : vector<272x128xf32>
    %get3A_202 = arith.constant 4 : index
    %get3A_203 = arith.constant 0 : index
    %get3A_204 = arith.constant 0 : index
    %get3A_205 = vector.load %arg14[%get3A_202, %get3A_203, %get3A_204] : memref<32x128x128xf32, #tpu.memory_space<vmem>>, vector<1x128x128xf32>
    %get3A_206 = vector.shape_cast %get3A_205 : vector<1x128x128xf32> to vector<128x128xf32>
    %dot_general3A_207 = arith.constant dense<0.000000e+00> : vector<272x128xf32>
    %dot_general3A_208 = tpu.matmul %mul3A, %get3A_206, %dot_general3A_207 {dimension_numbers = #tpu.dot_dimension_numbers<[1], [0], [0], [1], [0, 0, 1, 1], [], []>, transpose_lhs_hint = false} : vector<272x128xf32>, vector<128x128xf32>, vector<272x128xf32> -> vector<272x128xf32>
    %get3A_209 = arith.constant 12 : index
    %get3A_210 = arith.constant 0 : index
    %get3A_211 = arith.constant 0 : index
    %get3A_212 = vector.load %arg14[%get3A_209, %get3A_210, %get3A_211] : memref<32x128x128xf32, #tpu.memory_space<vmem>>, vector<1x128x128xf32>
    %get3A_213 = vector.shape_cast %get3A_212 : vector<1x128x128xf32> to vector<128x128xf32>
    %dot_general3A_214 = arith.constant dense<0.000000e+00> : vector<272x128xf32>
    %dot_general3A_215 = tpu.matmul %mul3A_23, %get3A_213, %dot_general3A_214 {dimension_numbers = #tpu.dot_dimension_numbers<[1], [0], [0], [1], [0, 0, 1, 1], [], []>, transpose_lhs_hint = false} : vector<272x128xf32>, vector<128x128xf32>, vector<272x128xf32> -> vector<272x128xf32>
    %add3A_216 = arith.addf %dot_general3A_208, %dot_general3A_215 : vector<272x128xf32>
    %get3A_217 = arith.constant 20 : index
    %get3A_218 = arith.constant 0 : index
    %get3A_219 = arith.constant 0 : index
    %get3A_220 = vector.load %arg14[%get3A_217, %get3A_218, %get3A_219] : memref<32x128x128xf32, #tpu.memory_space<vmem>>, vector<1x128x128xf32>
    %get3A_221 = vector.shape_cast %get3A_220 : vector<1x128x128xf32> to vector<128x128xf32>
    %dot_general3A_222 = arith.constant dense<0.000000e+00> : vector<272x128xf32>
    %dot_general3A_223 = tpu.matmul %mul3A_35, %get3A_221, %dot_general3A_222 {dimension_numbers = #tpu.dot_dimension_numbers<[1], [0], [0], [1], [0, 0, 1, 1], [], []>, transpose_lhs_hint = false} : vector<272x128xf32>, vector<128x128xf32>, vector<272x128xf32> -> vector<272x128xf32>
    %add3A_224 = arith.addf %add3A_216, %dot_general3A_223 : vector<272x128xf32>
    %get3A_225 = arith.constant 28 : index
    %get3A_226 = arith.constant 0 : index
    %get3A_227 = arith.constant 0 : index
    %get3A_228 = vector.load %arg14[%get3A_225, %get3A_226, %get3A_227] : memref<32x128x128xf32, #tpu.memory_space<vmem>>, vector<1x128x128xf32>
    %get3A_229 = vector.shape_cast %get3A_228 : vector<1x128x128xf32> to vector<128x128xf32>
    %dot_general3A_230 = arith.constant dense<0.000000e+00> : vector<272x128xf32>
    %dot_general3A_231 = tpu.matmul %mul3A_47, %get3A_229, %dot_general3A_230 {dimension_numbers = #tpu.dot_dimension_numbers<[1], [0], [0], [1], [0, 0, 1, 1], [], []>, transpose_lhs_hint = false} : vector<272x128xf32>, vector<128x128xf32>, vector<272x128xf32> -> vector<272x128xf32>
    %add3A_232 = arith.addf %add3A_224, %dot_general3A_231 : vector<272x128xf32>
    %get3A_233 = arith.constant 0 : index
    %get3A_234 = arith.constant 0 : index
    %get3A_235 = vector.load %arg17[%get3A_233, %get3A_234] : memref<1x128xf32, #tpu.memory_space<vmem>>, vector<1x128xf32>
    %add3A_236 = vector.broadcast %get3A_235 : vector<1x128xf32> to vector<272x128xf32>
    %add3A_237 = arith.addf %add3A_232, %add3A_236 : vector<272x128xf32>
    %max3A_238 = arith.constant 0.000000e+00 : f32
    %max3A_239 = vector.broadcast %max3A_238 : f32 to vector<272x128xf32>
    %max3A_240 = arith.maximumf %add3A_237, %max3A_239 : vector<272x128xf32>
    %get3A_241 = arith.constant 5 : index
    %get3A_242 = arith.constant 0 : index
    %get3A_243 = arith.constant 0 : index
    %get3A_244 = vector.load %arg14[%get3A_241, %get3A_242, %get3A_243] : memref<32x128x128xf32, #tpu.memory_space<vmem>>, vector<1x128x128xf32>
    %get3A_245 = vector.shape_cast %get3A_244 : vector<1x128x128xf32> to vector<128x128xf32>
    %dot_general3A_246 = arith.constant dense<0.000000e+00> : vector<272x128xf32>
    %dot_general3A_247 = tpu.matmul %mul3A, %get3A_245, %dot_general3A_246 {dimension_numbers = #tpu.dot_dimension_numbers<[1], [0], [0], [1], [0, 0, 1, 1], [], []>, transpose_lhs_hint = false} : vector<272x128xf32>, vector<128x128xf32>, vector<272x128xf32> -> vector<272x128xf32>
    %get3A_248 = arith.constant 13 : index
    %get3A_249 = arith.constant 0 : index
    %get3A_250 = arith.constant 0 : index
    %get3A_251 = vector.load %arg14[%get3A_248, %get3A_249, %get3A_250] : memref<32x128x128xf32, #tpu.memory_space<vmem>>, vector<1x128x128xf32>
    %get3A_252 = vector.shape_cast %get3A_251 : vector<1x128x128xf32> to vector<128x128xf32>
    %dot_general3A_253 = arith.constant dense<0.000000e+00> : vector<272x128xf32>
    %dot_general3A_254 = tpu.matmul %mul3A_23, %get3A_252, %dot_general3A_253 {dimension_numbers = #tpu.dot_dimension_numbers<[1], [0], [0], [1], [0, 0, 1, 1], [], []>, transpose_lhs_hint = false} : vector<272x128xf32>, vector<128x128xf32>, vector<272x128xf32> -> vector<272x128xf32>
    %add3A_255 = arith.addf %dot_general3A_247, %dot_general3A_254 : vector<272x128xf32>
    %get3A_256 = arith.constant 21 : index
    %get3A_257 = arith.constant 0 : index
    %get3A_258 = arith.constant 0 : index
    %get3A_259 = vector.load %arg14[%get3A_256, %get3A_257, %get3A_258] : memref<32x128x128xf32, #tpu.memory_space<vmem>>, vector<1x128x128xf32>
    %get3A_260 = vector.shape_cast %get3A_259 : vector<1x128x128xf32> to vector<128x128xf32>
    %dot_general3A_261 = arith.constant dense<0.000000e+00> : vector<272x128xf32>
    %dot_general3A_262 = tpu.matmul %mul3A_35, %get3A_260, %dot_general3A_261 {dimension_numbers = #tpu.dot_dimension_numbers<[1], [0], [0], [1], [0, 0, 1, 1], [], []>, transpose_lhs_hint = false} : vector<272x128xf32>, vector<128x128xf32>, vector<272x128xf32> -> vector<272x128xf32>
    %add3A_263 = arith.addf %add3A_255, %dot_general3A_262 : vector<272x128xf32>
    %get3A_264 = arith.constant 29 : index
    %get3A_265 = arith.constant 0 : index
    %get3A_266 = arith.constant 0 : index
    %get3A_267 = vector.load %arg14[%get3A_264, %get3A_265, %get3A_266] : memref<32x128x128xf32, #tpu.memory_space<vmem>>, vector<1x128x128xf32>
    %get3A_268 = vector.shape_cast %get3A_267 : vector<1x128x128xf32> to vector<128x128xf32>
    %dot_general3A_269 = arith.constant dense<0.000000e+00> : vector<272x128xf32>
    %dot_general3A_270 = tpu.matmul %mul3A_47, %get3A_268, %dot_general3A_269 {dimension_numbers = #tpu.dot_dimension_numbers<[1], [0], [0], [1], [0, 0, 1, 1], [], []>, transpose_lhs_hint = false} : vector<272x128xf32>, vector<128x128xf32>, vector<272x128xf32> -> vector<272x128xf32>
    %add3A_271 = arith.addf %add3A_263, %dot_general3A_270 : vector<272x128xf32>
    %get3A_272 = arith.constant 0 : index
    %get3A_273 = arith.constant 0 : index
    %get3A_274 = vector.load %arg17[%get3A_272, %get3A_273] : memref<1x128xf32, #tpu.memory_space<vmem>>, vector<1x128xf32>
    %add3A_275 = vector.broadcast %get3A_274 : vector<1x128xf32> to vector<272x128xf32>
    %add3A_276 = arith.addf %add3A_271, %add3A_275 : vector<272x128xf32>
    %max3A_277 = arith.constant 0.000000e+00 : f32
    %max3A_278 = vector.broadcast %max3A_277 : f32 to vector<272x128xf32>
    %max3A_279 = arith.maximumf %add3A_276, %max3A_278 : vector<272x128xf32>
    %get3A_280 = arith.constant 6 : index
    %get3A_281 = arith.constant 0 : index
    %get3A_282 = arith.constant 0 : index
    %get3A_283 = vector.load %arg14[%get3A_280, %get3A_281, %get3A_282] : memref<32x128x128xf32, #tpu.memory_space<vmem>>, vector<1x128x128xf32>
    %get3A_284 = vector.shape_cast %get3A_283 : vector<1x128x128xf32> to vector<128x128xf32>
    %dot_general3A_285 = arith.constant dense<0.000000e+00> : vector<272x128xf32>
    %dot_general3A_286 = tpu.matmul %mul3A, %get3A_284, %dot_general3A_285 {dimension_numbers = #tpu.dot_dimension_numbers<[1], [0], [0], [1], [0, 0, 1, 1], [], []>, transpose_lhs_hint = false} : vector<272x128xf32>, vector<128x128xf32>, vector<272x128xf32> -> vector<272x128xf32>
    %get3A_287 = arith.constant 14 : index
    %get3A_288 = arith.constant 0 : index
    %get3A_289 = arith.constant 0 : index
    %get3A_290 = vector.load %arg14[%get3A_287, %get3A_288, %get3A_289] : memref<32x128x128xf32, #tpu.memory_space<vmem>>, vector<1x128x128xf32>
    %get3A_291 = vector.shape_cast %get3A_290 : vector<1x128x128xf32> to vector<128x128xf32>
    %dot_general3A_292 = arith.constant dense<0.000000e+00> : vector<272x128xf32>
    %dot_general3A_293 = tpu.matmul %mul3A_23, %get3A_291, %dot_general3A_292 {dimension_numbers = #tpu.dot_dimension_numbers<[1], [0], [0], [1], [0, 0, 1, 1], [], []>, transpose_lhs_hint = false} : vector<272x128xf32>, vector<128x128xf32>, vector<272x128xf32> -> vector<272x128xf32>
    %add3A_294 = arith.addf %dot_general3A_286, %dot_general3A_293 : vector<272x128xf32>
    %get3A_295 = arith.constant 22 : index
    %get3A_296 = arith.constant 0 : index
    %get3A_297 = arith.constant 0 : index
    %get3A_298 = vector.load %arg14[%get3A_295, %get3A_296, %get3A_297] : memref<32x128x128xf32, #tpu.memory_space<vmem>>, vector<1x128x128xf32>
    %get3A_299 = vector.shape_cast %get3A_298 : vector<1x128x128xf32> to vector<128x128xf32>
    %dot_general3A_300 = arith.constant dense<0.000000e+00> : vector<272x128xf32>
    %dot_general3A_301 = tpu.matmul %mul3A_35, %get3A_299, %dot_general3A_300 {dimension_numbers = #tpu.dot_dimension_numbers<[1], [0], [0], [1], [0, 0, 1, 1], [], []>, transpose_lhs_hint = false} : vector<272x128xf32>, vector<128x128xf32>, vector<272x128xf32> -> vector<272x128xf32>
    %add3A_302 = arith.addf %add3A_294, %dot_general3A_301 : vector<272x128xf32>
    %get3A_303 = arith.constant 30 : index
    %get3A_304 = arith.constant 0 : index
    %get3A_305 = arith.constant 0 : index
    %get3A_306 = vector.load %arg14[%get3A_303, %get3A_304, %get3A_305] : memref<32x128x128xf32, #tpu.memory_space<vmem>>, vector<1x128x128xf32>
    %get3A_307 = vector.shape_cast %get3A_306 : vector<1x128x128xf32> to vector<128x128xf32>
    %dot_general3A_308 = arith.constant dense<0.000000e+00> : vector<272x128xf32>
    %dot_general3A_309 = tpu.matmul %mul3A_47, %get3A_307, %dot_general3A_308 {dimension_numbers = #tpu.dot_dimension_numbers<[1], [0], [0], [1], [0, 0, 1, 1], [], []>, transpose_lhs_hint = false} : vector<272x128xf32>, vector<128x128xf32>, vector<272x128xf32> -> vector<272x128xf32>
    %add3A_310 = arith.addf %add3A_302, %dot_general3A_309 : vector<272x128xf32>
    %get3A_311 = arith.constant 0 : index
    %get3A_312 = arith.constant 0 : index
    %get3A_313 = vector.load %arg17[%get3A_311, %get3A_312] : memref<1x128xf32, #tpu.memory_space<vmem>>, vector<1x128xf32>
    %add3A_314 = vector.broadcast %get3A_313 : vector<1x128xf32> to vector<272x128xf32>
    %add3A_315 = arith.addf %add3A_310, %add3A_314 : vector<272x128xf32>
    %max3A_316 = arith.constant 0.000000e+00 : f32
    %max3A_317 = vector.broadcast %max3A_316 : f32 to vector<272x128xf32>
    %max3A_318 = arith.maximumf %add3A_315, %max3A_317 : vector<272x128xf32>
    %get3A_319 = arith.constant 7 : index
    %get3A_320 = arith.constant 0 : index
    %get3A_321 = arith.constant 0 : index
    %get3A_322 = vector.load %arg14[%get3A_319, %get3A_320, %get3A_321] : memref<32x128x128xf32, #tpu.memory_space<vmem>>, vector<1x128x128xf32>
    %get3A_323 = vector.shape_cast %get3A_322 : vector<1x128x128xf32> to vector<128x128xf32>
    %dot_general3A_324 = arith.constant dense<0.000000e+00> : vector<272x128xf32>
    %dot_general3A_325 = tpu.matmul %mul3A, %get3A_323, %dot_general3A_324 {dimension_numbers = #tpu.dot_dimension_numbers<[1], [0], [0], [1], [0, 0, 1, 1], [], []>, transpose_lhs_hint = false} : vector<272x128xf32>, vector<128x128xf32>, vector<272x128xf32> -> vector<272x128xf32>
    %get3A_326 = arith.constant 15 : index
    %get3A_327 = arith.constant 0 : index
    %get3A_328 = arith.constant 0 : index
    %get3A_329 = vector.load %arg14[%get3A_326, %get3A_327, %get3A_328] : memref<32x128x128xf32, #tpu.memory_space<vmem>>, vector<1x128x128xf32>
    %get3A_330 = vector.shape_cast %get3A_329 : vector<1x128x128xf32> to vector<128x128xf32>
    %dot_general3A_331 = arith.constant dense<0.000000e+00> : vector<272x128xf32>
    %dot_general3A_332 = tpu.matmul %mul3A_23, %get3A_330, %dot_general3A_331 {dimension_numbers = #tpu.dot_dimension_numbers<[1], [0], [0], [1], [0, 0, 1, 1], [], []>, transpose_lhs_hint = false} : vector<272x128xf32>, vector<128x128xf32>, vector<272x128xf32> -> vector<272x128xf32>
    %add3A_333 = arith.addf %dot_general3A_325, %dot_general3A_332 : vector<272x128xf32>
    %get3A_334 = arith.constant 23 : index
    %get3A_335 = arith.constant 0 : index
    %get3A_336 = arith.constant 0 : index
    %get3A_337 = vector.load %arg14[%get3A_334, %get3A_335, %get3A_336] : memref<32x128x128xf32, #tpu.memory_space<vmem>>, vector<1x128x128xf32>
    %get3A_338 = vector.shape_cast %get3A_337 : vector<1x128x128xf32> to vector<128x128xf32>
    %dot_general3A_339 = arith.constant dense<0.000000e+00> : vector<272x128xf32>
    %dot_general3A_340 = tpu.matmul %mul3A_35, %get3A_338, %dot_general3A_339 {dimension_numbers = #tpu.dot_dimension_numbers<[1], [0], [0], [1], [0, 0, 1, 1], [], []>, transpose_lhs_hint = false} : vector<272x128xf32>, vector<128x128xf32>, vector<272x128xf32> -> vector<272x128xf32>
    %add3A_341 = arith.addf %add3A_333, %dot_general3A_340 : vector<272x128xf32>
    %get3A_342 = arith.constant 31 : index
    %get3A_343 = arith.constant 0 : index
    %get3A_344 = arith.constant 0 : index
    %get3A_345 = vector.load %arg14[%get3A_342, %get3A_343, %get3A_344] : memref<32x128x128xf32, #tpu.memory_space<vmem>>, vector<1x128x128xf32>
    %get3A_346 = vector.shape_cast %get3A_345 : vector<1x128x128xf32> to vector<128x128xf32>
    %dot_general3A_347 = arith.constant dense<0.000000e+00> : vector<272x128xf32>
    %dot_general3A_348 = tpu.matmul %mul3A_47, %get3A_346, %dot_general3A_347 {dimension_numbers = #tpu.dot_dimension_numbers<[1], [0], [0], [1], [0, 0, 1, 1], [], []>, transpose_lhs_hint = false} : vector<272x128xf32>, vector<128x128xf32>, vector<272x128xf32> -> vector<272x128xf32>
    %add3A_349 = arith.addf %add3A_341, %dot_general3A_348 : vector<272x128xf32>
    %get3A_350 = arith.constant 0 : index
    %get3A_351 = arith.constant 0 : index
    %get3A_352 = vector.load %arg17[%get3A_350, %get3A_351] : memref<1x128xf32, #tpu.memory_space<vmem>>, vector<1x128xf32>
    %add3A_353 = vector.broadcast %get3A_352 : vector<1x128xf32> to vector<272x128xf32>
    %add3A_354 = arith.addf %add3A_349, %add3A_353 : vector<272x128xf32>
    %max3A_355 = arith.constant 0.000000e+00 : f32
    %max3A_356 = vector.broadcast %max3A_355 : f32 to vector<272x128xf32>
    %max3A_357 = arith.maximumf %add3A_354, %max3A_356 : vector<272x128xf32>
    %concatenate3A = tpu.concatenate %max3A_84, %max3A_123, %max3A_162, %max3A_201, %max3A_240, %max3A_279, %max3A_318, %max3A_357 in 1 : vector<272x128xf32>, vector<272x128xf32>, vector<272x128xf32>, vector<272x128xf32>, vector<272x128xf32>, vector<272x128xf32>, vector<272x128xf32>, vector<272x128xf32> -> vector<272x1024xf32>
    %get3A_358 = arith.constant 0 : index
    %get3A_359 = arith.constant 0 : index
    %get3A_360 = vector.load %arg15[%get3A_358, %get3A_359] : memref<1024x128xf32, #tpu.memory_space<vmem>>, vector<1024x128xf32>
    %dot_general3A_361 = arith.constant dense<0.000000e+00> : vector<272x128xf32>
    %dot_general3A_362 = tpu.matmul %concatenate3A, %get3A_360, %dot_general3A_361 {dimension_numbers = #tpu.dot_dimension_numbers<[1], [0], [0], [1], [0, 0, 1, 1], [], []>, transpose_lhs_hint = false} : vector<272x1024xf32>, vector<1024x128xf32>, vector<272x128xf32> -> vector<272x128xf32>
    %mul3A_363 = arith.mulf %dot_general3A_362, %get3A_1 : vector<272x128xf32>
    %swap3A = arith.constant 0 : index
    %swap3A_364 = arith.constant 0 : index
    %swap3A_365 = vector.load %arg18[%swap3A, %swap3A_364] : memref<272x128xf32, #tpu.memory_space<vmem>>, vector<272x128xf32>
    tpu.vector_store %arg18[%swap3A, %swap3A_364], %mul3A_363 {strides = array<i32>} : memref<272x128xf32, #tpu.memory_space<vmem>>, vector<272x128xf32>,
    %get3A_366 = arith.constant 0 : index
    %get3A_367 = arith.constant 0 : index
    %get3A_368 = vector.load %arg16[%get3A_366, %get3A_367] : memref<1024x128xf32, #tpu.memory_space<vmem>>, vector<1024x128xf32>
    %dot_general3A_369 = arith.constant dense<0.000000e+00> : vector<272x128xf32>
    %dot_general3A_370 = tpu.matmul %concatenate3A, %get3A_368, %dot_general3A_369 {dimension_numbers = #tpu.dot_dimension_numbers<[1], [0], [0], [1], [0, 0, 1, 1], [], []>, transpose_lhs_hint = false} : vector<272x1024xf32>, vector<1024x128xf32>, vector<272x128xf32> -> vector<272x128xf32>
    %mul3A_371 = arith.mulf %dot_general3A_370, %get3A_1 : vector<272x128xf32>
    %swap3A_372 = arith.constant 0 : index
    %swap3A_373 = arith.constant 0 : index
    %swap3A_374 = vector.load %arg19[%swap3A_372, %swap3A_373] : memref<272x128xf32, #tpu.memory_space<vmem>>, vector<272x128xf32>
    tpu.vector_store %arg19[%swap3A_372, %swap3A_373], %mul3A_371 {strides = array<i32>} : memref<272x128xf32, #tpu.memory_space<vmem>>, vector<272x128xf32>,
    return
  }
  func.func @transform_0(%arg0: i32) -> (i32, i32) {
    %c0_i32 = arith.constant 0 : i32
    %c0_i32_0 = arith.constant 0 : i32
    return %arg0, %c0_i32 : i32, i32
  }
  func.func @transform_1(%arg0: i32) -> (i32, i32) {
    %c0_i32 = arith.constant 0 : i32
    %c0_i32_0 = arith.constant 0 : i32
    return %arg0, %c0_i32 : i32, i32
  }
  func.func @transform_2(%arg0: i32) -> (i32, i32) {
    %c0_i32 = arith.constant 0 : i32
    %c0_i32_0 = arith.constant 0 : i32
    return %arg0, %c0_i32 : i32, i32
  }
  func.func @transform_3(%arg0: i32) -> (i32, i32) {
    %c0_i32 = arith.constant 0 : i32
    %c0_i32_0 = arith.constant 0 : i32
    return %arg0, %c0_i32 : i32, i32
  }
  func.func @transform_4(%arg0: i32) -> (i32, i32) {
    %c0_i32 = arith.constant 0 : i32
    %c0_i32_0 = arith.constant 0 : i32
    return %arg0, %c0_i32 : i32, i32
  }
  func.func @transform_5(%arg0: i32) -> (i32, i32) {
    %c0_i32 = arith.constant 0 : i32
    %c0_i32_0 = arith.constant 0 : i32
    return %arg0, %c0_i32 : i32, i32
  }
  func.func @transform_6(%arg0: i32) -> (i32, i32) {
    %c0_i32 = arith.constant 0 : i32
    %c0_i32_0 = arith.constant 0 : i32
    return %arg0, %c0_i32 : i32, i32
  }
  func.func @transform_7(%arg0: i32) -> (i32, i32) {
    %c0_i32 = arith.constant 0 : i32
    %c0_i32_0 = arith.constant 0 : i32
    return %arg0, %c0_i32 : i32, i32
  }
  func.func @transform_8(%arg0: i32) -> (i32, i32) {
    %c0_i32 = arith.constant 0 : i32
    %c0_i32_0 = arith.constant 0 : i32
    return %arg0, %c0_i32 : i32, i32
  }
  func.func @transform_9(%arg0: i32) -> (i32, i32) {
    %c0_i32 = arith.constant 0 : i32
    %c0_i32_0 = arith.constant 0 : i32
    return %arg0, %c0_i32 : i32, i32
  }
  func.func @transform_10(%arg0: i32) -> (i32, i32) {
    %c0_i32 = arith.constant 0 : i32
    %c0_i32_0 = arith.constant 0 : i32
    return %arg0, %c0_i32 : i32, i32
  }
  func.func @transform_11(%arg0: i32) -> (i32, i32) {
    %c0_i32 = arith.constant 0 : i32
    %c0_i32_0 = arith.constant 0 : i32
    return %arg0, %c0_i32 : i32, i32
  }
  func.func @transform_12(%arg0: i32) -> (i32, i32) {
    %c0_i32 = arith.constant 0 : i32
    %c0_i32_0 = arith.constant 0 : i32
    return %arg0, %c0_i32 : i32, i32
  }
  func.func @transform_13(%arg0: i32) -> (i32, i32, i32) {
    %c0_i32 = arith.constant 0 : i32
    %c0_i32_0 = arith.constant 0 : i32
    %c0_i32_1 = arith.constant 0 : i32
    %c0_i32_2 = arith.constant 0 : i32
    return %c0_i32, %c0_i32_0, %c0_i32_1 : i32, i32, i32
  }
  func.func @transform_14(%arg0: i32) -> (i32, i32) {
    %c0_i32 = arith.constant 0 : i32
    %c0_i32_0 = arith.constant 0 : i32
    %c0_i32_1 = arith.constant 0 : i32
    return %c0_i32, %c0_i32_0 : i32, i32
  }
  func.func @transform_15(%arg0: i32) -> (i32, i32) {
    %c0_i32 = arith.constant 0 : i32
    %c0_i32_0 = arith.constant 0 : i32
    %c0_i32_1 = arith.constant 0 : i32
    return %c0_i32, %c0_i32_0 : i32, i32
  }
  func.func @transform_16(%arg0: i32) -> (i32, i32) {
    %c0_i32 = arith.constant 0 : i32
    %c0_i32_0 = arith.constant 0 : i32
    %c0_i32_1 = arith.constant 0 : i32
    return %c0_i32, %c0_i32_0 : i32, i32
  }
  func.func @transform_17(%arg0: i32) -> (i32, i32) {
    %c0_i32 = arith.constant 0 : i32
    %c0_i32_0 = arith.constant 0 : i32
    return %arg0, %c0_i32 : i32, i32
  }
  func.func @transform_18(%arg0: i32) -> (i32, i32) {
    %c0_i32 = arith.constant 0 : i32
    %c0_i32_0 = arith.constant 0 : i32
    return %arg0, %c0_i32 : i32, i32
  }
}

module attributes {stable_mosaic.version = 14 : i64} {
  func.func @_stage_d_body(%arg0: i32, %arg1: memref<272x128xf32, #tpu.memory_space<vmem>>, %arg2: memref<272x128xf32, #tpu.memory_space<vmem>>, %arg3: memref<272x128xf32, #tpu.memory_space<vmem>>, %arg4: memref<272x128xf32, #tpu.memory_space<vmem>>, %arg5: memref<272x128xf32, #tpu.memory_space<vmem>>, %arg6: memref<272x128xf32, #tpu.memory_space<vmem>>, %arg7: memref<272x128xf32, #tpu.memory_space<vmem>>, %arg8: memref<128x256xf32, #tpu.memory_space<vmem>>, %arg9: memref<128x256xf32, #tpu.memory_space<vmem>>, %arg10: memref<1x256xf32, #tpu.memory_space<vmem>>, %arg11: memref<272x256xf32, #tpu.memory_space<vmem>>) attributes {dimension_semantics = [#tpu.dimension_semantics<arbitrary>], iteration_bounds = array<i64: 23>, scalar_prefetch = 0 : i64, scratch_operands = 0 : i64, tpu.core_type = #tpu.core_type<tc>, window_params = [{transform_indices = @transform_0, window_bounds = array<i64: 272, 128>}, {transform_indices = @transform_1, window_bounds = array<i64: 272, 128>}, {transform_indices = @transform_2, window_bounds = array<i64: 272, 128>}, {transform_indices = @transform_3, window_bounds = array<i64: 272, 128>}, {transform_indices = @transform_4, window_bounds = array<i64: 272, 128>}, {transform_indices = @transform_5, window_bounds = array<i64: 272, 128>}, {transform_indices = @transform_6, window_bounds = array<i64: 272, 128>}, {pipeline_mode = #tpu.pipeline_mode<synchronous>, transform_indices = @transform_7, window_bounds = array<i64: 128, 256>}, {pipeline_mode = #tpu.pipeline_mode<synchronous>, transform_indices = @transform_8, window_bounds = array<i64: 128, 256>}, {pipeline_mode = #tpu.pipeline_mode<synchronous>, transform_indices = @transform_9, window_bounds = array<i64: 1, 256>}, {transform_indices = @transform_10, window_bounds = array<i64: 272, 256>}]} {
    %get3A = arith.constant 0 : index
    %get3A_0 = arith.constant 0 : index
    %get3A_1 = vector.load %arg7[%get3A, %get3A_0] : memref<272x128xf32, #tpu.memory_space<vmem>>, vector<272x128xf32>
    %get3A_2 = arith.constant 0 : index
    %get3A_3 = arith.constant 0 : index
    %get3A_4 = vector.load %arg1[%get3A_2, %get3A_3] : memref<272x128xf32, #tpu.memory_space<vmem>>, vector<272x128xf32>
    %get3A_5 = arith.constant 0 : index
    %get3A_6 = arith.constant 0 : index
    %get3A_7 = vector.load %arg2[%get3A_5, %get3A_6] : memref<272x128xf32, #tpu.memory_space<vmem>>, vector<272x128xf32>
    %add3A = arith.addf %get3A_4, %get3A_7 : vector<272x128xf32>
    %get3A_8 = arith.constant 0 : index
    %get3A_9 = arith.constant 0 : index
    %get3A_10 = vector.load %arg5[%get3A_8, %get3A_9] : memref<272x128xf32, #tpu.memory_space<vmem>>, vector<272x128xf32>
    %add3A_11 = arith.addf %add3A, %get3A_10 : vector<272x128xf32>
    %mul3A = arith.mulf %add3A_11, %get3A_1 : vector<272x128xf32>
    %get3A_12 = arith.constant 0 : index
    %get3A_13 = arith.constant 0 : index
    %get3A_14 = vector.load %arg3[%get3A_12, %get3A_13] : memref<272x128xf32, #tpu.memory_space<vmem>>, vector<272x128xf32>
    %get3A_15 = arith.constant 0 : index
    %get3A_16 = arith.constant 0 : index
    %get3A_17 = vector.load %arg4[%get3A_15, %get3A_16] : memref<272x128xf32, #tpu.memory_space<vmem>>, vector<272x128xf32>
    %add3A_18 = arith.addf %get3A_14, %get3A_17 : vector<272x128xf32>
    %get3A_19 = arith.constant 0 : index
    %get3A_20 = arith.constant 0 : index
    %get3A_21 = vector.load %arg6[%get3A_19, %get3A_20] : memref<272x128xf32, #tpu.memory_space<vmem>>, vector<272x128xf32>
    %add3A_22 = arith.addf %add3A_18, %get3A_21 : vector<272x128xf32>
    %mul3A_23 = arith.mulf %add3A_22, %get3A_1 : vector<272x128xf32>
    %get3A_24 = arith.constant 0 : index
    %get3A_25 = arith.constant 0 : index
    %get3A_26 = vector.load %arg8[%get3A_24, %get3A_25] : memref<128x256xf32, #tpu.memory_space<vmem>>, vector<128x256xf32>
    %dot_general3A = arith.constant dense<0.000000e+00> : vector<272x256xf32>
    %dot_general3A_27 = tpu.matmul %mul3A, %get3A_26, %dot_general3A {dimension_numbers = #tpu.dot_dimension_numbers<[1], [0], [0], [1], [0, 0, 1, 1], [], []>, transpose_lhs_hint = false} : vector<272x128xf32>, vector<128x256xf32>, vector<272x256xf32> -> vector<272x256xf32>
    %get3A_28 = arith.constant 0 : index
    %get3A_29 = arith.constant 0 : index
    %get3A_30 = vector.load %arg9[%get3A_28, %get3A_29] : memref<128x256xf32, #tpu.memory_space<vmem>>, vector<128x256xf32>
    %dot_general3A_31 = arith.constant dense<0.000000e+00> : vector<272x256xf32>
    %dot_general3A_32 = tpu.matmul %mul3A_23, %get3A_30, %dot_general3A_31 {dimension_numbers = #tpu.dot_dimension_numbers<[1], [0], [0], [1], [0, 0, 1, 1], [], []>, transpose_lhs_hint = false} : vector<272x128xf32>, vector<128x256xf32>, vector<272x256xf32> -> vector<272x256xf32>
    %add3A_33 = arith.addf %dot_general3A_27, %dot_general3A_32 : vector<272x256xf32>
    %get3A_34 = arith.constant 0 : index
    %get3A_35 = arith.constant 0 : index
    %get3A_36 = vector.load %arg10[%get3A_34, %get3A_35] : memref<1x256xf32, #tpu.memory_space<vmem>>, vector<1x256xf32>
    %add3A_37 = vector.broadcast %get3A_36 : vector<1x256xf32> to vector<272x256xf32>
    %add3A_38 = arith.addf %add3A_33, %add3A_37 : vector<272x256xf32>
    %swap3A = arith.constant 0 : index
    %swap3A_39 = arith.constant 0 : index
    %swap3A_40 = vector.load %arg11[%swap3A, %swap3A_39] : memref<272x256xf32, #tpu.memory_space<vmem>>, vector<272x256xf32>
    tpu.vector_store %arg11[%swap3A, %swap3A_39], %add3A_38 {strides = array<i32>} : memref<272x256xf32, #tpu.memory_space<vmem>>, vector<272x256xf32>,
    return
  }
  func.func @transform_0(%arg0: i32) -> (i32, i32) {
    %c0_i32 = arith.constant 0 : i32
    %c0_i32_0 = arith.constant 0 : i32
    return %arg0, %c0_i32 : i32, i32
  }
  func.func @transform_1(%arg0: i32) -> (i32, i32) {
    %c0_i32 = arith.constant 0 : i32
    %c0_i32_0 = arith.constant 0 : i32
    return %arg0, %c0_i32 : i32, i32
  }
  func.func @transform_2(%arg0: i32) -> (i32, i32) {
    %c0_i32 = arith.constant 0 : i32
    %c0_i32_0 = arith.constant 0 : i32
    return %arg0, %c0_i32 : i32, i32
  }
  func.func @transform_3(%arg0: i32) -> (i32, i32) {
    %c0_i32 = arith.constant 0 : i32
    %c0_i32_0 = arith.constant 0 : i32
    return %arg0, %c0_i32 : i32, i32
  }
  func.func @transform_4(%arg0: i32) -> (i32, i32) {
    %c0_i32 = arith.constant 0 : i32
    %c0_i32_0 = arith.constant 0 : i32
    return %arg0, %c0_i32 : i32, i32
  }
  func.func @transform_5(%arg0: i32) -> (i32, i32) {
    %c0_i32 = arith.constant 0 : i32
    %c0_i32_0 = arith.constant 0 : i32
    return %arg0, %c0_i32 : i32, i32
  }
  func.func @transform_6(%arg0: i32) -> (i32, i32) {
    %c0_i32 = arith.constant 0 : i32
    %c0_i32_0 = arith.constant 0 : i32
    return %arg0, %c0_i32 : i32, i32
  }
  func.func @transform_7(%arg0: i32) -> (i32, i32) {
    %c0_i32 = arith.constant 0 : i32
    %c0_i32_0 = arith.constant 0 : i32
    %c0_i32_1 = arith.constant 0 : i32
    return %c0_i32, %c0_i32_0 : i32, i32
  }
  func.func @transform_8(%arg0: i32) -> (i32, i32) {
    %c0_i32 = arith.constant 0 : i32
    %c0_i32_0 = arith.constant 0 : i32
    %c0_i32_1 = arith.constant 0 : i32
    return %c0_i32, %c0_i32_0 : i32, i32
  }
  func.func @transform_9(%arg0: i32) -> (i32, i32) {
    %c0_i32 = arith.constant 0 : i32
    %c0_i32_0 = arith.constant 0 : i32
    %c0_i32_1 = arith.constant 0 : i32
    return %c0_i32, %c0_i32_0 : i32, i32
  }
  func.func @transform_10(%arg0: i32) -> (i32, i32) {
    %c0_i32 = arith.constant 0 : i32
    %c0_i32_0 = arith.constant 0 : i32
    return %arg0, %c0_i32 : i32, i32
  }
}

</mosaic_0001>

<sc_bundles>
// kernel: kernel.14.cloned.1.call-start
scs
__scs_entry_jumppad:
0x0: {  	(pc) =	sbr.rel $0x88, $3  }
0x1: {  	(tag) =	ssettag $0x0;
	lr =	simm.s32 $0x1  }
0x2: {  	[smem:$0x3F99] =	sst lr;
	_ =	strace $0xD0000000  }
0x3: {  	_ = 	snop  }
0x4: {  	_ = 	snop  }
0x5: {  	_ = 	snop  }
0x6: {  	_ = 	snop  }
0x7: {  	_ = 	snop  }
__scs_overlays_trampoline_lowered:
0x8: {  	[smem:$0x3FA8] =	sst s0  }
0x9: {  	[smem:$0x3FA9] =	sst s1  }
0xa: {  	[smem:$0x3FAA] =	sst s2  }
0xb: {  	[smem:$0x3FAB] =	sst s3  }
0xc: {  	[smem:$0x3FAC] =	sst s4  }
0xd: {  	[smem:$0x3FAD] =	sst s5  }
0xe: {  	[smem:$0x3FAE] =	sst s6  }
0xf: {  	[smem:$0x3FAF] =	sst s7  }
0x10: {  	[smem:$0x3FB0] =	sst s8  }
0x11: {  	[smem:$0x3FB1] =	sst s9;
	s0 =	simm.s32 @!p0 $0x0  }
0x12: {  	s1 =	sld [smem:$0x3F97];
	s0 =	simm.s32 @p0 $0x1  }
0x13: {  	[smem:$0x3FB2] =	sst s0;
	s0 =	simm.s32 @!p1 $0x0  }
0x14: {  	s2 =	sld [smem:$0x3F96];
	s0 =	simm.s32 @p1 $0x1  }
0x15: {  	[smem:$0x3FB3] =	sst s0;
	s0 =	simm.s32 @!p2 $0x0  }
0x16: {  	s3 =	sld [smem:$0x3FDB];
	s0 =	simm.s32 @p2 $0x1  }
0x17: {  	s4 =	simm.s32 $0x1BF5;
	[smem:$0x3FB5] =	sst s0  }
0x18: {  	s0 =	sld [smem:$0x3F98];
	_ =	swait.ge [sflag:s4], $0x0  }
0x19: {  	s7 =	sld [smem:$0x3F99]  }
0x1a: {  	s8 =	sadd.s32 $0xFFFFE003, lr  }
0x1b: {  	s9 =	sadd.s32 $0xFFFFFEF7, lr;
	s5 =	simm.s32 $0xFFFFFFFF;
	p2 =	slt.u32 s8, $0xFFFFF086  }
0x1c: {  	p1 =	slt.u32 s9, $0xF7A;
	s5 =	simm.s32 @!p2 $0x0  }
0x1d: {  	s5 =	simm.s32 @p1 $0x1;
	p0 =	seq.s32 s7, s2  }
0x1e: {  	s7 =	smul.u32 @!p0 $0xF7A, s2;
	p2 =	seq.s32 @!p0 s5, $0x0  }
0x1f: {  	s9 =	smul.u32 $0xF7A, s1;
	s8 =	simm.s32 @!p0 $0x1BF5;
	p2 =	por !p2, p0  }
0x20: {  	[sflag:s8] =	ssyncset.s32 @!p0 $0xFFFFF086;
	s6 =	sadd.s32 @!p0 s3, s7;
	s7 =	simm.s32 @!p0 $0x108  }
0x21: {  	s3 =	sadd.s32 s3, s9;
	s6 =	sadd.s32 @!p0 $0x88, s6;
	s7 =	simm.s32 @p2 $0x1082  }
0x22: {  	[simem:s7], [sflag:s8] =	dma.local @!p0 [hbm:s6], $0xF7A  }
0x23: {  	s9 =	sor.u32 $0xD0000000, s2;
	s6 =	simm.s32 $0x108;
	_ =	swait.ge @!p0 [sflag:s8], $0x0  }
0x24: {  	s3 =	sadd.s32 $0x88, s3;
	s6 =	simm.s32 @!p1 $0x1082;
	[sflag:s4] =	ssyncset.s32 $0xFFFFF086  }
0x25: {  	[simem:s6], [sflag:s4] =	dma.local [hbm:s3], $0xF7A  }
0x26: {  	[smem:$0x3F99] =	sst s1;
	(tag) =	ssettag s2;
	_ =	strace s9  }
0x27: {  	s1 =	sld [smem:$0x3FA9]  }
0x28: {  	s2 =	sld [smem:$0x3FAA]  }
0x29: {  	s4 =	sld [smem:$0x3FAC]  }
0x2a: {  	p0 =	seq.s32 s5, $0x0;
	s5 =	sld [smem:$0x3FAD]  }
0x2b: {  	s6 =	sld [smem:$0x3FAE]  }
0x2c: {  	s7 =	sld [smem:$0x3FAF]  }
0x2d: {  	s3 =	simm.s32 $0x108;
	s8 =	sld [smem:$0x3FB0]  }
0x2e: {  	s3 =	simm.s32 @!p0 $0x1082;
	s9 =	sld [smem:$0x3FB1]  }
0x2f: {  	lr =	sadd.s32 s0, s3;
	s0 =	sld [smem:$0x3FA8]  }
0x30: {  	s3 =	sld [smem:$0x3FAB]  }
0x31: {  	[smem:$0x3FB4] =	sst s10  }
0x32: {  	s10 =	sld [smem:$0x3FB2];
	_ =	sdelay $0x3  }
0x33: {  	p0 =	seq.s32 s10, $0x1;
	s10 =	sld [smem:$0x3FB4];
	_ =	sdelay $0x3  }
0x34: {  	[smem:$0x3FB4] =	sst s10  }
0x35: {  	s10 =	sld [smem:$0x3FB3];
	_ =	sdelay $0x3  }
0x36: {  	p1 =	seq.s32 s10, $0x1;
	s10 =	sld [smem:$0x3FB4];
	_ =	sdelay $0x3  }
0x37: {  	[smem:$0x3FB4] =	sst s10  }
0x38: {  	s10 =	sld [smem:$0x3FB5]  }
0x39: {  	_ = 	snop;
	(pc) =	sbr.ind lr, $3  }
0x3a: {  	_ = 	snop  }
0x3b: {  	_ = 	snop  }
0x3c: {  	p2 =	seq.s32 s10, $0x1;
	s10 =	sld [smem:$0x3FB4]  }
0x3d: {  	_ =	shalt  }
0x3e: {  	_ =	shalt  }
0x3f: {  	_ =	shalt  }
0x40: {  	_ =	shalt  }
0x41: {  	_ =	shalt  }
0x42: {  	_ =	shalt  }
0x43: {  	_ =	shalt  }
0x44: {  	_ =	shalt  }
0x45: {  	_ =	shalt  }
0x46: {  	_ =	shalt  }
0x47: {  	_ =	shalt  }
0x48: {  	_ =	shalt  }
0x49: {  	_ =	shalt  }
0x4a: {  	_ =	shalt  }
0x4b: {  	_ =	shalt  }
0x4c: {  	_ =	shalt  }
0x4d: {  	_ =	shalt  }
0x4e: {  	_ =	shalt  }
0x4f: {  	_ =	shalt  }
0x50: {  	_ =	shalt  }
0x51: {  	_ =	shalt  }
0x52: {  	_ =	shalt  }
0x53: {  	_ =	shalt  }
0x54: {  	_ =	shalt  }
0x55: {  	_ =	shalt  }
0x56: {  	_ =	shalt  }
0x57: {  	_ =	shalt  }
0x58: {  	_ =	shalt  }
0x59: {  	_ =	shalt  }
0x5a: {  	_ =	shalt  }
0x5b: {  	_ =	shalt  }
0x5c: {  	_ =	shalt  }
0x5d: {  	_ =	shalt  }
0x5e: {  	_ =	shalt  }
0x5f: {  	_ =	shalt  }
0x60: {  	_ =	shalt  }
0x61: {  	_ =	shalt  }
0x62: {  	_ =	shalt  }
0x63: {  	_ =	shalt  }
0x64: {  	_ =	shalt  }
0x65: {  	_ =	shalt  }
0x66: {  	_ =	shalt  }
0x67: {  	_ =	shalt  }
0x68: {  	_ =	shalt  }
0x69: {  	_ =	shalt  }
0x6a: {  	_ =	shalt  }
0x6b: {  	_ =	shalt  }
0x6c: {  	_ =	shalt  }
0x6d: {  	_ =	shalt  }
0x6e: {  	_ =	shalt  }
0x6f: {  	_ =	shalt  }
0x70: {  	_ =	shalt  }
0x71: {  	_ =	shalt  }
0x72: {  	_ =	shalt  }
0x73: {  	_ =	shalt  }
0x74: {  	_ =	shalt  }
0x75: {  	_ =	shalt  }
0x76: {  	_ =	shalt  }
0x77: {  	_ =	shalt  }
0x78: {  	_ =	shalt  }
0x79: {  	_ =	shalt  }
0x7a: {  	_ =	shalt  }
0x7b: {  	_ =	shalt  }
0x7c: {  	_ =	shalt  }
0x7d: {  	_ =	shalt  }
0x7e: {  	_ =	shalt  }
0x7f: {  	_ =	shalt  }
0x80: {  	_ =	shalt  }
0x81: {  	_ =	shalt  }
0x82: {  	_ =	shalt  }
0x83: {  	_ =	shalt  }
0x84: {  	_ =	shalt  }
0x85: {  	_ =	shalt  }
0x86: {  	_ =	shalt  }
0x87: {  	_ =	shalt  }
.Lfunc_end0:
.L_simem_size_0:
called_computation_lowered:
.L_overlay_start_0:
0x88: {  	s2 =	sld [smem:$0x3FD9]  }
0x89: {  	s3 =	sld [smem:$0x3FFE];
	_ =	sdelay $0x1  }
0x8a: {  	s1 =	srdreg.scid  }
0x8b: {  	s0 =	sand.u32 $0x1, s1  }
0x8c: {  	s17 =	sshll.u32 s0, $0xA;
	s2 =	sadd.s32 s3, s2  }
0x8d: {  	s2 =	sadd.s32 s2, s17  }
0x8e: {  	[smem:$0x3FC0] =	sst s2  }
0x8f: {  	_ = 	snop  }
0x90: {  	s2 =	sld [smem:$0x3FD0];
	(tm) =	ssettm $0x1  }
0x91: {  	s18 =	sld [smem:$0x3FFB];
	_ =	sdelay $0x3  }
0x92: {  	_ =	strace s18  }
0x93: {  	s3 =	sld [smem:$0x3FFC];
	_ =	sdelay $0x3  }
0x94: {  	_ =	strace s3  }
0x95: {  	s3 =	sld [smem:$0x3FFD];
	_ =	sdelay $0x3  }
0x96: {  	_ =	strace s3  }
0x97: {  	_ =	strace $0x8FFFFFFF  }
0x98: {  	s19 =	sld [smem:$0x3FDB];
	_ =	sdelay $0x1  }
0x99: {  	s4 =	simm.s32 $_scs_section_size  }
0x9a: {  	s5 =	simm.s32 $_size__tile_overlayer_lowered;
	s6 =	simm.s32 $_tile_overlayer_lowered  }
0x9b: {  	s22 =	simm.s32 $0x1BFF;
	s21 =	sshll.u32 s6, $0x1;
	s3 =	sadd.s32 s4, s19  }
0x9c: {  	s7 =	simm.s32 $0x0;
	s20 =	sshll.u32 s5, $0x1;
	s5 =	sadd.s32 s21, s3  }
0x9d: {  	[timem:s7], [sflag:s22] =	dma.local [hbm:s5], s20  }
0x9e: {  	_ =	swait.ge [sflag:s22], s20  }
0x9f: {  	s4 =	ssub.s32 $0x0, s20;
	[sflag:s22] =	ssyncset.done $0x0  }
0xa0: {  	[sflag:s22] =	ssyncadd.s32 s4;
	_ =	sdelay $0x1  }
0xa1: {  	s23 =	simm.s32 $0x1B8B  }
0xa2: {  	_ =	swait.ge [sflag:s23], $0x1  }
0xa3: {  	[sflag:s23] =	ssyncset.done $0x0  }
0xa4: {  	s25 =	simm.s32 $0x1B8E;
	s24 =	sld [smem:$0x3FFE];
	[sflag:s23] =	ssyncadd.s32 $0xFFFFFFFF  }
0xa5: {  	s26 =	simm.s32 $execute0_lowered;
	[smem:$0x3FD2] =	sst s25  }
0xa6: {  	s5 =	sshll.u32 s26, $0x1;
	_ =	strace $0x80000046;
	[dreg:$0x1] =	wrdreg $0xFFFFFFFF  }
0xa7: {  	s28 =	simm.s32 $_size_execute0_lowered;
	s3 =	sadd.s32 s3, s5;
	[dreg:$0x0] =	wrdreg $0x0  }
0xa8: {  	s5 =	sshll.u32 s28, $0x1;
	[dreg:$0x2] =	wrdreg s3  }
0xa9: {  	[dreg:$0x3] =	wrdreg s5  }
0xaa: {  	[dreg:$0x4] =	wrdreg $0xC0  }
0xab: {  	_ =	task [dreg:s7], $0x5FFFF  }
0xac: {  	[dreg:$0x1] =	wrdreg $0xFFFFFFFF  }
0xad: {  	[dreg:$0x0] =	wrdreg $0x60  }
0xae: {  	[dreg:$0x2] =	wrdreg s24  }
0xaf: {  	[dreg:$0x3] =	wrdreg s2  }
0xb0: {  	[dreg:$0x4] =	wrdreg $0xEA900  }
0xb1: {  	[dreg:$0x5] =	wrdreg $0x9  }
0xb2: {  	_ =	task.clear_ibuf [dreg:s7], $0x6FFFF;
	_ =	strace $0x90000046  }
0xb3: {  	s29 =	simm.s32 $0x9;
	_ =	strace $0x80000048  }
0xb4: {  	_ =	swait.ge [sflag:s29], $0x1  }
0xb5: {  	[sflag:s29] =	ssyncadd.s32 $0xFFFFFFFF  }
0xb6: {  	_ =	strace $0x90000048  }
0xb7: {  	_ =	sfence  }
0xb8: {  	s30 =	sld [smem:$0x0];
	_ =	sdelay $0x2  }
0xb9: {  	s31 =	sshll.u32 s1, $0xD;
	s1 =	sshrl.u32 s1, $0x2  }
0xba: {  	s3 =	sand.u32 $0x4000, s31;
	s1 =	sadd.s32 s1, s30  }
0xbb: {  	s0 =	sor.u32 s3, s0;
	s1 =	sshll.u32 s1, $0x11  }
0xbc: {  	s0 =	sor.u32 s1, s0  }
0xbd: {  	s0 =	sadd.s32 $0x8F2B, s0  }
0xbe: {  	[sflag:s0] =	ssyncadd.remote.s32 $0x1  }
0xbf: {  	_ =	sfence.sel $0xFFFF  }
0xc0: {  	[dreg:$0x0] =	wrdreg $0xFFFFFFFF;
	(pc) =	sbr.abs _section_cstart, $3  }
0xc1: {  	[dreg:$0x1] =	wrdreg $0xFFFFFFFF  }
0xc2: {  	_ =	task.clear_ibuf [dreg:s7], $0x2FFFF;
	_ =	strace $0x9FFFFFFF  }
0xc3: {  	(tm) =	ssettm $0x7FFFFFFF  }
tec
execute0_lowered:
.L_overlay_start_1:
0x0: {  	(tag) =	ssettag $0x1  }
0x1: {  	s6 =	rddreg [dreg:$0x0]  }
0x2: {  	s1 =	rddreg [dreg:$0x1]  }
0x3: {  	s3 =	rddreg [dreg:$0x2]  }
0x4: {  	s0 =	rddreg [dreg:$0x3];
	s4 =	simm.s32 $0x0;
	s2 =	stileid.u32  }
0x5: {  	s8 =	srdreg.scid;
	s14 =	simm.s32 $0x3E8;
	s15 =	simm.s32 $0x1  }
0x6: {  	s16 =	simm.s32 $0x2;
	s17 =	simm.s32 $0x3;
	s7 =	smul.u32 $0x1870, s2  }
0x7: {  	s18 =	simm.s32 $0x4;
	s19 =	simm.s32 $0x0;
	s9 =	smul.u32 $0x30E00, s2  }
0x8: {  	[smem:$0x7FF] =	sst s4;
	s8 =	sand.u32 $0x1, s8;
	s11 =	smul.u32 $0x186A0, s2  }
0x9: {  	s10 =	sadd.s32 $0x9200, s6;
	s5 =	sadd.s32 $0x6AE00, s6;
	s12 =	smul.u32 $0xC350, s8  }
0xa: {  	_ =	strace $0x80000047;
	s26 =	ssub.s32 $0x2, s8;
	s8 =	smul.u32 $0x18700, s8  }
0xb: {  	s7 =	sadd.s32 s7, s6;
	s13 =	sshrl.u32 s26, $0x1;
	s9 =	sshrl.u32 s9, $0x2  }
0xc: {  	s13 =	ssub.s32 s26, s13;
	s6 =	sadd.s32 s9, s3;
	s28 =	sadd.s32 s12, s11  }
0xd: {  	s7 =	sadd.s32 s8, s7;
	s11 =	simm.s32 $0x2710;
	s29 =	sadd.s32 $0x186DE8, s28  }
0xe: {  	s12 =	simm.s32 $0x5;
	s9 =	sadd.s32 $0x186A00, s28;
	s7 =	sadd.s32 $0x6C800, s7  }
0xf: {  	s8 =	smax.u32 s13, $0x1;
	s30 =	sshrl.u32 s29, $0x3;
	s31 =	sshrl.u32 s9, $0x3  }
0x10: {  	s13 =	simm.s32 $0x7D0;
	s9 =	sadd.s32 s30, s10;
	s10 =	sadd.s32 s31, s10  }
.LBB2_1:
0x11: {  	[tilespmem:s11], [sflag:$0x5] =	stream.linear.gather [hbm4b:s5+s4], $0xC380, $0x38;
	[tilespmem:$0x14C50] =	vst v63  }
0x12: {  	_ =	swait.ge [sflag:s12], $0xC380  }
0x13: {  	[sflag:s12] =	ssyncset.done $0x0  }
0x14: {  	[sflag:s12] =	ssyncadd.s32 $0xFFFF3C80  }
0x15: {  	[spmem:s6] =	stream.linear.scatter [tilespmem:s11], [sflag:$0x5], $0xC380, $0x38;
	[tilespmem:$0x14C50] =	vst v63  }
0x16: {  	_ =	swait.ge [sflag:s12], $0xC380  }
0x17: {  	[sflag:s12] =	ssyncset.done $0x0  }
0x18: {  	[sflag:s12] =	ssyncadd.s32 $0xFFFF3C80  }
0x19: {  	[tilespmem:s13], [sflag:$0x5] =	stream.linear.gather [hbm4b:s1+s4], $0x1F40, $0x38;
	[tilespmem:$0x14C50] =	vst v63  }
0x1a: {  	_ =	swait.ge [sflag:s12], $0x1F40  }
0x1b: {  	[sflag:s12] =	ssyncset.done $0x0  }
0x1c: {  	[sflag:s12] =	ssyncadd.s32 $0xFFFFE0C0  }
0x1d: {  	s20 =	sadd.s32 $0x0, s10;
	[bflag:$0x0] =	sbarrier.arrive $0xFFFF  }
0x1e: {  	[tilespmem:s4], [sflag:$0x1] =	stream.linear.gather [hbm4b:s20+s4], $0x3E8, $0x38;
	[tilespmem:$0x14C50] =	vst v63  }
0x1f: {  	s31 =	sadd.s32 $0x0, s9  }
0x20: {  	[tilespmem:s14], [sflag:$0x2] =	stream.linear.gather [hbm4b:s31+s4], $0x3E8, $0x38;
	[tilespmem:$0x14C50] =	vst v63  }
0x21: {  	_ =	swait.ge [sflag:s15], $0x3E8  }
0x22: {  	[sflag:s15] =	ssyncset.done $0x0  }
0x23: {  	[sflag:s15] =	ssyncadd.s32 $0xFFFFFC18  }
0x24: {  	[spmem:s3] =	stream.indirect.scatter.add.f32 [tilespmem:s13], [sflag:$0x3], $0x4, s4, s14, $0xb8;
	[tilespmem:$0x14C50] =	vst v63  }
0x25: {  	_ =	swait.ge [sflag:s16], $0x3E8  }
0x26: {  	[sflag:s16] =	ssyncset.done $0x0  }
0x27: {  	[sflag:s16] =	ssyncadd.s32 $0xFFFFFC18  }
0x28: {  	[spmem:s3] =	stream.indirect.scatter.add.f32 [tilespmem:s13], [sflag:$0x4], $0x4, s14, s14, $0xb8;
	[tilespmem:$0x14C50] =	vst v63  }
0x29: {  	_ =	swait.ge [sflag:s17], $0xFA0  }
0x2a: {  	[sflag:s17] =	ssyncset.done $0x0  }
0x2b: {  	[sflag:s17] =	ssyncadd.s32 $0xFFFFF060  }
0x2c: {  	_ =	swait.ge [sflag:s18], $0xFA0  }
0x2d: {  	s21 =	simm.s32 $0x1F4;
	s20 =	simm.s32 $0xFA;
	[sflag:s18] =	ssyncset.done $0x0  }
.LBB2_2:
0x2e: {  	s22 =	sadd.s32 s20, s10  }
0x2f: {  	[sflag:s18] =	ssyncadd.s32 $0xFFFFF060;
	s23 =	smov.u32 s21;
	s24 =	sadd.s32 $0xFA, s21  }
0x30: {  	[tilespmem:s4], [sflag:$0x1] =	stream.linear.gather [hbm4b:s22+s4], $0x3E8, $0x38;
	[tilespmem:$0x14C50] =	vst v63  }
0x31: {  	p0 =	sne.s32 s21, $0x1770;
	s21 =	sadd.s32 s20, s9;
	s20 =	smov.u32 s23  }
0x32: {  	[tilespmem:s14], [sflag:$0x2] =	stream.linear.gather [hbm4b:s21+s4], $0x3E8, $0x38;
	[tilespmem:$0x14C50] =	vst v63  }
0x33: {  	_ =	swait.ge [sflag:s15], $0x3E8  }
0x34: {  	[sflag:s15] =	ssyncset.done $0x0  }
0x35: {  	[sflag:s15] =	ssyncadd.s32 $0xFFFFFC18  }
0x36: {  	[spmem:s3] =	stream.indirect.scatter.add.f32 [tilespmem:s13], [sflag:$0x3], $0x4, s4, s14, $0xb8;
	[tilespmem:$0x14C50] =	vst v63  }
0x37: {  	_ =	swait.ge [sflag:s16], $0x3E8  }
0x38: {  	[sflag:s16] =	ssyncset.done $0x0  }
0x39: {  	[sflag:s16] =	ssyncadd.s32 $0xFFFFFC18  }
0x3a: {  	[spmem:s3] =	stream.indirect.scatter.add.f32 [tilespmem:s13], [sflag:$0x4], $0x4, s14, s14, $0xb8;
	[tilespmem:$0x14C50] =	vst v63  }
.Ltmp0:
0x3b: {  	_ =	swait.ge [sflag:s17], $0xFA0;
	(pc) =	sbr.rel @p0 .LBB2_2-.Ltmp0, $4  }
0x3c: {  	[sflag:s17] =	ssyncset.done $0x0  }
0x3d: {  	[sflag:s17] =	ssyncadd.s32 $0xFFFFF060  }
0x3e: {  	_ =	swait.ge [sflag:s18], $0xFA0  }
0x3f: {  	s21 =	smov.u32 s24;
	[sflag:s18] =	ssyncset.done $0x0  }
0x40: {  	s21 =	sadd.s32 s20, s10;
	[sflag:s18] =	ssyncadd.s32 $0xFFFFF060  }
0x41: {  	[tilespmem:s4], [sflag:$0x1] =	stream.linear.gather [hbm4b:s21+s4], $0x3E8, $0x38;
	[tilespmem:$0x14C50] =	vst v63  }
0x42: {  	s31 =	sadd.s32 s20, s9  }
0x43: {  	[tilespmem:s14], [sflag:$0x2] =	stream.linear.gather [hbm4b:s31+s4], $0x3E8, $0x38;
	[tilespmem:$0x14C50] =	vst v63  }
0x44: {  	_ =	swait.ge [sflag:s15], $0x3E8  }
0x45: {  	[sflag:s15] =	ssyncset.done $0x0  }
0x46: {  	[sflag:s15] =	ssyncadd.s32 $0xFFFFFC18  }
0x47: {  	[spmem:s3] =	stream.indirect.scatter.add.f32 [tilespmem:s13], [sflag:$0x3], $0x4, s4, s14, $0xb8;
	[tilespmem:$0x14C50] =	vst v63  }
0x48: {  	_ =	swait.ge [sflag:s16], $0x3E8  }
0x49: {  	[sflag:s16] =	ssyncset.done $0x0  }
0x4a: {  	[sflag:s16] =	ssyncadd.s32 $0xFFFFFC18  }
0x4b: {  	[spmem:s3] =	stream.indirect.scatter.add.f32 [tilespmem:s13], [sflag:$0x4], $0x4, s14, s14, $0xb8;
	[tilespmem:$0x14C50] =	vst v63  }
0x4c: {  	_ =	swait.ge [sflag:s17], $0xFA0  }
0x4d: {  	[sflag:s17] =	ssyncset.done $0x0  }
0x4e: {  	[sflag:s17] =	ssyncadd.s32 $0xFFFFF060  }
0x4f: {  	_ =	swait.ge [sflag:s18], $0xFA0  }
0x50: {  	[sflag:s18] =	ssyncset.done $0x0  }
0x51: {  	[sflag:s18] =	ssyncadd.s32 $0xFFFFF060  }
0x52: {  	[bflag:$0x0] =	sbarrier.arrive $0xFFFF  }
0x53: {  	[tilespmem:s11], [sflag:$0x5] =	stream.linear.gather [spmem:s6], $0xC380, $0x38;
	[tilespmem:$0x14C50] =	vst v63  }
0x54: {  	s19 =	sadd.s32 $0x1, s19;
	_ =	swait.ge [sflag:s12], $0xC380  }
0x55: {  	p0 =	sne.s32 s19, s8;
	[sflag:s12] =	ssyncset.done $0x0  }
.Ltmp1:
0x56: {  	[sflag:s12] =	ssyncadd.s32 $0xFFFF3C80;
	(pc) =	sbr.rel @p0 .LBB2_1-.Ltmp1, $4  }
0x57: {  	[hbm4b:s7+s4] =	stream.linear.scatter [tilespmem:s11], [sflag:$0x5], $0xC380, $0x38;
	[tilespmem:$0x14C50] =	vst v63  }
0x58: {  	_ =	swait.ge [sflag:s12], $0xC380  }
0x59: {  	[sflag:s12] =	ssyncset.done $0x0  }
0x5a: {  	[sflag:s12] =	ssyncadd.s32 $0xFFFF3C80  }
0x5b: {  	_ =	sfence.sel $0x180000  }
0x5c: {  	[bflag:$0x0] =	sbarrier.arrive $0xFFFF  }
0x5d: {  	p0 =	sne.s32 s2, $0x0;
	_ =	strace $0x90000047  }
0x5e: {  	s0 =	sadd.s32 @!p0 $0x100000, s0;
	[bflag:$0x2] =	sbarrier.arrive $0xFFFF  }
0x5f: {  	[sflag:s0] =	ssyncadd.tile.s32 @!p0 $0x1;
	_ =	shalt  }
.Lfunc_end2:
_tile_overlayer_lowered:
.L_overlay_start_2:
0x60: {  	(tag) =	ssettag $0x2  }
0x61: {  	s0 =	rddreg [dreg:$0x0];
	s2 =	stileid.u32  }
0x62: {  	s1 =	rddreg [dreg:$0x1];
	p0 =	sne.s32 s2, $0x0  }
0x63: {  	s3 =	rddreg [dreg:$0x2];
	[bflag:$0x3] =	sbarrier.arrive $0xFFFF;
	s2 =	simm.s32 @!p0 $0x1C05  }
0x64: {  	[timem:s3], [sflag:s2] =	dma.local @!p0 [hbm:s0], s1  }
0x65: {  	s0 =	simm.s32 @!p0 $0x5  }
0x66: {  	_ =	swait.ge @!p0 [sflag:s0], s1  }
0x67: {  	s1 =	ssub.s32 @!p0 $0x0, s1;
	[sflag:s0] =	ssyncset.done @!p0 $0x0  }
0x68: {  	[sflag:s0] =	ssyncadd.s32 @!p0 s1  }
0x69: {  	[bflag:$0x3] =	sbarrier.arrive $0xFFFF  }
0x6a: {  	_ =	shalt  }

// kernel: kernel.17.cloned.1.call-start
scs
__scs_entry_jumppad:
0x0: {  	(pc) =	sbr.rel $0x88, $3  }
0x1: {  	(tag) =	ssettag $0x0;
	lr =	simm.s32 $0x1  }
0x2: {  	[smem:$0x3F99] =	sst lr;
	_ =	strace $0xD0000000  }
0x3: {  	_ = 	snop  }
0x4: {  	_ = 	snop  }
0x5: {  	_ = 	snop  }
0x6: {  	_ = 	snop  }
0x7: {  	_ = 	snop  }
__scs_overlays_trampoline_lowered:
0x8: {  	[smem:$0x3FA8] =	sst s0  }
0x9: {  	[smem:$0x3FA9] =	sst s1  }
0xa: {  	[smem:$0x3FAA] =	sst s2  }
0xb: {  	[smem:$0x3FAB] =	sst s3  }
0xc: {  	[smem:$0x3FAC] =	sst s4  }
0xd: {  	[smem:$0x3FAD] =	sst s5  }
0xe: {  	[smem:$0x3FAE] =	sst s6  }
0xf: {  	[smem:$0x3FAF] =	sst s7  }
0x10: {  	[smem:$0x3FB0] =	sst s8  }
0x11: {  	[smem:$0x3FB1] =	sst s9;
	s0 =	simm.s32 @!p0 $0x0  }
0x12: {  	s1 =	sld [smem:$0x3F97];
	s0 =	simm.s32 @p0 $0x1  }
0x13: {  	[smem:$0x3FB2] =	sst s0;
	s0 =	simm.s32 @!p1 $0x0  }
0x14: {  	s2 =	sld [smem:$0x3F96];
	s0 =	simm.s32 @p1 $0x1  }
0x15: {  	[smem:$0x3FB3] =	sst s0;
	s0 =	simm.s32 @!p2 $0x0  }
0x16: {  	s3 =	sld [smem:$0x3FDB];
	s0 =	simm.s32 @p2 $0x1  }
0x17: {  	s4 =	simm.s32 $0x1BF5;
	[smem:$0x3FB5] =	sst s0  }
0x18: {  	s0 =	sld [smem:$0x3F98];
	_ =	swait.ge [sflag:s4], $0x0  }
0x19: {  	s7 =	sld [smem:$0x3F99]  }
0x1a: {  	s8 =	sadd.s32 $0xFFFFE003, lr  }
0x1b: {  	s9 =	sadd.s32 $0xFFFFFEF7, lr;
	s5 =	simm.s32 $0xFFFFFFFF;
	p2 =	slt.u32 s8, $0xFFFFF086  }
0x1c: {  	p1 =	slt.u32 s9, $0xF7A;
	s5 =	simm.s32 @!p2 $0x0  }
0x1d: {  	s5 =	simm.s32 @p1 $0x1;
	p0 =	seq.s32 s7, s2  }
0x1e: {  	s7 =	smul.u32 @!p0 $0xF7A, s2;
	p2 =	seq.s32 @!p0 s5, $0x0  }
0x1f: {  	s9 =	smul.u32 $0xF7A, s1;
	s8 =	simm.s32 @!p0 $0x1BF5;
	p2 =	por !p2, p0  }
0x20: {  	[sflag:s8] =	ssyncset.s32 @!p0 $0xFFFFF086;
	s6 =	sadd.s32 @!p0 s3, s7;
	s7 =	simm.s32 @!p0 $0x108  }
0x21: {  	s3 =	sadd.s32 s3, s9;
	s6 =	sadd.s32 @!p0 $0x88, s6;
	s7 =	simm.s32 @p2 $0x1082  }
0x22: {  	[simem:s7], [sflag:s8] =	dma.local @!p0 [hbm:s6], $0xF7A  }
0x23: {  	s9 =	sor.u32 $0xD0000000, s2;
	s6 =	simm.s32 $0x108;
	_ =	swait.ge @!p0 [sflag:s8], $0x0  }
0x24: {  	s3 =	sadd.s32 $0x88, s3;
	s6 =	simm.s32 @!p1 $0x1082;
	[sflag:s4] =	ssyncset.s32 $0xFFFFF086  }
0x25: {  	[simem:s6], [sflag:s4] =	dma.local [hbm:s3], $0xF7A  }
0x26: {  	[smem:$0x3F99] =	sst s1;
	(tag) =	ssettag s2;
	_ =	strace s9  }
0x27: {  	s1 =	sld [smem:$0x3FA9]  }
0x28: {  	s2 =	sld [smem:$0x3FAA]  }
0x29: {  	s4 =	sld [smem:$0x3FAC]  }
0x2a: {  	p0 =	seq.s32 s5, $0x0;
	s5 =	sld [smem:$0x3FAD]  }
0x2b: {  	s6 =	sld [smem:$0x3FAE]  }
0x2c: {  	s7 =	sld [smem:$0x3FAF]  }
0x2d: {  	s3 =	simm.s32 $0x108;
	s8 =	sld [smem:$0x3FB0]  }
0x2e: {  	s3 =	simm.s32 @!p0 $0x1082;
	s9 =	sld [smem:$0x3FB1]  }
0x2f: {  	lr =	sadd.s32 s0, s3;
	s0 =	sld [smem:$0x3FA8]  }
0x30: {  	s3 =	sld [smem:$0x3FAB]  }
0x31: {  	[smem:$0x3FB4] =	sst s10  }
0x32: {  	s10 =	sld [smem:$0x3FB2];
	_ =	sdelay $0x3  }
0x33: {  	p0 =	seq.s32 s10, $0x1;
	s10 =	sld [smem:$0x3FB4];
	_ =	sdelay $0x3  }
0x34: {  	[smem:$0x3FB4] =	sst s10  }
0x35: {  	s10 =	sld [smem:$0x3FB3];
	_ =	sdelay $0x3  }
0x36: {  	p1 =	seq.s32 s10, $0x1;
	s10 =	sld [smem:$0x3FB4];
	_ =	sdelay $0x3  }
0x37: {  	[smem:$0x3FB4] =	sst s10  }
0x38: {  	s10 =	sld [smem:$0x3FB5]  }
0x39: {  	_ = 	snop;
	(pc) =	sbr.ind lr, $3  }
0x3a: {  	_ = 	snop  }
0x3b: {  	_ = 	snop  }
0x3c: {  	p2 =	seq.s32 s10, $0x1;
	s10 =	sld [smem:$0x3FB4]  }
0x3d: {  	_ =	shalt  }
0x3e: {  	_ =	shalt  }
0x3f: {  	_ =	shalt  }
0x40: {  	_ =	shalt  }
0x41: {  	_ =	shalt  }
0x42: {  	_ =	shalt  }
0x43: {  	_ =	shalt  }
0x44: {  	_ =	shalt  }
0x45: {  	_ =	shalt  }
0x46: {  	_ =	shalt  }
0x47: {  	_ =	shalt  }
0x48: {  	_ =	shalt  }
0x49: {  	_ =	shalt  }
0x4a: {  	_ =	shalt  }
0x4b: {  	_ =	shalt  }
0x4c: {  	_ =	shalt  }
0x4d: {  	_ =	shalt  }
0x4e: {  	_ =	shalt  }
0x4f: {  	_ =	shalt  }
0x50: {  	_ =	shalt  }
0x51: {  	_ =	shalt  }
0x52: {  	_ =	shalt  }
0x53: {  	_ =	shalt  }
0x54: {  	_ =	shalt  }
0x55: {  	_ =	shalt  }
0x56: {  	_ =	shalt  }
0x57: {  	_ =	shalt  }
0x58: {  	_ =	shalt  }
0x59: {  	_ =	shalt  }
0x5a: {  	_ =	shalt  }
0x5b: {  	_ =	shalt  }
0x5c: {  	_ =	shalt  }
0x5d: {  	_ =	shalt  }
0x5e: {  	_ =	shalt  }
0x5f: {  	_ =	shalt  }
0x60: {  	_ =	shalt  }
0x61: {  	_ =	shalt  }
0x62: {  	_ =	shalt  }
0x63: {  	_ =	shalt  }
0x64: {  	_ =	shalt  }
0x65: {  	_ =	shalt  }
0x66: {  	_ =	shalt  }
0x67: {  	_ =	shalt  }
0x68: {  	_ =	shalt  }
0x69: {  	_ =	shalt  }
0x6a: {  	_ =	shalt  }
0x6b: {  	_ =	shalt  }
0x6c: {  	_ =	shalt  }
0x6d: {  	_ =	shalt  }
0x6e: {  	_ =	shalt  }
0x6f: {  	_ =	shalt  }
0x70: {  	_ =	shalt  }
0x71: {  	_ =	shalt  }
0x72: {  	_ =	shalt  }
0x73: {  	_ =	shalt  }
0x74: {  	_ =	shalt  }
0x75: {  	_ =	shalt  }
0x76: {  	_ =	shalt  }
0x77: {  	_ =	shalt  }
0x78: {  	_ =	shalt  }
0x79: {  	_ =	shalt  }
0x7a: {  	_ =	shalt  }
0x7b: {  	_ =	shalt  }
0x7c: {  	_ =	shalt  }
0x7d: {  	_ =	shalt  }
0x7e: {  	_ =	shalt  }
0x7f: {  	_ =	shalt  }
0x80: {  	_ =	shalt  }
0x81: {  	_ =	shalt  }
0x82: {  	_ =	shalt  }
0x83: {  	_ =	shalt  }
0x84: {  	_ =	shalt  }
0x85: {  	_ =	shalt  }
0x86: {  	_ =	shalt  }
0x87: {  	_ =	shalt  }
.Lfunc_end0:
.L_simem_size_0:
called_computation.1_lowered:
.L_overlay_start_0:
0x88: {  	s2 =	sld [smem:$0x3FD9]  }
0x89: {  	s3 =	sld [smem:$0x3FFE];
	_ =	sdelay $0x1  }
0x8a: {  	s1 =	srdreg.scid  }
0x8b: {  	s0 =	sand.u32 $0x1, s1  }
0x8c: {  	s17 =	sshll.u32 s0, $0xA;
	s2 =	sadd.s32 s3, s2  }
0x8d: {  	s2 =	sadd.s32 s2, s17  }
0x8e: {  	[smem:$0x3FC0] =	sst s2  }
0x8f: {  	_ = 	snop  }
0x90: {  	s2 =	sld [smem:$0x3FD0];
	(tm) =	ssettm $0x1  }
0x91: {  	s18 =	sld [smem:$0x3FFB];
	_ =	sdelay $0x3  }
0x92: {  	_ =	strace s18  }
0x93: {  	s3 =	sld [smem:$0x3FFC];
	_ =	sdelay $0x3  }
0x94: {  	_ =	strace s3  }
0x95: {  	s3 =	sld [smem:$0x3FFD];
	_ =	sdelay $0x3  }
0x96: {  	_ =	strace s3  }
0x97: {  	_ =	strace $0x8FFFFFFF  }
0x98: {  	s19 =	sld [smem:$0x3FDB];
	_ =	sdelay $0x1  }
0x99: {  	s4 =	simm.s32 $_scs_section_size  }
0x9a: {  	s5 =	simm.s32 $_size__tile_overlayer_lowered;
	s6 =	simm.s32 $_tile_overlayer_lowered  }
0x9b: {  	s22 =	simm.s32 $0x1BFF;
	s21 =	sshll.u32 s6, $0x1;
	s3 =	sadd.s32 s4, s19  }
0x9c: {  	s7 =	simm.s32 $0x0;
	s20 =	sshll.u32 s5, $0x1;
	s5 =	sadd.s32 s21, s3  }
0x9d: {  	[timem:s7], [sflag:s22] =	dma.local [hbm:s5], s20  }
0x9e: {  	_ =	swait.ge [sflag:s22], s20  }
0x9f: {  	s4 =	ssub.s32 $0x0, s20;
	[sflag:s22] =	ssyncset.done $0x0  }
0xa0: {  	[sflag:s22] =	ssyncadd.s32 s4;
	_ =	sdelay $0x1  }
0xa1: {  	s23 =	simm.s32 $0x1B8B  }
0xa2: {  	_ =	swait.ge [sflag:s23], $0x1  }
0xa3: {  	[sflag:s23] =	ssyncset.done $0x0  }
0xa4: {  	s25 =	simm.s32 $0x1B8E;
	s24 =	sld [smem:$0x3FFE];
	[sflag:s23] =	ssyncadd.s32 $0xFFFFFFFF  }
0xa5: {  	s26 =	simm.s32 $execute0_lowered;
	[smem:$0x3FD2] =	sst s25  }
0xa6: {  	s5 =	sshll.u32 s26, $0x1;
	_ =	strace $0x80000049;
	[dreg:$0x1] =	wrdreg $0xFFFFFFFF  }
0xa7: {  	s28 =	simm.s32 $_size_execute0_lowered;
	s3 =	sadd.s32 s3, s5;
	[dreg:$0x0] =	wrdreg $0x0  }
0xa8: {  	s5 =	sshll.u32 s28, $0x1;
	[dreg:$0x2] =	wrdreg s3  }
0xa9: {  	[dreg:$0x3] =	wrdreg s5  }
0xaa: {  	[dreg:$0x4] =	wrdreg $0xC0  }
0xab: {  	_ =	task [dreg:s7], $0x5FFFF  }
0xac: {  	[dreg:$0x1] =	wrdreg $0xFFFFFFFF  }
0xad: {  	[dreg:$0x0] =	wrdreg $0x60  }
0xae: {  	[dreg:$0x2] =	wrdreg s24  }
0xaf: {  	[dreg:$0x3] =	wrdreg s2  }
0xb0: {  	[dreg:$0x4] =	wrdreg $0x111A00  }
0xb1: {  	[dreg:$0x5] =	wrdreg $0x9  }
0xb2: {  	_ =	task.clear_ibuf [dreg:s7], $0x6FFFF;
	_ =	strace $0x90000049  }
0xb3: {  	s29 =	simm.s32 $0x9;
	_ =	strace $0x8000004B  }
0xb4: {  	_ =	swait.ge [sflag:s29], $0x1  }
0xb5: {  	[sflag:s29] =	ssyncadd.s32 $0xFFFFFFFF  }
0xb6: {  	_ =	strace $0x9000004B  }
0xb7: {  	_ =	sfence  }
0xb8: {  	s30 =	sld [smem:$0x0];
	_ =	sdelay $0x2  }
0xb9: {  	s31 =	sshll.u32 s1, $0xD;
	s1 =	sshrl.u32 s1, $0x2  }
0xba: {  	s3 =	sand.u32 $0x4000, s31;
	s1 =	sadd.s32 s1, s30  }
0xbb: {  	s0 =	sor.u32 s3, s0;
	s1 =	sshll.u32 s1, $0x11  }
0xbc: {  	s0 =	sor.u32 s1, s0  }
0xbd: {  	s0 =	sadd.s32 $0x8F2B, s0  }
0xbe: {  	[sflag:s0] =	ssyncadd.remote.s32 $0x1  }
0xbf: {  	_ =	sfence.sel $0xFFFF  }
0xc0: {  	[dreg:$0x0] =	wrdreg $0xFFFFFFFF;
	(pc) =	sbr.abs _section_cstart, $3  }
0xc1: {  	[dreg:$0x1] =	wrdreg $0xFFFFFFFF  }
0xc2: {  	_ =	task.clear_ibuf [dreg:s7], $0x2FFFF;
	_ =	strace $0x9FFFFFFF  }
0xc3: {  	(tm) =	ssettm $0x7FFFFFFF  }
tec
execute0_lowered:
.L_overlay_start_1:
0x0: {  	(tag) =	ssettag $0x1  }
0x1: {  	s0 =	rddreg [dreg:$0x0]  }
0x2: {  	s2 =	rddreg [dreg:$0x1]  }
0x3: {  	s1 =	rddreg [dreg:$0x2];
	s3 =	simm.s32 $0x0;
	s4 =	stileid.u32  }
0x4: {  	s5 =	srdreg.scid;
	s15 =	simm.s32 $0x9;
	s16 =	simm.s32 $0x4E20  }
0x5: {  	s17 =	simm.s32 $0x7D0;
	s18 =	simm.s32 $0x3E8;
	s19 =	simm.s32 $0xBB8  }
0x6: {  	s28 =	simm.s32 $0x4;
	s29 =	simm.s32 $0x7;
	s30 =	simm.s32 $0x8  }
0x7: {  	s31 =	simm.s32 $0x0;
	[smem:$0x7FF] =	sst s3;
	s13 =	sadd.s32 $0x9200, s0  }
0x8: {  	s7 =	smul.u32 $0x1870, s4;
	s6 =	sadd.s32 $0x6C800, s0;
	s8 =	sand.u32 $0x1, s5  }
0x9: {  	s9 =	smul.u32 $0x186A0, s4;
	s5 =	sadd.s32 $0xCE600, s0;
	s0 =	sadd.s32 $0x6AE00, s0  }
0xa: {  	s12 =	smul.u32 $0x30E00, s4;
	_ =	strace $0x8000004A;
	[dreg:$0x4] =	wrdreg s6  }
0xb: {  	s10 =	ssub.s32 $0x2, s8;
	s11 =	smul.u32 $0xC350, s8;
	[dreg:$0x5] =	wrdreg s0  }
0xc: {  	s8 =	smul.u32 $0x18700, s8;
	s20 =	sshrl.u32 s10, $0x1;
	s21 =	sshrl.u32 s12, $0x2  }
0xd: {  	s2 =	sadd.s32 s2, s7;
	s0 =	ssub.s32 s10, s20;
	s11 =	sadd.s32 s11, s9  }
0xe: {  	s7 =	sadd.s32 s21, s1;
	s8 =	sadd.s32 s8, s2;
	s20 =	simm.s32 $0x1  }
0xf: {  	s21 =	simm.s32 $0xFA0;
	s22 =	sadd.s32 $0x186DE8, s11;
	s9 =	smax.u32 s0, $0x1  }
0x10: {  	s24 =	sadd.s32 $0x186A00, s11;
	s25 =	sshrl.u32 s11, $0x3;
	s14 =	sadd.s32 $0x3E8, s11  }
0x11: {  	s23 =	sshrl.u32 s22, $0x3;
	s0 =	sshrl.u32 s24, $0x3;
	s11 =	sadd.s32 s25, s13  }
0x12: {  	s26 =	sshrl.u32 s14, $0x3;
	s22 =	simm.s32 $0x2;
	s24 =	simm.s32 $0x5  }
0x13: {  	s25 =	simm.s32 $0x3;
	s10 =	sadd.s32 s23, s13;
	s12 =	sadd.s32 s0, s13  }
0x14: {  	s13 =	sadd.s32 s26, s13;
	s23 =	simm.s32 $0x2EE0;
	s26 =	simm.s32 $0x6  }
.LBB2_1:
0x15: {  	s0 =	rddreg [dreg:$0x4];
	s2 =	simm.s32 $0x17360  }
0x16: {  	[tilespmem:s2], [sflag:$0x9] =	stream.linear.gather [hbm4b:s0+s3], $0x8, $0x38;
	[tilespmem:$0x17368] =	vst v63  }
0x17: {  	_ =	swait.ge [sflag:s15], $0x8  }
0x18: {  	[sflag:s15] =	ssyncset.done $0x0  }
0x19: {  	s14 =	rddreg [dreg:$0x5];
	[sflag:s15] =	ssyncadd.s32 $0xFFFFFFF8  }
0x1a: {  	[tilespmem:s16], [sflag:$0x9] =	stream.linear.gather [hbm4b:s14+s3], $0xC380, $0x38;
	[tilespmem:$0x17368] =	vst v63  }
0x1b: {  	_ =	swait.ge [sflag:s15], $0xC380  }
0x1c: {  	[sflag:s15] =	ssyncset.done $0x0  }
0x1d: {  	[sflag:s15] =	ssyncadd.s32 $0xFFFF3C80  }
0x1e: {  	[spmem:s7] =	stream.linear.scatter [tilespmem:s16], [sflag:$0x9], $0xC380, $0x38;
	[tilespmem:$0x17368] =	vst v63  }
0x1f: {  	_ =	swait.ge [sflag:s15], $0xC380  }
0x20: {  	[sflag:s15] =	ssyncset.done $0x0  }
0x21: {  	[sflag:s15] =	ssyncadd.s32 $0xFFFF3C80  }
0x22: {  	s2 =	sadd.s32 $0x0, s11;
	[bflag:$0x0] =	sbarrier.arrive $0xFFFF  }
0x23: {  	[tilespmem:s3], [sflag:$0x1] =	stream.linear.gather [hbm4b:s2+s3], $0x3E8, $0x38;
	[tilespmem:$0x17368] =	vst v63  }
0x24: {  	s4 =	sadd.s32 $0x0, s12  }
0x25: {  	[tilespmem:s17], [sflag:$0x3] =	stream.linear.gather [hbm4b:s4+s3], $0x3E8, $0x38;
	[tilespmem:$0x17368] =	vst v63  }
0x26: {  	s6 =	sadd.s32 $0x0, s13  }
0x27: {  	[tilespmem:s18], [sflag:$0x2] =	stream.linear.gather [hbm4b:s6+s3], $0x3E8, $0x38;
	[tilespmem:$0x17368] =	vst v63  }
0x28: {  	s14 =	sadd.s32 $0x0, s10  }
0x29: {  	[tilespmem:s19], [sflag:$0x4] =	stream.linear.gather [hbm4b:s14+s3], $0x3E8, $0x38;
	[tilespmem:$0x17368] =	vst v63  }
0x2a: {  	_ =	swait.ge [sflag:s20], $0x3E8  }
0x2b: {  	[sflag:s20] =	ssyncset.done $0x0  }
0x2c: {  	[sflag:s20] =	ssyncadd.s32 $0xFFFFFC18  }
0x2d: {  	[tilespmem:s21], [sflag:$0x5] =	stream.indirect.gather [hbm4b:s5+s18], $0x4, s3, s18, $0xb8;
	[tilespmem:$0x17368] =	vst v63  }
0x2e: {  	_ =	swait.ge [sflag:s22], $0x3E8  }
0x2f: {  	[sflag:s22] =	ssyncset.done $0x0  }
0x30: {  	[sflag:s22] =	ssyncadd.s32 $0xFFFFFC18  }
0x31: {  	[tilespmem:s23], [sflag:$0x6] =	stream.indirect.gather [hbm4b:s5+s18], $0x4, s18, s18, $0xb8;
	[tilespmem:$0x17368] =	vst v63  }
0x32: {  	_ =	swait.ge [sflag:s24], $0xFA0  }
0x33: {  	[sflag:s24] =	ssyncset.done $0x0  }
0x34: {  	[sflag:s24] =	ssyncadd.s32 $0xFFFFF060  }
0x35: {  	_ =	swait.ge [sflag:s25], $0x3E8  }
0x36: {  	[sflag:s25] =	ssyncset.done $0x0  }
0x37: {  	[sflag:s25] =	ssyncadd.s32 $0xFFFFFC18  }
0x38: {  	[spmem:s1] =	stream.indirect.scatter.add.f32 [tilespmem:s21], [sflag:$0x7], $0x4, s17, s18, $0xb8;
	[tilespmem:$0x17368] =	vst v63  }
0x39: {  	_ =	swait.ge [sflag:s26], $0xFA0  }
0x3a: {  	[sflag:s26] =	ssyncset.done $0x0  }
0x3b: {  	[sflag:s26] =	ssyncadd.s32 $0xFFFFF060  }
0x3c: {  	_ =	swait.ge [sflag:s28], $0x3E8  }
0x3d: {  	[sflag:s28] =	ssyncset.done $0x0  }
0x3e: {  	[sflag:s28] =	ssyncadd.s32 $0xFFFFFC18  }
0x3f: {  	[spmem:s1] =	stream.indirect.scatter.add.f32 [tilespmem:s23], [sflag:$0x8], $0x4, s19, s18, $0xb8;
	[tilespmem:$0x17368] =	vst v63  }
0x40: {  	_ =	swait.ge [sflag:s29], $0xFA0  }
0x41: {  	[sflag:s29] =	ssyncset.done $0x0  }
0x42: {  	[sflag:s29] =	ssyncadd.s32 $0xFFFFF060  }
0x43: {  	_ =	swait.ge [sflag:s30], $0xFA0  }
0x44: {  	s0 =	simm.s32 $0xFA;
	s2 =	simm.s32 $0x1F4;
	[sflag:s30] =	ssyncset.done $0x0  }
.LBB2_2:
0x45: {  	s4 =	sadd.s32 s0, s11  }
0x46: {  	[sflag:s30] =	ssyncadd.s32 $0xFFFFF060;
	s6 =	smov.u32 s2;
	s14 =	sadd.s32 $0xFA, s2  }
0x47: {  	[tilespmem:s3], [sflag:$0x1] =	stream.linear.gather [hbm4b:s4+s3], $0x3E8, $0x38;
	[tilespmem:$0x17368] =	vst v63  }
0x48: {  	p0 =	sne.s32 s2, $0x1770;
	s2 =	sadd.s32 s0, s12  }
0x49: {  	[tilespmem:s17], [sflag:$0x3] =	stream.linear.gather [hbm4b:s2+s3], $0x3E8, $0x38;
	[tilespmem:$0x17368] =	vst v63  }
0x4a: {  	s2 =	sadd.s32 s0, s13  }
0x4b: {  	[tilespmem:s18], [sflag:$0x2] =	stream.linear.gather [hbm4b:s2+s3], $0x3E8, $0x38;
	[tilespmem:$0x17368] =	vst v63  }
0x4c: {  	s2 =	sadd.s32 s0, s10;
	s0 =	smov.u32 s6  }
0x4d: {  	[tilespmem:s19], [sflag:$0x4] =	stream.linear.gather [hbm4b:s2+s3], $0x3E8, $0x38;
	[tilespmem:$0x17368] =	vst v63  }
0x4e: {  	_ =	swait.ge [sflag:s20], $0x3E8  }
0x4f: {  	[sflag:s20] =	ssyncset.done $0x0  }
0x50: {  	[sflag:s20] =	ssyncadd.s32 $0xFFFFFC18  }
0x51: {  	[tilespmem:s21], [sflag:$0x5] =	stream.indirect.gather [hbm4b:s5+s18], $0x4, s3, s18, $0xb8;
	[tilespmem:$0x17368] =	vst v63  }
0x52: {  	_ =	swait.ge [sflag:s22], $0x3E8  }
0x53: {  	[sflag:s22] =	ssyncset.done $0x0  }
0x54: {  	[sflag:s22] =	ssyncadd.s32 $0xFFFFFC18  }
0x55: {  	[tilespmem:s23], [sflag:$0x6] =	stream.indirect.gather [hbm4b:s5+s18], $0x4, s18, s18, $0xb8;
	[tilespmem:$0x17368] =	vst v63  }
0x56: {  	_ =	swait.ge [sflag:s24], $0xFA0  }
0x57: {  	[sflag:s24] =	ssyncset.done $0x0  }
0x58: {  	[sflag:s24] =	ssyncadd.s32 $0xFFFFF060  }
0x59: {  	_ =	swait.ge [sflag:s25], $0x3E8  }
0x5a: {  	[sflag:s25] =	ssyncset.done $0x0  }
0x5b: {  	[sflag:s25] =	ssyncadd.s32 $0xFFFFFC18  }
0x5c: {  	[spmem:s1] =	stream.indirect.scatter.add.f32 [tilespmem:s21], [sflag:$0x7], $0x4, s17, s18, $0xb8;
	[tilespmem:$0x17368] =	vst v63  }
0x5d: {  	_ =	swait.ge [sflag:s26], $0xFA0  }
0x5e: {  	[sflag:s26] =	ssyncset.done $0x0  }
0x5f: {  	[sflag:s26] =	ssyncadd.s32 $0xFFFFF060  }
0x60: {  	_ =	swait.ge [sflag:s28], $0x3E8  }
0x61: {  	[sflag:s28] =	ssyncset.done $0x0  }
0x62: {  	[sflag:s28] =	ssyncadd.s32 $0xFFFFFC18  }
0x63: {  	[spmem:s1] =	stream.indirect.scatter.add.f32 [tilespmem:s23], [sflag:$0x8], $0x4, s19, s18, $0xb8;
	[tilespmem:$0x17368] =	vst v63  }
.Ltmp0:
0x64: {  	_ =	swait.ge [sflag:s29], $0xFA0;
	(pc) =	sbr.rel @p0 .LBB2_2-.Ltmp0, $4  }
0x65: {  	[sflag:s29] =	ssyncset.done $0x0  }
0x66: {  	[sflag:s29] =	ssyncadd.s32 $0xFFFFF060  }
0x67: {  	_ =	swait.ge [sflag:s30], $0xFA0  }
0x68: {  	s2 =	smov.u32 s14;
	[sflag:s30] =	ssyncset.done $0x0  }
0x69: {  	s2 =	sadd.s32 s0, s11;
	[sflag:s30] =	ssyncadd.s32 $0xFFFFF060  }
0x6a: {  	[tilespmem:s3], [sflag:$0x1] =	stream.linear.gather [hbm4b:s2+s3], $0x3E8, $0x38;
	[tilespmem:$0x17368] =	vst v63  }
0x6b: {  	s4 =	sadd.s32 s0, s12  }
0x6c: {  	[tilespmem:s17], [sflag:$0x3] =	stream.linear.gather [hbm4b:s4+s3], $0x3E8, $0x38;
	[tilespmem:$0x17368] =	vst v63  }
0x6d: {  	s6 =	sadd.s32 s0, s13  }
0x6e: {  	[tilespmem:s18], [sflag:$0x2] =	stream.linear.gather [hbm4b:s6+s3], $0x3E8, $0x38;
	[tilespmem:$0x17368] =	vst v63  }
0x6f: {  	s14 =	sadd.s32 s0, s10  }
0x70: {  	[tilespmem:s19], [sflag:$0x4] =	stream.linear.gather [hbm4b:s14+s3], $0x3E8, $0x38;
	[tilespmem:$0x17368] =	vst v63  }
0x71: {  	_ =	swait.ge [sflag:s20], $0x3E8  }
0x72: {  	[sflag:s20] =	ssyncset.done $0x0  }
0x73: {  	[sflag:s20] =	ssyncadd.s32 $0xFFFFFC18  }
0x74: {  	[tilespmem:s21], [sflag:$0x5] =	stream.indirect.gather [hbm4b:s5+s18], $0x4, s3, s18, $0xb8;
	[tilespmem:$0x17368] =	vst v63  }
0x75: {  	_ =	swait.ge [sflag:s22], $0x3E8  }
0x76: {  	[sflag:s22] =	ssyncset.done $0x0  }
0x77: {  	[sflag:s22] =	ssyncadd.s32 $0xFFFFFC18  }
0x78: {  	[tilespmem:s23], [sflag:$0x6] =	stream.indirect.gather [hbm4b:s5+s18], $0x4, s18, s18, $0xb8;
	[tilespmem:$0x17368] =	vst v63  }
0x79: {  	_ =	swait.ge [sflag:s24], $0xFA0  }
0x7a: {  	[sflag:s24] =	ssyncset.done $0x0  }
0x7b: {  	[sflag:s24] =	ssyncadd.s32 $0xFFFFF060  }
0x7c: {  	_ =	swait.ge [sflag:s25], $0x3E8  }
0x7d: {  	[sflag:s25] =	ssyncset.done $0x0  }
0x7e: {  	[sflag:s25] =	ssyncadd.s32 $0xFFFFFC18  }
0x7f: {  	[spmem:s1] =	stream.indirect.scatter.add.f32 [tilespmem:s21], [sflag:$0x7], $0x4, s17, s18, $0xb8;
	[tilespmem:$0x17368] =	vst v63  }
0x80: {  	_ =	swait.ge [sflag:s26], $0xFA0  }
0x81: {  	[sflag:s26] =	ssyncset.done $0x0  }
0x82: {  	[sflag:s26] =	ssyncadd.s32 $0xFFFFF060  }
0x83: {  	_ =	swait.ge [sflag:s28], $0x3E8  }
0x84: {  	[sflag:s28] =	ssyncset.done $0x0  }
0x85: {  	[sflag:s28] =	ssyncadd.s32 $0xFFFFFC18  }
0x86: {  	[spmem:s1] =	stream.indirect.scatter.add.f32 [tilespmem:s23], [sflag:$0x8], $0x4, s19, s18, $0xb8;
	[tilespmem:$0x17368] =	vst v63  }
0x87: {  	_ =	swait.ge [sflag:s29], $0xFA0  }
0x88: {  	[sflag:s29] =	ssyncset.done $0x0  }
0x89: {  	[sflag:s29] =	ssyncadd.s32 $0xFFFFF060  }
0x8a: {  	_ =	swait.ge [sflag:s30], $0xFA0  }
0x8b: {  	[sflag:s30] =	ssyncset.done $0x0  }
0x8c: {  	[sflag:s30] =	ssyncadd.s32 $0xFFFFF060  }
0x8d: {  	[bflag:$0x0] =	sbarrier.arrive $0xFFFF  }
0x8e: {  	[tilespmem:s16], [sflag:$0x9] =	stream.linear.gather [spmem:s7], $0xC380, $0x38;
	[tilespmem:$0x17368] =	vst v63  }
0x8f: {  	s31 =	sadd.s32 $0x1, s31;
	_ =	swait.ge [sflag:s15], $0xC380  }
0x90: {  	p0 =	sne.s32 s31, s9;
	[sflag:s15] =	ssyncset.done $0x0  }
.Ltmp1:
0x91: {  	[sflag:s15] =	ssyncadd.s32 $0xFFFF3C80;
	(pc) =	sbr.rel @p0 .LBB2_1-.Ltmp1, $4  }
0x92: {  	[hbm4b:s8+s3] =	stream.linear.scatter [tilespmem:s16], [sflag:$0x9], $0xC380, $0x38;
	[tilespmem:$0x17368] =	vst v63  }
0x93: {  	_ =	swait.ge [sflag:s15], $0xC380  }
0x94: {  	[sflag:s15] =	ssyncset.done $0x0  }
0x95: {  	[sflag:s15] =	ssyncadd.s32 $0xFFFF3C80  }
0x96: {  	_ =	sfence.sel $0x180000  }
0x97: {  	[bflag:$0x0] =	sbarrier.arrive $0xFFFF  }
0x98: {  	_ =	strace $0x9000004A  }
0x99: {  	s0 =	stileid.u32;
	[bflag:$0x2] =	sbarrier.arrive $0xFFFF  }
0x9a: {  	p0 =	sne.s32 s0, $0x0;
	s0 =	rddreg [dreg:$0x3]  }
0x9b: {  	s0 =	sadd.s32 @!p0 $0x100000, s0  }
0x9c: {  	[sflag:s0] =	ssyncadd.tile.s32 @!p0 $0x1;
	_ =	shalt  }
.Lfunc_end2:
_tile_overlayer_lowered:
.L_overlay_start_2:
0x9d: {  	(tag) =	ssettag $0x2  }
0x9e: {  	s0 =	rddreg [dreg:$0x0];
	s2 =	stileid.u32  }
0x9f: {  	s1 =	rddreg [dreg:$0x1];
	p0 =	sne.s32 s2, $0x0  }
0xa0: {  	s3 =	rddreg [dreg:$0x2];
	[bflag:$0x3] =	sbarrier.arrive $0xFFFF;
	s2 =	simm.s32 @!p0 $0x1C09  }
0xa1: {  	[timem:s3], [sflag:s2] =	dma.local @!p0 [hbm:s0], s1  }
0xa2: {  	s0 =	simm.s32 @!p0 $0x9  }
0xa3: {  	_ =	swait.ge @!p0 [sflag:s0], s1  }
0xa4: {  	s1 =	ssub.s32 @!p0 $0x0, s1;
	[sflag:s0] =	ssyncset.done @!p0 $0x0  }
0xa5: {  	[sflag:s0] =	ssyncadd.s32 @!p0 s1  }
0xa6: {  	[bflag:$0x3] =	sbarrier.arrive $0xFFFF  }
0xa7: {  	_ =	shalt  }

// kernel: kernel.20.cloned.1.call-start
scs
__scs_entry_jumppad:
0x0: {  	(pc) =	sbr.rel $0x88, $3  }
0x1: {  	(tag) =	ssettag $0x0;
	lr =	simm.s32 $0x1  }
0x2: {  	[smem:$0x3F99] =	sst lr;
	_ =	strace $0xD0000000  }
0x3: {  	_ = 	snop  }
0x4: {  	_ = 	snop  }
0x5: {  	_ = 	snop  }
0x6: {  	_ = 	snop  }
0x7: {  	_ = 	snop  }
__scs_overlays_trampoline_lowered:
0x8: {  	[smem:$0x3FA8] =	sst s0  }
0x9: {  	[smem:$0x3FA9] =	sst s1  }
0xa: {  	[smem:$0x3FAA] =	sst s2  }
0xb: {  	[smem:$0x3FAB] =	sst s3  }
0xc: {  	[smem:$0x3FAC] =	sst s4  }
0xd: {  	[smem:$0x3FAD] =	sst s5  }
0xe: {  	[smem:$0x3FAE] =	sst s6  }
0xf: {  	[smem:$0x3FAF] =	sst s7  }
0x10: {  	[smem:$0x3FB0] =	sst s8  }
0x11: {  	[smem:$0x3FB1] =	sst s9;
	s0 =	simm.s32 @!p0 $0x0  }
0x12: {  	s1 =	sld [smem:$0x3F97];
	s0 =	simm.s32 @p0 $0x1  }
0x13: {  	[smem:$0x3FB2] =	sst s0;
	s0 =	simm.s32 @!p1 $0x0  }
0x14: {  	s2 =	sld [smem:$0x3F96];
	s0 =	simm.s32 @p1 $0x1  }
0x15: {  	[smem:$0x3FB3] =	sst s0;
	s0 =	simm.s32 @!p2 $0x0  }
0x16: {  	s3 =	sld [smem:$0x3FDB];
	s0 =	simm.s32 @p2 $0x1  }
0x17: {  	s4 =	simm.s32 $0x1BF5;
	[smem:$0x3FB5] =	sst s0  }
0x18: {  	s0 =	sld [smem:$0x3F98];
	_ =	swait.ge [sflag:s4], $0x0  }
0x19: {  	s7 =	sld [smem:$0x3F99]  }
0x1a: {  	s8 =	sadd.s32 $0xFFFFE003, lr  }
0x1b: {  	s9 =	sadd.s32 $0xFFFFFEF7, lr;
	s5 =	simm.s32 $0xFFFFFFFF;
	p2 =	slt.u32 s8, $0xFFFFF086  }
0x1c: {  	p1 =	slt.u32 s9, $0xF7A;
	s5 =	simm.s32 @!p2 $0x0  }
0x1d: {  	s5 =	simm.s32 @p1 $0x1;
	p0 =	seq.s32 s7, s2  }
0x1e: {  	s7 =	smul.u32 @!p0 $0xF7A, s2;
	p2 =	seq.s32 @!p0 s5, $0x0  }
0x1f: {  	s9 =	smul.u32 $0xF7A, s1;
	s8 =	simm.s32 @!p0 $0x1BF5;
	p2 =	por !p2, p0  }
0x20: {  	[sflag:s8] =	ssyncset.s32 @!p0 $0xFFFFF086;
	s6 =	sadd.s32 @!p0 s3, s7;
	s7 =	simm.s32 @!p0 $0x108  }
0x21: {  	s3 =	sadd.s32 s3, s9;
	s6 =	sadd.s32 @!p0 $0x88, s6;
	s7 =	simm.s32 @p2 $0x1082  }
0x22: {  	[simem:s7], [sflag:s8] =	dma.local @!p0 [hbm:s6], $0xF7A  }
0x23: {  	s9 =	sor.u32 $0xD0000000, s2;
	s6 =	simm.s32 $0x108;
	_ =	swait.ge @!p0 [sflag:s8], $0x0  }
0x24: {  	s3 =	sadd.s32 $0x88, s3;
	s6 =	simm.s32 @!p1 $0x1082;
	[sflag:s4] =	ssyncset.s32 $0xFFFFF086  }
0x25: {  	[simem:s6], [sflag:s4] =	dma.local [hbm:s3], $0xF7A  }
0x26: {  	[smem:$0x3F99] =	sst s1;
	(tag) =	ssettag s2;
	_ =	strace s9  }
0x27: {  	s1 =	sld [smem:$0x3FA9]  }
0x28: {  	s2 =	sld [smem:$0x3FAA]  }
0x29: {  	s4 =	sld [smem:$0x3FAC]  }
0x2a: {  	p0 =	seq.s32 s5, $0x0;
	s5 =	sld [smem:$0x3FAD]  }
0x2b: {  	s6 =	sld [smem:$0x3FAE]  }
0x2c: {  	s7 =	sld [smem:$0x3FAF]  }
0x2d: {  	s3 =	simm.s32 $0x108;
	s8 =	sld [smem:$0x3FB0]  }
0x2e: {  	s3 =	simm.s32 @!p0 $0x1082;
	s9 =	sld [smem:$0x3FB1]  }
0x2f: {  	lr =	sadd.s32 s0, s3;
	s0 =	sld [smem:$0x3FA8]  }
0x30: {  	s3 =	sld [smem:$0x3FAB]  }
0x31: {  	[smem:$0x3FB4] =	sst s10  }
0x32: {  	s10 =	sld [smem:$0x3FB2];
	_ =	sdelay $0x3  }
0x33: {  	p0 =	seq.s32 s10, $0x1;
	s10 =	sld [smem:$0x3FB4];
	_ =	sdelay $0x3  }
0x34: {  	[smem:$0x3FB4] =	sst s10  }
0x35: {  	s10 =	sld [smem:$0x3FB3];
	_ =	sdelay $0x3  }
0x36: {  	p1 =	seq.s32 s10, $0x1;
	s10 =	sld [smem:$0x3FB4];
	_ =	sdelay $0x3  }
0x37: {  	[smem:$0x3FB4] =	sst s10  }
0x38: {  	s10 =	sld [smem:$0x3FB5]  }
0x39: {  	_ = 	snop;
	(pc) =	sbr.ind lr, $3  }
0x3a: {  	_ = 	snop  }
0x3b: {  	_ = 	snop  }
0x3c: {  	p2 =	seq.s32 s10, $0x1;
	s10 =	sld [smem:$0x3FB4]  }
0x3d: {  	_ =	shalt  }
0x3e: {  	_ =	shalt  }
0x3f: {  	_ =	shalt  }
0x40: {  	_ =	shalt  }
0x41: {  	_ =	shalt  }
0x42: {  	_ =	shalt  }
0x43: {  	_ =	shalt  }
0x44: {  	_ =	shalt  }
0x45: {  	_ =	shalt  }
0x46: {  	_ =	shalt  }
0x47: {  	_ =	shalt  }
0x48: {  	_ =	shalt  }
0x49: {  	_ =	shalt  }
0x4a: {  	_ =	shalt  }
0x4b: {  	_ =	shalt  }
0x4c: {  	_ =	shalt  }
0x4d: {  	_ =	shalt  }
0x4e: {  	_ =	shalt  }
0x4f: {  	_ =	shalt  }
0x50: {  	_ =	shalt  }
0x51: {  	_ =	shalt  }
0x52: {  	_ =	shalt  }
0x53: {  	_ =	shalt  }
0x54: {  	_ =	shalt  }
0x55: {  	_ =	shalt  }
0x56: {  	_ =	shalt  }
0x57: {  	_ =	shalt  }
0x58: {  	_ =	shalt  }
0x59: {  	_ =	shalt  }
0x5a: {  	_ =	shalt  }
0x5b: {  	_ =	shalt  }
0x5c: {  	_ =	shalt  }
0x5d: {  	_ =	shalt  }
0x5e: {  	_ =	shalt  }
0x5f: {  	_ =	shalt  }
0x60: {  	_ =	shalt  }
0x61: {  	_ =	shalt  }
0x62: {  	_ =	shalt  }
0x63: {  	_ =	shalt  }
0x64: {  	_ =	shalt  }
0x65: {  	_ =	shalt  }
0x66: {  	_ =	shalt  }
0x67: {  	_ =	shalt  }
0x68: {  	_ =	shalt  }
0x69: {  	_ =	shalt  }
0x6a: {  	_ =	shalt  }
0x6b: {  	_ =	shalt  }
0x6c: {  	_ =	shalt  }
0x6d: {  	_ =	shalt  }
0x6e: {  	_ =	shalt  }
0x6f: {  	_ =	shalt  }
0x70: {  	_ =	shalt  }
0x71: {  	_ =	shalt  }
0x72: {  	_ =	shalt  }
0x73: {  	_ =	shalt  }
0x74: {  	_ =	shalt  }
0x75: {  	_ =	shalt  }
0x76: {  	_ =	shalt  }
0x77: {  	_ =	shalt  }
0x78: {  	_ =	shalt  }
0x79: {  	_ =	shalt  }
0x7a: {  	_ =	shalt  }
0x7b: {  	_ =	shalt  }
0x7c: {  	_ =	shalt  }
0x7d: {  	_ =	shalt  }
0x7e: {  	_ =	shalt  }
0x7f: {  	_ =	shalt  }
0x80: {  	_ =	shalt  }
0x81: {  	_ =	shalt  }
0x82: {  	_ =	shalt  }
0x83: {  	_ =	shalt  }
0x84: {  	_ =	shalt  }
0x85: {  	_ =	shalt  }
0x86: {  	_ =	shalt  }
0x87: {  	_ =	shalt  }
.Lfunc_end0:
.L_simem_size_0:
called_computation.2_lowered:
.L_overlay_start_0:
0x88: {  	s2 =	sld [smem:$0x3FD9]  }
0x89: {  	s3 =	sld [smem:$0x3FFE];
	_ =	sdelay $0x1  }
0x8a: {  	s1 =	srdreg.scid  }
0x8b: {  	s0 =	sand.u32 $0x1, s1  }
0x8c: {  	s17 =	sshll.u32 s0, $0xA;
	s2 =	sadd.s32 s3, s2  }
0x8d: {  	s2 =	sadd.s32 s2, s17  }
0x8e: {  	[smem:$0x3FC0] =	sst s2  }
0x8f: {  	_ = 	snop  }
0x90: {  	s2 =	sld [smem:$0x3FD0];
	(tm) =	ssettm $0x1  }
0x91: {  	s18 =	sld [smem:$0x3FFB];
	_ =	sdelay $0x3  }
0x92: {  	_ =	strace s18  }
0x93: {  	s3 =	sld [smem:$0x3FFC];
	_ =	sdelay $0x3  }
0x94: {  	_ =	strace s3  }
0x95: {  	s3 =	sld [smem:$0x3FFD];
	_ =	sdelay $0x3  }
0x96: {  	_ =	strace s3  }
0x97: {  	_ =	strace $0x8FFFFFFF  }
0x98: {  	s19 =	sld [smem:$0x3FDB];
	_ =	sdelay $0x1  }
0x99: {  	s4 =	simm.s32 $_scs_section_size  }
0x9a: {  	s5 =	simm.s32 $_size__tile_overlayer_lowered;
	s6 =	simm.s32 $_tile_overlayer_lowered  }
0x9b: {  	s22 =	simm.s32 $0x1BFF;
	s21 =	sshll.u32 s6, $0x1;
	s3 =	sadd.s32 s4, s19  }
0x9c: {  	s7 =	simm.s32 $0x0;
	s20 =	sshll.u32 s5, $0x1;
	s5 =	sadd.s32 s21, s3  }
0x9d: {  	[timem:s7], [sflag:s22] =	dma.local [hbm:s5], s20  }
0x9e: {  	_ =	swait.ge [sflag:s22], s20  }
0x9f: {  	s4 =	ssub.s32 $0x0, s20;
	[sflag:s22] =	ssyncset.done $0x0  }
0xa0: {  	[sflag:s22] =	ssyncadd.s32 s4;
	_ =	sdelay $0x1  }
0xa1: {  	s23 =	simm.s32 $0x1B8B  }
0xa2: {  	_ =	swait.ge [sflag:s23], $0x1  }
0xa3: {  	[sflag:s23] =	ssyncset.done $0x0  }
0xa4: {  	s25 =	simm.s32 $0x1B8E;
	s24 =	sld [smem:$0x3FFE];
	[sflag:s23] =	ssyncadd.s32 $0xFFFFFFFF  }
0xa5: {  	s26 =	simm.s32 $execute0_lowered;
	[smem:$0x3FD2] =	sst s25  }
0xa6: {  	s5 =	sshll.u32 s26, $0x1;
	_ =	strace $0x8000004C;
	[dreg:$0x1] =	wrdreg $0xFFFFFFFF  }
0xa7: {  	s28 =	simm.s32 $_size_execute0_lowered;
	s3 =	sadd.s32 s3, s5;
	[dreg:$0x0] =	wrdreg $0x0  }
0xa8: {  	s5 =	sshll.u32 s28, $0x1;
	[dreg:$0x2] =	wrdreg s3  }
0xa9: {  	[dreg:$0x3] =	wrdreg s5  }
0xaa: {  	[dreg:$0x4] =	wrdreg $0xC0  }
0xab: {  	_ =	task [dreg:s7], $0x5FFFF  }
0xac: {  	[dreg:$0x1] =	wrdreg $0xFFFFFFFF  }
0xad: {  	[dreg:$0x0] =	wrdreg $0x60  }
0xae: {  	[dreg:$0x2] =	wrdreg s24  }
0xaf: {  	[dreg:$0x3] =	wrdreg s2  }
0xb0: {  	[dreg:$0x4] =	wrdreg $0x111A00  }
0xb1: {  	[dreg:$0x5] =	wrdreg $0x9  }
0xb2: {  	_ =	task.clear_ibuf [dreg:s7], $0x6FFFF;
	_ =	strace $0x9000004C  }
0xb3: {  	s29 =	simm.s32 $0x9;
	_ =	strace $0x8000004E  }
0xb4: {  	_ =	swait.ge [sflag:s29], $0x1  }
0xb5: {  	[sflag:s29] =	ssyncadd.s32 $0xFFFFFFFF  }
0xb6: {  	_ =	strace $0x9000004E  }
0xb7: {  	_ =	sfence  }
0xb8: {  	s30 =	sld [smem:$0x0];
	_ =	sdelay $0x2  }
0xb9: {  	s31 =	sshll.u32 s1, $0xD;
	s1 =	sshrl.u32 s1, $0x2  }
0xba: {  	s3 =	sand.u32 $0x4000, s31;
	s1 =	sadd.s32 s1, s30  }
0xbb: {  	s0 =	sor.u32 s3, s0;
	s1 =	sshll.u32 s1, $0x11  }
0xbc: {  	s0 =	sor.u32 s1, s0  }
0xbd: {  	s0 =	sadd.s32 $0x8F2B, s0  }
0xbe: {  	[sflag:s0] =	ssyncadd.remote.s32 $0x1  }
0xbf: {  	_ =	sfence.sel $0xFFFF  }
0xc0: {  	[dreg:$0x0] =	wrdreg $0xFFFFFFFF;
	(pc) =	sbr.abs _section_cstart, $3  }
0xc1: {  	[dreg:$0x1] =	wrdreg $0xFFFFFFFF  }
0xc2: {  	_ =	task.clear_ibuf [dreg:s7], $0x2FFFF;
	_ =	strace $0x9FFFFFFF  }
0xc3: {  	(tm) =	ssettm $0x7FFFFFFF  }
tec
execute0_lowered:
.L_overlay_start_1:
0x0: {  	(tag) =	ssettag $0x1  }
0x1: {  	s0 =	rddreg [dreg:$0x0]  }
0x2: {  	s3 =	rddreg [dreg:$0x2];
	s4 =	simm.s32 $0x0  }
0x3: {  	s5 =	stileid.u32;
	s2 =	srdreg.scid;
	s15 =	simm.s32 $0x9  }
0x4: {  	s16 =	simm.s32 $0x4E20;
	s17 =	simm.s32 $0x7D0;
	s18 =	simm.s32 $0x3E8  }
0x5: {  	s28 =	simm.s32 $0x4;
	s29 =	simm.s32 $0x7;
	s30 =	simm.s32 $0x8  }
0x6: {  	s31 =	simm.s32 $0x0;
	[smem:$0x7FF] =	sst s4;
	s1 =	smul.u32 $0x1870, s5  }
0x7: {  	s7 =	smul.u32 $0x30E00, s5;
	s13 =	sadd.s32 $0x9200, s0;
	s2 =	sand.u32 $0x1, s2  }
0x8: {  	s8 =	smul.u32 $0x186A0, s5;
	s5 =	sadd.s32 $0x6AE00, s0;
	s6 =	sadd.s32 $0x83600, s0  }
0x9: {  	_ =	strace $0x8000004D;
	s9 =	ssub.s32 $0x2, s2;
	s10 =	smul.u32 $0xC350, s2  }
0xa: {  	[dreg:$0x4] =	wrdreg s6;
	s2 =	smul.u32 $0x18700, s2;
	s11 =	sshrl.u32 s9, $0x1  }
0xb: {  	s0 =	sadd.s32 s1, s0;
	s7 =	sshrl.u32 s7, $0x2;
	s19 =	ssub.s32 s9, s11  }
0xc: {  	s20 =	sadd.s32 s10, s8;
	s0 =	sadd.s32 s2, s0;
	s7 =	sadd.s32 s7, s3  }
0xd: {  	s21 =	sadd.s32 $0x186DE8, s20;
	s8 =	sadd.s32 $0x85000, s0;
	s9 =	smax.u32 s19, $0x1  }
0xe: {  	s23 =	sadd.s32 $0x186A00, s20;
	s24 =	sshrl.u32 s20, $0x3;
	s25 =	sadd.s32 $0x3E8, s20  }
0xf: {  	s19 =	simm.s32 $0xBB8;
	s20 =	simm.s32 $0x1;
	s22 =	sshrl.u32 s21, $0x3  }
0x10: {  	s0 =	sshrl.u32 s23, $0x3;
	s11 =	sadd.s32 s24, s13;
	s26 =	sshrl.u32 s25, $0x3  }
0x11: {  	s21 =	simm.s32 $0xFA0;
	s23 =	simm.s32 $0x2EE0;
	s24 =	simm.s32 $0x5  }
0x12: {  	s25 =	simm.s32 $0x3;
	s10 =	sadd.s32 s22, s13;
	s12 =	sadd.s32 s0, s13  }
0x13: {  	s13 =	sadd.s32 s26, s13;
	s22 =	simm.s32 $0x2;
	s26 =	simm.s32 $0x6  }
.LBB2_1:
0x14: {  	s0 =	rddreg [dreg:$0x1];
	s1 =	simm.s32 $0x1D520  }
0x15: {  	[tilespmem:s1], [sflag:$0x9] =	stream.linear.gather [hbm4b:s0+s4], $0x8, $0x38;
	[tilespmem:$0x1D528] =	vst v63  }
0x16: {  	_ =	swait.ge [sflag:s15], $0x8  }
0x17: {  	[sflag:s15] =	ssyncset.done $0x0  }
0x18: {  	s14 =	rddreg [dreg:$0x4];
	[sflag:s15] =	ssyncadd.s32 $0xFFFFFFF8  }
0x19: {  	[tilespmem:s16], [sflag:$0x9] =	stream.linear.gather [hbm4b:s14+s4], $0xC380, $0x38;
	[tilespmem:$0x1D528] =	vst v63  }
0x1a: {  	_ =	swait.ge [sflag:s15], $0xC380  }
0x1b: {  	[sflag:s15] =	ssyncset.done $0x0  }
0x1c: {  	[sflag:s15] =	ssyncadd.s32 $0xFFFF3C80  }
0x1d: {  	[spmem:s7] =	stream.linear.scatter [tilespmem:s16], [sflag:$0x9], $0xC380, $0x38;
	[tilespmem:$0x1D528] =	vst v63  }
0x1e: {  	_ =	swait.ge [sflag:s15], $0xC380  }
0x1f: {  	[sflag:s15] =	ssyncset.done $0x0  }
0x20: {  	[sflag:s15] =	ssyncadd.s32 $0xFFFF3C80  }
0x21: {  	s1 =	sadd.s32 $0x0, s11;
	[bflag:$0x0] =	sbarrier.arrive $0xFFFF  }
0x22: {  	[tilespmem:s4], [sflag:$0x1] =	stream.linear.gather [hbm4b:s1+s4], $0x3E8, $0x38;
	[tilespmem:$0x1D528] =	vst v63  }
0x23: {  	s2 =	sadd.s32 $0x0, s12  }
0x24: {  	[tilespmem:s17], [sflag:$0x3] =	stream.linear.gather [hbm4b:s2+s4], $0x3E8, $0x38;
	[tilespmem:$0x1D528] =	vst v63  }
0x25: {  	s6 =	sadd.s32 $0x0, s13  }
0x26: {  	[tilespmem:s18], [sflag:$0x2] =	stream.linear.gather [hbm4b:s6+s4], $0x3E8, $0x38;
	[tilespmem:$0x1D528] =	vst v63  }
0x27: {  	s14 =	sadd.s32 $0x0, s10  }
0x28: {  	[tilespmem:s19], [sflag:$0x4] =	stream.linear.gather [hbm4b:s14+s4], $0x3E8, $0x38;
	[tilespmem:$0x1D528] =	vst v63  }
0x29: {  	_ =	swait.ge [sflag:s20], $0x3E8  }
0x2a: {  	[sflag:s20] =	ssyncset.done $0x0  }
0x2b: {  	[sflag:s20] =	ssyncadd.s32 $0xFFFFFC18  }
0x2c: {  	[tilespmem:s21], [sflag:$0x5] =	stream.indirect.gather [hbm4b:s5+s18], $0x8, s4, s18, $0xb8;
	[tilespmem:$0x1D528] =	vst v63  }
0x2d: {  	_ =	swait.ge [sflag:s22], $0x3E8  }
0x2e: {  	[sflag:s22] =	ssyncset.done $0x0  }
0x2f: {  	[sflag:s22] =	ssyncadd.s32 $0xFFFFFC18  }
0x30: {  	[tilespmem:s23], [sflag:$0x6] =	stream.indirect.gather [hbm4b:s5+s18], $0x8, s18, s18, $0xb8;
	[tilespmem:$0x1D528] =	vst v63  }
0x31: {  	_ =	swait.ge [sflag:s24], $0x1F40  }
0x32: {  	[sflag:s24] =	ssyncset.done $0x0  }
0x33: {  	[sflag:s24] =	ssyncadd.s32 $0xFFFFE0C0  }
0x34: {  	_ =	swait.ge [sflag:s25], $0x3E8  }
0x35: {  	[sflag:s25] =	ssyncset.done $0x0  }
0x36: {  	[sflag:s25] =	ssyncadd.s32 $0xFFFFFC18  }
0x37: {  	[spmem:s3] =	stream.indirect.scatter.add.f32 [tilespmem:s21], [sflag:$0x7], $0x8, s17, s18, $0xb8;
	[tilespmem:$0x1D528] =	vst v63  }
0x38: {  	_ =	swait.ge [sflag:s26], $0x1F40  }
0x39: {  	[sflag:s26] =	ssyncset.done $0x0  }
0x3a: {  	[sflag:s26] =	ssyncadd.s32 $0xFFFFE0C0  }
0x3b: {  	_ =	swait.ge [sflag:s28], $0x3E8  }
0x3c: {  	[sflag:s28] =	ssyncset.done $0x0  }
0x3d: {  	[sflag:s28] =	ssyncadd.s32 $0xFFFFFC18  }
0x3e: {  	[spmem:s3] =	stream.indirect.scatter.add.f32 [tilespmem:s23], [sflag:$0x8], $0x8, s19, s18, $0xb8;
	[tilespmem:$0x1D528] =	vst v63  }
0x3f: {  	_ =	swait.ge [sflag:s29], $0x1F40  }
0x40: {  	[sflag:s29] =	ssyncset.done $0x0  }
0x41: {  	[sflag:s29] =	ssyncadd.s32 $0xFFFFE0C0  }
0x42: {  	_ =	swait.ge [sflag:s30], $0x1F40  }
0x43: {  	s0 =	simm.s32 $0xFA;
	s1 =	simm.s32 $0x1F4;
	[sflag:s30] =	ssyncset.done $0x0  }
.LBB2_2:
0x44: {  	s14 =	sadd.s32 s0, s11  }
0x45: {  	[sflag:s30] =	ssyncadd.s32 $0xFFFFE0C0;
	s6 =	smov.u32 s1;
	s2 =	sadd.s32 $0xFA, s1  }
0x46: {  	[tilespmem:s4], [sflag:$0x1] =	stream.linear.gather [hbm4b:s14+s4], $0x3E8, $0x38;
	[tilespmem:$0x1D528] =	vst v63  }
0x47: {  	p0 =	sne.s32 s1, $0x1770;
	s1 =	sadd.s32 s0, s12  }
0x48: {  	[tilespmem:s17], [sflag:$0x3] =	stream.linear.gather [hbm4b:s1+s4], $0x3E8, $0x38;
	[tilespmem:$0x1D528] =	vst v63  }
0x49: {  	s1 =	sadd.s32 s0, s13  }
0x4a: {  	[tilespmem:s18], [sflag:$0x2] =	stream.linear.gather [hbm4b:s1+s4], $0x3E8, $0x38;
	[tilespmem:$0x1D528] =	vst v63  }
0x4b: {  	s1 =	sadd.s32 s0, s10;
	s0 =	smov.u32 s6  }
0x4c: {  	[tilespmem:s19], [sflag:$0x4] =	stream.linear.gather [hbm4b:s1+s4], $0x3E8, $0x38;
	[tilespmem:$0x1D528] =	vst v63  }
0x4d: {  	_ =	swait.ge [sflag:s20], $0x3E8  }
0x4e: {  	[sflag:s20] =	ssyncset.done $0x0  }
0x4f: {  	[sflag:s20] =	ssyncadd.s32 $0xFFFFFC18  }
0x50: {  	[tilespmem:s21], [sflag:$0x5] =	stream.indirect.gather [hbm4b:s5+s18], $0x8, s4, s18, $0xb8;
	[tilespmem:$0x1D528] =	vst v63  }
0x51: {  	_ =	swait.ge [sflag:s22], $0x3E8  }
0x52: {  	[sflag:s22] =	ssyncset.done $0x0  }
0x53: {  	[sflag:s22] =	ssyncadd.s32 $0xFFFFFC18  }
0x54: {  	[tilespmem:s23], [sflag:$0x6] =	stream.indirect.gather [hbm4b:s5+s18], $0x8, s18, s18, $0xb8;
	[tilespmem:$0x1D528] =	vst v63  }
0x55: {  	_ =	swait.ge [sflag:s24], $0x1F40  }
0x56: {  	[sflag:s24] =	ssyncset.done $0x0  }
0x57: {  	[sflag:s24] =	ssyncadd.s32 $0xFFFFE0C0  }
0x58: {  	_ =	swait.ge [sflag:s25], $0x3E8  }
0x59: {  	[sflag:s25] =	ssyncset.done $0x0  }
0x5a: {  	[sflag:s25] =	ssyncadd.s32 $0xFFFFFC18  }
0x5b: {  	[spmem:s3] =	stream.indirect.scatter.add.f32 [tilespmem:s21], [sflag:$0x7], $0x8, s17, s18, $0xb8;
	[tilespmem:$0x1D528] =	vst v63  }
0x5c: {  	_ =	swait.ge [sflag:s26], $0x1F40  }
0x5d: {  	[sflag:s26] =	ssyncset.done $0x0  }
0x5e: {  	[sflag:s26] =	ssyncadd.s32 $0xFFFFE0C0  }
0x5f: {  	_ =	swait.ge [sflag:s28], $0x3E8  }
0x60: {  	[sflag:s28] =	ssyncset.done $0x0  }
0x61: {  	[sflag:s28] =	ssyncadd.s32 $0xFFFFFC18  }
0x62: {  	[spmem:s3] =	stream.indirect.scatter.add.f32 [tilespmem:s23], [sflag:$0x8], $0x8, s19, s18, $0xb8;
	[tilespmem:$0x1D528] =	vst v63  }
.Ltmp0:
0x63: {  	_ =	swait.ge [sflag:s29], $0x1F40;
	(pc) =	sbr.rel @p0 .LBB2_2-.Ltmp0, $4  }
0x64: {  	[sflag:s29] =	ssyncset.done $0x0  }
0x65: {  	[sflag:s29] =	ssyncadd.s32 $0xFFFFE0C0  }
0x66: {  	_ =	swait.ge [sflag:s30], $0x1F40  }
0x67: {  	s1 =	smov.u32 s2;
	[sflag:s30] =	ssyncset.done $0x0  }
0x68: {  	s1 =	sadd.s32 s0, s11;
	[sflag:s30] =	ssyncadd.s32 $0xFFFFE0C0  }
0x69: {  	[tilespmem:s4], [sflag:$0x1] =	stream.linear.gather [hbm4b:s1+s4], $0x3E8, $0x38;
	[tilespmem:$0x1D528] =	vst v63  }
0x6a: {  	s2 =	sadd.s32 s0, s12  }
0x6b: {  	[tilespmem:s17], [sflag:$0x3] =	stream.linear.gather [hbm4b:s2+s4], $0x3E8, $0x38;
	[tilespmem:$0x1D528] =	vst v63  }
0x6c: {  	s6 =	sadd.s32 s0, s13  }
0x6d: {  	[tilespmem:s18], [sflag:$0x2] =	stream.linear.gather [hbm4b:s6+s4], $0x3E8, $0x38;
	[tilespmem:$0x1D528] =	vst v63  }
0x6e: {  	s14 =	sadd.s32 s0, s10  }
0x6f: {  	[tilespmem:s19], [sflag:$0x4] =	stream.linear.gather [hbm4b:s14+s4], $0x3E8, $0x38;
	[tilespmem:$0x1D528] =	vst v63  }
0x70: {  	_ =	swait.ge [sflag:s20], $0x3E8  }
0x71: {  	[sflag:s20] =	ssyncset.done $0x0  }
0x72: {  	[sflag:s20] =	ssyncadd.s32 $0xFFFFFC18  }
0x73: {  	[tilespmem:s21], [sflag:$0x5] =	stream.indirect.gather [hbm4b:s5+s18], $0x8, s4, s18, $0xb8;
	[tilespmem:$0x1D528] =	vst v63  }
0x74: {  	_ =	swait.ge [sflag:s22], $0x3E8  }
0x75: {  	[sflag:s22] =	ssyncset.done $0x0  }
0x76: {  	[sflag:s22] =	ssyncadd.s32 $0xFFFFFC18  }
0x77: {  	[tilespmem:s23], [sflag:$0x6] =	stream.indirect.gather [hbm4b:s5+s18], $0x8, s18, s18, $0xb8;
	[tilespmem:$0x1D528] =	vst v63  }
0x78: {  	_ =	swait.ge [sflag:s24], $0x1F40  }
0x79: {  	[sflag:s24] =	ssyncset.done $0x0  }
0x7a: {  	[sflag:s24] =	ssyncadd.s32 $0xFFFFE0C0  }
0x7b: {  	_ =	swait.ge [sflag:s25], $0x3E8  }
0x7c: {  	[sflag:s25] =	ssyncset.done $0x0  }
0x7d: {  	[sflag:s25] =	ssyncadd.s32 $0xFFFFFC18  }
0x7e: {  	[spmem:s3] =	stream.indirect.scatter.add.f32 [tilespmem:s21], [sflag:$0x7], $0x8, s17, s18, $0xb8;
	[tilespmem:$0x1D528] =	vst v63  }
0x7f: {  	_ =	swait.ge [sflag:s26], $0x1F40  }
0x80: {  	[sflag:s26] =	ssyncset.done $0x0  }
0x81: {  	[sflag:s26] =	ssyncadd.s32 $0xFFFFE0C0  }
0x82: {  	_ =	swait.ge [sflag:s28], $0x3E8  }
0x83: {  	[sflag:s28] =	ssyncset.done $0x0  }
0x84: {  	[sflag:s28] =	ssyncadd.s32 $0xFFFFFC18  }
0x85: {  	[spmem:s3] =	stream.indirect.scatter.add.f32 [tilespmem:s23], [sflag:$0x8], $0x8, s19, s18, $0xb8;
	[tilespmem:$0x1D528] =	vst v63  }
0x86: {  	_ =	swait.ge [sflag:s29], $0x1F40  }
0x87: {  	[sflag:s29] =	ssyncset.done $0x0  }
0x88: {  	[sflag:s29] =	ssyncadd.s32 $0xFFFFE0C0  }
0x89: {  	_ =	swait.ge [sflag:s30], $0x1F40  }
0x8a: {  	[sflag:s30] =	ssyncset.done $0x0  }
0x8b: {  	[sflag:s30] =	ssyncadd.s32 $0xFFFFE0C0  }
0x8c: {  	[bflag:$0x0] =	sbarrier.arrive $0xFFFF  }
0x8d: {  	[tilespmem:s16], [sflag:$0x9] =	stream.linear.gather [spmem:s7], $0xC380, $0x38;
	[tilespmem:$0x1D528] =	vst v63  }
0x8e: {  	s31 =	sadd.s32 $0x1, s31;
	_ =	swait.ge [sflag:s15], $0xC380  }
0x8f: {  	p0 =	sne.s32 s31, s9;
	[sflag:s15] =	ssyncset.done $0x0  }
.Ltmp1:
0x90: {  	[sflag:s15] =	ssyncadd.s32 $0xFFFF3C80;
	(pc) =	sbr.rel @p0 .LBB2_1-.Ltmp1, $4  }
0x91: {  	[hbm4b:s8+s4] =	stream.linear.scatter [tilespmem:s16], [sflag:$0x9], $0xC380, $0x38;
	[tilespmem:$0x1D528] =	vst v63  }
0x92: {  	_ =	swait.ge [sflag:s15], $0xC380  }
0x93: {  	[sflag:s15] =	ssyncset.done $0x0  }
0x94: {  	[sflag:s15] =	ssyncadd.s32 $0xFFFF3C80  }
0x95: {  	_ =	sfence.sel $0x180000  }
0x96: {  	[bflag:$0x0] =	sbarrier.arrive $0xFFFF  }
0x97: {  	_ =	strace $0x9000004D  }
0x98: {  	s0 =	stileid.u32;
	[bflag:$0x2] =	sbarrier.arrive $0xFFFF  }
0x99: {  	p0 =	sne.s32 s0, $0x0;
	s0 =	rddreg [dreg:$0x3]  }
0x9a: {  	s0 =	sadd.s32 @!p0 $0x100000, s0  }
0x9b: {  	[sflag:s0] =	ssyncadd.tile.s32 @!p0 $0x1;
	_ =	shalt  }
.Lfunc_end2:
_tile_overlayer_lowered:
.L_overlay_start_2:
0x9c: {  	(tag) =	ssettag $0x2  }
0x9d: {  	s0 =	rddreg [dreg:$0x0];
	s2 =	stileid.u32  }
0x9e: {  	s1 =	rddreg [dreg:$0x1];
	p0 =	sne.s32 s2, $0x0  }
0x9f: {  	s3 =	rddreg [dreg:$0x2];
	[bflag:$0x3] =	sbarrier.arrive $0xFFFF;
	s2 =	simm.s32 @!p0 $0x1C09  }
0xa0: {  	[timem:s3], [sflag:s2] =	dma.local @!p0 [hbm:s0], s1  }
0xa1: {  	s0 =	simm.s32 @!p0 $0x9  }
0xa2: {  	_ =	swait.ge @!p0 [sflag:s0], s1  }
0xa3: {  	s1 =	ssub.s32 @!p0 $0x0, s1;
	[sflag:s0] =	ssyncset.done @!p0 $0x0  }
0xa4: {  	[sflag:s0] =	ssyncadd.s32 @!p0 s1  }
0xa5: {  	[bflag:$0x3] =	sbarrier.arrive $0xFFFF  }
0xa6: {  	_ =	shalt  }

// kernel: kernel.23.cloned.1.call-start
scs
__scs_entry_jumppad:
0x0: {  	(pc) =	sbr.rel $0x88, $3  }
0x1: {  	(tag) =	ssettag $0x0;
	lr =	simm.s32 $0x1  }
0x2: {  	[smem:$0x3F99] =	sst lr;
	_ =	strace $0xD0000000  }
0x3: {  	_ = 	snop  }
0x4: {  	_ = 	snop  }
0x5: {  	_ = 	snop  }
0x6: {  	_ = 	snop  }
0x7: {  	_ = 	snop  }
__scs_overlays_trampoline_lowered:
0x8: {  	[smem:$0x3FA8] =	sst s0  }
0x9: {  	[smem:$0x3FA9] =	sst s1  }
0xa: {  	[smem:$0x3FAA] =	sst s2  }
0xb: {  	[smem:$0x3FAB] =	sst s3  }
0xc: {  	[smem:$0x3FAC] =	sst s4  }
0xd: {  	[smem:$0x3FAD] =	sst s5  }
0xe: {  	[smem:$0x3FAE] =	sst s6  }
0xf: {  	[smem:$0x3FAF] =	sst s7  }
0x10: {  	[smem:$0x3FB0] =	sst s8  }
0x11: {  	[smem:$0x3FB1] =	sst s9;
	s0 =	simm.s32 @!p0 $0x0  }
0x12: {  	s1 =	sld [smem:$0x3F97];
	s0 =	simm.s32 @p0 $0x1  }
0x13: {  	[smem:$0x3FB2] =	sst s0;
	s0 =	simm.s32 @!p1 $0x0  }
0x14: {  	s2 =	sld [smem:$0x3F96];
	s0 =	simm.s32 @p1 $0x1  }
0x15: {  	[smem:$0x3FB3] =	sst s0;
	s0 =	simm.s32 @!p2 $0x0  }
0x16: {  	s3 =	sld [smem:$0x3FDB];
	s0 =	simm.s32 @p2 $0x1  }
0x17: {  	s4 =	simm.s32 $0x1BF5;
	[smem:$0x3FB5] =	sst s0  }
0x18: {  	s0 =	sld [smem:$0x3F98];
	_ =	swait.ge [sflag:s4], $0x0  }
0x19: {  	s7 =	sld [smem:$0x3F99]  }
0x1a: {  	s8 =	sadd.s32 $0xFFFFE003, lr  }
0x1b: {  	s9 =	sadd.s32 $0xFFFFFEF7, lr;
	s5 =	simm.s32 $0xFFFFFFFF;
	p2 =	slt.u32 s8, $0xFFFFF086  }
0x1c: {  	p1 =	slt.u32 s9, $0xF7A;
	s5 =	simm.s32 @!p2 $0x0  }
0x1d: {  	s5 =	simm.s32 @p1 $0x1;
	p0 =	seq.s32 s7, s2  }
0x1e: {  	s7 =	smul.u32 @!p0 $0xF7A, s2;
	p2 =	seq.s32 @!p0 s5, $0x0  }
0x1f: {  	s9 =	smul.u32 $0xF7A, s1;
	s8 =	simm.s32 @!p0 $0x1BF5;
	p2 =	por !p2, p0  }
0x20: {  	[sflag:s8] =	ssyncset.s32 @!p0 $0xFFFFF086;
	s6 =	sadd.s32 @!p0 s3, s7;
	s7 =	simm.s32 @!p0 $0x108  }
0x21: {  	s3 =	sadd.s32 s3, s9;
	s6 =	sadd.s32 @!p0 $0x88, s6;
	s7 =	simm.s32 @p2 $0x1082  }
0x22: {  	[simem:s7], [sflag:s8] =	dma.local @!p0 [hbm:s6], $0xF7A  }
0x23: {  	s9 =	sor.u32 $0xD0000000, s2;
	s6 =	simm.s32 $0x108;
	_ =	swait.ge @!p0 [sflag:s8], $0x0  }
0x24: {  	s3 =	sadd.s32 $0x88, s3;
	s6 =	simm.s32 @!p1 $0x1082;
	[sflag:s4] =	ssyncset.s32 $0xFFFFF086  }
0x25: {  	[simem:s6], [sflag:s4] =	dma.local [hbm:s3], $0xF7A  }
0x26: {  	[smem:$0x3F99] =	sst s1;
	(tag) =	ssettag s2;
	_ =	strace s9  }
0x27: {  	s1 =	sld [smem:$0x3FA9]  }
0x28: {  	s2 =	sld [smem:$0x3FAA]  }
0x29: {  	s4 =	sld [smem:$0x3FAC]  }
0x2a: {  	p0 =	seq.s32 s5, $0x0;
	s5 =	sld [smem:$0x3FAD]  }
0x2b: {  	s6 =	sld [smem:$0x3FAE]  }
0x2c: {  	s7 =	sld [smem:$0x3FAF]  }
0x2d: {  	s3 =	simm.s32 $0x108;
	s8 =	sld [smem:$0x3FB0]  }
0x2e: {  	s3 =	simm.s32 @!p0 $0x1082;
	s9 =	sld [smem:$0x3FB1]  }
0x2f: {  	lr =	sadd.s32 s0, s3;
	s0 =	sld [smem:$0x3FA8]  }
0x30: {  	s3 =	sld [smem:$0x3FAB]  }
0x31: {  	[smem:$0x3FB4] =	sst s10  }
0x32: {  	s10 =	sld [smem:$0x3FB2];
	_ =	sdelay $0x3  }
0x33: {  	p0 =	seq.s32 s10, $0x1;
	s10 =	sld [smem:$0x3FB4];
	_ =	sdelay $0x3  }
0x34: {  	[smem:$0x3FB4] =	sst s10  }
0x35: {  	s10 =	sld [smem:$0x3FB3];
	_ =	sdelay $0x3  }
0x36: {  	p1 =	seq.s32 s10, $0x1;
	s10 =	sld [smem:$0x3FB4];
	_ =	sdelay $0x3  }
0x37: {  	[smem:$0x3FB4] =	sst s10  }
0x38: {  	s10 =	sld [smem:$0x3FB5]  }
0x39: {  	_ = 	snop;
	(pc) =	sbr.ind lr, $3  }
0x3a: {  	_ = 	snop  }
0x3b: {  	_ = 	snop  }
0x3c: {  	p2 =	seq.s32 s10, $0x1;
	s10 =	sld [smem:$0x3FB4]  }
0x3d: {  	_ =	shalt  }
0x3e: {  	_ =	shalt  }
0x3f: {  	_ =	shalt  }
0x40: {  	_ =	shalt  }
0x41: {  	_ =	shalt  }
0x42: {  	_ =	shalt  }
0x43: {  	_ =	shalt  }
0x44: {  	_ =	shalt  }
0x45: {  	_ =	shalt  }
0x46: {  	_ =	shalt  }
0x47: {  	_ =	shalt  }
0x48: {  	_ =	shalt  }
0x49: {  	_ =	shalt  }
0x4a: {  	_ =	shalt  }
0x4b: {  	_ =	shalt  }
0x4c: {  	_ =	shalt  }
0x4d: {  	_ =	shalt  }
0x4e: {  	_ =	shalt  }
0x4f: {  	_ =	shalt  }
0x50: {  	_ =	shalt  }
0x51: {  	_ =	shalt  }
0x52: {  	_ =	shalt  }
0x53: {  	_ =	shalt  }
0x54: {  	_ =	shalt  }
0x55: {  	_ =	shalt  }
0x56: {  	_ =	shalt  }
0x57: {  	_ =	shalt  }
0x58: {  	_ =	shalt  }
0x59: {  	_ =	shalt  }
0x5a: {  	_ =	shalt  }
0x5b: {  	_ =	shalt  }
0x5c: {  	_ =	shalt  }
0x5d: {  	_ =	shalt  }
0x5e: {  	_ =	shalt  }
0x5f: {  	_ =	shalt  }
0x60: {  	_ =	shalt  }
0x61: {  	_ =	shalt  }
0x62: {  	_ =	shalt  }
0x63: {  	_ =	shalt  }
0x64: {  	_ =	shalt  }
0x65: {  	_ =	shalt  }
0x66: {  	_ =	shalt  }
0x67: {  	_ =	shalt  }
0x68: {  	_ =	shalt  }
0x69: {  	_ =	shalt  }
0x6a: {  	_ =	shalt  }
0x6b: {  	_ =	shalt  }
0x6c: {  	_ =	shalt  }
0x6d: {  	_ =	shalt  }
0x6e: {  	_ =	shalt  }
0x6f: {  	_ =	shalt  }
0x70: {  	_ =	shalt  }
0x71: {  	_ =	shalt  }
0x72: {  	_ =	shalt  }
0x73: {  	_ =	shalt  }
0x74: {  	_ =	shalt  }
0x75: {  	_ =	shalt  }
0x76: {  	_ =	shalt  }
0x77: {  	_ =	shalt  }
0x78: {  	_ =	shalt  }
0x79: {  	_ =	shalt  }
0x7a: {  	_ =	shalt  }
0x7b: {  	_ =	shalt  }
0x7c: {  	_ =	shalt  }
0x7d: {  	_ =	shalt  }
0x7e: {  	_ =	shalt  }
0x7f: {  	_ =	shalt  }
0x80: {  	_ =	shalt  }
0x81: {  	_ =	shalt  }
0x82: {  	_ =	shalt  }
0x83: {  	_ =	shalt  }
0x84: {  	_ =	shalt  }
0x85: {  	_ =	shalt  }
0x86: {  	_ =	shalt  }
0x87: {  	_ =	shalt  }
.Lfunc_end0:
.L_simem_size_0:
called_computation.3_lowered:
.L_overlay_start_0:
0x88: {  	s2 =	sld [smem:$0x3FD9]  }
0x89: {  	s3 =	sld [smem:$0x3FFE];
	_ =	sdelay $0x1  }
0x8a: {  	s1 =	srdreg.scid  }
0x8b: {  	s0 =	sand.u32 $0x1, s1  }
0x8c: {  	s16 =	sshll.u32 s0, $0xA;
	s2 =	sadd.s32 s3, s2  }
0x8d: {  	s2 =	sadd.s32 s2, s16  }
0x8e: {  	[smem:$0x3FC0] =	sst s2  }
0x8f: {  	_ = 	snop  }
0x90: {  	(tm) =	ssettm $0x1  }
0x91: {  	s17 =	sld [smem:$0x3FFB];
	_ =	sdelay $0x3  }
0x92: {  	_ =	strace s17  }
0x93: {  	s2 =	sld [smem:$0x3FFC];
	_ =	sdelay $0x3  }
0x94: {  	_ =	strace s2  }
0x95: {  	s2 =	sld [smem:$0x3FFD];
	_ =	sdelay $0x3  }
0x96: {  	_ =	strace s2  }
0x97: {  	_ =	strace $0x8FFFFFFF  }
0x98: {  	s18 =	sld [smem:$0x3FDB];
	_ =	sdelay $0x1  }
0x99: {  	s19 =	simm.s32 $_scs_section_size  }
0x9a: {  	s4 =	simm.s32 $_size__tile_overlayer_lowered;
	s5 =	simm.s32 $_tile_overlayer_lowered  }
0x9b: {  	s22 =	simm.s32 $0x1BFF;
	s21 =	sshll.u32 s5, $0x1;
	s2 =	sadd.s32 s19, s18  }
0x9c: {  	s6 =	simm.s32 $0x0;
	s20 =	sshll.u32 s4, $0x1;
	s4 =	sadd.s32 s21, s2  }
0x9d: {  	[timem:s6], [sflag:s22] =	dma.local [hbm:s4], s20  }
0x9e: {  	_ =	swait.ge [sflag:s22], s20  }
0x9f: {  	s3 =	ssub.s32 $0x0, s20;
	[sflag:s22] =	ssyncset.done $0x0  }
0xa0: {  	[sflag:s22] =	ssyncadd.s32 s3;
	_ =	sdelay $0x1  }
0xa1: {  	s23 =	simm.s32 $0x1B8B  }
0xa2: {  	_ =	swait.ge [sflag:s23], $0x1  }
0xa3: {  	[sflag:s23] =	ssyncset.done $0x0  }
0xa4: {  	s25 =	simm.s32 $0x1B8E;
	s24 =	sld [smem:$0x3FFE];
	[sflag:s23] =	ssyncadd.s32 $0xFFFFFFFF  }
0xa5: {  	s26 =	simm.s32 $execute0_lowered;
	[smem:$0x3FD2] =	sst s25  }
0xa6: {  	s4 =	sshll.u32 s26, $0x1;
	_ =	strace $0x8000004F;
	[dreg:$0x1] =	wrdreg $0xFFFFFFFF  }
0xa7: {  	s28 =	simm.s32 $_size_execute0_lowered;
	s2 =	sadd.s32 s2, s4;
	[dreg:$0x0] =	wrdreg $0x0  }
0xa8: {  	s4 =	sshll.u32 s28, $0x1;
	[dreg:$0x2] =	wrdreg s2  }
0xa9: {  	[dreg:$0x3] =	wrdreg s4  }
0xaa: {  	[dreg:$0x4] =	wrdreg $0xC0  }
0xab: {  	_ =	task [dreg:s6], $0x5FFFF  }
0xac: {  	[dreg:$0x1] =	wrdreg $0xFFFFFFFF  }
0xad: {  	[dreg:$0x0] =	wrdreg $0x60  }
0xae: {  	[dreg:$0x2] =	wrdreg s24  }
0xaf: {  	[dreg:$0x3] =	wrdreg $0x111A00  }
0xb0: {  	[dreg:$0x4] =	wrdreg $0x9  }
0xb1: {  	_ =	task.clear_ibuf [dreg:s6], $0x5FFFF;
	_ =	strace $0x9000004F  }
0xb2: {  	s29 =	simm.s32 $0x9;
	_ =	strace $0x80000051  }
0xb3: {  	_ =	swait.ge [sflag:s29], $0x1  }
0xb4: {  	[sflag:s29] =	ssyncadd.s32 $0xFFFFFFFF  }
0xb5: {  	_ =	strace $0x90000051  }
0xb6: {  	_ =	sfence  }
0xb7: {  	s30 =	sld [smem:$0x0];
	_ =	sdelay $0x2  }
0xb8: {  	s31 =	sshll.u32 s1, $0xD;
	s1 =	sshrl.u32 s1, $0x2  }
0xb9: {  	s3 =	sand.u32 $0x4000, s31;
	s1 =	sadd.s32 s1, s30  }
0xba: {  	s0 =	sor.u32 s3, s0;
	s1 =	sshll.u32 s1, $0x11  }
0xbb: {  	s0 =	sor.u32 s1, s0  }
0xbc: {  	s0 =	sadd.s32 $0x8F2B, s0  }
0xbd: {  	[sflag:s0] =	ssyncadd.remote.s32 $0x1  }
0xbe: {  	_ =	sfence.sel $0xFFFF  }
0xbf: {  	[dreg:$0x0] =	wrdreg $0xFFFFFFFF;
	(pc) =	sbr.abs _section_cstart, $3  }
0xc0: {  	[dreg:$0x1] =	wrdreg $0xFFFFFFFF  }
0xc1: {  	_ =	task.clear_ibuf [dreg:s6], $0x2FFFF;
	_ =	strace $0x9FFFFFFF  }
0xc2: {  	(tm) =	ssettm $0x7FFFFFFF  }
0xc3: {  	_ =	shalt  }
tec
execute0_lowered:
.L_overlay_start_1:
0x0: {  	(tag) =	ssettag $0x1  }
0x1: {  	s0 =	rddreg [dreg:$0x0]  }
0x2: {  	s2 =	rddreg [dreg:$0x1]  }
0x3: {  	s3 =	simm.s32 $0x0;
	s4 =	stileid.u32;
	s5 =	srdreg.scid  }
0x4: {  	s15 =	simm.s32 $0x9;
	s16 =	simm.s32 $0x4E20;
	s17 =	simm.s32 $0x7D0  }
0x5: {  	s18 =	simm.s32 $0x3E8;
	s19 =	simm.s32 $0xBB8;
	s20 =	simm.s32 $0x1  }
0x6: {  	s28 =	simm.s32 $0x4;
	s29 =	simm.s32 $0x7;
	s30 =	simm.s32 $0x8  }
0x7: {  	s31 =	simm.s32 $0x0;
	[smem:$0x7FF] =	sst s3;
	s1 =	smul.u32 $0x1870, s4  }
0x8: {  	s13 =	sadd.s32 $0x9200, s0;
	s7 =	smul.u32 $0x30E00, s4;
	s6 =	sadd.s32 $0x85000, s0  }
0x9: {  	s8 =	sand.u32 $0x1, s5;
	s9 =	smul.u32 $0x186A0, s4;
	s5 =	sadd.s32 $0xB5E00, s0  }
0xa: {  	s21 =	sadd.s32 $0x83600, s0;
	_ =	strace $0x80000050;
	[dreg:$0x3] =	wrdreg s6  }
0xb: {  	s10 =	ssub.s32 $0x2, s8;
	s11 =	smul.u32 $0xC350, s8;
	[dreg:$0x4] =	wrdreg s21  }
0xc: {  	s8 =	smul.u32 $0x18700, s8;
	s21 =	simm.s32 $0xFA0;
	s12 =	sshrl.u32 s10, $0x1  }
0xd: {  	s0 =	sadd.s32 s1, s0;
	s7 =	sshrl.u32 s7, $0x2;
	s11 =	sadd.s32 s11, s9  }
0xe: {  	s22 =	ssub.s32 s10, s12;
	s0 =	sadd.s32 s8, s0;
	s9 =	sadd.s32 $0x186DE8, s11  }
0xf: {  	s7 =	sadd.s32 s7, s2;
	s8 =	sadd.s32 $0xCE600, s0;
	s24 =	sadd.s32 $0x186A00, s11  }
0x10: {  	s25 =	sshrl.u32 s11, $0x3;
	s14 =	sadd.s32 $0x3E8, s11;
	s23 =	sshrl.u32 s9, $0x3  }
0x11: {  	s9 =	smax.u32 s22, $0x1;
	s0 =	sshrl.u32 s24, $0x3;
	s11 =	sadd.s32 s25, s13  }
0x12: {  	s26 =	sshrl.u32 s14, $0x3;
	s22 =	simm.s32 $0x2;
	s24 =	simm.s32 $0x5  }
0x13: {  	s25 =	simm.s32 $0x3;
	s10 =	sadd.s32 s23, s13;
	s12 =	sadd.s32 s0, s13  }
0x14: {  	s13 =	sadd.s32 s26, s13;
	s23 =	simm.s32 $0x2EE0;
	s26 =	simm.s32 $0x6  }
.LBB2_1:
0x15: {  	s0 =	rddreg [dreg:$0x3];
	s1 =	simm.s32 $0x1D520  }
0x16: {  	[tilespmem:s1], [sflag:$0x9] =	stream.linear.gather [hbm4b:s0+s3], $0x8, $0x38;
	[tilespmem:$0x1D528] =	vst v63  }
0x17: {  	_ =	swait.ge [sflag:s15], $0x8  }
0x18: {  	[sflag:s15] =	ssyncset.done $0x0  }
0x19: {  	s14 =	rddreg [dreg:$0x4];
	[sflag:s15] =	ssyncadd.s32 $0xFFFFFFF8  }
0x1a: {  	[tilespmem:s16], [sflag:$0x9] =	stream.linear.gather [hbm4b:s14+s3], $0xC380, $0x38;
	[tilespmem:$0x1D528] =	vst v63  }
0x1b: {  	_ =	swait.ge [sflag:s15], $0xC380  }
0x1c: {  	[sflag:s15] =	ssyncset.done $0x0  }
0x1d: {  	[sflag:s15] =	ssyncadd.s32 $0xFFFF3C80  }
0x1e: {  	[spmem:s7] =	stream.linear.scatter [tilespmem:s16], [sflag:$0x9], $0xC380, $0x38;
	[tilespmem:$0x1D528] =	vst v63  }
0x1f: {  	_ =	swait.ge [sflag:s15], $0xC380  }
0x20: {  	[sflag:s15] =	ssyncset.done $0x0  }
0x21: {  	[sflag:s15] =	ssyncadd.s32 $0xFFFF3C80  }
0x22: {  	s1 =	sadd.s32 $0x0, s11;
	[bflag:$0x0] =	sbarrier.arrive $0xFFFF  }
0x23: {  	[tilespmem:s3], [sflag:$0x1] =	stream.linear.gather [hbm4b:s1+s3], $0x3E8, $0x38;
	[tilespmem:$0x1D528] =	vst v63  }
0x24: {  	s4 =	sadd.s32 $0x0, s12  }
0x25: {  	[tilespmem:s17], [sflag:$0x3] =	stream.linear.gather [hbm4b:s4+s3], $0x3E8, $0x38;
	[tilespmem:$0x1D528] =	vst v63  }
0x26: {  	s6 =	sadd.s32 $0x0, s13  }
0x27: {  	[tilespmem:s18], [sflag:$0x2] =	stream.linear.gather [hbm4b:s6+s3], $0x3E8, $0x38;
	[tilespmem:$0x1D528] =	vst v63  }
0x28: {  	s14 =	sadd.s32 $0x0, s10  }
0x29: {  	[tilespmem:s19], [sflag:$0x4] =	stream.linear.gather [hbm4b:s14+s3], $0x3E8, $0x38;
	[tilespmem:$0x1D528] =	vst v63  }
0x2a: {  	_ =	swait.ge [sflag:s20], $0x3E8  }
0x2b: {  	[sflag:s20] =	ssyncset.done $0x0  }
0x2c: {  	[sflag:s20] =	ssyncadd.s32 $0xFFFFFC18  }
0x2d: {  	[tilespmem:s21], [sflag:$0x5] =	stream.indirect.gather [hbm4b:s5+s18], $0x8, s3, s18, $0xb8;
	[tilespmem:$0x1D528] =	vst v63  }
0x2e: {  	_ =	swait.ge [sflag:s22], $0x3E8  }
0x2f: {  	[sflag:s22] =	ssyncset.done $0x0  }
0x30: {  	[sflag:s22] =	ssyncadd.s32 $0xFFFFFC18  }
0x31: {  	[tilespmem:s23], [sflag:$0x6] =	stream.indirect.gather [hbm4b:s5+s18], $0x8, s18, s18, $0xb8;
	[tilespmem:$0x1D528] =	vst v63  }
0x32: {  	_ =	swait.ge [sflag:s24], $0x1F40  }
0x33: {  	[sflag:s24] =	ssyncset.done $0x0  }
0x34: {  	[sflag:s24] =	ssyncadd.s32 $0xFFFFE0C0  }
0x35: {  	_ =	swait.ge [sflag:s25], $0x3E8  }
0x36: {  	[sflag:s25] =	ssyncset.done $0x0  }
0x37: {  	[sflag:s25] =	ssyncadd.s32 $0xFFFFFC18  }
0x38: {  	[spmem:s2] =	stream.indirect.scatter.add.f32 [tilespmem:s21], [sflag:$0x7], $0x8, s17, s18, $0xb8;
	[tilespmem:$0x1D528] =	vst v63  }
0x39: {  	_ =	swait.ge [sflag:s26], $0x1F40  }
0x3a: {  	[sflag:s26] =	ssyncset.done $0x0  }
0x3b: {  	[sflag:s26] =	ssyncadd.s32 $0xFFFFE0C0  }
0x3c: {  	_ =	swait.ge [sflag:s28], $0x3E8  }
0x3d: {  	[sflag:s28] =	ssyncset.done $0x0  }
0x3e: {  	[sflag:s28] =	ssyncadd.s32 $0xFFFFFC18  }
0x3f: {  	[spmem:s2] =	stream.indirect.scatter.add.f32 [tilespmem:s23], [sflag:$0x8], $0x8, s19, s18, $0xb8;
	[tilespmem:$0x1D528] =	vst v63  }
0x40: {  	_ =	swait.ge [sflag:s29], $0x1F40  }
0x41: {  	[sflag:s29] =	ssyncset.done $0x0  }
0x42: {  	[sflag:s29] =	ssyncadd.s32 $0xFFFFE0C0  }
0x43: {  	_ =	swait.ge [sflag:s30], $0x1F40  }
0x44: {  	s0 =	simm.s32 $0xFA;
	s1 =	simm.s32 $0x1F4;
	[sflag:s30] =	ssyncset.done $0x0  }
.LBB2_2:
0x45: {  	s4 =	sadd.s32 s0, s11  }
0x46: {  	[sflag:s30] =	ssyncadd.s32 $0xFFFFE0C0;
	s6 =	smov.u32 s1;
	s14 =	sadd.s32 $0xFA, s1  }
0x47: {  	[tilespmem:s3], [sflag:$0x1] =	stream.linear.gather [hbm4b:s4+s3], $0x3E8, $0x38;
	[tilespmem:$0x1D528] =	vst v63  }
0x48: {  	p0 =	sne.s32 s1, $0x1770;
	s1 =	sadd.s32 s0, s12  }
0x49: {  	[tilespmem:s17], [sflag:$0x3] =	stream.linear.gather [hbm4b:s1+s3], $0x3E8, $0x38;
	[tilespmem:$0x1D528] =	vst v63  }
0x4a: {  	s1 =	sadd.s32 s0, s13  }
0x4b: {  	[tilespmem:s18], [sflag:$0x2] =	stream.linear.gather [hbm4b:s1+s3], $0x3E8, $0x38;
	[tilespmem:$0x1D528] =	vst v63  }
0x4c: {  	s1 =	sadd.s32 s0, s10;
	s0 =	smov.u32 s6  }
0x4d: {  	[tilespmem:s19], [sflag:$0x4] =	stream.linear.gather [hbm4b:s1+s3], $0x3E8, $0x38;
	[tilespmem:$0x1D528] =	vst v63  }
0x4e: {  	_ =	swait.ge [sflag:s20], $0x3E8  }
0x4f: {  	[sflag:s20] =	ssyncset.done $0x0  }
0x50: {  	[sflag:s20] =	ssyncadd.s32 $0xFFFFFC18  }
0x51: {  	[tilespmem:s21], [sflag:$0x5] =	stream.indirect.gather [hbm4b:s5+s18], $0x8, s3, s18, $0xb8;
	[tilespmem:$0x1D528] =	vst v63  }
0x52: {  	_ =	swait.ge [sflag:s22], $0x3E8  }
0x53: {  	[sflag:s22] =	ssyncset.done $0x0  }
0x54: {  	[sflag:s22] =	ssyncadd.s32 $0xFFFFFC18  }
0x55: {  	[tilespmem:s23], [sflag:$0x6] =	stream.indirect.gather [hbm4b:s5+s18], $0x8, s18, s18, $0xb8;
	[tilespmem:$0x1D528] =	vst v63  }
0x56: {  	_ =	swait.ge [sflag:s24], $0x1F40  }
0x57: {  	[sflag:s24] =	ssyncset.done $0x0  }
0x58: {  	[sflag:s24] =	ssyncadd.s32 $0xFFFFE0C0  }
0x59: {  	_ =	swait.ge [sflag:s25], $0x3E8  }
0x5a: {  	[sflag:s25] =	ssyncset.done $0x0  }
0x5b: {  	[sflag:s25] =	ssyncadd.s32 $0xFFFFFC18  }
0x5c: {  	[spmem:s2] =	stream.indirect.scatter.add.f32 [tilespmem:s21], [sflag:$0x7], $0x8, s17, s18, $0xb8;
	[tilespmem:$0x1D528] =	vst v63  }
0x5d: {  	_ =	swait.ge [sflag:s26], $0x1F40  }
0x5e: {  	[sflag:s26] =	ssyncset.done $0x0  }
0x5f: {  	[sflag:s26] =	ssyncadd.s32 $0xFFFFE0C0  }
0x60: {  	_ =	swait.ge [sflag:s28], $0x3E8  }
0x61: {  	[sflag:s28] =	ssyncset.done $0x0  }
0x62: {  	[sflag:s28] =	ssyncadd.s32 $0xFFFFFC18  }
0x63: {  	[spmem:s2] =	stream.indirect.scatter.add.f32 [tilespmem:s23], [sflag:$0x8], $0x8, s19, s18, $0xb8;
	[tilespmem:$0x1D528] =	vst v63  }
.Ltmp0:
0x64: {  	_ =	swait.ge [sflag:s29], $0x1F40;
	(pc) =	sbr.rel @p0 .LBB2_2-.Ltmp0, $4  }
0x65: {  	[sflag:s29] =	ssyncset.done $0x0  }
0x66: {  	[sflag:s29] =	ssyncadd.s32 $0xFFFFE0C0  }
0x67: {  	_ =	swait.ge [sflag:s30], $0x1F40  }
0x68: {  	s1 =	smov.u32 s14;
	[sflag:s30] =	ssyncset.done $0x0  }
0x69: {  	s1 =	sadd.s32 s0, s11;
	[sflag:s30] =	ssyncadd.s32 $0xFFFFE0C0  }
0x6a: {  	[tilespmem:s3], [sflag:$0x1] =	stream.linear.gather [hbm4b:s1+s3], $0x3E8, $0x38;
	[tilespmem:$0x1D528] =	vst v63  }
0x6b: {  	s4 =	sadd.s32 s0, s12  }
0x6c: {  	[tilespmem:s17], [sflag:$0x3] =	stream.linear.gather [hbm4b:s4+s3], $0x3E8, $0x38;
	[tilespmem:$0x1D528] =	vst v63  }
0x6d: {  	s6 =	sadd.s32 s0, s13  }
0x6e: {  	[tilespmem:s18], [sflag:$0x2] =	stream.linear.gather [hbm4b:s6+s3], $0x3E8, $0x38;
	[tilespmem:$0x1D528] =	vst v63  }
0x6f: {  	s14 =	sadd.s32 s0, s10  }
0x70: {  	[tilespmem:s19], [sflag:$0x4] =	stream.linear.gather [hbm4b:s14+s3], $0x3E8, $0x38;
	[tilespmem:$0x1D528] =	vst v63  }
0x71: {  	_ =	swait.ge [sflag:s20], $0x3E8  }
0x72: {  	[sflag:s20] =	ssyncset.done $0x0  }
0x73: {  	[sflag:s20] =	ssyncadd.s32 $0xFFFFFC18  }
0x74: {  	[tilespmem:s21], [sflag:$0x5] =	stream.indirect.gather [hbm4b:s5+s18], $0x8, s3, s18, $0xb8;
	[tilespmem:$0x1D528] =	vst v63  }
0x75: {  	_ =	swait.ge [sflag:s22], $0x3E8  }
0x76: {  	[sflag:s22] =	ssyncset.done $0x0  }
0x77: {  	[sflag:s22] =	ssyncadd.s32 $0xFFFFFC18  }
0x78: {  	[tilespmem:s23], [sflag:$0x6] =	stream.indirect.gather [hbm4b:s5+s18], $0x8, s18, s18, $0xb8;
	[tilespmem:$0x1D528] =	vst v63  }
0x79: {  	_ =	swait.ge [sflag:s24], $0x1F40  }
0x7a: {  	[sflag:s24] =	ssyncset.done $0x0  }
0x7b: {  	[sflag:s24] =	ssyncadd.s32 $0xFFFFE0C0  }
0x7c: {  	_ =	swait.ge [sflag:s25], $0x3E8  }
0x7d: {  	[sflag:s25] =	ssyncset.done $0x0  }
0x7e: {  	[sflag:s25] =	ssyncadd.s32 $0xFFFFFC18  }
0x7f: {  	[spmem:s2] =	stream.indirect.scatter.add.f32 [tilespmem:s21], [sflag:$0x7], $0x8, s17, s18, $0xb8;
	[tilespmem:$0x1D528] =	vst v63  }
0x80: {  	_ =	swait.ge [sflag:s26], $0x1F40  }
0x81: {  	[sflag:s26] =	ssyncset.done $0x0  }
0x82: {  	[sflag:s26] =	ssyncadd.s32 $0xFFFFE0C0  }
0x83: {  	_ =	swait.ge [sflag:s28], $0x3E8  }
0x84: {  	[sflag:s28] =	ssyncset.done $0x0  }
0x85: {  	[sflag:s28] =	ssyncadd.s32 $0xFFFFFC18  }
0x86: {  	[spmem:s2] =	stream.indirect.scatter.add.f32 [tilespmem:s23], [sflag:$0x8], $0x8, s19, s18, $0xb8;
	[tilespmem:$0x1D528] =	vst v63  }
0x87: {  	_ =	swait.ge [sflag:s29], $0x1F40  }
0x88: {  	[sflag:s29] =	ssyncset.done $0x0  }
0x89: {  	[sflag:s29] =	ssyncadd.s32 $0xFFFFE0C0  }
0x8a: {  	_ =	swait.ge [sflag:s30], $0x1F40  }
0x8b: {  	[sflag:s30] =	ssyncset.done $0x0  }
0x8c: {  	[sflag:s30] =	ssyncadd.s32 $0xFFFFE0C0  }
0x8d: {  	[bflag:$0x0] =	sbarrier.arrive $0xFFFF  }
0x8e: {  	[tilespmem:s16], [sflag:$0x9] =	stream.linear.gather [spmem:s7], $0xC380, $0x38;
	[tilespmem:$0x1D528] =	vst v63  }
0x8f: {  	s31 =	sadd.s32 $0x1, s31;
	_ =	swait.ge [sflag:s15], $0xC380  }
0x90: {  	p0 =	sne.s32 s31, s9;
	[sflag:s15] =	ssyncset.done $0x0  }
.Ltmp1:
0x91: {  	[sflag:s15] =	ssyncadd.s32 $0xFFFF3C80;
	(pc) =	sbr.rel @p0 .LBB2_1-.Ltmp1, $4  }
0x92: {  	[hbm4b:s8+s3] =	stream.linear.scatter [tilespmem:s16], [sflag:$0x9], $0xC380, $0x38;
	[tilespmem:$0x1D528] =	vst v63  }
0x93: {  	_ =	swait.ge [sflag:s15], $0xC380  }
0x94: {  	[sflag:s15] =	ssyncset.done $0x0  }
0x95: {  	[sflag:s15] =	ssyncadd.s32 $0xFFFF3C80  }
0x96: {  	_ =	sfence.sel $0x180000  }
0x97: {  	[bflag:$0x0] =	sbarrier.arrive $0xFFFF  }
0x98: {  	_ =	strace $0x90000050  }
0x99: {  	s0 =	stileid.u32;
	[bflag:$0x2] =	sbarrier.arrive $0xFFFF  }
0x9a: {  	p0 =	sne.s32 s0, $0x0;
	s0 =	rddreg [dreg:$0x2]  }
0x9b: {  	s0 =	sadd.s32 @!p0 $0x100000, s0  }
0x9c: {  	[sflag:s0] =	ssyncadd.tile.s32 @!p0 $0x1;
	_ =	shalt  }
.Lfunc_end2:
_tile_overlayer_lowered:
.L_overlay_start_2:
0x9d: {  	(tag) =	ssettag $0x2  }
0x9e: {  	s0 =	rddreg [dreg:$0x0];
	s2 =	stileid.u32  }
0x9f: {  	s1 =	rddreg [dreg:$0x1];
	p0 =	sne.s32 s2, $0x0  }
0xa0: {  	s3 =	rddreg [dreg:$0x2];
	[bflag:$0x3] =	sbarrier.arrive $0xFFFF;
	s2 =	simm.s32 @!p0 $0x1C09  }
0xa1: {  	[timem:s3], [sflag:s2] =	dma.local @!p0 [hbm:s0], s1  }
0xa2: {  	s0 =	simm.s32 @!p0 $0x9  }
0xa3: {  	_ =	swait.ge @!p0 [sflag:s0], s1  }
0xa4: {  	s1 =	ssub.s32 @!p0 $0x0, s1;
	[sflag:s0] =	ssyncset.done @!p0 $0x0  }
0xa5: {  	[sflag:s0] =	ssyncadd.s32 @!p0 s1  }
0xa6: {  	[bflag:$0x3] =	sbarrier.arrive $0xFFFF  }
0xa7: {  	_ =	shalt  }

// kernel: kernel.26.cloned.1.call-start
scs
__scs_entry_jumppad:
0x0: {  	(pc) =	sbr.rel $0x88, $3  }
0x1: {  	(tag) =	ssettag $0x0;
	lr =	simm.s32 $0x1  }
0x2: {  	[smem:$0x3F99] =	sst lr;
	_ =	strace $0xD0000000  }
0x3: {  	_ = 	snop  }
0x4: {  	_ = 	snop  }
0x5: {  	_ = 	snop  }
0x6: {  	_ = 	snop  }
0x7: {  	_ = 	snop  }
__scs_overlays_trampoline_lowered:
0x8: {  	[smem:$0x3FA8] =	sst s0  }
0x9: {  	[smem:$0x3FA9] =	sst s1  }
0xa: {  	[smem:$0x3FAA] =	sst s2  }
0xb: {  	[smem:$0x3FAB] =	sst s3  }
0xc: {  	[smem:$0x3FAC] =	sst s4  }
0xd: {  	[smem:$0x3FAD] =	sst s5  }
0xe: {  	[smem:$0x3FAE] =	sst s6  }
0xf: {  	[smem:$0x3FAF] =	sst s7  }
0x10: {  	[smem:$0x3FB0] =	sst s8  }
0x11: {  	[smem:$0x3FB1] =	sst s9;
	s0 =	simm.s32 @!p0 $0x0  }
0x12: {  	s1 =	sld [smem:$0x3F97];
	s0 =	simm.s32 @p0 $0x1  }
0x13: {  	[smem:$0x3FB2] =	sst s0;
	s0 =	simm.s32 @!p1 $0x0  }
0x14: {  	s2 =	sld [smem:$0x3F96];
	s0 =	simm.s32 @p1 $0x1  }
0x15: {  	[smem:$0x3FB3] =	sst s0;
	s0 =	simm.s32 @!p2 $0x0  }
0x16: {  	s3 =	sld [smem:$0x3FDB];
	s0 =	simm.s32 @p2 $0x1  }
0x17: {  	s4 =	simm.s32 $0x1BF5;
	[smem:$0x3FB5] =	sst s0  }
0x18: {  	s0 =	sld [smem:$0x3F98];
	_ =	swait.ge [sflag:s4], $0x0  }
0x19: {  	s7 =	sld [smem:$0x3F99]  }
0x1a: {  	s8 =	sadd.s32 $0xFFFFE003, lr  }
0x1b: {  	s9 =	sadd.s32 $0xFFFFFEF7, lr;
	s5 =	simm.s32 $0xFFFFFFFF;
	p2 =	slt.u32 s8, $0xFFFFF086  }
0x1c: {  	p1 =	slt.u32 s9, $0xF7A;
	s5 =	simm.s32 @!p2 $0x0  }
0x1d: {  	s5 =	simm.s32 @p1 $0x1;
	p0 =	seq.s32 s7, s2  }
0x1e: {  	s7 =	smul.u32 @!p0 $0xF7A, s2;
	p2 =	seq.s32 @!p0 s5, $0x0  }
0x1f: {  	s9 =	smul.u32 $0xF7A, s1;
	s8 =	simm.s32 @!p0 $0x1BF5;
	p2 =	por !p2, p0  }
0x20: {  	[sflag:s8] =	ssyncset.s32 @!p0 $0xFFFFF086;
	s6 =	sadd.s32 @!p0 s3, s7;
	s7 =	simm.s32 @!p0 $0x108  }
0x21: {  	s3 =	sadd.s32 s3, s9;
	s6 =	sadd.s32 @!p0 $0x88, s6;
	s7 =	simm.s32 @p2 $0x1082  }
0x22: {  	[simem:s7], [sflag:s8] =	dma.local @!p0 [hbm:s6], $0xF7A  }
0x23: {  	s9 =	sor.u32 $0xD0000000, s2;
	s6 =	simm.s32 $0x108;
	_ =	swait.ge @!p0 [sflag:s8], $0x0  }
0x24: {  	s3 =	sadd.s32 $0x88, s3;
	s6 =	simm.s32 @!p1 $0x1082;
	[sflag:s4] =	ssyncset.s32 $0xFFFFF086  }
0x25: {  	[simem:s6], [sflag:s4] =	dma.local [hbm:s3], $0xF7A  }
0x26: {  	[smem:$0x3F99] =	sst s1;
	(tag) =	ssettag s2;
	_ =	strace s9  }
0x27: {  	s1 =	sld [smem:$0x3FA9]  }
0x28: {  	s2 =	sld [smem:$0x3FAA]  }
0x29: {  	s4 =	sld [smem:$0x3FAC]  }
0x2a: {  	p0 =	seq.s32 s5, $0x0;
	s5 =	sld [smem:$0x3FAD]  }
0x2b: {  	s6 =	sld [smem:$0x3FAE]  }
0x2c: {  	s7 =	sld [smem:$0x3FAF]  }
0x2d: {  	s3 =	simm.s32 $0x108;
	s8 =	sld [smem:$0x3FB0]  }
0x2e: {  	s3 =	simm.s32 @!p0 $0x1082;
	s9 =	sld [smem:$0x3FB1]  }
0x2f: {  	lr =	sadd.s32 s0, s3;
	s0 =	sld [smem:$0x3FA8]  }
0x30: {  	s3 =	sld [smem:$0x3FAB]  }
0x31: {  	[smem:$0x3FB4] =	sst s10  }
0x32: {  	s10 =	sld [smem:$0x3FB2];
	_ =	sdelay $0x3  }
0x33: {  	p0 =	seq.s32 s10, $0x1;
	s10 =	sld [smem:$0x3FB4];
	_ =	sdelay $0x3  }
0x34: {  	[smem:$0x3FB4] =	sst s10  }
0x35: {  	s10 =	sld [smem:$0x3FB3];
	_ =	sdelay $0x3  }
0x36: {  	p1 =	seq.s32 s10, $0x1;
	s10 =	sld [smem:$0x3FB4];
	_ =	sdelay $0x3  }
0x37: {  	[smem:$0x3FB4] =	sst s10  }
0x38: {  	s10 =	sld [smem:$0x3FB5]  }
0x39: {  	_ = 	snop;
	(pc) =	sbr.ind lr, $3  }
0x3a: {  	_ = 	snop  }
0x3b: {  	_ = 	snop  }
0x3c: {  	p2 =	seq.s32 s10, $0x1;
	s10 =	sld [smem:$0x3FB4]  }
0x3d: {  	_ =	shalt  }
0x3e: {  	_ =	shalt  }
0x3f: {  	_ =	shalt  }
0x40: {  	_ =	shalt  }
0x41: {  	_ =	shalt  }
0x42: {  	_ =	shalt  }
0x43: {  	_ =	shalt  }
0x44: {  	_ =	shalt  }
0x45: {  	_ =	shalt  }
0x46: {  	_ =	shalt  }
0x47: {  	_ =	shalt  }
0x48: {  	_ =	shalt  }
0x49: {  	_ =	shalt  }
0x4a: {  	_ =	shalt  }
0x4b: {  	_ =	shalt  }
0x4c: {  	_ =	shalt  }
0x4d: {  	_ =	shalt  }
0x4e: {  	_ =	shalt  }
0x4f: {  	_ =	shalt  }
0x50: {  	_ =	shalt  }
0x51: {  	_ =	shalt  }
0x52: {  	_ =	shalt  }
0x53: {  	_ =	shalt  }
0x54: {  	_ =	shalt  }
0x55: {  	_ =	shalt  }
0x56: {  	_ =	shalt  }
0x57: {  	_ =	shalt  }
0x58: {  	_ =	shalt  }
0x59: {  	_ =	shalt  }
0x5a: {  	_ =	shalt  }
0x5b: {  	_ =	shalt  }
0x5c: {  	_ =	shalt  }
0x5d: {  	_ =	shalt  }
0x5e: {  	_ =	shalt  }
0x5f: {  	_ =	shalt  }
0x60: {  	_ =	shalt  }
0x61: {  	_ =	shalt  }
0x62: {  	_ =	shalt  }
0x63: {  	_ =	shalt  }
0x64: {  	_ =	shalt  }
0x65: {  	_ =	shalt  }
0x66: {  	_ =	shalt  }
0x67: {  	_ =	shalt  }
0x68: {  	_ =	shalt  }
0x69: {  	_ =	shalt  }
0x6a: {  	_ =	shalt  }
0x6b: {  	_ =	shalt  }
0x6c: {  	_ =	shalt  }
0x6d: {  	_ =	shalt  }
0x6e: {  	_ =	shalt  }
0x6f: {  	_ =	shalt  }
0x70: {  	_ =	shalt  }
0x71: {  	_ =	shalt  }
0x72: {  	_ =	shalt  }
0x73: {  	_ =	shalt  }
0x74: {  	_ =	shalt  }
0x75: {  	_ =	shalt  }
0x76: {  	_ =	shalt  }
0x77: {  	_ =	shalt  }
0x78: {  	_ =	shalt  }
0x79: {  	_ =	shalt  }
0x7a: {  	_ =	shalt  }
0x7b: {  	_ =	shalt  }
0x7c: {  	_ =	shalt  }
0x7d: {  	_ =	shalt  }
0x7e: {  	_ =	shalt  }
0x7f: {  	_ =	shalt  }
0x80: {  	_ =	shalt  }
0x81: {  	_ =	shalt  }
0x82: {  	_ =	shalt  }
0x83: {  	_ =	shalt  }
0x84: {  	_ =	shalt  }
0x85: {  	_ =	shalt  }
0x86: {  	_ =	shalt  }
0x87: {  	_ =	shalt  }
.Lfunc_end0:
.L_simem_size_0:
called_computation.4_lowered:
.L_overlay_start_0:
0x88: {  	s2 =	sld [smem:$0x3FD9]  }
0x89: {  	s3 =	sld [smem:$0x3FFE];
	_ =	sdelay $0x1  }
0x8a: {  	s1 =	srdreg.scid  }
0x8b: {  	s0 =	sand.u32 $0x1, s1  }
0x8c: {  	s17 =	sshll.u32 s0, $0xA;
	s2 =	sadd.s32 s3, s2  }
0x8d: {  	s2 =	sadd.s32 s2, s17  }
0x8e: {  	[smem:$0x3FC0] =	sst s2  }
0x8f: {  	_ = 	snop  }
0x90: {  	s2 =	sld [smem:$0x3FD0];
	(tm) =	ssettm $0x1  }
0x91: {  	s18 =	sld [smem:$0x3FFB];
	_ =	sdelay $0x3  }
0x92: {  	_ =	strace s18  }
0x93: {  	s3 =	sld [smem:$0x3FFC];
	_ =	sdelay $0x3  }
0x94: {  	_ =	strace s3  }
0x95: {  	s3 =	sld [smem:$0x3FFD];
	_ =	sdelay $0x3  }
0x96: {  	_ =	strace s3  }
0x97: {  	_ =	strace $0x8FFFFFFF  }
0x98: {  	s19 =	sld [smem:$0x3FDB];
	_ =	sdelay $0x1  }
0x99: {  	s4 =	simm.s32 $_scs_section_size  }
0x9a: {  	s5 =	simm.s32 $_size__tile_overlayer_lowered;
	s6 =	simm.s32 $_tile_overlayer_lowered  }
0x9b: {  	s22 =	simm.s32 $0x1BFF;
	s21 =	sshll.u32 s6, $0x1;
	s3 =	sadd.s32 s4, s19  }
0x9c: {  	s7 =	simm.s32 $0x0;
	s20 =	sshll.u32 s5, $0x1;
	s5 =	sadd.s32 s21, s3  }
0x9d: {  	[timem:s7], [sflag:s22] =	dma.local [hbm:s5], s20  }
0x9e: {  	_ =	swait.ge [sflag:s22], s20  }
0x9f: {  	s4 =	ssub.s32 $0x0, s20;
	[sflag:s22] =	ssyncset.done $0x0  }
0xa0: {  	[sflag:s22] =	ssyncadd.s32 s4;
	_ =	sdelay $0x1  }
0xa1: {  	s23 =	simm.s32 $0x1B8B  }
0xa2: {  	_ =	swait.ge [sflag:s23], $0x1  }
0xa3: {  	[sflag:s23] =	ssyncset.done $0x0  }
0xa4: {  	s25 =	simm.s32 $0x1B8E;
	s24 =	sld [smem:$0x3FFE];
	[sflag:s23] =	ssyncadd.s32 $0xFFFFFFFF  }
0xa5: {  	s26 =	simm.s32 $execute0_lowered;
	[smem:$0x3FD2] =	sst s25  }
0xa6: {  	s5 =	sshll.u32 s26, $0x1;
	_ =	strace $0x80000052;
	[dreg:$0x1] =	wrdreg $0xFFFFFFFF  }
0xa7: {  	s28 =	simm.s32 $_size_execute0_lowered;
	s3 =	sadd.s32 s3, s5;
	[dreg:$0x0] =	wrdreg $0x0  }
0xa8: {  	s5 =	sshll.u32 s28, $0x1;
	[dreg:$0x2] =	wrdreg s3  }
0xa9: {  	[dreg:$0x3] =	wrdreg s5  }
0xaa: {  	[dreg:$0x4] =	wrdreg $0xC0  }
0xab: {  	_ =	task [dreg:s7], $0x5FFFF  }
0xac: {  	[dreg:$0x1] =	wrdreg $0xFFFFFFFF  }
0xad: {  	[dreg:$0x0] =	wrdreg $0x60  }
0xae: {  	[dreg:$0x2] =	wrdreg s24  }
0xaf: {  	[dreg:$0x3] =	wrdreg s2  }
0xb0: {  	[dreg:$0x4] =	wrdreg $0x111A00  }
0xb1: {  	[dreg:$0x5] =	wrdreg $0x9  }
0xb2: {  	_ =	task.clear_ibuf [dreg:s7], $0x6FFFF;
	_ =	strace $0x90000052  }
0xb3: {  	s29 =	simm.s32 $0x9;
	_ =	strace $0x80000054  }
0xb4: {  	_ =	swait.ge [sflag:s29], $0x1  }
0xb5: {  	[sflag:s29] =	ssyncadd.s32 $0xFFFFFFFF  }
0xb6: {  	_ =	strace $0x90000054  }
0xb7: {  	_ =	sfence  }
0xb8: {  	s30 =	sld [smem:$0x0];
	_ =	sdelay $0x2  }
0xb9: {  	s31 =	sshll.u32 s1, $0xD;
	s1 =	sshrl.u32 s1, $0x2  }
0xba: {  	s3 =	sand.u32 $0x4000, s31;
	s1 =	sadd.s32 s1, s30  }
0xbb: {  	s0 =	sor.u32 s3, s0;
	s1 =	sshll.u32 s1, $0x11  }
0xbc: {  	s0 =	sor.u32 s1, s0  }
0xbd: {  	s0 =	sadd.s32 $0x8F2B, s0  }
0xbe: {  	[sflag:s0] =	ssyncadd.remote.s32 $0x1  }
0xbf: {  	_ =	sfence.sel $0xFFFF  }
0xc0: {  	[dreg:$0x0] =	wrdreg $0xFFFFFFFF;
	(pc) =	sbr.abs _section_cstart, $3  }
0xc1: {  	[dreg:$0x1] =	wrdreg $0xFFFFFFFF  }
0xc2: {  	_ =	task.clear_ibuf [dreg:s7], $0x2FFFF;
	_ =	strace $0x9FFFFFFF  }
0xc3: {  	(tm) =	ssettm $0x7FFFFFFF  }
tec
execute0_lowered:
.L_overlay_start_1:
0x0: {  	(tag) =	ssettag $0x1  }
0x1: {  	s0 =	rddreg [dreg:$0x0]  }
0x2: {  	s2 =	rddreg [dreg:$0x1]  }
0x3: {  	s3 =	rddreg [dreg:$0x2];
	s4 =	simm.s32 $0x0;
	s6 =	stileid.u32  }
0x4: {  	s5 =	srdreg.scid;
	s15 =	simm.s32 $0x9;
	s16 =	simm.s32 $0x4E20  }
0x5: {  	s17 =	simm.s32 $0x7D0;
	s18 =	simm.s32 $0x3E8;
	s19 =	simm.s32 $0xBB8  }
0x6: {  	s28 =	simm.s32 $0x4;
	s29 =	simm.s32 $0x7;
	s30 =	simm.s32 $0x8  }
0x7: {  	s31 =	simm.s32 $0x0;
	[smem:$0x7FF] =	sst s4;
	s1 =	smul.u32 $0x1870, s6  }
0x8: {  	s7 =	smul.u32 $0x30E00, s6;
	s13 =	sadd.s32 $0x9200, s0;
	s8 =	sand.u32 $0x1, s5  }
0x9: {  	s9 =	smul.u32 $0x186A0, s6;
	s20 =	sadd.s32 $0xCE600, s0;
	s21 =	sadd.s32 $0x83600, s0  }
0xa: {  	_ =	strace $0x80000053;
	[dreg:$0x4] =	wrdreg s20;
	s11 =	smul.u32 $0xC350, s8  }
0xb: {  	s10 =	ssub.s32 $0x2, s8;
	[dreg:$0x5] =	wrdreg s21;
	s8 =	smul.u32 $0x18700, s8  }
0xc: {  	s20 =	simm.s32 $0x1;
	s21 =	simm.s32 $0xFA0;
	s12 =	sshrl.u32 s10, $0x1  }
0xd: {  	s0 =	sadd.s32 s1, s0;
	s7 =	sshrl.u32 s7, $0x2;
	s11 =	sadd.s32 s11, s9  }
0xe: {  	s22 =	ssub.s32 s10, s12;
	s0 =	sadd.s32 s8, s0;
	s9 =	sadd.s32 $0x186DE8, s11  }
0xf: {  	s7 =	sadd.s32 s7, s3;
	s8 =	sadd.s32 $0xFF400, s0;
	s24 =	sadd.s32 $0x186A00, s11  }
0x10: {  	s25 =	sshrl.u32 s11, $0x3;
	s14 =	sadd.s32 $0x3E8, s11;
	s23 =	sshrl.u32 s9, $0x3  }
0x11: {  	s9 =	smax.u32 s22, $0x1;
	s0 =	sshrl.u32 s24, $0x3;
	s11 =	sadd.s32 s25, s13  }
0x12: {  	s26 =	sshrl.u32 s14, $0x3;
	s22 =	simm.s32 $0x2;
	s24 =	simm.s32 $0x5  }
0x13: {  	s25 =	simm.s32 $0x3;
	s10 =	sadd.s32 s23, s13;
	s12 =	sadd.s32 s0, s13  }
0x14: {  	s13 =	sadd.s32 s26, s13;
	s23 =	simm.s32 $0x2EE0;
	s26 =	simm.s32 $0x6  }
.LBB2_1:
0x15: {  	s0 =	rddreg [dreg:$0x4];
	s1 =	simm.s32 $0x1D520  }
0x16: {  	[tilespmem:s1], [sflag:$0x9] =	stream.linear.gather [hbm4b:s0+s4], $0x8, $0x38;
	[tilespmem:$0x1D528] =	vst v63  }
0x17: {  	_ =	swait.ge [sflag:s15], $0x8  }
0x18: {  	[sflag:s15] =	ssyncset.done $0x0  }
0x19: {  	s14 =	rddreg [dreg:$0x5];
	[sflag:s15] =	ssyncadd.s32 $0xFFFFFFF8  }
0x1a: {  	[tilespmem:s16], [sflag:$0x9] =	stream.linear.gather [hbm4b:s14+s4], $0xC380, $0x38;
	[tilespmem:$0x1D528] =	vst v63  }
0x1b: {  	_ =	swait.ge [sflag:s15], $0xC380  }
0x1c: {  	[sflag:s15] =	ssyncset.done $0x0  }
0x1d: {  	[sflag:s15] =	ssyncadd.s32 $0xFFFF3C80  }
0x1e: {  	[spmem:s7] =	stream.linear.scatter [tilespmem:s16], [sflag:$0x9], $0xC380, $0x38;
	[tilespmem:$0x1D528] =	vst v63  }
0x1f: {  	_ =	swait.ge [sflag:s15], $0xC380  }
0x20: {  	[sflag:s15] =	ssyncset.done $0x0  }
0x21: {  	[sflag:s15] =	ssyncadd.s32 $0xFFFF3C80  }
0x22: {  	s1 =	sadd.s32 $0x0, s11;
	[bflag:$0x0] =	sbarrier.arrive $0xFFFF  }
0x23: {  	[tilespmem:s4], [sflag:$0x1] =	stream.linear.gather [hbm4b:s1+s4], $0x3E8, $0x38;
	[tilespmem:$0x1D528] =	vst v63  }
0x24: {  	s5 =	sadd.s32 $0x0, s12  }
0x25: {  	[tilespmem:s17], [sflag:$0x3] =	stream.linear.gather [hbm4b:s5+s4], $0x3E8, $0x38;
	[tilespmem:$0x1D528] =	vst v63  }
0x26: {  	s6 =	sadd.s32 $0x0, s13  }
0x27: {  	[tilespmem:s18], [sflag:$0x2] =	stream.linear.gather [hbm4b:s6+s4], $0x3E8, $0x38;
	[tilespmem:$0x1D528] =	vst v63  }
0x28: {  	s14 =	sadd.s32 $0x0, s10  }
0x29: {  	[tilespmem:s19], [sflag:$0x4] =	stream.linear.gather [hbm4b:s14+s4], $0x3E8, $0x38;
	[tilespmem:$0x1D528] =	vst v63  }
0x2a: {  	_ =	swait.ge [sflag:s20], $0x3E8  }
0x2b: {  	[sflag:s20] =	ssyncset.done $0x0  }
0x2c: {  	[sflag:s20] =	ssyncadd.s32 $0xFFFFFC18  }
0x2d: {  	[tilespmem:s21], [sflag:$0x5] =	stream.indirect.gather [hbm4b:s2+s18], $0x8, s4, s18, $0xb8;
	[tilespmem:$0x1D528] =	vst v63  }
0x2e: {  	_ =	swait.ge [sflag:s22], $0x3E8  }
0x2f: {  	[sflag:s22] =	ssyncset.done $0x0  }
0x30: {  	[sflag:s22] =	ssyncadd.s32 $0xFFFFFC18  }
0x31: {  	[tilespmem:s23], [sflag:$0x6] =	stream.indirect.gather [hbm4b:s2+s18], $0x8, s18, s18, $0xb8;
	[tilespmem:$0x1D528] =	vst v63  }
0x32: {  	_ =	swait.ge [sflag:s24], $0x1F40  }
0x33: {  	[sflag:s24] =	ssyncset.done $0x0  }
0x34: {  	[sflag:s24] =	ssyncadd.s32 $0xFFFFE0C0  }
0x35: {  	_ =	swait.ge [sflag:s25], $0x3E8  }
0x36: {  	[sflag:s25] =	ssyncset.done $0x0  }
0x37: {  	[sflag:s25] =	ssyncadd.s32 $0xFFFFFC18  }
0x38: {  	[spmem:s3] =	stream.indirect.scatter.add.f32 [tilespmem:s21], [sflag:$0x7], $0x8, s17, s18, $0xb8;
	[tilespmem:$0x1D528] =	vst v63  }
0x39: {  	_ =	swait.ge [sflag:s26], $0x1F40  }
0x3a: {  	[sflag:s26] =	ssyncset.done $0x0  }
0x3b: {  	[sflag:s26] =	ssyncadd.s32 $0xFFFFE0C0  }
0x3c: {  	_ =	swait.ge [sflag:s28], $0x3E8  }
0x3d: {  	[sflag:s28] =	ssyncset.done $0x0  }
0x3e: {  	[sflag:s28] =	ssyncadd.s32 $0xFFFFFC18  }
0x3f: {  	[spmem:s3] =	stream.indirect.scatter.add.f32 [tilespmem:s23], [sflag:$0x8], $0x8, s19, s18, $0xb8;
	[tilespmem:$0x1D528] =	vst v63  }
0x40: {  	_ =	swait.ge [sflag:s29], $0x1F40  }
0x41: {  	[sflag:s29] =	ssyncset.done $0x0  }
0x42: {  	[sflag:s29] =	ssyncadd.s32 $0xFFFFE0C0  }
0x43: {  	_ =	swait.ge [sflag:s30], $0x1F40  }
0x44: {  	s0 =	simm.s32 $0xFA;
	s1 =	simm.s32 $0x1F4;
	[sflag:s30] =	ssyncset.done $0x0  }
.LBB2_2:
0x45: {  	s5 =	sadd.s32 s0, s11  }
0x46: {  	[sflag:s30] =	ssyncadd.s32 $0xFFFFE0C0;
	s6 =	smov.u32 s1;
	s14 =	sadd.s32 $0xFA, s1  }
0x47: {  	[tilespmem:s4], [sflag:$0x1] =	stream.linear.gather [hbm4b:s5+s4], $0x3E8, $0x38;
	[tilespmem:$0x1D528] =	vst v63  }
0x48: {  	p0 =	sne.s32 s1, $0x1770;
	s1 =	sadd.s32 s0, s12  }
0x49: {  	[tilespmem:s17], [sflag:$0x3] =	stream.linear.gather [hbm4b:s1+s4], $0x3E8, $0x38;
	[tilespmem:$0x1D528] =	vst v63  }
0x4a: {  	s1 =	sadd.s32 s0, s13  }
0x4b: {  	[tilespmem:s18], [sflag:$0x2] =	stream.linear.gather [hbm4b:s1+s4], $0x3E8, $0x38;
	[tilespmem:$0x1D528] =	vst v63  }
0x4c: {  	s1 =	sadd.s32 s0, s10;
	s0 =	smov.u32 s6  }
0x4d: {  	[tilespmem:s19], [sflag:$0x4] =	stream.linear.gather [hbm4b:s1+s4], $0x3E8, $0x38;
	[tilespmem:$0x1D528] =	vst v63  }
0x4e: {  	_ =	swait.ge [sflag:s20], $0x3E8  }
0x4f: {  	[sflag:s20] =	ssyncset.done $0x0  }
0x50: {  	[sflag:s20] =	ssyncadd.s32 $0xFFFFFC18  }
0x51: {  	[tilespmem:s21], [sflag:$0x5] =	stream.indirect.gather [hbm4b:s2+s18], $0x8, s4, s18, $0xb8;
	[tilespmem:$0x1D528] =	vst v63  }
0x52: {  	_ =	swait.ge [sflag:s22], $0x3E8  }
0x53: {  	[sflag:s22] =	ssyncset.done $0x0  }
0x54: {  	[sflag:s22] =	ssyncadd.s32 $0xFFFFFC18  }
0x55: {  	[tilespmem:s23], [sflag:$0x6] =	stream.indirect.gather [hbm4b:s2+s18], $0x8, s18, s18, $0xb8;
	[tilespmem:$0x1D528] =	vst v63  }
0x56: {  	_ =	swait.ge [sflag:s24], $0x1F40  }
0x57: {  	[sflag:s24] =	ssyncset.done $0x0  }
0x58: {  	[sflag:s24] =	ssyncadd.s32 $0xFFFFE0C0  }
0x59: {  	_ =	swait.ge [sflag:s25], $0x3E8  }
0x5a: {  	[sflag:s25] =	ssyncset.done $0x0  }
0x5b: {  	[sflag:s25] =	ssyncadd.s32 $0xFFFFFC18  }
0x5c: {  	[spmem:s3] =	stream.indirect.scatter.add.f32 [tilespmem:s21], [sflag:$0x7], $0x8, s17, s18, $0xb8;
	[tilespmem:$0x1D528] =	vst v63  }
0x5d: {  	_ =	swait.ge [sflag:s26], $0x1F40  }
0x5e: {  	[sflag:s26] =	ssyncset.done $0x0  }
0x5f: {  	[sflag:s26] =	ssyncadd.s32 $0xFFFFE0C0  }
0x60: {  	_ =	swait.ge [sflag:s28], $0x3E8  }
0x61: {  	[sflag:s28] =	ssyncset.done $0x0  }
0x62: {  	[sflag:s28] =	ssyncadd.s32 $0xFFFFFC18  }
0x63: {  	[spmem:s3] =	stream.indirect.scatter.add.f32 [tilespmem:s23], [sflag:$0x8], $0x8, s19, s18, $0xb8;
	[tilespmem:$0x1D528] =	vst v63  }
.Ltmp0:
0x64: {  	_ =	swait.ge [sflag:s29], $0x1F40;
	(pc) =	sbr.rel @p0 .LBB2_2-.Ltmp0, $4  }
0x65: {  	[sflag:s29] =	ssyncset.done $0x0  }
0x66: {  	[sflag:s29] =	ssyncadd.s32 $0xFFFFE0C0  }
0x67: {  	_ =	swait.ge [sflag:s30], $0x1F40  }
0x68: {  	s1 =	smov.u32 s14;
	[sflag:s30] =	ssyncset.done $0x0  }
0x69: {  	s1 =	sadd.s32 s0, s11;
	[sflag:s30] =	ssyncadd.s32 $0xFFFFE0C0  }
0x6a: {  	[tilespmem:s4], [sflag:$0x1] =	stream.linear.gather [hbm4b:s1+s4], $0x3E8, $0x38;
	[tilespmem:$0x1D528] =	vst v63  }
0x6b: {  	s5 =	sadd.s32 s0, s12  }
0x6c: {  	[tilespmem:s17], [sflag:$0x3] =	stream.linear.gather [hbm4b:s5+s4], $0x3E8, $0x38;
	[tilespmem:$0x1D528] =	vst v63  }
0x6d: {  	s6 =	sadd.s32 s0, s13  }
0x6e: {  	[tilespmem:s18], [sflag:$0x2] =	stream.linear.gather [hbm4b:s6+s4], $0x3E8, $0x38;
	[tilespmem:$0x1D528] =	vst v63  }
0x6f: {  	s14 =	sadd.s32 s0, s10  }
0x70: {  	[tilespmem:s19], [sflag:$0x4] =	stream.linear.gather [hbm4b:s14+s4], $0x3E8, $0x38;
	[tilespmem:$0x1D528] =	vst v63  }
0x71: {  	_ =	swait.ge [sflag:s20], $0x3E8  }
0x72: {  	[sflag:s20] =	ssyncset.done $0x0  }
0x73: {  	[sflag:s20] =	ssyncadd.s32 $0xFFFFFC18  }
0x74: {  	[tilespmem:s21], [sflag:$0x5] =	stream.indirect.gather [hbm4b:s2+s18], $0x8, s4, s18, $0xb8;
	[tilespmem:$0x1D528] =	vst v63  }
0x75: {  	_ =	swait.ge [sflag:s22], $0x3E8  }
0x76: {  	[sflag:s22] =	ssyncset.done $0x0  }
0x77: {  	[sflag:s22] =	ssyncadd.s32 $0xFFFFFC18  }
0x78: {  	[tilespmem:s23], [sflag:$0x6] =	stream.indirect.gather [hbm4b:s2+s18], $0x8, s18, s18, $0xb8;
	[tilespmem:$0x1D528] =	vst v63  }
0x79: {  	_ =	swait.ge [sflag:s24], $0x1F40  }
0x7a: {  	[sflag:s24] =	ssyncset.done $0x0  }
0x7b: {  	[sflag:s24] =	ssyncadd.s32 $0xFFFFE0C0  }
0x7c: {  	_ =	swait.ge [sflag:s25], $0x3E8  }
0x7d: {  	[sflag:s25] =	ssyncset.done $0x0  }
0x7e: {  	[sflag:s25] =	ssyncadd.s32 $0xFFFFFC18  }
0x7f: {  	[spmem:s3] =	stream.indirect.scatter.add.f32 [tilespmem:s21], [sflag:$0x7], $0x8, s17, s18, $0xb8;
	[tilespmem:$0x1D528] =	vst v63  }
0x80: {  	_ =	swait.ge [sflag:s26], $0x1F40  }
0x81: {  	[sflag:s26] =	ssyncset.done $0x0  }
0x82: {  	[sflag:s26] =	ssyncadd.s32 $0xFFFFE0C0  }
0x83: {  	_ =	swait.ge [sflag:s28], $0x3E8  }
0x84: {  	[sflag:s28] =	ssyncset.done $0x0  }
0x85: {  	[sflag:s28] =	ssyncadd.s32 $0xFFFFFC18  }
0x86: {  	[spmem:s3] =	stream.indirect.scatter.add.f32 [tilespmem:s23], [sflag:$0x8], $0x8, s19, s18, $0xb8;
	[tilespmem:$0x1D528] =	vst v63  }
0x87: {  	_ =	swait.ge [sflag:s29], $0x1F40  }
0x88: {  	[sflag:s29] =	ssyncset.done $0x0  }
0x89: {  	[sflag:s29] =	ssyncadd.s32 $0xFFFFE0C0  }
0x8a: {  	_ =	swait.ge [sflag:s30], $0x1F40  }
0x8b: {  	[sflag:s30] =	ssyncset.done $0x0  }
0x8c: {  	[sflag:s30] =	ssyncadd.s32 $0xFFFFE0C0  }
0x8d: {  	[bflag:$0x0] =	sbarrier.arrive $0xFFFF  }
0x8e: {  	[tilespmem:s16], [sflag:$0x9] =	stream.linear.gather [spmem:s7], $0xC380, $0x38;
	[tilespmem:$0x1D528] =	vst v63  }
0x8f: {  	s31 =	sadd.s32 $0x1, s31;
	_ =	swait.ge [sflag:s15], $0xC380  }
0x90: {  	p0 =	sne.s32 s31, s9;
	[sflag:s15] =	ssyncset.done $0x0  }
.Ltmp1:
0x91: {  	[sflag:s15] =	ssyncadd.s32 $0xFFFF3C80;
	(pc) =	sbr.rel @p0 .LBB2_1-.Ltmp1, $4  }
0x92: {  	[hbm4b:s8+s4] =	stream.linear.scatter [tilespmem:s16], [sflag:$0x9], $0xC380, $0x38;
	[tilespmem:$0x1D528] =	vst v63  }
0x93: {  	_ =	swait.ge [sflag:s15], $0xC380  }
0x94: {  	[sflag:s15] =	ssyncset.done $0x0  }
0x95: {  	[sflag:s15] =	ssyncadd.s32 $0xFFFF3C80  }
0x96: {  	_ =	sfence.sel $0x180000  }
0x97: {  	[bflag:$0x0] =	sbarrier.arrive $0xFFFF  }
0x98: {  	_ =	strace $0x90000053  }
0x99: {  	s0 =	stileid.u32;
	[bflag:$0x2] =	sbarrier.arrive $0xFFFF  }
0x9a: {  	p0 =	sne.s32 s0, $0x0;
	s0 =	rddreg [dreg:$0x3]  }
0x9b: {  	s0 =	sadd.s32 @!p0 $0x100000, s0  }
0x9c: {  	[sflag:s0] =	ssyncadd.tile.s32 @!p0 $0x1;
	_ =	shalt  }
.Lfunc_end2:
_tile_overlayer_lowered:
.L_overlay_start_2:
0x9d: {  	(tag) =	ssettag $0x2  }
0x9e: {  	s0 =	rddreg [dreg:$0x0];
	s2 =	stileid.u32  }
0x9f: {  	s1 =	rddreg [dreg:$0x1];
	p0 =	sne.s32 s2, $0x0  }
0xa0: {  	s3 =	rddreg [dreg:$0x2];
	[bflag:$0x3] =	sbarrier.arrive $0xFFFF;
	s2 =	simm.s32 @!p0 $0x1C09  }
0xa1: {  	[timem:s3], [sflag:s2] =	dma.local @!p0 [hbm:s0], s1  }
0xa2: {  	s0 =	simm.s32 @!p0 $0x9  }
0xa3: {  	_ =	swait.ge @!p0 [sflag:s0], s1  }
0xa4: {  	s1 =	ssub.s32 @!p0 $0x0, s1;
	[sflag:s0] =	ssyncset.done @!p0 $0x0  }
0xa5: {  	[sflag:s0] =	ssyncadd.s32 @!p0 s1  }
0xa6: {  	[bflag:$0x3] =	sbarrier.arrive $0xFFFF  }
0xa7: {  	_ =	shalt  }

// kernel: kernel.29.cloned.1.call-start
scs
__scs_entry_jumppad:
0x0: {  	(pc) =	sbr.rel $0x88, $3  }
0x1: {  	(tag) =	ssettag $0x0;
	lr =	simm.s32 $0x1  }
0x2: {  	[smem:$0x3F99] =	sst lr;
	_ =	strace $0xD0000000  }
0x3: {  	_ = 	snop  }
0x4: {  	_ = 	snop  }
0x5: {  	_ = 	snop  }
0x6: {  	_ = 	snop  }
0x7: {  	_ = 	snop  }
__scs_overlays_trampoline_lowered:
0x8: {  	[smem:$0x3FA8] =	sst s0  }
0x9: {  	[smem:$0x3FA9] =	sst s1  }
0xa: {  	[smem:$0x3FAA] =	sst s2  }
0xb: {  	[smem:$0x3FAB] =	sst s3  }
0xc: {  	[smem:$0x3FAC] =	sst s4  }
0xd: {  	[smem:$0x3FAD] =	sst s5  }
0xe: {  	[smem:$0x3FAE] =	sst s6  }
0xf: {  	[smem:$0x3FAF] =	sst s7  }
0x10: {  	[smem:$0x3FB0] =	sst s8  }
0x11: {  	[smem:$0x3FB1] =	sst s9;
	s0 =	simm.s32 @!p0 $0x0  }
0x12: {  	s1 =	sld [smem:$0x3F97];
	s0 =	simm.s32 @p0 $0x1  }
0x13: {  	[smem:$0x3FB2] =	sst s0;
	s0 =	simm.s32 @!p1 $0x0  }
0x14: {  	s2 =	sld [smem:$0x3F96];
	s0 =	simm.s32 @p1 $0x1  }
0x15: {  	[smem:$0x3FB3] =	sst s0;
	s0 =	simm.s32 @!p2 $0x0  }
0x16: {  	s3 =	sld [smem:$0x3FDB];
	s0 =	simm.s32 @p2 $0x1  }
0x17: {  	s4 =	simm.s32 $0x1BF5;
	[smem:$0x3FB5] =	sst s0  }
0x18: {  	s0 =	sld [smem:$0x3F98];
	_ =	swait.ge [sflag:s4], $0x0  }
0x19: {  	s7 =	sld [smem:$0x3F99]  }
0x1a: {  	s8 =	sadd.s32 $0xFFFFE003, lr  }
0x1b: {  	s9 =	sadd.s32 $0xFFFFFEF7, lr;
	s5 =	simm.s32 $0xFFFFFFFF;
	p2 =	slt.u32 s8, $0xFFFFF086  }
0x1c: {  	p1 =	slt.u32 s9, $0xF7A;
	s5 =	simm.s32 @!p2 $0x0  }
0x1d: {  	s5 =	simm.s32 @p1 $0x1;
	p0 =	seq.s32 s7, s2  }
0x1e: {  	s7 =	smul.u32 @!p0 $0xF7A, s2;
	p2 =	seq.s32 @!p0 s5, $0x0  }
0x1f: {  	s9 =	smul.u32 $0xF7A, s1;
	s8 =	simm.s32 @!p0 $0x1BF5;
	p2 =	por !p2, p0  }
0x20: {  	[sflag:s8] =	ssyncset.s32 @!p0 $0xFFFFF086;
	s6 =	sadd.s32 @!p0 s3, s7;
	s7 =	simm.s32 @!p0 $0x108  }
0x21: {  	s3 =	sadd.s32 s3, s9;
	s6 =	sadd.s32 @!p0 $0x88, s6;
	s7 =	simm.s32 @p2 $0x1082  }
0x22: {  	[simem:s7], [sflag:s8] =	dma.local @!p0 [hbm:s6], $0xF7A  }
0x23: {  	s9 =	sor.u32 $0xD0000000, s2;
	s6 =	simm.s32 $0x108;
	_ =	swait.ge @!p0 [sflag:s8], $0x0  }
0x24: {  	s3 =	sadd.s32 $0x88, s3;
	s6 =	simm.s32 @!p1 $0x1082;
	[sflag:s4] =	ssyncset.s32 $0xFFFFF086  }
0x25: {  	[simem:s6], [sflag:s4] =	dma.local [hbm:s3], $0xF7A  }
0x26: {  	[smem:$0x3F99] =	sst s1;
	(tag) =	ssettag s2;
	_ =	strace s9  }
0x27: {  	s1 =	sld [smem:$0x3FA9]  }
0x28: {  	s2 =	sld [smem:$0x3FAA]  }
0x29: {  	s4 =	sld [smem:$0x3FAC]  }
0x2a: {  	p0 =	seq.s32 s5, $0x0;
	s5 =	sld [smem:$0x3FAD]  }
0x2b: {  	s6 =	sld [smem:$0x3FAE]  }
0x2c: {  	s7 =	sld [smem:$0x3FAF]  }
0x2d: {  	s3 =	simm.s32 $0x108;
	s8 =	sld [smem:$0x3FB0]  }
0x2e: {  	s3 =	simm.s32 @!p0 $0x1082;
	s9 =	sld [smem:$0x3FB1]  }
0x2f: {  	lr =	sadd.s32 s0, s3;
	s0 =	sld [smem:$0x3FA8]  }
0x30: {  	s3 =	sld [smem:$0x3FAB]  }
0x31: {  	[smem:$0x3FB4] =	sst s10  }
0x32: {  	s10 =	sld [smem:$0x3FB2];
	_ =	sdelay $0x3  }
0x33: {  	p0 =	seq.s32 s10, $0x1;
	s10 =	sld [smem:$0x3FB4];
	_ =	sdelay $0x3  }
0x34: {  	[smem:$0x3FB4] =	sst s10  }
0x35: {  	s10 =	sld [smem:$0x3FB3];
	_ =	sdelay $0x3  }
0x36: {  	p1 =	seq.s32 s10, $0x1;
	s10 =	sld [smem:$0x3FB4];
	_ =	sdelay $0x3  }
0x37: {  	[smem:$0x3FB4] =	sst s10  }
0x38: {  	s10 =	sld [smem:$0x3FB5]  }
0x39: {  	_ = 	snop;
	(pc) =	sbr.ind lr, $3  }
0x3a: {  	_ = 	snop  }
0x3b: {  	_ = 	snop  }
0x3c: {  	p2 =	seq.s32 s10, $0x1;
	s10 =	sld [smem:$0x3FB4]  }
0x3d: {  	_ =	shalt  }
0x3e: {  	_ =	shalt  }
0x3f: {  	_ =	shalt  }
0x40: {  	_ =	shalt  }
0x41: {  	_ =	shalt  }
0x42: {  	_ =	shalt  }
0x43: {  	_ =	shalt  }
0x44: {  	_ =	shalt  }
0x45: {  	_ =	shalt  }
0x46: {  	_ =	shalt  }
0x47: {  	_ =	shalt  }
0x48: {  	_ =	shalt  }
0x49: {  	_ =	shalt  }
0x4a: {  	_ =	shalt  }
0x4b: {  	_ =	shalt  }
0x4c: {  	_ =	shalt  }
0x4d: {  	_ =	shalt  }
0x4e: {  	_ =	shalt  }
0x4f: {  	_ =	shalt  }
0x50: {  	_ =	shalt  }
0x51: {  	_ =	shalt  }
0x52: {  	_ =	shalt  }
0x53: {  	_ =	shalt  }
0x54: {  	_ =	shalt  }
0x55: {  	_ =	shalt  }
0x56: {  	_ =	shalt  }
0x57: {  	_ =	shalt  }
0x58: {  	_ =	shalt  }
0x59: {  	_ =	shalt  }
0x5a: {  	_ =	shalt  }
0x5b: {  	_ =	shalt  }
0x5c: {  	_ =	shalt  }
0x5d: {  	_ =	shalt  }
0x5e: {  	_ =	shalt  }
0x5f: {  	_ =	shalt  }
0x60: {  	_ =	shalt  }
0x61: {  	_ =	shalt  }
0x62: {  	_ =	shalt  }
0x63: {  	_ =	shalt  }
0x64: {  	_ =	shalt  }
0x65: {  	_ =	shalt  }
0x66: {  	_ =	shalt  }
0x67: {  	_ =	shalt  }
0x68: {  	_ =	shalt  }
0x69: {  	_ =	shalt  }
0x6a: {  	_ =	shalt  }
0x6b: {  	_ =	shalt  }
0x6c: {  	_ =	shalt  }
0x6d: {  	_ =	shalt  }
0x6e: {  	_ =	shalt  }
0x6f: {  	_ =	shalt  }
0x70: {  	_ =	shalt  }
0x71: {  	_ =	shalt  }
0x72: {  	_ =	shalt  }
0x73: {  	_ =	shalt  }
0x74: {  	_ =	shalt  }
0x75: {  	_ =	shalt  }
0x76: {  	_ =	shalt  }
0x77: {  	_ =	shalt  }
0x78: {  	_ =	shalt  }
0x79: {  	_ =	shalt  }
0x7a: {  	_ =	shalt  }
0x7b: {  	_ =	shalt  }
0x7c: {  	_ =	shalt  }
0x7d: {  	_ =	shalt  }
0x7e: {  	_ =	shalt  }
0x7f: {  	_ =	shalt  }
0x80: {  	_ =	shalt  }
0x81: {  	_ =	shalt  }
0x82: {  	_ =	shalt  }
0x83: {  	_ =	shalt  }
0x84: {  	_ =	shalt  }
0x85: {  	_ =	shalt  }
0x86: {  	_ =	shalt  }
0x87: {  	_ =	shalt  }
.Lfunc_end0:
.L_simem_size_0:
called_computation.5_lowered:
.L_overlay_start_0:
0x88: {  	s2 =	sld [smem:$0x3FD9]  }
0x89: {  	s3 =	sld [smem:$0x3FFE];
	_ =	sdelay $0x1  }
0x8a: {  	s1 =	srdreg.scid  }
0x8b: {  	s0 =	sand.u32 $0x1, s1  }
0x8c: {  	s17 =	sshll.u32 s0, $0xA;
	s2 =	sadd.s32 s3, s2  }
0x8d: {  	s2 =	sadd.s32 s2, s17  }
0x8e: {  	[smem:$0x3FC0] =	sst s2  }
0x8f: {  	_ = 	snop  }
0x90: {  	s2 =	sld [smem:$0x3FD0];
	(tm) =	ssettm $0x1  }
0x91: {  	s18 =	sld [smem:$0x3FFB];
	_ =	sdelay $0x3  }
0x92: {  	_ =	strace s18  }
0x93: {  	s3 =	sld [smem:$0x3FFC];
	_ =	sdelay $0x3  }
0x94: {  	_ =	strace s3  }
0x95: {  	s3 =	sld [smem:$0x3FFD];
	_ =	sdelay $0x3  }
0x96: {  	_ =	strace s3  }
0x97: {  	_ =	strace $0x8FFFFFFF  }
0x98: {  	s19 =	sld [smem:$0x3FDB];
	_ =	sdelay $0x1  }
0x99: {  	s4 =	simm.s32 $_scs_section_size  }
0x9a: {  	s5 =	simm.s32 $_size__tile_overlayer_lowered;
	s6 =	simm.s32 $_tile_overlayer_lowered  }
0x9b: {  	s22 =	simm.s32 $0x1BFF;
	s21 =	sshll.u32 s6, $0x1;
	s3 =	sadd.s32 s4, s19  }
0x9c: {  	s7 =	simm.s32 $0x0;
	s20 =	sshll.u32 s5, $0x1;
	s5 =	sadd.s32 s21, s3  }
0x9d: {  	[timem:s7], [sflag:s22] =	dma.local [hbm:s5], s20  }
0x9e: {  	_ =	swait.ge [sflag:s22], s20  }
0x9f: {  	s4 =	ssub.s32 $0x0, s20;
	[sflag:s22] =	ssyncset.done $0x0  }
0xa0: {  	[sflag:s22] =	ssyncadd.s32 s4;
	_ =	sdelay $0x1  }
0xa1: {  	s23 =	simm.s32 $0x1B8B  }
0xa2: {  	_ =	swait.ge [sflag:s23], $0x1  }
0xa3: {  	[sflag:s23] =	ssyncset.done $0x0  }
0xa4: {  	s25 =	simm.s32 $0x1B8E;
	s24 =	sld [smem:$0x3FFE];
	[sflag:s23] =	ssyncadd.s32 $0xFFFFFFFF  }
0xa5: {  	s26 =	simm.s32 $execute0_lowered;
	[smem:$0x3FD2] =	sst s25  }
0xa6: {  	s5 =	sshll.u32 s26, $0x1;
	_ =	strace $0x80000055;
	[dreg:$0x1] =	wrdreg $0xFFFFFFFF  }
0xa7: {  	s28 =	simm.s32 $_size_execute0_lowered;
	s3 =	sadd.s32 s3, s5;
	[dreg:$0x0] =	wrdreg $0x0  }
0xa8: {  	s5 =	sshll.u32 s28, $0x1;
	[dreg:$0x2] =	wrdreg s3  }
0xa9: {  	[dreg:$0x3] =	wrdreg s5  }
0xaa: {  	[dreg:$0x4] =	wrdreg $0xC0  }
0xab: {  	_ =	task [dreg:s7], $0x5FFFF  }
0xac: {  	[dreg:$0x1] =	wrdreg $0xFFFFFFFF  }
0xad: {  	[dreg:$0x0] =	wrdreg $0x60  }
0xae: {  	[dreg:$0x2] =	wrdreg s24  }
0xaf: {  	[dreg:$0x3] =	wrdreg s2  }
0xb0: {  	[dreg:$0x4] =	wrdreg $0x111A00  }
0xb1: {  	[dreg:$0x5] =	wrdreg $0x9  }
0xb2: {  	_ =	task.clear_ibuf [dreg:s7], $0x6FFFF;
	_ =	strace $0x90000055  }
0xb3: {  	s29 =	simm.s32 $0x9;
	_ =	strace $0x80000057  }
0xb4: {  	_ =	swait.ge [sflag:s29], $0x1  }
0xb5: {  	[sflag:s29] =	ssyncadd.s32 $0xFFFFFFFF  }
0xb6: {  	_ =	strace $0x90000057  }
0xb7: {  	_ =	sfence  }
0xb8: {  	s30 =	sld [smem:$0x0];
	_ =	sdelay $0x2  }
0xb9: {  	s31 =	sshll.u32 s1, $0xD;
	s1 =	sshrl.u32 s1, $0x2  }
0xba: {  	s3 =	sand.u32 $0x4000, s31;
	s1 =	sadd.s32 s1, s30  }
0xbb: {  	s0 =	sor.u32 s3, s0;
	s1 =	sshll.u32 s1, $0x11  }
0xbc: {  	s0 =	sor.u32 s1, s0  }
0xbd: {  	s0 =	sadd.s32 $0x8F2B, s0  }
0xbe: {  	[sflag:s0] =	ssyncadd.remote.s32 $0x1  }
0xbf: {  	_ =	sfence.sel $0xFFFF  }
0xc0: {  	[dreg:$0x0] =	wrdreg $0xFFFFFFFF;
	(pc) =	sbr.abs _section_cstart, $3  }
0xc1: {  	[dreg:$0x1] =	wrdreg $0xFFFFFFFF  }
0xc2: {  	_ =	task.clear_ibuf [dreg:s7], $0x2FFFF;
	_ =	strace $0x9FFFFFFF  }
0xc3: {  	(tm) =	ssettm $0x7FFFFFFF  }
tec
execute0_lowered:
.L_overlay_start_1:
0x0: {  	(tag) =	ssettag $0x1  }
0x1: {  	s0 =	rddreg [dreg:$0x0]  }
0x2: {  	s2 =	rddreg [dreg:$0x1]  }
0x3: {  	s1 =	rddreg [dreg:$0x2];
	s3 =	simm.s32 $0x0;
	s4 =	stileid.u32  }
0x4: {  	s5 =	srdreg.scid;
	s15 =	simm.s32 $0x9;
	s16 =	simm.s32 $0x4E20  }
0x5: {  	s17 =	simm.s32 $0x7D0;
	s18 =	simm.s32 $0x3E8;
	s19 =	simm.s32 $0xBB8  }
0x6: {  	s28 =	simm.s32 $0x4;
	s29 =	simm.s32 $0x7;
	s30 =	simm.s32 $0x8  }
0x7: {  	s31 =	simm.s32 $0x0;
	[smem:$0x7FF] =	sst s3;
	s13 =	sadd.s32 $0x9200, s0  }
0x8: {  	s7 =	smul.u32 $0x1870, s4;
	s6 =	sadd.s32 $0xFF400, s0;
	s8 =	sand.u32 $0x1, s5  }
0x9: {  	s9 =	smul.u32 $0x186A0, s4;
	s5 =	sadd.s32 $0x6AE00, s0;
	s0 =	sadd.s32 $0x83600, s0  }
0xa: {  	s12 =	smul.u32 $0x30E00, s4;
	_ =	strace $0x80000056;
	[dreg:$0x4] =	wrdreg s6  }
0xb: {  	s10 =	ssub.s32 $0x2, s8;
	s11 =	smul.u32 $0xC350, s8;
	[dreg:$0x5] =	wrdreg s0  }
0xc: {  	s8 =	smul.u32 $0x18700, s8;
	s20 =	sshrl.u32 s10, $0x1;
	s21 =	sshrl.u32 s12, $0x2  }
0xd: {  	s2 =	sadd.s32 s2, s7;
	s0 =	ssub.s32 s10, s20;
	s11 =	sadd.s32 s11, s9  }
0xe: {  	s7 =	sadd.s32 s21, s1;
	s8 =	sadd.s32 s8, s2;
	s20 =	simm.s32 $0x1  }
0xf: {  	s21 =	simm.s32 $0xFA0;
	s22 =	sadd.s32 $0x186DE8, s11;
	s9 =	smax.u32 s0, $0x1  }
0x10: {  	s24 =	sadd.s32 $0x186A00, s11;
	s25 =	sshrl.u32 s11, $0x3;
	s14 =	sadd.s32 $0x3E8, s11  }
0x11: {  	s23 =	sshrl.u32 s22, $0x3;
	s0 =	sshrl.u32 s24, $0x3;
	s11 =	sadd.s32 s25, s13  }
0x12: {  	s26 =	sshrl.u32 s14, $0x3;
	s22 =	simm.s32 $0x2;
	s24 =	simm.s32 $0x5  }
0x13: {  	s25 =	simm.s32 $0x3;
	s10 =	sadd.s32 s23, s13;
	s12 =	sadd.s32 s0, s13  }
0x14: {  	s13 =	sadd.s32 s26, s13;
	s23 =	simm.s32 $0x2EE0;
	s26 =	simm.s32 $0x6  }
.LBB2_1:
0x15: {  	s0 =	rddreg [dreg:$0x4];
	s2 =	simm.s32 $0x1D520  }
0x16: {  	[tilespmem:s2], [sflag:$0x9] =	stream.linear.gather [hbm4b:s0+s3], $0x8, $0x38;
	[tilespmem:$0x1D528] =	vst v63  }
0x17: {  	_ =	swait.ge [sflag:s15], $0x8  }
0x18: {  	[sflag:s15] =	ssyncset.done $0x0  }
0x19: {  	s14 =	rddreg [dreg:$0x5];
	[sflag:s15] =	ssyncadd.s32 $0xFFFFFFF8  }
0x1a: {  	[tilespmem:s16], [sflag:$0x9] =	stream.linear.gather [hbm4b:s14+s3], $0xC380, $0x38;
	[tilespmem:$0x1D528] =	vst v63  }
0x1b: {  	_ =	swait.ge [sflag:s15], $0xC380  }
0x1c: {  	[sflag:s15] =	ssyncset.done $0x0  }
0x1d: {  	[sflag:s15] =	ssyncadd.s32 $0xFFFF3C80  }
0x1e: {  	[spmem:s7] =	stream.linear.scatter [tilespmem:s16], [sflag:$0x9], $0xC380, $0x38;
	[tilespmem:$0x1D528] =	vst v63  }
0x1f: {  	_ =	swait.ge [sflag:s15], $0xC380  }
0x20: {  	[sflag:s15] =	ssyncset.done $0x0  }
0x21: {  	[sflag:s15] =	ssyncadd.s32 $0xFFFF3C80  }
0x22: {  	s2 =	sadd.s32 $0x0, s11;
	[bflag:$0x0] =	sbarrier.arrive $0xFFFF  }
0x23: {  	[tilespmem:s3], [sflag:$0x1] =	stream.linear.gather [hbm4b:s2+s3], $0x3E8, $0x38;
	[tilespmem:$0x1D528] =	vst v63  }
0x24: {  	s4 =	sadd.s32 $0x0, s12  }
0x25: {  	[tilespmem:s17], [sflag:$0x3] =	stream.linear.gather [hbm4b:s4+s3], $0x3E8, $0x38;
	[tilespmem:$0x1D528] =	vst v63  }
0x26: {  	s6 =	sadd.s32 $0x0, s13  }
0x27: {  	[tilespmem:s18], [sflag:$0x2] =	stream.linear.gather [hbm4b:s6+s3], $0x3E8, $0x38;
	[tilespmem:$0x1D528] =	vst v63  }
0x28: {  	s14 =	sadd.s32 $0x0, s10  }
0x29: {  	[tilespmem:s19], [sflag:$0x4] =	stream.linear.gather [hbm4b:s14+s3], $0x3E8, $0x38;
	[tilespmem:$0x1D528] =	vst v63  }
0x2a: {  	_ =	swait.ge [sflag:s20], $0x3E8  }
0x2b: {  	[sflag:s20] =	ssyncset.done $0x0  }
0x2c: {  	[sflag:s20] =	ssyncadd.s32 $0xFFFFFC18  }
0x2d: {  	[tilespmem:s21], [sflag:$0x5] =	stream.indirect.gather [hbm4b:s5+s18], $0x8, s3, s18, $0xb8;
	[tilespmem:$0x1D528] =	vst v63  }
0x2e: {  	_ =	swait.ge [sflag:s22], $0x3E8  }
0x2f: {  	[sflag:s22] =	ssyncset.done $0x0  }
0x30: {  	[sflag:s22] =	ssyncadd.s32 $0xFFFFFC18  }
0x31: {  	[tilespmem:s23], [sflag:$0x6] =	stream.indirect.gather [hbm4b:s5+s18], $0x8, s18, s18, $0xb8;
	[tilespmem:$0x1D528] =	vst v63  }
0x32: {  	_ =	swait.ge [sflag:s24], $0x1F40  }
0x33: {  	[sflag:s24] =	ssyncset.done $0x0  }
0x34: {  	[sflag:s24] =	ssyncadd.s32 $0xFFFFE0C0  }
0x35: {  	_ =	swait.ge [sflag:s25], $0x3E8  }
0x36: {  	[sflag:s25] =	ssyncset.done $0x0  }
0x37: {  	[sflag:s25] =	ssyncadd.s32 $0xFFFFFC18  }
0x38: {  	[spmem:s1] =	stream.indirect.scatter.add.f32 [tilespmem:s21], [sflag:$0x7], $0x8, s17, s18, $0xb8;
	[tilespmem:$0x1D528] =	vst v63  }
0x39: {  	_ =	swait.ge [sflag:s26], $0x1F40  }
0x3a: {  	[sflag:s26] =	ssyncset.done $0x0  }
0x3b: {  	[sflag:s26] =	ssyncadd.s32 $0xFFFFE0C0  }
0x3c: {  	_ =	swait.ge [sflag:s28], $0x3E8  }
0x3d: {  	[sflag:s28] =	ssyncset.done $0x0  }
0x3e: {  	[sflag:s28] =	ssyncadd.s32 $0xFFFFFC18  }
0x3f: {  	[spmem:s1] =	stream.indirect.scatter.add.f32 [tilespmem:s23], [sflag:$0x8], $0x8, s19, s18, $0xb8;
	[tilespmem:$0x1D528] =	vst v63  }
0x40: {  	_ =	swait.ge [sflag:s29], $0x1F40  }
0x41: {  	[sflag:s29] =	ssyncset.done $0x0  }
0x42: {  	[sflag:s29] =	ssyncadd.s32 $0xFFFFE0C0  }
0x43: {  	_ =	swait.ge [sflag:s30], $0x1F40  }
0x44: {  	s0 =	simm.s32 $0xFA;
	s2 =	simm.s32 $0x1F4;
	[sflag:s30] =	ssyncset.done $0x0  }
.LBB2_2:
0x45: {  	s4 =	sadd.s32 s0, s11  }
0x46: {  	[sflag:s30] =	ssyncadd.s32 $0xFFFFE0C0;
	s6 =	smov.u32 s2;
	s14 =	sadd.s32 $0xFA, s2  }
0x47: {  	[tilespmem:s3], [sflag:$0x1] =	stream.linear.gather [hbm4b:s4+s3], $0x3E8, $0x38;
	[tilespmem:$0x1D528] =	vst v63  }
0x48: {  	p0 =	sne.s32 s2, $0x1770;
	s2 =	sadd.s32 s0, s12  }
0x49: {  	[tilespmem:s17], [sflag:$0x3] =	stream.linear.gather [hbm4b:s2+s3], $0x3E8, $0x38;
	[tilespmem:$0x1D528] =	vst v63  }
0x4a: {  	s2 =	sadd.s32 s0, s13  }
0x4b: {  	[tilespmem:s18], [sflag:$0x2] =	stream.linear.gather [hbm4b:s2+s3], $0x3E8, $0x38;
	[tilespmem:$0x1D528] =	vst v63  }
0x4c: {  	s2 =	sadd.s32 s0, s10;
	s0 =	smov.u32 s6  }
0x4d: {  	[tilespmem:s19], [sflag:$0x4] =	stream.linear.gather [hbm4b:s2+s3], $0x3E8, $0x38;
	[tilespmem:$0x1D528] =	vst v63  }
0x4e: {  	_ =	swait.ge [sflag:s20], $0x3E8  }
0x4f: {  	[sflag:s20] =	ssyncset.done $0x0  }
0x50: {  	[sflag:s20] =	ssyncadd.s32 $0xFFFFFC18  }
0x51: {  	[tilespmem:s21], [sflag:$0x5] =	stream.indirect.gather [hbm4b:s5+s18], $0x8, s3, s18, $0xb8;
	[tilespmem:$0x1D528] =	vst v63  }
0x52: {  	_ =	swait.ge [sflag:s22], $0x3E8  }
0x53: {  	[sflag:s22] =	ssyncset.done $0x0  }
0x54: {  	[sflag:s22] =	ssyncadd.s32 $0xFFFFFC18  }
0x55: {  	[tilespmem:s23], [sflag:$0x6] =	stream.indirect.gather [hbm4b:s5+s18], $0x8, s18, s18, $0xb8;
	[tilespmem:$0x1D528] =	vst v63  }
0x56: {  	_ =	swait.ge [sflag:s24], $0x1F40  }
0x57: {  	[sflag:s24] =	ssyncset.done $0x0  }
0x58: {  	[sflag:s24] =	ssyncadd.s32 $0xFFFFE0C0  }
0x59: {  	_ =	swait.ge [sflag:s25], $0x3E8  }
0x5a: {  	[sflag:s25] =	ssyncset.done $0x0  }
0x5b: {  	[sflag:s25] =	ssyncadd.s32 $0xFFFFFC18  }
0x5c: {  	[spmem:s1] =	stream.indirect.scatter.add.f32 [tilespmem:s21], [sflag:$0x7], $0x8, s17, s18, $0xb8;
	[tilespmem:$0x1D528] =	vst v63  }
0x5d: {  	_ =	swait.ge [sflag:s26], $0x1F40  }
0x5e: {  	[sflag:s26] =	ssyncset.done $0x0  }
0x5f: {  	[sflag:s26] =	ssyncadd.s32 $0xFFFFE0C0  }
0x60: {  	_ =	swait.ge [sflag:s28], $0x3E8  }
0x61: {  	[sflag:s28] =	ssyncset.done $0x0  }
0x62: {  	[sflag:s28] =	ssyncadd.s32 $0xFFFFFC18  }
0x63: {  	[spmem:s1] =	stream.indirect.scatter.add.f32 [tilespmem:s23], [sflag:$0x8], $0x8, s19, s18, $0xb8;
	[tilespmem:$0x1D528] =	vst v63  }
.Ltmp0:
0x64: {  	_ =	swait.ge [sflag:s29], $0x1F40;
	(pc) =	sbr.rel @p0 .LBB2_2-.Ltmp0, $4  }
0x65: {  	[sflag:s29] =	ssyncset.done $0x0  }
0x66: {  	[sflag:s29] =	ssyncadd.s32 $0xFFFFE0C0  }
0x67: {  	_ =	swait.ge [sflag:s30], $0x1F40  }
0x68: {  	s2 =	smov.u32 s14;
	[sflag:s30] =	ssyncset.done $0x0  }
0x69: {  	s2 =	sadd.s32 s0, s11;
	[sflag:s30] =	ssyncadd.s32 $0xFFFFE0C0  }
0x6a: {  	[tilespmem:s3], [sflag:$0x1] =	stream.linear.gather [hbm4b:s2+s3], $0x3E8, $0x38;
	[tilespmem:$0x1D528] =	vst v63  }
0x6b: {  	s4 =	sadd.s32 s0, s12  }
0x6c: {  	[tilespmem:s17], [sflag:$0x3] =	stream.linear.gather [hbm4b:s4+s3], $0x3E8, $0x38;
	[tilespmem:$0x1D528] =	vst v63  }
0x6d: {  	s6 =	sadd.s32 s0, s13  }
0x6e: {  	[tilespmem:s18], [sflag:$0x2] =	stream.linear.gather [hbm4b:s6+s3], $0x3E8, $0x38;
	[tilespmem:$0x1D528] =	vst v63  }
0x6f: {  	s14 =	sadd.s32 s0, s10  }
0x70: {  	[tilespmem:s19], [sflag:$0x4] =	stream.linear.gather [hbm4b:s14+s3], $0x3E8, $0x38;
	[tilespmem:$0x1D528] =	vst v63  }
0x71: {  	_ =	swait.ge [sflag:s20], $0x3E8  }
0x72: {  	[sflag:s20] =	ssyncset.done $0x0  }
0x73: {  	[sflag:s20] =	ssyncadd.s32 $0xFFFFFC18  }
0x74: {  	[tilespmem:s21], [sflag:$0x5] =	stream.indirect.gather [hbm4b:s5+s18], $0x8, s3, s18, $0xb8;
	[tilespmem:$0x1D528] =	vst v63  }
0x75: {  	_ =	swait.ge [sflag:s22], $0x3E8  }
0x76: {  	[sflag:s22] =	ssyncset.done $0x0  }
0x77: {  	[sflag:s22] =	ssyncadd.s32 $0xFFFFFC18  }
0x78: {  	[tilespmem:s23], [sflag:$0x6] =	stream.indirect.gather [hbm4b:s5+s18], $0x8, s18, s18, $0xb8;
	[tilespmem:$0x1D528] =	vst v63  }
0x79: {  	_ =	swait.ge [sflag:s24], $0x1F40  }
0x7a: {  	[sflag:s24] =	ssyncset.done $0x0  }
0x7b: {  	[sflag:s24] =	ssyncadd.s32 $0xFFFFE0C0  }
0x7c: {  	_ =	swait.ge [sflag:s25], $0x3E8  }
0x7d: {  	[sflag:s25] =	ssyncset.done $0x0  }
0x7e: {  	[sflag:s25] =	ssyncadd.s32 $0xFFFFFC18  }
0x7f: {  	[spmem:s1] =	stream.indirect.scatter.add.f32 [tilespmem:s21], [sflag:$0x7], $0x8, s17, s18, $0xb8;
	[tilespmem:$0x1D528] =	vst v63  }
0x80: {  	_ =	swait.ge [sflag:s26], $0x1F40  }
0x81: {  	[sflag:s26] =	ssyncset.done $0x0  }
0x82: {  	[sflag:s26] =	ssyncadd.s32 $0xFFFFE0C0  }
0x83: {  	_ =	swait.ge [sflag:s28], $0x3E8  }
0x84: {  	[sflag:s28] =	ssyncset.done $0x0  }
0x85: {  	[sflag:s28] =	ssyncadd.s32 $0xFFFFFC18  }
0x86: {  	[spmem:s1] =	stream.indirect.scatter.add.f32 [tilespmem:s23], [sflag:$0x8], $0x8, s19, s18, $0xb8;
	[tilespmem:$0x1D528] =	vst v63  }
0x87: {  	_ =	swait.ge [sflag:s29], $0x1F40  }
0x88: {  	[sflag:s29] =	ssyncset.done $0x0  }
0x89: {  	[sflag:s29] =	ssyncadd.s32 $0xFFFFE0C0  }
0x8a: {  	_ =	swait.ge [sflag:s30], $0x1F40  }
0x8b: {  	[sflag:s30] =	ssyncset.done $0x0  }
0x8c: {  	[sflag:s30] =	ssyncadd.s32 $0xFFFFE0C0  }
0x8d: {  	[bflag:$0x0] =	sbarrier.arrive $0xFFFF  }
0x8e: {  	[tilespmem:s16], [sflag:$0x9] =	stream.linear.gather [spmem:s7], $0xC380, $0x38;
	[tilespmem:$0x1D528] =	vst v63  }
0x8f: {  	s31 =	sadd.s32 $0x1, s31;
	_ =	swait.ge [sflag:s15], $0xC380  }
0x90: {  	p0 =	sne.s32 s31, s9;
	[sflag:s15] =	ssyncset.done $0x0  }
.Ltmp1:
0x91: {  	[sflag:s15] =	ssyncadd.s32 $0xFFFF3C80;
	(pc) =	sbr.rel @p0 .LBB2_1-.Ltmp1, $4  }
0x92: {  	[hbm4b:s8+s3] =	stream.linear.scatter [tilespmem:s16], [sflag:$0x9], $0xC380, $0x38;
	[tilespmem:$0x1D528] =	vst v63  }
0x93: {  	_ =	swait.ge [sflag:s15], $0xC380  }
0x94: {  	[sflag:s15] =	ssyncset.done $0x0  }
0x95: {  	[sflag:s15] =	ssyncadd.s32 $0xFFFF3C80  }
0x96: {  	_ =	sfence.sel $0x180000  }
0x97: {  	[bflag:$0x0] =	sbarrier.arrive $0xFFFF  }
0x98: {  	_ =	strace $0x90000056  }
0x99: {  	s0 =	stileid.u32;
	[bflag:$0x2] =	sbarrier.arrive $0xFFFF  }
0x9a: {  	p0 =	sne.s32 s0, $0x0;
	s0 =	rddreg [dreg:$0x3]  }
0x9b: {  	s0 =	sadd.s32 @!p0 $0x100000, s0  }
0x9c: {  	[sflag:s0] =	ssyncadd.tile.s32 @!p0 $0x1;
	_ =	shalt  }
.Lfunc_end2:
_tile_overlayer_lowered:
.L_overlay_start_2:
0x9d: {  	(tag) =	ssettag $0x2  }
0x9e: {  	s0 =	rddreg [dreg:$0x0];
	s2 =	stileid.u32  }
0x9f: {  	s1 =	rddreg [dreg:$0x1];
	p0 =	sne.s32 s2, $0x0  }
0xa0: {  	s3 =	rddreg [dreg:$0x2];
	[bflag:$0x3] =	sbarrier.arrive $0xFFFF;
	s2 =	simm.s32 @!p0 $0x1C09  }
0xa1: {  	[timem:s3], [sflag:s2] =	dma.local @!p0 [hbm:s0], s1  }
0xa2: {  	s0 =	simm.s32 @!p0 $0x9  }
0xa3: {  	_ =	swait.ge @!p0 [sflag:s0], s1  }
0xa4: {  	s1 =	ssub.s32 @!p0 $0x0, s1;
	[sflag:s0] =	ssyncset.done @!p0 $0x0  }
0xa5: {  	[sflag:s0] =	ssyncadd.s32 @!p0 s1  }
0xa6: {  	[bflag:$0x3] =	sbarrier.arrive $0xFFFF  }
0xa7: {  	_ =	shalt  }

// kernel: kernel.32.cloned.1.call-start
scs
__scs_entry_jumppad:
0x0: {  	(pc) =	sbr.rel $0x88, $3  }
0x1: {  	(tag) =	ssettag $0x0;
	lr =	simm.s32 $0x1  }
0x2: {  	[smem:$0x3F99] =	sst lr;
	_ =	strace $0xD0000000  }
0x3: {  	_ = 	snop  }
0x4: {  	_ = 	snop  }
0x5: {  	_ = 	snop  }
0x6: {  	_ = 	snop  }
0x7: {  	_ = 	snop  }
__scs_overlays_trampoline_lowered:
0x8: {  	[smem:$0x3FA8] =	sst s0  }
0x9: {  	[smem:$0x3FA9] =	sst s1  }
0xa: {  	[smem:$0x3FAA] =	sst s2  }
0xb: {  	[smem:$0x3FAB] =	sst s3  }
0xc: {  	[smem:$0x3FAC] =	sst s4  }
0xd: {  	[smem:$0x3FAD] =	sst s5  }
0xe: {  	[smem:$0x3FAE] =	sst s6  }
0xf: {  	[smem:$0x3FAF] =	sst s7  }
0x10: {  	[smem:$0x3FB0] =	sst s8  }
0x11: {  	[smem:$0x3FB1] =	sst s9;
	s0 =	simm.s32 @!p0 $0x0  }
0x12: {  	s1 =	sld [smem:$0x3F97];
	s0 =	simm.s32 @p0 $0x1  }
0x13: {  	[smem:$0x3FB2] =	sst s0;
	s0 =	simm.s32 @!p1 $0x0  }
0x14: {  	s2 =	sld [smem:$0x3F96];
	s0 =	simm.s32 @p1 $0x1  }
0x15: {  	[smem:$0x3FB3] =	sst s0;
	s0 =	simm.s32 @!p2 $0x0  }
0x16: {  	s3 =	sld [smem:$0x3FDB];
	s0 =	simm.s32 @p2 $0x1  }
0x17: {  	s4 =	simm.s32 $0x1BF5;
	[smem:$0x3FB5] =	sst s0  }
0x18: {  	s0 =	sld [smem:$0x3F98];
	_ =	swait.ge [sflag:s4], $0x0  }
0x19: {  	s7 =	sld [smem:$0x3F99]  }
0x1a: {  	s8 =	sadd.s32 $0xFFFFE003, lr  }
0x1b: {  	s9 =	sadd.s32 $0xFFFFFEF7, lr;
	s5 =	simm.s32 $0xFFFFFFFF;
	p2 =	slt.u32 s8, $0xFFFFF086  }
0x1c: {  	p1 =	slt.u32 s9, $0xF7A;
	s5 =	simm.s32 @!p2 $0x0  }
0x1d: {  	s5 =	simm.s32 @p1 $0x1;
	p0 =	seq.s32 s7, s2  }
0x1e: {  	s7 =	smul.u32 @!p0 $0xF7A, s2;
	p2 =	seq.s32 @!p0 s5, $0x0  }
0x1f: {  	s9 =	smul.u32 $0xF7A, s1;
	s8 =	simm.s32 @!p0 $0x1BF5;
	p2 =	por !p2, p0  }
0x20: {  	[sflag:s8] =	ssyncset.s32 @!p0 $0xFFFFF086;
	s6 =	sadd.s32 @!p0 s3, s7;
	s7 =	simm.s32 @!p0 $0x108  }
0x21: {  	s3 =	sadd.s32 s3, s9;
	s6 =	sadd.s32 @!p0 $0x88, s6;
	s7 =	simm.s32 @p2 $0x1082  }
0x22: {  	[simem:s7], [sflag:s8] =	dma.local @!p0 [hbm:s6], $0xF7A  }
0x23: {  	s9 =	sor.u32 $0xD0000000, s2;
	s6 =	simm.s32 $0x108;
	_ =	swait.ge @!p0 [sflag:s8], $0x0  }
0x24: {  	s3 =	sadd.s32 $0x88, s3;
	s6 =	simm.s32 @!p1 $0x1082;
	[sflag:s4] =	ssyncset.s32 $0xFFFFF086  }
0x25: {  	[simem:s6], [sflag:s4] =	dma.local [hbm:s3], $0xF7A  }
0x26: {  	[smem:$0x3F99] =	sst s1;
	(tag) =	ssettag s2;
	_ =	strace s9  }
0x27: {  	s1 =	sld [smem:$0x3FA9]  }
0x28: {  	s2 =	sld [smem:$0x3FAA]  }
0x29: {  	s4 =	sld [smem:$0x3FAC]  }
0x2a: {  	p0 =	seq.s32 s5, $0x0;
	s5 =	sld [smem:$0x3FAD]  }
0x2b: {  	s6 =	sld [smem:$0x3FAE]  }
0x2c: {  	s7 =	sld [smem:$0x3FAF]  }
0x2d: {  	s3 =	simm.s32 $0x108;
	s8 =	sld [smem:$0x3FB0]  }
0x2e: {  	s3 =	simm.s32 @!p0 $0x1082;
	s9 =	sld [smem:$0x3FB1]  }
0x2f: {  	lr =	sadd.s32 s0, s3;
	s0 =	sld [smem:$0x3FA8]  }
0x30: {  	s3 =	sld [smem:$0x3FAB]  }
0x31: {  	[smem:$0x3FB4] =	sst s10  }
0x32: {  	s10 =	sld [smem:$0x3FB2];
	_ =	sdelay $0x3  }
0x33: {  	p0 =	seq.s32 s10, $0x1;
	s10 =	sld [smem:$0x3FB4];
	_ =	sdelay $0x3  }
0x34: {  	[smem:$0x3FB4] =	sst s10  }
0x35: {  	s10 =	sld [smem:$0x3FB3];
	_ =	sdelay $0x3  }
0x36: {  	p1 =	seq.s32 s10, $0x1;
	s10 =	sld [smem:$0x3FB4];
	_ =	sdelay $0x3  }
0x37: {  	[smem:$0x3FB4] =	sst s10  }
0x38: {  	s10 =	sld [smem:$0x3FB5]  }
0x39: {  	_ = 	snop;
	(pc) =	sbr.ind lr, $3  }
0x3a: {  	_ = 	snop  }
0x3b: {  	_ = 	snop  }
0x3c: {  	p2 =	seq.s32 s10, $0x1;
	s10 =	sld [smem:$0x3FB4]  }
0x3d: {  	_ =	shalt  }
0x3e: {  	_ =	shalt  }
0x3f: {  	_ =	shalt  }
0x40: {  	_ =	shalt  }
0x41: {  	_ =	shalt  }
0x42: {  	_ =	shalt  }
0x43: {  	_ =	shalt  }
0x44: {  	_ =	shalt  }
0x45: {  	_ =	shalt  }
0x46: {  	_ =	shalt  }
0x47: {  	_ =	shalt  }
0x48: {  	_ =	shalt  }
0x49: {  	_ =	shalt  }
0x4a: {  	_ =	shalt  }
0x4b: {  	_ =	shalt  }
0x4c: {  	_ =	shalt  }
0x4d: {  	_ =	shalt  }
0x4e: {  	_ =	shalt  }
0x4f: {  	_ =	shalt  }
0x50: {  	_ =	shalt  }
0x51: {  	_ =	shalt  }
0x52: {  	_ =	shalt  }
0x53: {  	_ =	shalt  }
0x54: {  	_ =	shalt  }
0x55: {  	_ =	shalt  }
0x56: {  	_ =	shalt  }
0x57: {  	_ =	shalt  }
0x58: {  	_ =	shalt  }
0x59: {  	_ =	shalt  }
0x5a: {  	_ =	shalt  }
0x5b: {  	_ =	shalt  }
0x5c: {  	_ =	shalt  }
0x5d: {  	_ =	shalt  }
0x5e: {  	_ =	shalt  }
0x5f: {  	_ =	shalt  }
0x60: {  	_ =	shalt  }
0x61: {  	_ =	shalt  }
0x62: {  	_ =	shalt  }
0x63: {  	_ =	shalt  }
0x64: {  	_ =	shalt  }
0x65: {  	_ =	shalt  }
0x66: {  	_ =	shalt  }
0x67: {  	_ =	shalt  }
0x68: {  	_ =	shalt  }
0x69: {  	_ =	shalt  }
0x6a: {  	_ =	shalt  }
0x6b: {  	_ =	shalt  }
0x6c: {  	_ =	shalt  }
0x6d: {  	_ =	shalt  }
0x6e: {  	_ =	shalt  }
0x6f: {  	_ =	shalt  }
0x70: {  	_ =	shalt  }
0x71: {  	_ =	shalt  }
0x72: {  	_ =	shalt  }
0x73: {  	_ =	shalt  }
0x74: {  	_ =	shalt  }
0x75: {  	_ =	shalt  }
0x76: {  	_ =	shalt  }
0x77: {  	_ =	shalt  }
0x78: {  	_ =	shalt  }
0x79: {  	_ =	shalt  }
0x7a: {  	_ =	shalt  }
0x7b: {  	_ =	shalt  }
0x7c: {  	_ =	shalt  }
0x7d: {  	_ =	shalt  }
0x7e: {  	_ =	shalt  }
0x7f: {  	_ =	shalt  }
0x80: {  	_ =	shalt  }
0x81: {  	_ =	shalt  }
0x82: {  	_ =	shalt  }
0x83: {  	_ =	shalt  }
0x84: {  	_ =	shalt  }
0x85: {  	_ =	shalt  }
0x86: {  	_ =	shalt  }
0x87: {  	_ =	shalt  }
.Lfunc_end0:
.L_simem_size_0:
called_computation.6_lowered:
.L_overlay_start_0:
0x88: {  	s2 =	sld [smem:$0x3FD9]  }
0x89: {  	s3 =	sld [smem:$0x3FFE];
	_ =	sdelay $0x1  }
0x8a: {  	s1 =	srdreg.scid  }
0x8b: {  	s0 =	sand.u32 $0x1, s1  }
0x8c: {  	s17 =	sshll.u32 s0, $0xA;
	s2 =	sadd.s32 s3, s2  }
0x8d: {  	s2 =	sadd.s32 s2, s17  }
0x8e: {  	[smem:$0x3FC0] =	sst s2  }
0x8f: {  	_ = 	snop  }
0x90: {  	s2 =	sld [smem:$0x3FD0];
	(tm) =	ssettm $0x1  }
0x91: {  	s18 =	sld [smem:$0x3FFB];
	_ =	sdelay $0x3  }
0x92: {  	_ =	strace s18  }
0x93: {  	s3 =	sld [smem:$0x3FFC];
	_ =	sdelay $0x3  }
0x94: {  	_ =	strace s3  }
0x95: {  	s3 =	sld [smem:$0x3FFD];
	_ =	sdelay $0x3  }
0x96: {  	_ =	strace s3  }
0x97: {  	_ =	strace $0x8FFFFFFF  }
0x98: {  	s19 =	sld [smem:$0x3FDB];
	_ =	sdelay $0x1  }
0x99: {  	s4 =	simm.s32 $_scs_section_size  }
0x9a: {  	s5 =	simm.s32 $_size__tile_overlayer_lowered;
	s6 =	simm.s32 $_tile_overlayer_lowered  }
0x9b: {  	s22 =	simm.s32 $0x1BFF;
	s21 =	sshll.u32 s6, $0x1;
	s3 =	sadd.s32 s4, s19  }
0x9c: {  	s7 =	simm.s32 $0x0;
	s20 =	sshll.u32 s5, $0x1;
	s5 =	sadd.s32 s21, s3  }
0x9d: {  	[timem:s7], [sflag:s22] =	dma.local [hbm:s5], s20  }
0x9e: {  	_ =	swait.ge [sflag:s22], s20  }
0x9f: {  	s4 =	ssub.s32 $0x0, s20;
	[sflag:s22] =	ssyncset.done $0x0  }
0xa0: {  	[sflag:s22] =	ssyncadd.s32 s4;
	_ =	sdelay $0x1  }
0xa1: {  	s23 =	simm.s32 $0x1B8B  }
0xa2: {  	_ =	swait.ge [sflag:s23], $0x1  }
0xa3: {  	[sflag:s23] =	ssyncset.done $0x0  }
0xa4: {  	s25 =	simm.s32 $0x1B8E;
	s24 =	sld [smem:$0x3FFE];
	[sflag:s23] =	ssyncadd.s32 $0xFFFFFFFF  }
0xa5: {  	s26 =	simm.s32 $execute0_lowered;
	[smem:$0x3FD2] =	sst s25  }
0xa6: {  	s5 =	sshll.u32 s26, $0x1;
	_ =	strace $0x80000058;
	[dreg:$0x1] =	wrdreg $0xFFFFFFFF  }
0xa7: {  	s28 =	simm.s32 $_size_execute0_lowered;
	s3 =	sadd.s32 s3, s5;
	[dreg:$0x0] =	wrdreg $0x0  }
0xa8: {  	s5 =	sshll.u32 s28, $0x1;
	[dreg:$0x2] =	wrdreg s3  }
0xa9: {  	[dreg:$0x3] =	wrdreg s5  }
0xaa: {  	[dreg:$0x4] =	wrdreg $0xC0  }
0xab: {  	_ =	task [dreg:s7], $0x5FFFF  }
0xac: {  	[dreg:$0x1] =	wrdreg $0xFFFFFFFF  }
0xad: {  	[dreg:$0x0] =	wrdreg $0x60  }
0xae: {  	[dreg:$0x2] =	wrdreg s24  }
0xaf: {  	[dreg:$0x3] =	wrdreg s2  }
0xb0: {  	[dreg:$0x4] =	wrdreg $0x111A00  }
0xb1: {  	[dreg:$0x5] =	wrdreg $0x9  }
0xb2: {  	_ =	task.clear_ibuf [dreg:s7], $0x6FFFF;
	_ =	strace $0x90000058  }
0xb3: {  	s29 =	simm.s32 $0x9;
	_ =	strace $0x8000005A  }
0xb4: {  	_ =	swait.ge [sflag:s29], $0x1  }
0xb5: {  	[sflag:s29] =	ssyncadd.s32 $0xFFFFFFFF  }
0xb6: {  	_ =	strace $0x9000005A  }
0xb7: {  	_ =	sfence  }
0xb8: {  	s30 =	sld [smem:$0x0];
	_ =	sdelay $0x2  }
0xb9: {  	s31 =	sshll.u32 s1, $0xD;
	s1 =	sshrl.u32 s1, $0x2  }
0xba: {  	s3 =	sand.u32 $0x4000, s31;
	s1 =	sadd.s32 s1, s30  }
0xbb: {  	s0 =	sor.u32 s3, s0;
	s1 =	sshll.u32 s1, $0x11  }
0xbc: {  	s0 =	sor.u32 s1, s0  }
0xbd: {  	s0 =	sadd.s32 $0x8F2B, s0  }
0xbe: {  	[sflag:s0] =	ssyncadd.remote.s32 $0x1  }
0xbf: {  	_ =	sfence.sel $0xFFFF  }
0xc0: {  	[dreg:$0x0] =	wrdreg $0xFFFFFFFF;
	(pc) =	sbr.abs _section_cstart, $3  }
0xc1: {  	[dreg:$0x1] =	wrdreg $0xFFFFFFFF  }
0xc2: {  	_ =	task.clear_ibuf [dreg:s7], $0x2FFFF;
	_ =	strace $0x9FFFFFFF  }
0xc3: {  	(tm) =	ssettm $0x7FFFFFFF  }
tec
execute0_lowered:
.L_overlay_start_1:
0x0: {  	(tag) =	ssettag $0x1  }
0x1: {  	s0 =	rddreg [dreg:$0x0]  }
0x2: {  	s3 =	rddreg [dreg:$0x2];
	s4 =	simm.s32 $0x0  }
0x3: {  	s5 =	stileid.u32;
	s2 =	srdreg.scid;
	s15 =	simm.s32 $0x9  }
0x4: {  	s16 =	simm.s32 $0x4E20;
	s17 =	simm.s32 $0x7D0;
	s18 =	simm.s32 $0x3E8  }
0x5: {  	s28 =	simm.s32 $0x4;
	s29 =	simm.s32 $0x7;
	s30 =	simm.s32 $0x8  }
0x6: {  	s31 =	simm.s32 $0x0;
	[smem:$0x7FF] =	sst s4;
	s1 =	smul.u32 $0x1870, s5  }
0x7: {  	s7 =	smul.u32 $0x30E00, s5;
	s13 =	sadd.s32 $0x9200, s0;
	s2 =	sand.u32 $0x1, s2  }
0x8: {  	s8 =	smul.u32 $0x186A0, s5;
	s5 =	sadd.s32 $0x6AE00, s0;
	s6 =	sadd.s32 $0x83600, s0  }
0x9: {  	_ =	strace $0x80000059;
	s9 =	ssub.s32 $0x2, s2;
	s10 =	smul.u32 $0xC350, s2  }
0xa: {  	[dreg:$0x4] =	wrdreg s6;
	s2 =	smul.u32 $0x18700, s2;
	s11 =	sshrl.u32 s9, $0x1  }
0xb: {  	s0 =	sadd.s32 s1, s0;
	s7 =	sshrl.u32 s7, $0x2;
	s19 =	ssub.s32 s9, s11  }
0xc: {  	s20 =	sadd.s32 s10, s8;
	s0 =	sadd.s32 s2, s0;
	s7 =	sadd.s32 s7, s3  }
0xd: {  	s21 =	sadd.s32 $0x186DE8, s20;
	s8 =	sadd.s32 $0x9D800, s0;
	s9 =	smax.u32 s19, $0x1  }
0xe: {  	s23 =	sadd.s32 $0x186A00, s20;
	s24 =	sshrl.u32 s20, $0x3;
	s25 =	sadd.s32 $0x3E8, s20  }
0xf: {  	s19 =	simm.s32 $0xBB8;
	s20 =	simm.s32 $0x1;
	s22 =	sshrl.u32 s21, $0x3  }
0x10: {  	s0 =	sshrl.u32 s23, $0x3;
	s11 =	sadd.s32 s24, s13;
	s26 =	sshrl.u32 s25, $0x3  }
0x11: {  	s21 =	simm.s32 $0xFA0;
	s23 =	simm.s32 $0x2EE0;
	s24 =	simm.s32 $0x5  }
0x12: {  	s25 =	simm.s32 $0x3;
	s10 =	sadd.s32 s22, s13;
	s12 =	sadd.s32 s0, s13  }
0x13: {  	s13 =	sadd.s32 s26, s13;
	s22 =	simm.s32 $0x2;
	s26 =	simm.s32 $0x6  }
.LBB2_1:
0x14: {  	s0 =	rddreg [dreg:$0x1];
	s1 =	simm.s32 $0x1D520  }
0x15: {  	[tilespmem:s1], [sflag:$0x9] =	stream.linear.gather [hbm4b:s0+s4], $0x8, $0x38;
	[tilespmem:$0x1D528] =	vst v63  }
0x16: {  	_ =	swait.ge [sflag:s15], $0x8  }
0x17: {  	[sflag:s15] =	ssyncset.done $0x0  }
0x18: {  	s14 =	rddreg [dreg:$0x4];
	[sflag:s15] =	ssyncadd.s32 $0xFFFFFFF8  }
0x19: {  	[tilespmem:s16], [sflag:$0x9] =	stream.linear.gather [hbm4b:s14+s4], $0xC380, $0x38;
	[tilespmem:$0x1D528] =	vst v63  }
0x1a: {  	_ =	swait.ge [sflag:s15], $0xC380  }
0x1b: {  	[sflag:s15] =	ssyncset.done $0x0  }
0x1c: {  	[sflag:s15] =	ssyncadd.s32 $0xFFFF3C80  }
0x1d: {  	[spmem:s7] =	stream.linear.scatter [tilespmem:s16], [sflag:$0x9], $0xC380, $0x38;
	[tilespmem:$0x1D528] =	vst v63  }
0x1e: {  	_ =	swait.ge [sflag:s15], $0xC380  }
0x1f: {  	[sflag:s15] =	ssyncset.done $0x0  }
0x20: {  	[sflag:s15] =	ssyncadd.s32 $0xFFFF3C80  }
0x21: {  	s1 =	sadd.s32 $0x0, s11;
	[bflag:$0x0] =	sbarrier.arrive $0xFFFF  }
0x22: {  	[tilespmem:s4], [sflag:$0x1] =	stream.linear.gather [hbm4b:s1+s4], $0x3E8, $0x38;
	[tilespmem:$0x1D528] =	vst v63  }
0x23: {  	s2 =	sadd.s32 $0x0, s12  }
0x24: {  	[tilespmem:s17], [sflag:$0x3] =	stream.linear.gather [hbm4b:s2+s4], $0x3E8, $0x38;
	[tilespmem:$0x1D528] =	vst v63  }
0x25: {  	s6 =	sadd.s32 $0x0, s13  }
0x26: {  	[tilespmem:s18], [sflag:$0x2] =	stream.linear.gather [hbm4b:s6+s4], $0x3E8, $0x38;
	[tilespmem:$0x1D528] =	vst v63  }
0x27: {  	s14 =	sadd.s32 $0x0, s10  }
0x28: {  	[tilespmem:s19], [sflag:$0x4] =	stream.linear.gather [hbm4b:s14+s4], $0x3E8, $0x38;
	[tilespmem:$0x1D528] =	vst v63  }
0x29: {  	_ =	swait.ge [sflag:s20], $0x3E8  }
0x2a: {  	[sflag:s20] =	ssyncset.done $0x0  }
0x2b: {  	[sflag:s20] =	ssyncadd.s32 $0xFFFFFC18  }
0x2c: {  	[tilespmem:s21], [sflag:$0x5] =	stream.indirect.gather [hbm4b:s5+s18], $0x8, s4, s18, $0xb8;
	[tilespmem:$0x1D528] =	vst v63  }
0x2d: {  	_ =	swait.ge [sflag:s22], $0x3E8  }
0x2e: {  	[sflag:s22] =	ssyncset.done $0x0  }
0x2f: {  	[sflag:s22] =	ssyncadd.s32 $0xFFFFFC18  }
0x30: {  	[tilespmem:s23], [sflag:$0x6] =	stream.indirect.gather [hbm4b:s5+s18], $0x8, s18, s18, $0xb8;
	[tilespmem:$0x1D528] =	vst v63  }
0x31: {  	_ =	swait.ge [sflag:s24], $0x1F40  }
0x32: {  	[sflag:s24] =	ssyncset.done $0x0  }
0x33: {  	[sflag:s24] =	ssyncadd.s32 $0xFFFFE0C0  }
0x34: {  	_ =	swait.ge [sflag:s25], $0x3E8  }
0x35: {  	[sflag:s25] =	ssyncset.done $0x0  }
0x36: {  	[sflag:s25] =	ssyncadd.s32 $0xFFFFFC18  }
0x37: {  	[spmem:s3] =	stream.indirect.scatter.add.f32 [tilespmem:s21], [sflag:$0x7], $0x8, s17, s18, $0xb8;
	[tilespmem:$0x1D528] =	vst v63  }
0x38: {  	_ =	swait.ge [sflag:s26], $0x1F40  }
0x39: {  	[sflag:s26] =	ssyncset.done $0x0  }
0x3a: {  	[sflag:s26] =	ssyncadd.s32 $0xFFFFE0C0  }
0x3b: {  	_ =	swait.ge [sflag:s28], $0x3E8  }
0x3c: {  	[sflag:s28] =	ssyncset.done $0x0  }
0x3d: {  	[sflag:s28] =	ssyncadd.s32 $0xFFFFFC18  }
0x3e: {  	[spmem:s3] =	stream.indirect.scatter.add.f32 [tilespmem:s23], [sflag:$0x8], $0x8, s19, s18, $0xb8;
	[tilespmem:$0x1D528] =	vst v63  }
0x3f: {  	_ =	swait.ge [sflag:s29], $0x1F40  }
0x40: {  	[sflag:s29] =	ssyncset.done $0x0  }
0x41: {  	[sflag:s29] =	ssyncadd.s32 $0xFFFFE0C0  }
0x42: {  	_ =	swait.ge [sflag:s30], $0x1F40  }
0x43: {  	s0 =	simm.s32 $0xFA;
	s1 =	simm.s32 $0x1F4;
	[sflag:s30] =	ssyncset.done $0x0  }
.LBB2_2:
0x44: {  	s14 =	sadd.s32 s0, s11  }
0x45: {  	[sflag:s30] =	ssyncadd.s32 $0xFFFFE0C0;
	s6 =	smov.u32 s1;
	s2 =	sadd.s32 $0xFA, s1  }
0x46: {  	[tilespmem:s4], [sflag:$0x1] =	stream.linear.gather [hbm4b:s14+s4], $0x3E8, $0x38;
	[tilespmem:$0x1D528] =	vst v63  }
0x47: {  	p0 =	sne.s32 s1, $0x1770;
	s1 =	sadd.s32 s0, s12  }
0x48: {  	[tilespmem:s17], [sflag:$0x3] =	stream.linear.gather [hbm4b:s1+s4], $0x3E8, $0x38;
	[tilespmem:$0x1D528] =	vst v63  }
0x49: {  	s1 =	sadd.s32 s0, s13  }
0x4a: {  	[tilespmem:s18], [sflag:$0x2] =	stream.linear.gather [hbm4b:s1+s4], $0x3E8, $0x38;
	[tilespmem:$0x1D528] =	vst v63  }
0x4b: {  	s1 =	sadd.s32 s0, s10;
	s0 =	smov.u32 s6  }
0x4c: {  	[tilespmem:s19], [sflag:$0x4] =	stream.linear.gather [hbm4b:s1+s4], $0x3E8, $0x38;
	[tilespmem:$0x1D528] =	vst v63  }
0x4d: {  	_ =	swait.ge [sflag:s20], $0x3E8  }
0x4e: {  	[sflag:s20] =	ssyncset.done $0x0  }
0x4f: {  	[sflag:s20] =	ssyncadd.s32 $0xFFFFFC18  }
0x50: {  	[tilespmem:s21], [sflag:$0x5] =	stream.indirect.gather [hbm4b:s5+s18], $0x8, s4, s18, $0xb8;
	[tilespmem:$0x1D528] =	vst v63  }
0x51: {  	_ =	swait.ge [sflag:s22], $0x3E8  }
0x52: {  	[sflag:s22] =	ssyncset.done $0x0  }
0x53: {  	[sflag:s22] =	ssyncadd.s32 $0xFFFFFC18  }
0x54: {  	[tilespmem:s23], [sflag:$0x6] =	stream.indirect.gather [hbm4b:s5+s18], $0x8, s18, s18, $0xb8;
	[tilespmem:$0x1D528] =	vst v63  }
0x55: {  	_ =	swait.ge [sflag:s24], $0x1F40  }
0x56: {  	[sflag:s24] =	ssyncset.done $0x0  }
0x57: {  	[sflag:s24] =	ssyncadd.s32 $0xFFFFE0C0  }
0x58: {  	_ =	swait.ge [sflag:s25], $0x3E8  }
0x59: {  	[sflag:s25] =	ssyncset.done $0x0  }
0x5a: {  	[sflag:s25] =	ssyncadd.s32 $0xFFFFFC18  }
0x5b: {  	[spmem:s3] =	stream.indirect.scatter.add.f32 [tilespmem:s21], [sflag:$0x7], $0x8, s17, s18, $0xb8;
	[tilespmem:$0x1D528] =	vst v63  }
0x5c: {  	_ =	swait.ge [sflag:s26], $0x1F40  }
0x5d: {  	[sflag:s26] =	ssyncset.done $0x0  }
0x5e: {  	[sflag:s26] =	ssyncadd.s32 $0xFFFFE0C0  }
0x5f: {  	_ =	swait.ge [sflag:s28], $0x3E8  }
0x60: {  	[sflag:s28] =	ssyncset.done $0x0  }
0x61: {  	[sflag:s28] =	ssyncadd.s32 $0xFFFFFC18  }
0x62: {  	[spmem:s3] =	stream.indirect.scatter.add.f32 [tilespmem:s23], [sflag:$0x8], $0x8, s19, s18, $0xb8;
	[tilespmem:$0x1D528] =	vst v63  }
.Ltmp0:
0x63: {  	_ =	swait.ge [sflag:s29], $0x1F40;
	(pc) =	sbr.rel @p0 .LBB2_2-.Ltmp0, $4  }
0x64: {  	[sflag:s29] =	ssyncset.done $0x0  }
0x65: {  	[sflag:s29] =	ssyncadd.s32 $0xFFFFE0C0  }
0x66: {  	_ =	swait.ge [sflag:s30], $0x1F40  }
0x67: {  	s1 =	smov.u32 s2;
	[sflag:s30] =	ssyncset.done $0x0  }
0x68: {  	s1 =	sadd.s32 s0, s11;
	[sflag:s30] =	ssyncadd.s32 $0xFFFFE0C0  }
0x69: {  	[tilespmem:s4], [sflag:$0x1] =	stream.linear.gather [hbm4b:s1+s4], $0x3E8, $0x38;
	[tilespmem:$0x1D528] =	vst v63  }
0x6a: {  	s2 =	sadd.s32 s0, s12  }
0x6b: {  	[tilespmem:s17], [sflag:$0x3] =	stream.linear.gather [hbm4b:s2+s4], $0x3E8, $0x38;
	[tilespmem:$0x1D528] =	vst v63  }
0x6c: {  	s6 =	sadd.s32 s0, s13  }
0x6d: {  	[tilespmem:s18], [sflag:$0x2] =	stream.linear.gather [hbm4b:s6+s4], $0x3E8, $0x38;
	[tilespmem:$0x1D528] =	vst v63  }
0x6e: {  	s14 =	sadd.s32 s0, s10  }
0x6f: {  	[tilespmem:s19], [sflag:$0x4] =	stream.linear.gather [hbm4b:s14+s4], $0x3E8, $0x38;
	[tilespmem:$0x1D528] =	vst v63  }
0x70: {  	_ =	swait.ge [sflag:s20], $0x3E8  }
0x71: {  	[sflag:s20] =	ssyncset.done $0x0  }
0x72: {  	[sflag:s20] =	ssyncadd.s32 $0xFFFFFC18  }
0x73: {  	[tilespmem:s21], [sflag:$0x5] =	stream.indirect.gather [hbm4b:s5+s18], $0x8, s4, s18, $0xb8;
	[tilespmem:$0x1D528] =	vst v63  }
0x74: {  	_ =	swait.ge [sflag:s22], $0x3E8  }
0x75: {  	[sflag:s22] =	ssyncset.done $0x0  }
0x76: {  	[sflag:s22] =	ssyncadd.s32 $0xFFFFFC18  }
0x77: {  	[tilespmem:s23], [sflag:$0x6] =	stream.indirect.gather [hbm4b:s5+s18], $0x8, s18, s18, $0xb8;
	[tilespmem:$0x1D528] =	vst v63  }
0x78: {  	_ =	swait.ge [sflag:s24], $0x1F40  }
0x79: {  	[sflag:s24] =	ssyncset.done $0x0  }
0x7a: {  	[sflag:s24] =	ssyncadd.s32 $0xFFFFE0C0  }
0x7b: {  	_ =	swait.ge [sflag:s25], $0x3E8  }
0x7c: {  	[sflag:s25] =	ssyncset.done $0x0  }
0x7d: {  	[sflag:s25] =	ssyncadd.s32 $0xFFFFFC18  }
0x7e: {  	[spmem:s3] =	stream.indirect.scatter.add.f32 [tilespmem:s21], [sflag:$0x7], $0x8, s17, s18, $0xb8;
	[tilespmem:$0x1D528] =	vst v63  }
0x7f: {  	_ =	swait.ge [sflag:s26], $0x1F40  }
0x80: {  	[sflag:s26] =	ssyncset.done $0x0  }
0x81: {  	[sflag:s26] =	ssyncadd.s32 $0xFFFFE0C0  }
0x82: {  	_ =	swait.ge [sflag:s28], $0x3E8  }
0x83: {  	[sflag:s28] =	ssyncset.done $0x0  }
0x84: {  	[sflag:s28] =	ssyncadd.s32 $0xFFFFFC18  }
0x85: {  	[spmem:s3] =	stream.indirect.scatter.add.f32 [tilespmem:s23], [sflag:$0x8], $0x8, s19, s18, $0xb8;
	[tilespmem:$0x1D528] =	vst v63  }
0x86: {  	_ =	swait.ge [sflag:s29], $0x1F40  }
0x87: {  	[sflag:s29] =	ssyncset.done $0x0  }
0x88: {  	[sflag:s29] =	ssyncadd.s32 $0xFFFFE0C0  }
0x89: {  	_ =	swait.ge [sflag:s30], $0x1F40  }
0x8a: {  	[sflag:s30] =	ssyncset.done $0x0  }
0x8b: {  	[sflag:s30] =	ssyncadd.s32 $0xFFFFE0C0  }
0x8c: {  	[bflag:$0x0] =	sbarrier.arrive $0xFFFF  }
0x8d: {  	[tilespmem:s16], [sflag:$0x9] =	stream.linear.gather [spmem:s7], $0xC380, $0x38;
	[tilespmem:$0x1D528] =	vst v63  }
0x8e: {  	s31 =	sadd.s32 $0x1, s31;
	_ =	swait.ge [sflag:s15], $0xC380  }
0x8f: {  	p0 =	sne.s32 s31, s9;
	[sflag:s15] =	ssyncset.done $0x0  }
.Ltmp1:
0x90: {  	[sflag:s15] =	ssyncadd.s32 $0xFFFF3C80;
	(pc) =	sbr.rel @p0 .LBB2_1-.Ltmp1, $4  }
0x91: {  	[hbm4b:s8+s4] =	stream.linear.scatter [tilespmem:s16], [sflag:$0x9], $0xC380, $0x38;
	[tilespmem:$0x1D528] =	vst v63  }
0x92: {  	_ =	swait.ge [sflag:s15], $0xC380  }
0x93: {  	[sflag:s15] =	ssyncset.done $0x0  }
0x94: {  	[sflag:s15] =	ssyncadd.s32 $0xFFFF3C80  }
0x95: {  	_ =	sfence.sel $0x180000  }
0x96: {  	[bflag:$0x0] =	sbarrier.arrive $0xFFFF  }
0x97: {  	_ =	strace $0x90000059  }
0x98: {  	s0 =	stileid.u32;
	[bflag:$0x2] =	sbarrier.arrive $0xFFFF  }
0x99: {  	p0 =	sne.s32 s0, $0x0;
	s0 =	rddreg [dreg:$0x3]  }
0x9a: {  	s0 =	sadd.s32 @!p0 $0x100000, s0  }
0x9b: {  	[sflag:s0] =	ssyncadd.tile.s32 @!p0 $0x1;
	_ =	shalt  }
.Lfunc_end2:
_tile_overlayer_lowered:
.L_overlay_start_2:
0x9c: {  	(tag) =	ssettag $0x2  }
0x9d: {  	s0 =	rddreg [dreg:$0x0];
	s2 =	stileid.u32  }
0x9e: {  	s1 =	rddreg [dreg:$0x1];
	p0 =	sne.s32 s2, $0x0  }
0x9f: {  	s3 =	rddreg [dreg:$0x2];
	[bflag:$0x3] =	sbarrier.arrive $0xFFFF;
	s2 =	simm.s32 @!p0 $0x1C09  }
0xa0: {  	[timem:s3], [sflag:s2] =	dma.local @!p0 [hbm:s0], s1  }
0xa1: {  	s0 =	simm.s32 @!p0 $0x9  }
0xa2: {  	_ =	swait.ge @!p0 [sflag:s0], s1  }
0xa3: {  	s1 =	ssub.s32 @!p0 $0x0, s1;
	[sflag:s0] =	ssyncset.done @!p0 $0x0  }
0xa4: {  	[sflag:s0] =	ssyncadd.s32 @!p0 s1  }
0xa5: {  	[bflag:$0x3] =	sbarrier.arrive $0xFFFF  }
0xa6: {  	_ =	shalt  }

// kernel: kernel.35.cloned.1.call-start
scs
__scs_entry_jumppad:
0x0: {  	(pc) =	sbr.rel $0x88, $3  }
0x1: {  	(tag) =	ssettag $0x0;
	lr =	simm.s32 $0x1  }
0x2: {  	[smem:$0x3F99] =	sst lr;
	_ =	strace $0xD0000000  }
0x3: {  	_ = 	snop  }
0x4: {  	_ = 	snop  }
0x5: {  	_ = 	snop  }
0x6: {  	_ = 	snop  }
0x7: {  	_ = 	snop  }
__scs_overlays_trampoline_lowered:
0x8: {  	[smem:$0x3FA8] =	sst s0  }
0x9: {  	[smem:$0x3FA9] =	sst s1  }
0xa: {  	[smem:$0x3FAA] =	sst s2  }
0xb: {  	[smem:$0x3FAB] =	sst s3  }
0xc: {  	[smem:$0x3FAC] =	sst s4  }
0xd: {  	[smem:$0x3FAD] =	sst s5  }
0xe: {  	[smem:$0x3FAE] =	sst s6  }
0xf: {  	[smem:$0x3FAF] =	sst s7  }
0x10: {  	[smem:$0x3FB0] =	sst s8  }
0x11: {  	[smem:$0x3FB1] =	sst s9;
	s0 =	simm.s32 @!p0 $0x0  }
0x12: {  	s1 =	sld [smem:$0x3F97];
	s0 =	simm.s32 @p0 $0x1  }
0x13: {  	[smem:$0x3FB2] =	sst s0;
	s0 =	simm.s32 @!p1 $0x0  }
0x14: {  	s2 =	sld [smem:$0x3F96];
	s0 =	simm.s32 @p1 $0x1  }
0x15: {  	[smem:$0x3FB3] =	sst s0;
	s0 =	simm.s32 @!p2 $0x0  }
0x16: {  	s3 =	sld [smem:$0x3FDB];
	s0 =	simm.s32 @p2 $0x1  }
0x17: {  	s4 =	simm.s32 $0x1BF5;
	[smem:$0x3FB5] =	sst s0  }
0x18: {  	s0 =	sld [smem:$0x3F98];
	_ =	swait.ge [sflag:s4], $0x0  }
0x19: {  	s7 =	sld [smem:$0x3F99]  }
0x1a: {  	s8 =	sadd.s32 $0xFFFFE003, lr  }
0x1b: {  	s9 =	sadd.s32 $0xFFFFFEF7, lr;
	s5 =	simm.s32 $0xFFFFFFFF;
	p2 =	slt.u32 s8, $0xFFFFF086  }
0x1c: {  	p1 =	slt.u32 s9, $0xF7A;
	s5 =	simm.s32 @!p2 $0x0  }
0x1d: {  	s5 =	simm.s32 @p1 $0x1;
	p0 =	seq.s32 s7, s2  }
0x1e: {  	s7 =	smul.u32 @!p0 $0xF7A, s2;
	p2 =	seq.s32 @!p0 s5, $0x0  }
0x1f: {  	s9 =	smul.u32 $0xF7A, s1;
	s8 =	simm.s32 @!p0 $0x1BF5;
	p2 =	por !p2, p0  }
0x20: {  	[sflag:s8] =	ssyncset.s32 @!p0 $0xFFFFF086;
	s6 =	sadd.s32 @!p0 s3, s7;
	s7 =	simm.s32 @!p0 $0x108  }
0x21: {  	s3 =	sadd.s32 s3, s9;
	s6 =	sadd.s32 @!p0 $0x88, s6;
	s7 =	simm.s32 @p2 $0x1082  }
0x22: {  	[simem:s7], [sflag:s8] =	dma.local @!p0 [hbm:s6], $0xF7A  }
0x23: {  	s9 =	sor.u32 $0xD0000000, s2;
	s6 =	simm.s32 $0x108;
	_ =	swait.ge @!p0 [sflag:s8], $0x0  }
0x24: {  	s3 =	sadd.s32 $0x88, s3;
	s6 =	simm.s32 @!p1 $0x1082;
	[sflag:s4] =	ssyncset.s32 $0xFFFFF086  }
0x25: {  	[simem:s6], [sflag:s4] =	dma.local [hbm:s3], $0xF7A  }
0x26: {  	[smem:$0x3F99] =	sst s1;
	(tag) =	ssettag s2;
	_ =	strace s9  }
0x27: {  	s1 =	sld [smem:$0x3FA9]  }
0x28: {  	s2 =	sld [smem:$0x3FAA]  }
0x29: {  	s4 =	sld [smem:$0x3FAC]  }
0x2a: {  	p0 =	seq.s32 s5, $0x0;
	s5 =	sld [smem:$0x3FAD]  }
0x2b: {  	s6 =	sld [smem:$0x3FAE]  }
0x2c: {  	s7 =	sld [smem:$0x3FAF]  }
0x2d: {  	s3 =	simm.s32 $0x108;
	s8 =	sld [smem:$0x3FB0]  }
0x2e: {  	s3 =	simm.s32 @!p0 $0x1082;
	s9 =	sld [smem:$0x3FB1]  }
0x2f: {  	lr =	sadd.s32 s0, s3;
	s0 =	sld [smem:$0x3FA8]  }
0x30: {  	s3 =	sld [smem:$0x3FAB]  }
0x31: {  	[smem:$0x3FB4] =	sst s10  }
0x32: {  	s10 =	sld [smem:$0x3FB2];
	_ =	sdelay $0x3  }
0x33: {  	p0 =	seq.s32 s10, $0x1;
	s10 =	sld [smem:$0x3FB4];
	_ =	sdelay $0x3  }
0x34: {  	[smem:$0x3FB4] =	sst s10  }
0x35: {  	s10 =	sld [smem:$0x3FB3];
	_ =	sdelay $0x3  }
0x36: {  	p1 =	seq.s32 s10, $0x1;
	s10 =	sld [smem:$0x3FB4];
	_ =	sdelay $0x3  }
0x37: {  	[smem:$0x3FB4] =	sst s10  }
0x38: {  	s10 =	sld [smem:$0x3FB5]  }
0x39: {  	_ = 	snop;
	(pc) =	sbr.ind lr, $3  }
0x3a: {  	_ = 	snop  }
0x3b: {  	_ = 	snop  }
0x3c: {  	p2 =	seq.s32 s10, $0x1;
	s10 =	sld [smem:$0x3FB4]  }
0x3d: {  	_ =	shalt  }
0x3e: {  	_ =	shalt  }
0x3f: {  	_ =	shalt  }
0x40: {  	_ =	shalt  }
0x41: {  	_ =	shalt  }
0x42: {  	_ =	shalt  }
0x43: {  	_ =	shalt  }
0x44: {  	_ =	shalt  }
0x45: {  	_ =	shalt  }
0x46: {  	_ =	shalt  }
0x47: {  	_ =	shalt  }
0x48: {  	_ =	shalt  }
0x49: {  	_ =	shalt  }
0x4a: {  	_ =	shalt  }
0x4b: {  	_ =	shalt  }
0x4c: {  	_ =	shalt  }
0x4d: {  	_ =	shalt  }
0x4e: {  	_ =	shalt  }
0x4f: {  	_ =	shalt  }
0x50: {  	_ =	shalt  }
0x51: {  	_ =	shalt  }
0x52: {  	_ =	shalt  }
0x53: {  	_ =	shalt  }
0x54: {  	_ =	shalt  }
0x55: {  	_ =	shalt  }
0x56: {  	_ =	shalt  }
0x57: {  	_ =	shalt  }
0x58: {  	_ =	shalt  }
0x59: {  	_ =	shalt  }
0x5a: {  	_ =	shalt  }
0x5b: {  	_ =	shalt  }
0x5c: {  	_ =	shalt  }
0x5d: {  	_ =	shalt  }
0x5e: {  	_ =	shalt  }
0x5f: {  	_ =	shalt  }
0x60: {  	_ =	shalt  }
0x61: {  	_ =	shalt  }
0x62: {  	_ =	shalt  }
0x63: {  	_ =	shalt  }
0x64: {  	_ =	shalt  }
0x65: {  	_ =	shalt  }
0x66: {  	_ =	shalt  }
0x67: {  	_ =	shalt  }
0x68: {  	_ =	shalt  }
0x69: {  	_ =	shalt  }
0x6a: {  	_ =	shalt  }
0x6b: {  	_ =	shalt  }
0x6c: {  	_ =	shalt  }
0x6d: {  	_ =	shalt  }
0x6e: {  	_ =	shalt  }
0x6f: {  	_ =	shalt  }
0x70: {  	_ =	shalt  }
0x71: {  	_ =	shalt  }
0x72: {  	_ =	shalt  }
0x73: {  	_ =	shalt  }
0x74: {  	_ =	shalt  }
0x75: {  	_ =	shalt  }
0x76: {  	_ =	shalt  }
0x77: {  	_ =	shalt  }
0x78: {  	_ =	shalt  }
0x79: {  	_ =	shalt  }
0x7a: {  	_ =	shalt  }
0x7b: {  	_ =	shalt  }
0x7c: {  	_ =	shalt  }
0x7d: {  	_ =	shalt  }
0x7e: {  	_ =	shalt  }
0x7f: {  	_ =	shalt  }
0x80: {  	_ =	shalt  }
0x81: {  	_ =	shalt  }
0x82: {  	_ =	shalt  }
0x83: {  	_ =	shalt  }
0x84: {  	_ =	shalt  }
0x85: {  	_ =	shalt  }
0x86: {  	_ =	shalt  }
0x87: {  	_ =	shalt  }
.Lfunc_end0:
.L_simem_size_0:
called_computation.7_lowered:
.L_overlay_start_0:
0x88: {  	s2 =	sld [smem:$0x3FD9]  }
0x89: {  	s3 =	sld [smem:$0x3FFE];
	_ =	sdelay $0x1  }
0x8a: {  	s1 =	srdreg.scid  }
0x8b: {  	s0 =	sand.u32 $0x1, s1  }
0x8c: {  	s17 =	sshll.u32 s0, $0xA;
	s2 =	sadd.s32 s3, s2  }
0x8d: {  	s2 =	sadd.s32 s2, s17  }
0x8e: {  	[smem:$0x3FC0] =	sst s2  }
0x8f: {  	_ = 	snop  }
0x90: {  	s2 =	sld [smem:$0x3FD0];
	(tm) =	ssettm $0x1  }
0x91: {  	s18 =	sld [smem:$0x3FFB];
	_ =	sdelay $0x3  }
0x92: {  	_ =	strace s18  }
0x93: {  	s3 =	sld [smem:$0x3FFC];
	_ =	sdelay $0x3  }
0x94: {  	_ =	strace s3  }
0x95: {  	s3 =	sld [smem:$0x3FFD];
	_ =	sdelay $0x3  }
0x96: {  	_ =	strace s3  }
0x97: {  	_ =	strace $0x8FFFFFFF  }
0x98: {  	s19 =	sld [smem:$0x3FDB];
	_ =	sdelay $0x1  }
0x99: {  	s4 =	simm.s32 $_scs_section_size  }
0x9a: {  	s5 =	simm.s32 $_size__tile_overlayer_lowered;
	s6 =	simm.s32 $_tile_overlayer_lowered  }
0x9b: {  	s22 =	simm.s32 $0x1BFF;
	s21 =	sshll.u32 s6, $0x1;
	s3 =	sadd.s32 s4, s19  }
0x9c: {  	s7 =	simm.s32 $0x0;
	s20 =	sshll.u32 s5, $0x1;
	s5 =	sadd.s32 s21, s3  }
0x9d: {  	[timem:s7], [sflag:s22] =	dma.local [hbm:s5], s20  }
0x9e: {  	_ =	swait.ge [sflag:s22], s20  }
0x9f: {  	s4 =	ssub.s32 $0x0, s20;
	[sflag:s22] =	ssyncset.done $0x0  }
0xa0: {  	[sflag:s22] =	ssyncadd.s32 s4;
	_ =	sdelay $0x1  }
0xa1: {  	s23 =	simm.s32 $0x1B8B  }
0xa2: {  	_ =	swait.ge [sflag:s23], $0x1  }
0xa3: {  	[sflag:s23] =	ssyncset.done $0x0  }
0xa4: {  	s25 =	simm.s32 $0x1B8E;
	s24 =	sld [smem:$0x3FFE];
	[sflag:s23] =	ssyncadd.s32 $0xFFFFFFFF  }
0xa5: {  	s26 =	simm.s32 $execute0_lowered;
	[smem:$0x3FD2] =	sst s25  }
0xa6: {  	s5 =	sshll.u32 s26, $0x1;
	_ =	strace $0x8000005B;
	[dreg:$0x1] =	wrdreg $0xFFFFFFFF  }
0xa7: {  	s28 =	simm.s32 $_size_execute0_lowered;
	s3 =	sadd.s32 s3, s5;
	[dreg:$0x0] =	wrdreg $0x0  }
0xa8: {  	s5 =	sshll.u32 s28, $0x1;
	[dreg:$0x2] =	wrdreg s3  }
0xa9: {  	[dreg:$0x3] =	wrdreg s5  }
0xaa: {  	[dreg:$0x4] =	wrdreg $0xC0  }
0xab: {  	_ =	task [dreg:s7], $0x5FFFF  }
0xac: {  	[dreg:$0x1] =	wrdreg $0xFFFFFFFF  }
0xad: {  	[dreg:$0x0] =	wrdreg $0x60  }
0xae: {  	[dreg:$0x2] =	wrdreg s24  }
0xaf: {  	[dreg:$0x3] =	wrdreg s2  }
0xb0: {  	[dreg:$0x4] =	wrdreg $0x111A00  }
0xb1: {  	[dreg:$0x5] =	wrdreg $0x9  }
0xb2: {  	_ =	task.clear_ibuf [dreg:s7], $0x6FFFF;
	_ =	strace $0x9000005B  }
0xb3: {  	s29 =	simm.s32 $0x9;
	_ =	strace $0x8000005D  }
0xb4: {  	_ =	swait.ge [sflag:s29], $0x1  }
0xb5: {  	[sflag:s29] =	ssyncadd.s32 $0xFFFFFFFF  }
0xb6: {  	_ =	strace $0x9000005D  }
0xb7: {  	_ =	sfence  }
0xb8: {  	s30 =	sld [smem:$0x0];
	_ =	sdelay $0x2  }
0xb9: {  	s31 =	sshll.u32 s1, $0xD;
	s1 =	sshrl.u32 s1, $0x2  }
0xba: {  	s3 =	sand.u32 $0x4000, s31;
	s1 =	sadd.s32 s1, s30  }
0xbb: {  	s0 =	sor.u32 s3, s0;
	s1 =	sshll.u32 s1, $0x11  }
0xbc: {  	s0 =	sor.u32 s1, s0  }
0xbd: {  	s0 =	sadd.s32 $0x8F2B, s0  }
0xbe: {  	[sflag:s0] =	ssyncadd.remote.s32 $0x1  }
0xbf: {  	_ =	sfence.sel $0xFFFF  }
0xc0: {  	[dreg:$0x0] =	wrdreg $0xFFFFFFFF;
	(pc) =	sbr.abs _section_cstart, $3  }
0xc1: {  	[dreg:$0x1] =	wrdreg $0xFFFFFFFF  }
0xc2: {  	_ =	task.clear_ibuf [dreg:s7], $0x2FFFF;
	_ =	strace $0x9FFFFFFF  }
0xc3: {  	(tm) =	ssettm $0x7FFFFFFF  }
tec
execute0_lowered:
.L_overlay_start_1:
0x0: {  	(tag) =	ssettag $0x1  }
0x1: {  	s0 =	rddreg [dreg:$0x0]  }
0x2: {  	s2 =	rddreg [dreg:$0x1]  }
0x3: {  	s1 =	rddreg [dreg:$0x2];
	s3 =	simm.s32 $0x0;
	s4 =	stileid.u32  }
0x4: {  	s5 =	srdreg.scid;
	s15 =	simm.s32 $0x9;
	s16 =	simm.s32 $0x4E20  }
0x5: {  	s17 =	simm.s32 $0x7D0;
	s18 =	simm.s32 $0x3E8;
	s19 =	simm.s32 $0xBB8  }
0x6: {  	s28 =	simm.s32 $0x4;
	s29 =	simm.s32 $0x7;
	s30 =	simm.s32 $0x8  }
0x7: {  	s31 =	simm.s32 $0x0;
	[smem:$0x7FF] =	sst s3;
	s13 =	sadd.s32 $0x9200, s0  }
0x8: {  	s7 =	smul.u32 $0x1870, s4;
	s6 =	sadd.s32 $0x9D800, s0;
	s8 =	sand.u32 $0x1, s5  }
0x9: {  	s9 =	smul.u32 $0x186A0, s4;
	s5 =	sadd.s32 $0x85000, s0;
	s0 =	sadd.s32 $0x83600, s0  }
0xa: {  	s12 =	smul.u32 $0x30E00, s4;
	_ =	strace $0x8000005C;
	[dreg:$0x4] =	wrdreg s6  }
0xb: {  	s10 =	ssub.s32 $0x2, s8;
	s11 =	smul.u32 $0xC350, s8;
	[dreg:$0x5] =	wrdreg s0  }
0xc: {  	s8 =	smul.u32 $0x18700, s8;
	s20 =	sshrl.u32 s10, $0x1;
	s21 =	sshrl.u32 s12, $0x2  }
0xd: {  	s2 =	sadd.s32 s2, s7;
	s0 =	ssub.s32 s10, s20;
	s11 =	sadd.s32 s11, s9  }
0xe: {  	s7 =	sadd.s32 s21, s1;
	s8 =	sadd.s32 s8, s2;
	s20 =	simm.s32 $0x1  }
0xf: {  	s21 =	simm.s32 $0xFA0;
	s22 =	sadd.s32 $0x186DE8, s11;
	s9 =	smax.u32 s0, $0x1  }
0x10: {  	s24 =	sadd.s32 $0x186A00, s11;
	s25 =	sshrl.u32 s11, $0x3;
	s14 =	sadd.s32 $0x3E8, s11  }
0x11: {  	s23 =	sshrl.u32 s22, $0x3;
	s0 =	sshrl.u32 s24, $0x3;
	s11 =	sadd.s32 s25, s13  }
0x12: {  	s26 =	sshrl.u32 s14, $0x3;
	s22 =	simm.s32 $0x2;
	s24 =	simm.s32 $0x5  }
0x13: {  	s25 =	simm.s32 $0x3;
	s10 =	sadd.s32 s23, s13;
	s12 =	sadd.s32 s0, s13  }
0x14: {  	s13 =	sadd.s32 s26, s13;
	s23 =	simm.s32 $0x2EE0;
	s26 =	simm.s32 $0x6  }
.LBB2_1:
0x15: {  	s0 =	rddreg [dreg:$0x4];
	s2 =	simm.s32 $0x1D520  }
0x16: {  	[tilespmem:s2], [sflag:$0x9] =	stream.linear.gather [hbm4b:s0+s3], $0x8, $0x38;
	[tilespmem:$0x1D528] =	vst v63  }
0x17: {  	_ =	swait.ge [sflag:s15], $0x8  }
0x18: {  	[sflag:s15] =	ssyncset.done $0x0  }
0x19: {  	s14 =	rddreg [dreg:$0x5];
	[sflag:s15] =	ssyncadd.s32 $0xFFFFFFF8  }
0x1a: {  	[tilespmem:s16], [sflag:$0x9] =	stream.linear.gather [hbm4b:s14+s3], $0xC380, $0x38;
	[tilespmem:$0x1D528] =	vst v63  }
0x1b: {  	_ =	swait.ge [sflag:s15], $0xC380  }
0x1c: {  	[sflag:s15] =	ssyncset.done $0x0  }
0x1d: {  	[sflag:s15] =	ssyncadd.s32 $0xFFFF3C80  }
0x1e: {  	[spmem:s7] =	stream.linear.scatter [tilespmem:s16], [sflag:$0x9], $0xC380, $0x38;
	[tilespmem:$0x1D528] =	vst v63  }
0x1f: {  	_ =	swait.ge [sflag:s15], $0xC380  }
0x20: {  	[sflag:s15] =	ssyncset.done $0x0  }
0x21: {  	[sflag:s15] =	ssyncadd.s32 $0xFFFF3C80  }
0x22: {  	s2 =	sadd.s32 $0x0, s11;
	[bflag:$0x0] =	sbarrier.arrive $0xFFFF  }
0x23: {  	[tilespmem:s3], [sflag:$0x1] =	stream.linear.gather [hbm4b:s2+s3], $0x3E8, $0x38;
	[tilespmem:$0x1D528] =	vst v63  }
0x24: {  	s4 =	sadd.s32 $0x0, s12  }
0x25: {  	[tilespmem:s17], [sflag:$0x3] =	stream.linear.gather [hbm4b:s4+s3], $0x3E8, $0x38;
	[tilespmem:$0x1D528] =	vst v63  }
0x26: {  	s6 =	sadd.s32 $0x0, s13  }
0x27: {  	[tilespmem:s18], [sflag:$0x2] =	stream.linear.gather [hbm4b:s6+s3], $0x3E8, $0x38;
	[tilespmem:$0x1D528] =	vst v63  }
0x28: {  	s14 =	sadd.s32 $0x0, s10  }
0x29: {  	[tilespmem:s19], [sflag:$0x4] =	stream.linear.gather [hbm4b:s14+s3], $0x3E8, $0x38;
	[tilespmem:$0x1D528] =	vst v63  }
0x2a: {  	_ =	swait.ge [sflag:s20], $0x3E8  }
0x2b: {  	[sflag:s20] =	ssyncset.done $0x0  }
0x2c: {  	[sflag:s20] =	ssyncadd.s32 $0xFFFFFC18  }
0x2d: {  	[tilespmem:s21], [sflag:$0x5] =	stream.indirect.gather [hbm4b:s5+s18], $0x8, s3, s18, $0xb8;
	[tilespmem:$0x1D528] =	vst v63  }
0x2e: {  	_ =	swait.ge [sflag:s22], $0x3E8  }
0x2f: {  	[sflag:s22] =	ssyncset.done $0x0  }
0x30: {  	[sflag:s22] =	ssyncadd.s32 $0xFFFFFC18  }
0x31: {  	[tilespmem:s23], [sflag:$0x6] =	stream.indirect.gather [hbm4b:s5+s18], $0x8, s18, s18, $0xb8;
	[tilespmem:$0x1D528] =	vst v63  }
0x32: {  	_ =	swait.ge [sflag:s24], $0x1F40  }
0x33: {  	[sflag:s24] =	ssyncset.done $0x0  }
0x34: {  	[sflag:s24] =	ssyncadd.s32 $0xFFFFE0C0  }
0x35: {  	_ =	swait.ge [sflag:s25], $0x3E8  }
0x36: {  	[sflag:s25] =	ssyncset.done $0x0  }
0x37: {  	[sflag:s25] =	ssyncadd.s32 $0xFFFFFC18  }
0x38: {  	[spmem:s1] =	stream.indirect.scatter.add.f32 [tilespmem:s21], [sflag:$0x7], $0x8, s17, s18, $0xb8;
	[tilespmem:$0x1D528] =	vst v63  }
0x39: {  	_ =	swait.ge [sflag:s26], $0x1F40  }
0x3a: {  	[sflag:s26] =	ssyncset.done $0x0  }
0x3b: {  	[sflag:s26] =	ssyncadd.s32 $0xFFFFE0C0  }
0x3c: {  	_ =	swait.ge [sflag:s28], $0x3E8  }
0x3d: {  	[sflag:s28] =	ssyncset.done $0x0  }
0x3e: {  	[sflag:s28] =	ssyncadd.s32 $0xFFFFFC18  }
0x3f: {  	[spmem:s1] =	stream.indirect.scatter.add.f32 [tilespmem:s23], [sflag:$0x8], $0x8, s19, s18, $0xb8;
	[tilespmem:$0x1D528] =	vst v63  }
0x40: {  	_ =	swait.ge [sflag:s29], $0x1F40  }
0x41: {  	[sflag:s29] =	ssyncset.done $0x0  }
0x42: {  	[sflag:s29] =	ssyncadd.s32 $0xFFFFE0C0  }
0x43: {  	_ =	swait.ge [sflag:s30], $0x1F40  }
0x44: {  	s0 =	simm.s32 $0xFA;
	s2 =	simm.s32 $0x1F4;
	[sflag:s30] =	ssyncset.done $0x0  }
.LBB2_2:
0x45: {  	s4 =	sadd.s32 s0, s11  }
0x46: {  	[sflag:s30] =	ssyncadd.s32 $0xFFFFE0C0;
	s6 =	smov.u32 s2;
	s14 =	sadd.s32 $0xFA, s2  }
0x47: {  	[tilespmem:s3], [sflag:$0x1] =	stream.linear.gather [hbm4b:s4+s3], $0x3E8, $0x38;
	[tilespmem:$0x1D528] =	vst v63  }
0x48: {  	p0 =	sne.s32 s2, $0x1770;
	s2 =	sadd.s32 s0, s12  }
0x49: {  	[tilespmem:s17], [sflag:$0x3] =	stream.linear.gather [hbm4b:s2+s3], $0x3E8, $0x38;
	[tilespmem:$0x1D528] =	vst v63  }
0x4a: {  	s2 =	sadd.s32 s0, s13  }
0x4b: {  	[tilespmem:s18], [sflag:$0x2] =	stream.linear.gather [hbm4b:s2+s3], $0x3E8, $0x38;
	[tilespmem:$0x1D528] =	vst v63  }
0x4c: {  	s2 =	sadd.s32 s0, s10;
	s0 =	smov.u32 s6  }
0x4d: {  	[tilespmem:s19], [sflag:$0x4] =	stream.linear.gather [hbm4b:s2+s3], $0x3E8, $0x38;
	[tilespmem:$0x1D528] =	vst v63  }
0x4e: {  	_ =	swait.ge [sflag:s20], $0x3E8  }
0x4f: {  	[sflag:s20] =	ssyncset.done $0x0  }
0x50: {  	[sflag:s20] =	ssyncadd.s32 $0xFFFFFC18  }
0x51: {  	[tilespmem:s21], [sflag:$0x5] =	stream.indirect.gather [hbm4b:s5+s18], $0x8, s3, s18, $0xb8;
	[tilespmem:$0x1D528] =	vst v63  }
0x52: {  	_ =	swait.ge [sflag:s22], $0x3E8  }
0x53: {  	[sflag:s22] =	ssyncset.done $0x0  }
0x54: {  	[sflag:s22] =	ssyncadd.s32 $0xFFFFFC18  }
0x55: {  	[tilespmem:s23], [sflag:$0x6] =	stream.indirect.gather [hbm4b:s5+s18], $0x8, s18, s18, $0xb8;
	[tilespmem:$0x1D528] =	vst v63  }
0x56: {  	_ =	swait.ge [sflag:s24], $0x1F40  }
0x57: {  	[sflag:s24] =	ssyncset.done $0x0  }
0x58: {  	[sflag:s24] =	ssyncadd.s32 $0xFFFFE0C0  }
0x59: {  	_ =	swait.ge [sflag:s25], $0x3E8  }
0x5a: {  	[sflag:s25] =	ssyncset.done $0x0  }
0x5b: {  	[sflag:s25] =	ssyncadd.s32 $0xFFFFFC18  }
0x5c: {  	[spmem:s1] =	stream.indirect.scatter.add.f32 [tilespmem:s21], [sflag:$0x7], $0x8, s17, s18, $0xb8;
	[tilespmem:$0x1D528] =	vst v63  }
0x5d: {  	_ =	swait.ge [sflag:s26], $0x1F40  }
0x5e: {  	[sflag:s26] =	ssyncset.done $0x0  }
0x5f: {  	[sflag:s26] =	ssyncadd.s32 $0xFFFFE0C0  }
0x60: {  	_ =	swait.ge [sflag:s28], $0x3E8  }
0x61: {  	[sflag:s28] =	ssyncset.done $0x0  }
0x62: {  	[sflag:s28] =	ssyncadd.s32 $0xFFFFFC18  }
0x63: {  	[spmem:s1] =	stream.indirect.scatter.add.f32 [tilespmem:s23], [sflag:$0x8], $0x8, s19, s18, $0xb8;
	[tilespmem:$0x1D528] =	vst v63  }
.Ltmp0:
0x64: {  	_ =	swait.ge [sflag:s29], $0x1F40;
	(pc) =	sbr.rel @p0 .LBB2_2-.Ltmp0, $4  }
0x65: {  	[sflag:s29] =	ssyncset.done $0x0  }
0x66: {  	[sflag:s29] =	ssyncadd.s32 $0xFFFFE0C0  }
0x67: {  	_ =	swait.ge [sflag:s30], $0x1F40  }
0x68: {  	s2 =	smov.u32 s14;
	[sflag:s30] =	ssyncset.done $0x0  }
0x69: {  	s2 =	sadd.s32 s0, s11;
	[sflag:s30] =	ssyncadd.s32 $0xFFFFE0C0  }
0x6a: {  	[tilespmem:s3], [sflag:$0x1] =	stream.linear.gather [hbm4b:s2+s3], $0x3E8, $0x38;
	[tilespmem:$0x1D528] =	vst v63  }
0x6b: {  	s4 =	sadd.s32 s0, s12  }
0x6c: {  	[tilespmem:s17], [sflag:$0x3] =	stream.linear.gather [hbm4b:s4+s3], $0x3E8, $0x38;
	[tilespmem:$0x1D528] =	vst v63  }
0x6d: {  	s6 =	sadd.s32 s0, s13  }
0x6e: {  	[tilespmem:s18], [sflag:$0x2] =	stream.linear.gather [hbm4b:s6+s3], $0x3E8, $0x38;
	[tilespmem:$0x1D528] =	vst v63  }
0x6f: {  	s14 =	sadd.s32 s0, s10  }
0x70: {  	[tilespmem:s19], [sflag:$0x4] =	stream.linear.gather [hbm4b:s14+s3], $0x3E8, $0x38;
	[tilespmem:$0x1D528] =	vst v63  }
0x71: {  	_ =	swait.ge [sflag:s20], $0x3E8  }
0x72: {  	[sflag:s20] =	ssyncset.done $0x0  }
0x73: {  	[sflag:s20] =	ssyncadd.s32 $0xFFFFFC18  }
0x74: {  	[tilespmem:s21], [sflag:$0x5] =	stream.indirect.gather [hbm4b:s5+s18], $0x8, s3, s18, $0xb8;
	[tilespmem:$0x1D528] =	vst v63  }
0x75: {  	_ =	swait.ge [sflag:s22], $0x3E8  }
0x76: {  	[sflag:s22] =	ssyncset.done $0x0  }
0x77: {  	[sflag:s22] =	ssyncadd.s32 $0xFFFFFC18  }
0x78: {  	[tilespmem:s23], [sflag:$0x6] =	stream.indirect.gather [hbm4b:s5+s18], $0x8, s18, s18, $0xb8;
	[tilespmem:$0x1D528] =	vst v63  }
0x79: {  	_ =	swait.ge [sflag:s24], $0x1F40  }
0x7a: {  	[sflag:s24] =	ssyncset.done $0x0  }
0x7b: {  	[sflag:s24] =	ssyncadd.s32 $0xFFFFE0C0  }
0x7c: {  	_ =	swait.ge [sflag:s25], $0x3E8  }
0x7d: {  	[sflag:s25] =	ssyncset.done $0x0  }
0x7e: {  	[sflag:s25] =	ssyncadd.s32 $0xFFFFFC18  }
0x7f: {  	[spmem:s1] =	stream.indirect.scatter.add.f32 [tilespmem:s21], [sflag:$0x7], $0x8, s17, s18, $0xb8;
	[tilespmem:$0x1D528] =	vst v63  }
0x80: {  	_ =	swait.ge [sflag:s26], $0x1F40  }
0x81: {  	[sflag:s26] =	ssyncset.done $0x0  }
0x82: {  	[sflag:s26] =	ssyncadd.s32 $0xFFFFE0C0  }
0x83: {  	_ =	swait.ge [sflag:s28], $0x3E8  }
0x84: {  	[sflag:s28] =	ssyncset.done $0x0  }
0x85: {  	[sflag:s28] =	ssyncadd.s32 $0xFFFFFC18  }
0x86: {  	[spmem:s1] =	stream.indirect.scatter.add.f32 [tilespmem:s23], [sflag:$0x8], $0x8, s19, s18, $0xb8;
	[tilespmem:$0x1D528] =	vst v63  }
0x87: {  	_ =	swait.ge [sflag:s29], $0x1F40  }
0x88: {  	[sflag:s29] =	ssyncset.done $0x0  }
0x89: {  	[sflag:s29] =	ssyncadd.s32 $0xFFFFE0C0  }
0x8a: {  	_ =	swait.ge [sflag:s30], $0x1F40  }
0x8b: {  	[sflag:s30] =	ssyncset.done $0x0  }
0x8c: {  	[sflag:s30] =	ssyncadd.s32 $0xFFFFE0C0  }
0x8d: {  	[bflag:$0x0] =	sbarrier.arrive $0xFFFF  }
0x8e: {  	[tilespmem:s16], [sflag:$0x9] =	stream.linear.gather [spmem:s7], $0xC380, $0x38;
	[tilespmem:$0x1D528] =	vst v63  }
0x8f: {  	s31 =	sadd.s32 $0x1, s31;
	_ =	swait.ge [sflag:s15], $0xC380  }
0x90: {  	p0 =	sne.s32 s31, s9;
	[sflag:s15] =	ssyncset.done $0x0  }
.Ltmp1:
0x91: {  	[sflag:s15] =	ssyncadd.s32 $0xFFFF3C80;
	(pc) =	sbr.rel @p0 .LBB2_1-.Ltmp1, $4  }
0x92: {  	[hbm4b:s8+s3] =	stream.linear.scatter [tilespmem:s16], [sflag:$0x9], $0xC380, $0x38;
	[tilespmem:$0x1D528] =	vst v63  }
0x93: {  	_ =	swait.ge [sflag:s15], $0xC380  }
0x94: {  	[sflag:s15] =	ssyncset.done $0x0  }
0x95: {  	[sflag:s15] =	ssyncadd.s32 $0xFFFF3C80  }
0x96: {  	_ =	sfence.sel $0x180000  }
0x97: {  	[bflag:$0x0] =	sbarrier.arrive $0xFFFF  }
0x98: {  	_ =	strace $0x9000005C  }
0x99: {  	s0 =	stileid.u32;
	[bflag:$0x2] =	sbarrier.arrive $0xFFFF  }
0x9a: {  	p0 =	sne.s32 s0, $0x0;
	s0 =	rddreg [dreg:$0x3]  }
0x9b: {  	s0 =	sadd.s32 @!p0 $0x100000, s0  }
0x9c: {  	[sflag:s0] =	ssyncadd.tile.s32 @!p0 $0x1;
	_ =	shalt  }
.Lfunc_end2:
_tile_overlayer_lowered:
.L_overlay_start_2:
0x9d: {  	(tag) =	ssettag $0x2  }
0x9e: {  	s0 =	rddreg [dreg:$0x0];
	s2 =	stileid.u32  }
0x9f: {  	s1 =	rddreg [dreg:$0x1];
	p0 =	sne.s32 s2, $0x0  }
0xa0: {  	s3 =	rddreg [dreg:$0x2];
	[bflag:$0x3] =	sbarrier.arrive $0xFFFF;
	s2 =	simm.s32 @!p0 $0x1C09  }
0xa1: {  	[timem:s3], [sflag:s2] =	dma.local @!p0 [hbm:s0], s1  }
0xa2: {  	s0 =	simm.s32 @!p0 $0x9  }
0xa3: {  	_ =	swait.ge @!p0 [sflag:s0], s1  }
0xa4: {  	s1 =	ssub.s32 @!p0 $0x0, s1;
	[sflag:s0] =	ssyncset.done @!p0 $0x0  }
0xa5: {  	[sflag:s0] =	ssyncadd.s32 @!p0 s1  }
0xa6: {  	[bflag:$0x3] =	sbarrier.arrive $0xFFFF  }
0xa7: {  	_ =	shalt  }

</sc_bundles>
